<compile_context>
chip_gen: v7x
topology: tpu7x:2x2x1
jax: 0.10.2.dev20260603
libtpu: 0.0.44.dev20260713+nightly
codegen_flags: <defaults>
</compile_context>

<pallas_src>
import functools

import jax
import jax.numpy as jnp
from jax.experimental import pallas as pl
from jax.experimental.pallas import tpu as pltpu
from jax.experimental.pallas import tpu_sc as plsc

NUM_TOKENS = 8192
D_MODEL = 2048
D_HID = D_MODEL // 2
NUM_EXPERTS = 16
TOP_K = 2

_CORES = 2
_STEPS = 4
_BM = NUM_TOKENS // (_CORES * _STEPS)
_INV_TEMP = 1.25
_LANES = 16
_TB = 128


def _router_kernel(x_ref, w1_ref, w2_ref, lg_out, ent_out):
    j = pl.program_id(1)

    x = x_ref[...]
    h = jax.lax.dot_general(
        x, w1_ref[...], (((1,), (1,)), ((), ())),
        preferred_element_type=jnp.float32)
    h = jnp.maximum(h, 0.0)
    lg = jax.lax.dot_general(
        w2_ref[...], h, (((1,), (1,)), ((), ())),
        preferred_element_type=jnp.float32)
    lg_out[...] = lg

    m1 = jnp.max(lg, axis=0, keepdims=True)
    z = jnp.exp(lg - m1)
    zsum = jnp.sum(z, axis=0, keepdims=True)
    p = z / zsum
    ent_tok = -jnp.sum(p * jnp.log(p + 1e-10), axis=0, keepdims=True)
    ent_blk = jnp.sum(ent_tok, axis=1, keepdims=True).reshape(1, 1, 1)

    @pl.when(j == 0)
    def _init():
        ent_out[...] = jnp.zeros_like(ent_out)

    ent_out[...] += ent_blk


def _sc_route(lg):
    mesh = plsc.VectorSubcoreMesh(core_axis_name="c", subcore_axis_name="s")

    @pl.kernel(
        out_type=[
            jax.ShapeDtypeStruct((TOP_K, NUM_TOKENS), jnp.float32),
            jax.ShapeDtypeStruct((TOP_K, NUM_TOKENS), jnp.int32),
        ],
        mesh=mesh,
    )
    def _route_kernel(lg_hbm, w_hbm, i_hbm):
        def body(l_vmem, w_vmem, i_vmem):
            for t0 in range(0, _TB, _LANES):
                sl = pl.ds(t0, _LANES)
                rows = [l_vmem[e, sl] for e in range(NUM_EXPERTS)]
                m1 = rows[0]
                for e in range(1, NUM_EXPERTS):
                    m1 = jnp.maximum(m1, rows[e])
                a1 = jnp.full((_LANES,), NUM_EXPERTS, jnp.int32)
                for e in range(NUM_EXPERTS - 1, -1, -1):
                    a1 = jnp.where(rows[e] == m1, jnp.int32(e), a1)
                neg = jnp.full((_LANES,), -jnp.inf, jnp.float32)
                m2 = neg
                for e in range(NUM_EXPERTS):
                    cand = jnp.where(a1 == e, neg, rows[e])
                    m2 = jnp.maximum(m2, cand)
                a2 = jnp.full((_LANES,), NUM_EXPERTS, jnp.int32)
                for e in range(NUM_EXPERTS - 1, -1, -1):
                    cand = jnp.where(a1 == e, neg, rows[e])
                    a2 = jnp.where(cand == m2, jnp.int32(e), a2)
                g = jnp.exp((m2 - m1) * _INV_TEMP)
                w1 = 1.0 / (1.0 + g)
                w_vmem[0, sl] = w1
                w_vmem[1, sl] = g * w1
                i_vmem[0, sl] = a1
                i_vmem[1, sl] = a2

        pltpu.emit_pipeline(
            body,
            grid=(NUM_TOKENS // _TB,),
            in_specs=[pl.BlockSpec((NUM_EXPERTS, _TB), lambda i: (0, i))],
            out_specs=[
                pl.BlockSpec((TOP_K, _TB), lambda i: (0, i)),
                pl.BlockSpec((TOP_K, _TB), lambda i: (0, i)),
            ],
            core_axis_name=("c", "s"),
            dimension_semantics=(pltpu.PARALLEL,),
        )(lg_hbm, w_hbm, i_hbm)

    return _route_kernel(lg)


@functools.partial(jax.jit, static_argnames=())
def kernel(x, W1, b1, W2, b2):
    del b1, b2
    grid = (_CORES, _STEPS)
    lg, ent = pl.pallas_call(
        _router_kernel,
        grid=grid,
        in_specs=[
            pl.BlockSpec((_BM, D_MODEL), lambda i, j: (i * _STEPS + j, 0)),
            pl.BlockSpec((D_HID, D_MODEL), lambda i, j: (0, 0)),
            pl.BlockSpec((NUM_EXPERTS, D_HID), lambda i, j: (0, 0)),
        ],
        out_specs=[
            pl.BlockSpec((NUM_EXPERTS, _BM), lambda i, j: (0, i * _STEPS + j)),
            pl.BlockSpec((1, 1, 1), lambda i, j: (i, 0, 0)),
        ],
        out_shape=[
            jax.ShapeDtypeStruct((NUM_EXPERTS, NUM_TOKENS), jnp.float32),
            jax.ShapeDtypeStruct((_CORES, 1, 1), jnp.float32),
        ],
        compiler_params=pltpu.CompilerParams(
            dimension_semantics=("parallel", "arbitrary"),
        ),
    )(x, W1, W2)
    w, idx = _sc_route(lg)
    uncertainty = jnp.sum(ent) / (
        NUM_TOKENS * jnp.log(jnp.float32(NUM_EXPERTS)))
    return (w.T, idx.T, uncertainty)

# --- scband reference (transcript-rebuilt; emitter-appended) ---
"""Pipeline reference for scband-gating-network-20873541059273 (READ-ONLY COPY).

The authoritative reference and input builder live on the scoring server;
editing this copy changes nothing except your own understanding.
"""

import jax, jax.numpy as jnp
import numpy as np

NUM_TOKENS = 8192
D_MODEL = 2048
D_HID = D_MODEL // 2
NUM_EXPERTS = 16
TOP_K = 2


def setup_inputs(seed: int = 0) -> dict:
    key = jax.random.key(seed)
    ks = jax.random.split(key, 5)
    x = jax.random.normal(ks[0], (NUM_TOKENS, D_MODEL), dtype=jnp.float32)
    W1 = jax.random.normal(ks[1], (D_HID, D_MODEL), dtype=jnp.float32) * (1.0 / np.sqrt(D_MODEL))
    b1 = jnp.zeros((D_HID,), dtype=jnp.float32)
    W2 = jax.random.normal(ks[2], (NUM_EXPERTS, D_HID), dtype=jnp.float32) * (1.0 / np.sqrt(D_HID))
    b2 = jnp.zeros((NUM_EXPERTS,), dtype=jnp.float32)
    return {"x": x, "W1": W1, "b1": b1, "W2": W2, "b2": b2}


def reference(x, W1, b1, W2, b2):
    # router: Linear(input_size -> input_size//2) -> ReLU -> Linear(-> num_experts)
    h = jnp.maximum(x @ W1.T + b1, 0.0)
    router_logits = h @ W2.T + b2
    # routing_type == 'top_k' and training=True -> no noise, temperature = 0.8
    temperature = 0.8
    scaled_logits = router_logits / temperature
    routing_probs = jax.nn.softmax(scaled_logits, axis=1)
    routing_weights, expert_indices = jax.lax.top_k(routing_probs, TOP_K)
    routing_weights = routing_weights / jnp.sum(routing_weights, axis=1, keepdims=True)
    full_probs = jax.nn.softmax(router_logits, axis=1)
    log_probs = jnp.log(full_probs + 1e-10)
    entropy = jnp.mean(-jnp.sum(full_probs * log_probs, axis=1))
    uncertainty = entropy / jnp.log(jnp.float32(NUM_EXPERTS))
    return (routing_weights, expert_indices, uncertainty)

if __name__ == "__main__":
    import jax
    _d = setup_inputs()
    print(jax.jit(kernel)(*tuple(_d.values())))

</pallas_src>

<mosaic_0001>
#map = affine_map<(d0, d1) -> (0, 0)>
module attributes {stable_mosaic.version = 14 : i64} {
  func.func @_route_kernel(%arg0: i32, %arg1: i32, %arg2: memref<16x8192xf32, #tpu.memory_space<hbm>>, %arg3: memref<2x8192xf32, #tpu.memory_space<hbm>>, %arg4: memref<2x8192xi32, #tpu.memory_space<hbm>>) attributes {dimension_semantics = [#tpu.dimension_semantics<core_parallel>, #tpu.dimension_semantics<subcore_parallel>], iteration_bounds = array<i64: 2, 16>, scalar_prefetch = 0 : i64, scratch_operands = 0 : i64, tpu.core_type = #tpu.core_type<sc_vector_subcore>, window_params = [{transform_indices = #map}, {transform_indices = #map}, {transform_indices = #map}]} {
    %mul3A = arith.constant 1 : i32
    %mul3A_0 = arith.muli %arg1, %mul3A : i32
    %add3A = arith.constant 0 : i32
    %add3A_1 = arith.addi %add3A, %mul3A_0 : i32
    %mul3A_2 = arith.constant 16 : i32
    %mul3A_3 = arith.muli %arg0, %mul3A_2 : i32
    %add3A_4 = arith.addi %add3A_1, %mul3A_3 : i32
    %mul3A_5 = arith.constant 2 : i32
    %mul3A_6 = arith.muli %add3A_4, %mul3A_5 : i32
    "tpu.region"() ({
      %run_scoped3A = memref.alloca() : memref<2x16x128xf32, #tpu.memory_space<vmem>>
      %run_scoped3A_7 = tpu.sem_alloc : memref<2x!tpu.dma_semaphore, #tpu.memory_space<semaphore_mem>>
      %run_scoped3A_8 = memref.alloca() : memref<2x2x128xf32, #tpu.memory_space<vmem>>
      %run_scoped3A_9 = tpu.sem_alloc : memref<2x!tpu.dma_semaphore, #tpu.memory_space<semaphore_mem>>
      %run_scoped3A_10 = memref.alloca() : memref<2x2x128xi32, #tpu.memory_space<vmem>>
      %run_scoped3A_11 = tpu.sem_alloc : memref<2x!tpu.dma_semaphore, #tpu.memory_space<semaphore_mem>>
      %add3A_12 = arith.constant 0 : i32
      %add3A_13 = arith.addi %add3A_12, %mul3A_6 : i32
      %select_n3A = arith.constant true
      %select_n3A_14 = arith.constant 0 : i32
      %select_n3A_15 = arith.constant -1 : i32
      %select_n3A_16 = arith.select %select_n3A, %select_n3A_15, %select_n3A_14 : i32
      %eq3A = arith.constant -1 : i32
      %eq3A_17 = arith.cmpi eq, %select_n3A_16, %eq3A : i32
      %select_n3A_18 = arith.constant 1 : i32
      %select_n3A_19 = arith.select %eq3A_17, %select_n3A_18, %select_n3A_16 : i32
      %add3A_20 = arith.addi %select_n3A_19, %mul3A_6 : i32
      %select_n3A_21 = arith.constant true
      %select_n3A_22 = arith.constant 0 : i32
      %select_n3A_23 = arith.constant 1 : i32
      %select_n3A_24 = arith.select %select_n3A_21, %select_n3A_23, %select_n3A_22 : i32
      %eq3A_25 = arith.constant 2 : i32
      %eq3A_26 = arith.cmpi eq, %select_n3A_24, %eq3A_25 : i32
      %select_n3A_27 = arith.constant 0 : i32
      %select_n3A_28 = arith.select %eq3A_26, %select_n3A_27, %select_n3A_24 : i32
      %add3A_29 = arith.addi %select_n3A_28, %mul3A_6 : i32
      %add3A_30 = arith.constant 1 : i32
      %add3A_31 = arith.addi %select_n3A_28, %add3A_30 : i32
      %select_n3A_32 = arith.constant true
      %select_n3A_33 = arith.select %select_n3A_32, %add3A_31, %select_n3A_28 : i32
      %eq3A_34 = arith.constant 2 : i32
      %eq3A_35 = arith.cmpi eq, %select_n3A_33, %eq3A_34 : i32
      %select_n3A_36 = arith.constant 0 : i32
      %select_n3A_37 = arith.select %eq3A_35, %select_n3A_36, %select_n3A_33 : i32
      %add3A_38 = arith.addi %select_n3A_37, %mul3A_6 : i32
      "tpu.trace_start"() <{level = 10 : i32, message = "ep_initialize_0"}> : () -> ()
      %rem3A = arith.constant 0 : i32
      %rem3A_39 = arith.constant 2 : i32
      %rem3A_40 = arith.remui %rem3A, %rem3A_39 : i32
      %mul3A_41 = arith.constant 128 : i32
      %mul3A_42 = arith.muli %mul3A_41, %add3A_13 : i32
      %dma_start3A = arith.constant 0 : i32
      %dma_start3A_43 = arith.constant 0 : i32
      %dma_start3A_44 = tpu.memref_slice %run_scoped3A[%rem3A_40, %dma_start3A, %dma_start3A_43] : memref<2x16x128xf32, #tpu.memory_space<vmem>> -> memref<1x16x128xf32, #tpu.memory_space<vmem>>
      %dma_start3A_45 = tpu.memref_squeeze %dma_start3A_44 : memref<1x16x128xf32, #tpu.memory_space<vmem>> -> memref<16x128xf32, #tpu.memory_space<vmem>>
      %dma_start3A_46 = arith.constant 0 : i32
      %dma_start3A_47 = tpu.memref_slice %arg2[%dma_start3A_46, %mul3A_42] : memref<16x8192xf32, #tpu.memory_space<hbm>> -> memref<16x128xf32, #tpu.memory_space<hbm>>
      %dma_start3A_48 = tpu.memref_slice %run_scoped3A_7[%rem3A_40] : memref<2x!tpu.dma_semaphore, #tpu.memory_space<semaphore_mem>> -> memref<1x!tpu.dma_semaphore, #tpu.memory_space<semaphore_mem>>
      %dma_start3A_49 = tpu.memref_squeeze %dma_start3A_48 : memref<1x!tpu.dma_semaphore, #tpu.memory_space<semaphore_mem>> -> memref<!tpu.dma_semaphore, #tpu.memory_space<semaphore_mem>>
      %dma_start3A_50 = arith.constant 0 : i32
      %dma_start3A_51 = arith.constant 0 : i32
      %dma_start3A_52 = tpu.memref_slice %run_scoped3A[%rem3A_40, %dma_start3A_50, %dma_start3A_51] : memref<2x16x128xf32, #tpu.memory_space<vmem>> -> memref<1x16x128xf32, #tpu.memory_space<vmem>>
      %dma_start3A_53 = tpu.memref_squeeze %dma_start3A_52 : memref<1x16x128xf32, #tpu.memory_space<vmem>> -> memref<16x128xf32, #tpu.memory_space<vmem>>
      %dma_start3A_54 = arith.constant 0 : i32
      %dma_start3A_55 = tpu.memref_slice %arg2[%dma_start3A_54, %mul3A_42] : memref<16x8192xf32, #tpu.memory_space<hbm>> -> memref<16x128xf32, #tpu.memory_space<hbm>>
      tpu.enqueue_dma source(%dma_start3A_55 : memref<16x128xf32, #tpu.memory_space<hbm>>) target(%dma_start3A_53 : memref<16x128xf32, #tpu.memory_space<vmem>>) target_semaphore(%dma_start3A_49 : memref<!tpu.dma_semaphore, #tpu.memory_space<semaphore_mem>>)
      %add3A_56 = arith.constant 0 : i32
      %add3A_57 = arith.constant 1 : i32
      %add3A_58 = arith.addi %add3A_56, %add3A_57 : i32
      %select_n3A_59 = arith.constant true
      %select_n3A_60 = arith.constant 0 : i32
      %select_n3A_61 = arith.select %select_n3A_59, %add3A_58, %select_n3A_60 : i32
      "tpu.trace_stop"() : () -> ()
      %scan3A = arith.constant 0 : i32
      %scan3A_62 = arith.constant 0 : i32
      %scan3A_63 = arith.constant 0 : i32
      %scan3A_64 = arith.constant 0 : i32
      %scan3A_65 = arith.constant 0 : i32
      %scan3A_66 = arith.constant 0 : i32
      %scan3A_67 = arith.constant 0 : i32
      %scan3A_68 = arith.constant 2 : i32
      %scan3A_69 = arith.addi %scan3A_67, %scan3A_68 : i32
      %scan3A_70 = arith.constant 1 : i32
      %scan3A_71:7 = scf.for %scan3A_143 = %scan3A_67 to %scan3A_69 step %scan3A_70 iter_args(%scan3A_144 = %select_n3A_61, %scan3A_145 = %scan3A, %scan3A_146 = %scan3A_62, %scan3A_147 = %scan3A_63, %scan3A_148 = %scan3A_64, %scan3A_149 = %scan3A_65, %scan3A_150 = %scan3A_66) -> (i32, i32, i32, i32, i32, i32, i32)  : i32 {
        %eq3A_151 = arith.constant 0 : i32
        %eq3A_152 = arith.cmpi eq, %scan3A_143, %eq3A_151 : i32
        %eq3A_153 = arith.constant 1 : i32
        %eq3A_154 = arith.cmpi eq, %scan3A_143, %eq3A_153 : i32
        %add3A_155 = arith.addi %scan3A_150, %mul3A_6 : i32
        %sub3A_156 = arith.constant 1 : i32
        %sub3A_157 = arith.subi %scan3A_150, %sub3A_156 : i32
        %select_n3A_158 = arith.constant true
        %select_n3A_159 = arith.select %select_n3A_158, %sub3A_157, %scan3A_150 : i32
        %eq3A_160 = arith.constant -1 : i32
        %eq3A_161 = arith.cmpi eq, %select_n3A_159, %eq3A_160 : i32
        %select_n3A_162 = arith.constant 1 : i32
        %select_n3A_163 = arith.select %eq3A_161, %select_n3A_162, %select_n3A_159 : i32
        %add3A_164 = arith.addi %select_n3A_163, %mul3A_6 : i32
        %add3A_165 = arith.constant 1 : i32
        %add3A_166 = arith.addi %scan3A_150, %add3A_165 : i32
        %select_n3A_167 = arith.constant true
        %select_n3A_168 = arith.select %select_n3A_167, %add3A_166, %scan3A_150 : i32
        %eq3A_169 = arith.constant 2 : i32
        %eq3A_170 = arith.cmpi eq, %select_n3A_168, %eq3A_169 : i32
        %select_n3A_171 = arith.constant 0 : i32
        %select_n3A_172 = arith.select %eq3A_170, %select_n3A_171, %select_n3A_168 : i32
        %add3A_173 = arith.addi %select_n3A_172, %mul3A_6 : i32
        %add3A_174 = arith.constant 1 : i32
        %add3A_175 = arith.addi %select_n3A_172, %add3A_174 : i32
        %select_n3A_176 = arith.constant true
        %select_n3A_177 = arith.select %select_n3A_176, %add3A_175, %select_n3A_172 : i32
        %eq3A_178 = arith.constant 2 : i32
        %eq3A_179 = arith.cmpi eq, %select_n3A_177, %eq3A_178 : i32
        %select_n3A_180 = arith.constant 0 : i32
        %select_n3A_181 = arith.select %eq3A_179, %select_n3A_180, %select_n3A_177 : i32
        %add3A_182 = arith.addi %select_n3A_181, %mul3A_6 : i32
        %ne3A = arith.cmpi ne, %add3A_155, %add3A_173 : i32
        %or3A = arith.constant false
        %or3A_183 = arith.ori %or3A, %ne3A : i1
        %ge3A = arith.constant 1 : i32
        %ge3A_184 = arith.cmpi sge, %scan3A_143, %ge3A : i32
        %not3A = arith.constant true
        %not3A_185 = arith.xori %ge3A_184, %not3A : i1
        %and3A = arith.andi %or3A_183, %not3A_185 : i1
        %convert_element_type3A = arith.extui %and3A : i1 to i32
        %cond3A = arith.constant 0 : i32
        %cond3A_186 = arith.cmpi ne, %convert_element_type3A, %cond3A : i32
        scf.if %cond3A_186 {
          "tpu.trace_start"() <{level = 10 : i32, message = "ep_copy_in"}> : () -> ()
          %rem3A_4227 = arith.constant 2 : i32
          %rem3A_4228 = arith.remui %scan3A_144, %rem3A_4227 : i32
          %mul3A_4229 = arith.constant 128 : i32
          %mul3A_4230 = arith.muli %mul3A_4229, %add3A_173 : i32
          %dma_start3A_4231 = arith.constant 0 : i32
          %dma_start3A_4232 = arith.constant 0 : i32
          %dma_start3A_4233 = tpu.memref_slice %run_scoped3A[%rem3A_4228, %dma_start3A_4231, %dma_start3A_4232] : memref<2x16x128xf32, #tpu.memory_space<vmem>> -> memref<1x16x128xf32, #tpu.memory_space<vmem>>
          %dma_start3A_4234 = tpu.memref_squeeze %dma_start3A_4233 : memref<1x16x128xf32, #tpu.memory_space<vmem>> -> memref<16x128xf32, #tpu.memory_space<vmem>>
          %dma_start3A_4235 = arith.constant 0 : i32
          %dma_start3A_4236 = tpu.memref_slice %arg2[%dma_start3A_4235, %mul3A_4230] : memref<16x8192xf32, #tpu.memory_space<hbm>> -> memref<16x128xf32, #tpu.memory_space<hbm>>
          %dma_start3A_4237 = tpu.memref_slice %run_scoped3A_7[%rem3A_4228] : memref<2x!tpu.dma_semaphore, #tpu.memory_space<semaphore_mem>> -> memref<1x!tpu.dma_semaphore, #tpu.memory_space<semaphore_mem>>
          %dma_start3A_4238 = tpu.memref_squeeze %dma_start3A_4237 : memref<1x!tpu.dma_semaphore, #tpu.memory_space<semaphore_mem>> -> memref<!tpu.dma_semaphore, #tpu.memory_space<semaphore_mem>>
          %dma_start3A_4239 = arith.constant 0 : i32
          %dma_start3A_4240 = arith.constant 0 : i32
          %dma_start3A_4241 = tpu.memref_slice %run_scoped3A[%rem3A_4228, %dma_start3A_4239, %dma_start3A_4240] : memref<2x16x128xf32, #tpu.memory_space<vmem>> -> memref<1x16x128xf32, #tpu.memory_space<vmem>>
          %dma_start3A_4242 = tpu.memref_squeeze %dma_start3A_4241 : memref<1x16x128xf32, #tpu.memory_space<vmem>> -> memref<16x128xf32, #tpu.memory_space<vmem>>
          %dma_start3A_4243 = arith.constant 0 : i32
          %dma_start3A_4244 = tpu.memref_slice %arg2[%dma_start3A_4243, %mul3A_4230] : memref<16x8192xf32, #tpu.memory_space<hbm>> -> memref<16x128xf32, #tpu.memory_space<hbm>>
          tpu.enqueue_dma source(%dma_start3A_4244 : memref<16x128xf32, #tpu.memory_space<hbm>>) target(%dma_start3A_4242 : memref<16x128xf32, #tpu.memory_space<vmem>>) target_semaphore(%dma_start3A_4238 : memref<!tpu.dma_semaphore, #tpu.memory_space<semaphore_mem>>)
          "tpu.trace_stop"() : () -> ()
        } else {
        }
        %and3A_187 = arith.constant true
        %and3A_188 = arith.andi %and3A, %and3A_187 : i1
        %add3A_189 = arith.constant 1 : i32
        %add3A_190 = arith.addi %scan3A_144, %add3A_189 : i32
        %select_n3A_191 = arith.select %and3A_188, %add3A_190, %scan3A_144 : i32
        %ne3A_192 = arith.cmpi ne, %add3A_155, %add3A_173 : i32
        %or3A_193 = arith.constant false
        %or3A_194 = arith.ori %or3A_193, %ne3A_192 : i1
        %ge3A_195 = arith.constant 1 : i32
        %ge3A_196 = arith.cmpi sge, %scan3A_143, %ge3A_195 : i32
        %not3A_197 = arith.constant true
        %not3A_198 = arith.xori %ge3A_196, %not3A_197 : i1
        %and3A_199 = arith.andi %or3A_194, %not3A_198 : i1
        %ne3A_200 = arith.cmpi ne, %add3A_155, %add3A_173 : i32
        %or3A_201 = arith.constant false
        %or3A_202 = arith.ori %or3A_201, %ne3A_200 : i1
        %ge3A_203 = arith.constant 1 : i32
        %ge3A_204 = arith.cmpi sge, %scan3A_143, %ge3A_203 : i32
        %not3A_205 = arith.constant true
        %not3A_206 = arith.xori %ge3A_204, %not3A_205 : i1
        %and3A_207 = arith.andi %or3A_202, %not3A_206 : i1
        %ne3A_208 = arith.cmpi ne, %add3A_155, %add3A_164 : i32
        %or3A_209 = arith.constant false
        %or3A_210 = arith.ori %or3A_209, %ne3A_208 : i1
        %or3A_211 = arith.ori %or3A_210, %eq3A_152 : i1
        %convert_element_type3A_212 = arith.extui %or3A_211 : i1 to i32
        %cond3A_213 = arith.constant 0 : i32
        %cond3A_214 = arith.cmpi ne, %convert_element_type3A_212, %cond3A_213 : i32
        scf.if %cond3A_214 {
          "tpu.trace_start"() <{level = 10 : i32, message = "ep_wait_in"}> : () -> ()
          %mul3A_4227 = arith.constant 128 : i32
          %mul3A_4228 = arith.muli %mul3A_4227, %add3A_155 : i32
          %rem3A_4229 = arith.constant 2 : i32
          %rem3A_4230 = arith.remui %scan3A_145, %rem3A_4229 : i32
          %dma_wait3A_4231 = arith.constant 0 : i32
          %dma_wait3A_4232 = arith.constant 0 : i32
          %dma_wait3A_4233 = tpu.memref_slice %run_scoped3A[%rem3A_4230, %dma_wait3A_4231, %dma_wait3A_4232] : memref<2x16x128xf32, #tpu.memory_space<vmem>> -> memref<1x16x128xf32, #tpu.memory_space<vmem>>
          %dma_wait3A_4234 = tpu.memref_squeeze %dma_wait3A_4233 : memref<1x16x128xf32, #tpu.memory_space<vmem>> -> memref<16x128xf32, #tpu.memory_space<vmem>>
          %dma_wait3A_4235 = arith.constant 0 : i32
          %dma_wait3A_4236 = tpu.memref_slice %arg2[%dma_wait3A_4235, %mul3A_4228] : memref<16x8192xf32, #tpu.memory_space<hbm>> -> memref<16x128xf32, #tpu.memory_space<hbm>>
          %dma_wait3A_4237 = tpu.memref_slice %run_scoped3A_7[%rem3A_4230] : memref<2x!tpu.dma_semaphore, #tpu.memory_space<semaphore_mem>> -> memref<1x!tpu.dma_semaphore, #tpu.memory_space<semaphore_mem>>
          %dma_wait3A_4238 = tpu.memref_squeeze %dma_wait3A_4237 : memref<1x!tpu.dma_semaphore, #tpu.memory_space<semaphore_mem>> -> memref<!tpu.dma_semaphore, #tpu.memory_space<semaphore_mem>>
          %dma_wait3A_4239 = arith.constant 0 : i32
          %dma_wait3A_4240 = arith.constant 0 : i32
          %dma_wait3A_4241 = tpu.memref_slice %run_scoped3A[%rem3A_4230, %dma_wait3A_4239, %dma_wait3A_4240] : memref<2x16x128xf32, #tpu.memory_space<vmem>> -> memref<1x16x128xf32, #tpu.memory_space<vmem>>
          %dma_wait3A_4242 = tpu.memref_squeeze %dma_wait3A_4241 : memref<1x16x128xf32, #tpu.memory_space<vmem>> -> memref<16x128xf32, #tpu.memory_space<vmem>>
          %dma_wait3A_4243 = arith.constant 0 : i32
          %dma_wait3A_4244 = tpu.memref_slice %arg2[%dma_wait3A_4243, %mul3A_4228] : memref<16x8192xf32, #tpu.memory_space<hbm>> -> memref<16x128xf32, #tpu.memory_space<hbm>>
          tpu.wait_dma2 semaphore(%dma_wait3A_4238 : memref<!tpu.dma_semaphore, #tpu.memory_space<semaphore_mem>>) src(%dma_wait3A_4244 : memref<16x128xf32, #tpu.memory_space<hbm>>) dst(%dma_wait3A_4242 : memref<16x128xf32, #tpu.memory_space<vmem>>)
          "tpu.trace_stop"() : () -> ()
        } else {
        }
        %ne3A_215 = arith.cmpi ne, %add3A_155, %add3A_164 : i32
        %or3A_216 = arith.constant false
        %or3A_217 = arith.ori %or3A_216, %ne3A_215 : i1
        %or3A_218 = arith.ori %or3A_217, %eq3A_152 : i1
        %convert_element_type3A_219 = arith.extui %or3A_218 : i1 to i32
        %cond3A_220 = arith.constant 0 : i32
        %cond3A_221 = arith.cmpi ne, %convert_element_type3A_219, %cond3A_220 : i32
        scf.if %cond3A_221 {
        } else {
        }
        %ne3A_222 = arith.cmpi ne, %add3A_155, %add3A_164 : i32
        %or3A_223 = arith.constant false
        %or3A_224 = arith.ori %or3A_223, %ne3A_222 : i1
        %or3A_225 = arith.ori %or3A_224, %eq3A_152 : i1
        %convert_element_type3A_226 = arith.extui %or3A_225 : i1 to i32
        %cond3A_227 = arith.constant 0 : i32
        %cond3A_228 = arith.cmpi ne, %convert_element_type3A_226, %cond3A_227 : i32
        scf.if %cond3A_228 {
        } else {
        }
        %rem3A_229 = arith.constant 2 : i32
        %rem3A_230 = arith.remui %scan3A_145, %rem3A_229 : i32
        %rem3A_231 = arith.constant 2 : i32
        %rem3A_232 = arith.remui %scan3A_146, %rem3A_231 : i32
        %rem3A_233 = arith.constant 2 : i32
        %rem3A_234 = arith.remui %scan3A_148, %rem3A_233 : i32
        %get3A = arith.constant 0 : i32
        "tpu.trace_start"() <{level = 10 : i32, message = "ep_run_kernel"}> : () -> ()
        %get3A_235 = arith.constant 0 : i32
        %get3A_236 = arith.constant 0 : i32
        %get3A_237 = tpu.memref_slice %run_scoped3A[%rem3A_230, %get3A_235, %get3A_236] : memref<2x16x128xf32, #tpu.memory_space<vmem>> -> memref<1x16x128xf32, #tpu.memory_space<vmem>>
        %get3A_238 = tpu.memref_squeeze %get3A_237 : memref<1x16x128xf32, #tpu.memory_space<vmem>> -> memref<16x128xf32, #tpu.memory_space<vmem>>
        %get3A_239 = arith.index_cast %get3A : i32 to index
        %get3A_240 = arith.constant 0 : index
        %get3A_241 = tpu.vector_load %get3A_238[%get3A_239, %get3A_240] {strides = array<i32>} : memref<16x128xf32, #tpu.memory_space<vmem>>, vector<1x16xf32>,
        %get3A_242 = vector.shape_cast %get3A_241 : vector<1x16xf32> to vector<16xf32>
        %get3A_243 = arith.constant 1 : i32
        %get3A_244 = arith.constant 0 : i32
        %get3A_245 = arith.constant 0 : i32
        %get3A_246 = tpu.memref_slice %run_scoped3A[%rem3A_230, %get3A_244, %get3A_245] : memref<2x16x128xf32, #tpu.memory_space<vmem>> -> memref<1x16x128xf32, #tpu.memory_space<vmem>>
        %get3A_247 = tpu.memref_squeeze %get3A_246 : memref<1x16x128xf32, #tpu.memory_space<vmem>> -> memref<16x128xf32, #tpu.memory_space<vmem>>
        %get3A_248 = arith.index_cast %get3A_243 : i32 to index
        %get3A_249 = arith.constant 0 : index
        %get3A_250 = tpu.vector_load %get3A_247[%get3A_248, %get3A_249] {strides = array<i32>} : memref<16x128xf32, #tpu.memory_space<vmem>>, vector<1x16xf32>,
        %get3A_251 = vector.shape_cast %get3A_250 : vector<1x16xf32> to vector<16xf32>
        %get3A_252 = arith.constant 2 : i32
        %get3A_253 = arith.constant 0 : i32
        %get3A_254 = arith.constant 0 : i32
        %get3A_255 = tpu.memref_slice %run_scoped3A[%rem3A_230, %get3A_253, %get3A_254] : memref<2x16x128xf32, #tpu.memory_space<vmem>> -> memref<1x16x128xf32, #tpu.memory_space<vmem>>
        %get3A_256 = tpu.memref_squeeze %get3A_255 : memref<1x16x128xf32, #tpu.memory_space<vmem>> -> memref<16x128xf32, #tpu.memory_space<vmem>>
        %get3A_257 = arith.index_cast %get3A_252 : i32 to index
        %get3A_258 = arith.constant 0 : index
        %get3A_259 = tpu.vector_load %get3A_256[%get3A_257, %get3A_258] {strides = array<i32>} : memref<16x128xf32, #tpu.memory_space<vmem>>, vector<1x16xf32>,
        %get3A_260 = vector.shape_cast %get3A_259 : vector<1x16xf32> to vector<16xf32>
        %get3A_261 = arith.constant 3 : i32
        %get3A_262 = arith.constant 0 : i32
        %get3A_263 = arith.constant 0 : i32
        %get3A_264 = tpu.memref_slice %run_scoped3A[%rem3A_230, %get3A_262, %get3A_263] : memref<2x16x128xf32, #tpu.memory_space<vmem>> -> memref<1x16x128xf32, #tpu.memory_space<vmem>>
        %get3A_265 = tpu.memref_squeeze %get3A_264 : memref<1x16x128xf32, #tpu.memory_space<vmem>> -> memref<16x128xf32, #tpu.memory_space<vmem>>
        %get3A_266 = arith.index_cast %get3A_261 : i32 to index
        %get3A_267 = arith.constant 0 : index
        %get3A_268 = tpu.vector_load %get3A_265[%get3A_266, %get3A_267] {strides = array<i32>} : memref<16x128xf32, #tpu.memory_space<vmem>>, vector<1x16xf32>,
        %get3A_269 = vector.shape_cast %get3A_268 : vector<1x16xf32> to vector<16xf32>
        %get3A_270 = arith.constant 4 : i32
        %get3A_271 = arith.constant 0 : i32
        %get3A_272 = arith.constant 0 : i32
        %get3A_273 = tpu.memref_slice %run_scoped3A[%rem3A_230, %get3A_271, %get3A_272] : memref<2x16x128xf32, #tpu.memory_space<vmem>> -> memref<1x16x128xf32, #tpu.memory_space<vmem>>
        %get3A_274 = tpu.memref_squeeze %get3A_273 : memref<1x16x128xf32, #tpu.memory_space<vmem>> -> memref<16x128xf32, #tpu.memory_space<vmem>>
        %get3A_275 = arith.index_cast %get3A_270 : i32 to index
        %get3A_276 = arith.constant 0 : index
        %get3A_277 = tpu.vector_load %get3A_274[%get3A_275, %get3A_276] {strides = array<i32>} : memref<16x128xf32, #tpu.memory_space<vmem>>, vector<1x16xf32>,
        %get3A_278 = vector.shape_cast %get3A_277 : vector<1x16xf32> to vector<16xf32>
        %get3A_279 = arith.constant 5 : i32
        %get3A_280 = arith.constant 0 : i32
        %get3A_281 = arith.constant 0 : i32
        %get3A_282 = tpu.memref_slice %run_scoped3A[%rem3A_230, %get3A_280, %get3A_281] : memref<2x16x128xf32, #tpu.memory_space<vmem>> -> memref<1x16x128xf32, #tpu.memory_space<vmem>>
        %get3A_283 = tpu.memref_squeeze %get3A_282 : memref<1x16x128xf32, #tpu.memory_space<vmem>> -> memref<16x128xf32, #tpu.memory_space<vmem>>
        %get3A_284 = arith.index_cast %get3A_279 : i32 to index
        %get3A_285 = arith.constant 0 : index
        %get3A_286 = tpu.vector_load %get3A_283[%get3A_284, %get3A_285] {strides = array<i32>} : memref<16x128xf32, #tpu.memory_space<vmem>>, vector<1x16xf32>,
        %get3A_287 = vector.shape_cast %get3A_286 : vector<1x16xf32> to vector<16xf32>
        %get3A_288 = arith.constant 6 : i32
        %get3A_289 = arith.constant 0 : i32
        %get3A_290 = arith.constant 0 : i32
        %get3A_291 = tpu.memref_slice %run_scoped3A[%rem3A_230, %get3A_289, %get3A_290] : memref<2x16x128xf32, #tpu.memory_space<vmem>> -> memref<1x16x128xf32, #tpu.memory_space<vmem>>
        %get3A_292 = tpu.memref_squeeze %get3A_291 : memref<1x16x128xf32, #tpu.memory_space<vmem>> -> memref<16x128xf32, #tpu.memory_space<vmem>>
        %get3A_293 = arith.index_cast %get3A_288 : i32 to index
        %get3A_294 = arith.constant 0 : index
        %get3A_295 = tpu.vector_load %get3A_292[%get3A_293, %get3A_294] {strides = array<i32>} : memref<16x128xf32, #tpu.memory_space<vmem>>, vector<1x16xf32>,
        %get3A_296 = vector.shape_cast %get3A_295 : vector<1x16xf32> to vector<16xf32>
        %get3A_297 = arith.constant 7 : i32
        %get3A_298 = arith.constant 0 : i32
        %get3A_299 = arith.constant 0 : i32
        %get3A_300 = tpu.memref_slice %run_scoped3A[%rem3A_230, %get3A_298, %get3A_299] : memref<2x16x128xf32, #tpu.memory_space<vmem>> -> memref<1x16x128xf32, #tpu.memory_space<vmem>>
        %get3A_301 = tpu.memref_squeeze %get3A_300 : memref<1x16x128xf32, #tpu.memory_space<vmem>> -> memref<16x128xf32, #tpu.memory_space<vmem>>
        %get3A_302 = arith.index_cast %get3A_297 : i32 to index
        %get3A_303 = arith.constant 0 : index
        %get3A_304 = tpu.vector_load %get3A_301[%get3A_302, %get3A_303] {strides = array<i32>} : memref<16x128xf32, #tpu.memory_space<vmem>>, vector<1x16xf32>,
        %get3A_305 = vector.shape_cast %get3A_304 : vector<1x16xf32> to vector<16xf32>
        %get3A_306 = arith.constant 8 : i32
        %get3A_307 = arith.constant 0 : i32
        %get3A_308 = arith.constant 0 : i32
        %get3A_309 = tpu.memref_slice %run_scoped3A[%rem3A_230, %get3A_307, %get3A_308] : memref<2x16x128xf32, #tpu.memory_space<vmem>> -> memref<1x16x128xf32, #tpu.memory_space<vmem>>
        %get3A_310 = tpu.memref_squeeze %get3A_309 : memref<1x16x128xf32, #tpu.memory_space<vmem>> -> memref<16x128xf32, #tpu.memory_space<vmem>>
        %get3A_311 = arith.index_cast %get3A_306 : i32 to index
        %get3A_312 = arith.constant 0 : index
        %get3A_313 = tpu.vector_load %get3A_310[%get3A_311, %get3A_312] {strides = array<i32>} : memref<16x128xf32, #tpu.memory_space<vmem>>, vector<1x16xf32>,
        %get3A_314 = vector.shape_cast %get3A_313 : vector<1x16xf32> to vector<16xf32>
        %get3A_315 = arith.constant 9 : i32
        %get3A_316 = arith.constant 0 : i32
        %get3A_317 = arith.constant 0 : i32
        %get3A_318 = tpu.memref_slice %run_scoped3A[%rem3A_230, %get3A_316, %get3A_317] : memref<2x16x128xf32, #tpu.memory_space<vmem>> -> memref<1x16x128xf32, #tpu.memory_space<vmem>>
        %get3A_319 = tpu.memref_squeeze %get3A_318 : memref<1x16x128xf32, #tpu.memory_space<vmem>> -> memref<16x128xf32, #tpu.memory_space<vmem>>
        %get3A_320 = arith.index_cast %get3A_315 : i32 to index
        %get3A_321 = arith.constant 0 : index
        %get3A_322 = tpu.vector_load %get3A_319[%get3A_320, %get3A_321] {strides = array<i32>} : memref<16x128xf32, #tpu.memory_space<vmem>>, vector<1x16xf32>,
        %get3A_323 = vector.shape_cast %get3A_322 : vector<1x16xf32> to vector<16xf32>
        %get3A_324 = arith.constant 10 : i32
        %get3A_325 = arith.constant 0 : i32
        %get3A_326 = arith.constant 0 : i32
        %get3A_327 = tpu.memref_slice %run_scoped3A[%rem3A_230, %get3A_325, %get3A_326] : memref<2x16x128xf32, #tpu.memory_space<vmem>> -> memref<1x16x128xf32, #tpu.memory_space<vmem>>
        %get3A_328 = tpu.memref_squeeze %get3A_327 : memref<1x16x128xf32, #tpu.memory_space<vmem>> -> memref<16x128xf32, #tpu.memory_space<vmem>>
        %get3A_329 = arith.index_cast %get3A_324 : i32 to index
        %get3A_330 = arith.constant 0 : index
        %get3A_331 = tpu.vector_load %get3A_328[%get3A_329, %get3A_330] {strides = array<i32>} : memref<16x128xf32, #tpu.memory_space<vmem>>, vector<1x16xf32>,
        %get3A_332 = vector.shape_cast %get3A_331 : vector<1x16xf32> to vector<16xf32>
        %get3A_333 = arith.constant 11 : i32
        %get3A_334 = arith.constant 0 : i32
        %get3A_335 = arith.constant 0 : i32
        %get3A_336 = tpu.memref_slice %run_scoped3A[%rem3A_230, %get3A_334, %get3A_335] : memref<2x16x128xf32, #tpu.memory_space<vmem>> -> memref<1x16x128xf32, #tpu.memory_space<vmem>>
        %get3A_337 = tpu.memref_squeeze %get3A_336 : memref<1x16x128xf32, #tpu.memory_space<vmem>> -> memref<16x128xf32, #tpu.memory_space<vmem>>
        %get3A_338 = arith.index_cast %get3A_333 : i32 to index
        %get3A_339 = arith.constant 0 : index
        %get3A_340 = tpu.vector_load %get3A_337[%get3A_338, %get3A_339] {strides = array<i32>} : memref<16x128xf32, #tpu.memory_space<vmem>>, vector<1x16xf32>,
        %get3A_341 = vector.shape_cast %get3A_340 : vector<1x16xf32> to vector<16xf32>
        %get3A_342 = arith.constant 12 : i32
        %get3A_343 = arith.constant 0 : i32
        %get3A_344 = arith.constant 0 : i32
        %get3A_345 = tpu.memref_slice %run_scoped3A[%rem3A_230, %get3A_343, %get3A_344] : memref<2x16x128xf32, #tpu.memory_space<vmem>> -> memref<1x16x128xf32, #tpu.memory_space<vmem>>
        %get3A_346 = tpu.memref_squeeze %get3A_345 : memref<1x16x128xf32, #tpu.memory_space<vmem>> -> memref<16x128xf32, #tpu.memory_space<vmem>>
        %get3A_347 = arith.index_cast %get3A_342 : i32 to index
        %get3A_348 = arith.constant 0 : index
        %get3A_349 = tpu.vector_load %get3A_346[%get3A_347, %get3A_348] {strides = array<i32>} : memref<16x128xf32, #tpu.memory_space<vmem>>, vector<1x16xf32>,
        %get3A_350 = vector.shape_cast %get3A_349 : vector<1x16xf32> to vector<16xf32>
        %get3A_351 = arith.constant 13 : i32
        %get3A_352 = arith.constant 0 : i32
        %get3A_353 = arith.constant 0 : i32
        %get3A_354 = tpu.memref_slice %run_scoped3A[%rem3A_230, %get3A_352, %get3A_353] : memref<2x16x128xf32, #tpu.memory_space<vmem>> -> memref<1x16x128xf32, #tpu.memory_space<vmem>>
        %get3A_355 = tpu.memref_squeeze %get3A_354 : memref<1x16x128xf32, #tpu.memory_space<vmem>> -> memref<16x128xf32, #tpu.memory_space<vmem>>
        %get3A_356 = arith.index_cast %get3A_351 : i32 to index
        %get3A_357 = arith.constant 0 : index
        %get3A_358 = tpu.vector_load %get3A_355[%get3A_356, %get3A_357] {strides = array<i32>} : memref<16x128xf32, #tpu.memory_space<vmem>>, vector<1x16xf32>,
        %get3A_359 = vector.shape_cast %get3A_358 : vector<1x16xf32> to vector<16xf32>
        %get3A_360 = arith.constant 14 : i32
        %get3A_361 = arith.constant 0 : i32
        %get3A_362 = arith.constant 0 : i32
        %get3A_363 = tpu.memref_slice %run_scoped3A[%rem3A_230, %get3A_361, %get3A_362] : memref<2x16x128xf32, #tpu.memory_space<vmem>> -> memref<1x16x128xf32, #tpu.memory_space<vmem>>
        %get3A_364 = tpu.memref_squeeze %get3A_363 : memref<1x16x128xf32, #tpu.memory_space<vmem>> -> memref<16x128xf32, #tpu.memory_space<vmem>>
        %get3A_365 = arith.index_cast %get3A_360 : i32 to index
        %get3A_366 = arith.constant 0 : index
        %get3A_367 = tpu.vector_load %get3A_364[%get3A_365, %get3A_366] {strides = array<i32>} : memref<16x128xf32, #tpu.memory_space<vmem>>, vector<1x16xf32>,
        %get3A_368 = vector.shape_cast %get3A_367 : vector<1x16xf32> to vector<16xf32>
        %get3A_369 = arith.constant 15 : i32
        %get3A_370 = arith.constant 0 : i32
        %get3A_371 = arith.constant 0 : i32
        %get3A_372 = tpu.memref_slice %run_scoped3A[%rem3A_230, %get3A_370, %get3A_371] : memref<2x16x128xf32, #tpu.memory_space<vmem>> -> memref<1x16x128xf32, #tpu.memory_space<vmem>>
        %get3A_373 = tpu.memref_squeeze %get3A_372 : memref<1x16x128xf32, #tpu.memory_space<vmem>> -> memref<16x128xf32, #tpu.memory_space<vmem>>
        %get3A_374 = arith.index_cast %get3A_369 : i32 to index
        %get3A_375 = arith.constant 0 : index
        %get3A_376 = tpu.vector_load %get3A_373[%get3A_374, %get3A_375] {strides = array<i32>} : memref<16x128xf32, #tpu.memory_space<vmem>>, vector<1x16xf32>,
        %get3A_377 = vector.shape_cast %get3A_376 : vector<1x16xf32> to vector<16xf32>
        %max3A = arith.maximumf %get3A_242, %get3A_251 : vector<16xf32>
        %max3A_378 = arith.maximumf %max3A, %get3A_260 : vector<16xf32>
        %max3A_379 = arith.maximumf %max3A_378, %get3A_269 : vector<16xf32>
        %max3A_380 = arith.maximumf %max3A_379, %get3A_278 : vector<16xf32>
        %max3A_381 = arith.maximumf %max3A_380, %get3A_287 : vector<16xf32>
        %max3A_382 = arith.maximumf %max3A_381, %get3A_296 : vector<16xf32>
        %max3A_383 = arith.maximumf %max3A_382, %get3A_305 : vector<16xf32>
        %max3A_384 = arith.maximumf %max3A_383, %get3A_314 : vector<16xf32>
        %max3A_385 = arith.maximumf %max3A_384, %get3A_323 : vector<16xf32>
        %max3A_386 = arith.maximumf %max3A_385, %get3A_332 : vector<16xf32>
        %max3A_387 = arith.maximumf %max3A_386, %get3A_341 : vector<16xf32>
        %max3A_388 = arith.maximumf %max3A_387, %get3A_350 : vector<16xf32>
        %max3A_389 = arith.maximumf %max3A_388, %get3A_359 : vector<16xf32>
        %max3A_390 = arith.maximumf %max3A_389, %get3A_368 : vector<16xf32>
        %max3A_391 = arith.maximumf %max3A_390, %get3A_377 : vector<16xf32>
        %broadcast_in_dim3A = arith.constant 16 : i32
        %broadcast_in_dim3A_392 = vector.broadcast %broadcast_in_dim3A : i32 to vector<16xi32>
        %eq3A_393 = arith.cmpf oeq, %get3A_377, %max3A_391 : vector<16xf32>
        %jit3A = arith.constant 15 : i32
        %broadcast_in_dim3A_394 = vector.broadcast %jit3A : i32 to vector<16xi32>
        %select_n3A_395 = arith.select %eq3A_393, %broadcast_in_dim3A_394, %broadcast_in_dim3A_392 : vector<16xi1>, vector<16xi32>
        %eq3A_396 = arith.cmpf oeq, %get3A_368, %max3A_391 : vector<16xf32>
        %jit3A_397 = arith.constant 14 : i32
        %broadcast_in_dim3A_398 = vector.broadcast %jit3A_397 : i32 to vector<16xi32>
        %select_n3A_399 = arith.select %eq3A_396, %broadcast_in_dim3A_398, %select_n3A_395 : vector<16xi1>, vector<16xi32>
        %eq3A_400 = arith.cmpf oeq, %get3A_359, %max3A_391 : vector<16xf32>
        %jit3A_401 = arith.constant 13 : i32
        %broadcast_in_dim3A_402 = vector.broadcast %jit3A_401 : i32 to vector<16xi32>
        %select_n3A_403 = arith.select %eq3A_400, %broadcast_in_dim3A_402, %select_n3A_399 : vector<16xi1>, vector<16xi32>
        %eq3A_404 = arith.cmpf oeq, %get3A_350, %max3A_391 : vector<16xf32>
        %jit3A_405 = arith.constant 12 : i32
        %broadcast_in_dim3A_406 = vector.broadcast %jit3A_405 : i32 to vector<16xi32>
        %select_n3A_407 = arith.select %eq3A_404, %broadcast_in_dim3A_406, %select_n3A_403 : vector<16xi1>, vector<16xi32>
        %eq3A_408 = arith.cmpf oeq, %get3A_341, %max3A_391 : vector<16xf32>
        %jit3A_409 = arith.constant 11 : i32
        %broadcast_in_dim3A_410 = vector.broadcast %jit3A_409 : i32 to vector<16xi32>
        %select_n3A_411 = arith.select %eq3A_408, %broadcast_in_dim3A_410, %select_n3A_407 : vector<16xi1>, vector<16xi32>
        %eq3A_412 = arith.cmpf oeq, %get3A_332, %max3A_391 : vector<16xf32>
        %jit3A_413 = arith.constant 10 : i32
        %broadcast_in_dim3A_414 = vector.broadcast %jit3A_413 : i32 to vector<16xi32>
        %select_n3A_415 = arith.select %eq3A_412, %broadcast_in_dim3A_414, %select_n3A_411 : vector<16xi1>, vector<16xi32>
        %eq3A_416 = arith.cmpf oeq, %get3A_323, %max3A_391 : vector<16xf32>
        %jit3A_417 = arith.constant 9 : i32
        %broadcast_in_dim3A_418 = vector.broadcast %jit3A_417 : i32 to vector<16xi32>
        %select_n3A_419 = arith.select %eq3A_416, %broadcast_in_dim3A_418, %select_n3A_415 : vector<16xi1>, vector<16xi32>
        %eq3A_420 = arith.cmpf oeq, %get3A_314, %max3A_391 : vector<16xf32>
        %jit3A_421 = arith.constant 8 : i32
        %broadcast_in_dim3A_422 = vector.broadcast %jit3A_421 : i32 to vector<16xi32>
        %select_n3A_423 = arith.select %eq3A_420, %broadcast_in_dim3A_422, %select_n3A_419 : vector<16xi1>, vector<16xi32>
        %eq3A_424 = arith.cmpf oeq, %get3A_305, %max3A_391 : vector<16xf32>
        %jit3A_425 = arith.constant 7 : i32
        %broadcast_in_dim3A_426 = vector.broadcast %jit3A_425 : i32 to vector<16xi32>
        %select_n3A_427 = arith.select %eq3A_424, %broadcast_in_dim3A_426, %select_n3A_423 : vector<16xi1>, vector<16xi32>
        %eq3A_428 = arith.cmpf oeq, %get3A_296, %max3A_391 : vector<16xf32>
        %jit3A_429 = arith.constant 6 : i32
        %broadcast_in_dim3A_430 = vector.broadcast %jit3A_429 : i32 to vector<16xi32>
        %select_n3A_431 = arith.select %eq3A_428, %broadcast_in_dim3A_430, %select_n3A_427 : vector<16xi1>, vector<16xi32>
        %eq3A_432 = arith.cmpf oeq, %get3A_287, %max3A_391 : vector<16xf32>
        %jit3A_433 = arith.constant 5 : i32
        %broadcast_in_dim3A_434 = vector.broadcast %jit3A_433 : i32 to vector<16xi32>
        %select_n3A_435 = arith.select %eq3A_432, %broadcast_in_dim3A_434, %select_n3A_431 : vector<16xi1>, vector<16xi32>
        %eq3A_436 = arith.cmpf oeq, %get3A_278, %max3A_391 : vector<16xf32>
        %jit3A_437 = arith.constant 4 : i32
        %broadcast_in_dim3A_438 = vector.broadcast %jit3A_437 : i32 to vector<16xi32>
        %select_n3A_439 = arith.select %eq3A_436, %broadcast_in_dim3A_438, %select_n3A_435 : vector<16xi1>, vector<16xi32>
        %eq3A_440 = arith.cmpf oeq, %get3A_269, %max3A_391 : vector<16xf32>
        %jit3A_441 = arith.constant 3 : i32
        %broadcast_in_dim3A_442 = vector.broadcast %jit3A_441 : i32 to vector<16xi32>
        %select_n3A_443 = arith.select %eq3A_440, %broadcast_in_dim3A_442, %select_n3A_439 : vector<16xi1>, vector<16xi32>
        %eq3A_444 = arith.cmpf oeq, %get3A_260, %max3A_391 : vector<16xf32>
        %jit3A_445 = arith.constant 2 : i32
        %broadcast_in_dim3A_446 = vector.broadcast %jit3A_445 : i32 to vector<16xi32>
        %select_n3A_447 = arith.select %eq3A_444, %broadcast_in_dim3A_446, %select_n3A_443 : vector<16xi1>, vector<16xi32>
        %eq3A_448 = arith.cmpf oeq, %get3A_251, %max3A_391 : vector<16xf32>
        %jit3A_449 = arith.constant 1 : i32
        %broadcast_in_dim3A_450 = vector.broadcast %jit3A_449 : i32 to vector<16xi32>
        %select_n3A_451 = arith.select %eq3A_448, %broadcast_in_dim3A_450, %select_n3A_447 : vector<16xi1>, vector<16xi32>
        %eq3A_452 = arith.cmpf oeq, %get3A_242, %max3A_391 : vector<16xf32>
        %jit3A_453 = arith.constant 0 : i32
        %broadcast_in_dim3A_454 = vector.broadcast %jit3A_453 : i32 to vector<16xi32>
        %select_n3A_455 = arith.select %eq3A_452, %broadcast_in_dim3A_454, %select_n3A_451 : vector<16xi1>, vector<16xi32>
        %broadcast_in_dim3A_456 = arith.constant 0xFF800000 : f32
        %broadcast_in_dim3A_457 = vector.broadcast %broadcast_in_dim3A_456 : f32 to vector<16xf32>
        %eq3A_458 = arith.constant 0 : i32
        %eq3A_459 = vector.broadcast %eq3A_458 : i32 to vector<16xi32>
        %eq3A_460 = arith.cmpi eq, %select_n3A_455, %eq3A_459 : vector<16xi32>
        %select_n3A_461 = arith.select %eq3A_460, %broadcast_in_dim3A_457, %get3A_242 : vector<16xi1>, vector<16xf32>
        %max3A_462 = arith.maximumf %broadcast_in_dim3A_457, %select_n3A_461 : vector<16xf32>
        %eq3A_463 = arith.constant 1 : i32
        %eq3A_464 = vector.broadcast %eq3A_463 : i32 to vector<16xi32>
        %eq3A_465 = arith.cmpi eq, %select_n3A_455, %eq3A_464 : vector<16xi32>
        %select_n3A_466 = arith.select %eq3A_465, %broadcast_in_dim3A_457, %get3A_251 : vector<16xi1>, vector<16xf32>
        %max3A_467 = arith.maximumf %max3A_462, %select_n3A_466 : vector<16xf32>
        %eq3A_468 = arith.constant 2 : i32
        %eq3A_469 = vector.broadcast %eq3A_468 : i32 to vector<16xi32>
        %eq3A_470 = arith.cmpi eq, %select_n3A_455, %eq3A_469 : vector<16xi32>
        %select_n3A_471 = arith.select %eq3A_470, %broadcast_in_dim3A_457, %get3A_260 : vector<16xi1>, vector<16xf32>
        %max3A_472 = arith.maximumf %max3A_467, %select_n3A_471 : vector<16xf32>
        %eq3A_473 = arith.constant 3 : i32
        %eq3A_474 = vector.broadcast %eq3A_473 : i32 to vector<16xi32>
        %eq3A_475 = arith.cmpi eq, %select_n3A_455, %eq3A_474 : vector<16xi32>
        %select_n3A_476 = arith.select %eq3A_475, %broadcast_in_dim3A_457, %get3A_269 : vector<16xi1>, vector<16xf32>
        %max3A_477 = arith.maximumf %max3A_472, %select_n3A_476 : vector<16xf32>
        %eq3A_478 = arith.constant 4 : i32
        %eq3A_479 = vector.broadcast %eq3A_478 : i32 to vector<16xi32>
        %eq3A_480 = arith.cmpi eq, %select_n3A_455, %eq3A_479 : vector<16xi32>
        %select_n3A_481 = arith.select %eq3A_480, %broadcast_in_dim3A_457, %get3A_278 : vector<16xi1>, vector<16xf32>
        %max3A_482 = arith.maximumf %max3A_477, %select_n3A_481 : vector<16xf32>
        %eq3A_483 = arith.constant 5 : i32
        %eq3A_484 = vector.broadcast %eq3A_483 : i32 to vector<16xi32>
        %eq3A_485 = arith.cmpi eq, %select_n3A_455, %eq3A_484 : vector<16xi32>
        %select_n3A_486 = arith.select %eq3A_485, %broadcast_in_dim3A_457, %get3A_287 : vector<16xi1>, vector<16xf32>
        %max3A_487 = arith.maximumf %max3A_482, %select_n3A_486 : vector<16xf32>
        %eq3A_488 = arith.constant 6 : i32
        %eq3A_489 = vector.broadcast %eq3A_488 : i32 to vector<16xi32>
        %eq3A_490 = arith.cmpi eq, %select_n3A_455, %eq3A_489 : vector<16xi32>
        %select_n3A_491 = arith.select %eq3A_490, %broadcast_in_dim3A_457, %get3A_296 : vector<16xi1>, vector<16xf32>
        %max3A_492 = arith.maximumf %max3A_487, %select_n3A_491 : vector<16xf32>
        %eq3A_493 = arith.constant 7 : i32
        %eq3A_494 = vector.broadcast %eq3A_493 : i32 to vector<16xi32>
        %eq3A_495 = arith.cmpi eq, %select_n3A_455, %eq3A_494 : vector<16xi32>
        %select_n3A_496 = arith.select %eq3A_495, %broadcast_in_dim3A_457, %get3A_305 : vector<16xi1>, vector<16xf32>
        %max3A_497 = arith.maximumf %max3A_492, %select_n3A_496 : vector<16xf32>
        %eq3A_498 = arith.constant 8 : i32
        %eq3A_499 = vector.broadcast %eq3A_498 : i32 to vector<16xi32>
        %eq3A_500 = arith.cmpi eq, %select_n3A_455, %eq3A_499 : vector<16xi32>
        %select_n3A_501 = arith.select %eq3A_500, %broadcast_in_dim3A_457, %get3A_314 : vector<16xi1>, vector<16xf32>
        %max3A_502 = arith.maximumf %max3A_497, %select_n3A_501 : vector<16xf32>
        %eq3A_503 = arith.constant 9 : i32
        %eq3A_504 = vector.broadcast %eq3A_503 : i32 to vector<16xi32>
        %eq3A_505 = arith.cmpi eq, %select_n3A_455, %eq3A_504 : vector<16xi32>
        %select_n3A_506 = arith.select %eq3A_505, %broadcast_in_dim3A_457, %get3A_323 : vector<16xi1>, vector<16xf32>
        %max3A_507 = arith.maximumf %max3A_502, %select_n3A_506 : vector<16xf32>
        %eq3A_508 = arith.constant 10 : i32
        %eq3A_509 = vector.broadcast %eq3A_508 : i32 to vector<16xi32>
        %eq3A_510 = arith.cmpi eq, %select_n3A_455, %eq3A_509 : vector<16xi32>
        %select_n3A_511 = arith.select %eq3A_510, %broadcast_in_dim3A_457, %get3A_332 : vector<16xi1>, vector<16xf32>
        %max3A_512 = arith.maximumf %max3A_507, %select_n3A_511 : vector<16xf32>
        %eq3A_513 = arith.constant 11 : i32
        %eq3A_514 = vector.broadcast %eq3A_513 : i32 to vector<16xi32>
        %eq3A_515 = arith.cmpi eq, %select_n3A_455, %eq3A_514 : vector<16xi32>
        %select_n3A_516 = arith.select %eq3A_515, %broadcast_in_dim3A_457, %get3A_341 : vector<16xi1>, vector<16xf32>
        %max3A_517 = arith.maximumf %max3A_512, %select_n3A_516 : vector<16xf32>
        %eq3A_518 = arith.constant 12 : i32
        %eq3A_519 = vector.broadcast %eq3A_518 : i32 to vector<16xi32>
        %eq3A_520 = arith.cmpi eq, %select_n3A_455, %eq3A_519 : vector<16xi32>
        %select_n3A_521 = arith.select %eq3A_520, %broadcast_in_dim3A_457, %get3A_350 : vector<16xi1>, vector<16xf32>
        %max3A_522 = arith.maximumf %max3A_517, %select_n3A_521 : vector<16xf32>
        %eq3A_523 = arith.constant 13 : i32
        %eq3A_524 = vector.broadcast %eq3A_523 : i32 to vector<16xi32>
        %eq3A_525 = arith.cmpi eq, %select_n3A_455, %eq3A_524 : vector<16xi32>
        %select_n3A_526 = arith.select %eq3A_525, %broadcast_in_dim3A_457, %get3A_359 : vector<16xi1>, vector<16xf32>
        %max3A_527 = arith.maximumf %max3A_522, %select_n3A_526 : vector<16xf32>
        %eq3A_528 = arith.constant 14 : i32
        %eq3A_529 = vector.broadcast %eq3A_528 : i32 to vector<16xi32>
        %eq3A_530 = arith.cmpi eq, %select_n3A_455, %eq3A_529 : vector<16xi32>
        %select_n3A_531 = arith.select %eq3A_530, %broadcast_in_dim3A_457, %get3A_368 : vector<16xi1>, vector<16xf32>
        %max3A_532 = arith.maximumf %max3A_527, %select_n3A_531 : vector<16xf32>
        %eq3A_533 = arith.constant 15 : i32
        %eq3A_534 = vector.broadcast %eq3A_533 : i32 to vector<16xi32>
        %eq3A_535 = arith.cmpi eq, %select_n3A_455, %eq3A_534 : vector<16xi32>
        %select_n3A_536 = arith.select %eq3A_535, %broadcast_in_dim3A_457, %get3A_377 : vector<16xi1>, vector<16xf32>
        %max3A_537 = arith.maximumf %max3A_532, %select_n3A_536 : vector<16xf32>
        %broadcast_in_dim3A_538 = arith.constant 16 : i32
        %broadcast_in_dim3A_539 = vector.broadcast %broadcast_in_dim3A_538 : i32 to vector<16xi32>
        %eq3A_540 = arith.constant 15 : i32
        %eq3A_541 = vector.broadcast %eq3A_540 : i32 to vector<16xi32>
        %eq3A_542 = arith.cmpi eq, %select_n3A_455, %eq3A_541 : vector<16xi32>
        %select_n3A_543 = arith.select %eq3A_542, %broadcast_in_dim3A_457, %get3A_377 : vector<16xi1>, vector<16xf32>
        %eq3A_544 = arith.cmpf oeq, %select_n3A_543, %max3A_537 : vector<16xf32>
        %jit3A_545 = arith.constant 15 : i32
        %broadcast_in_dim3A_546 = vector.broadcast %jit3A_545 : i32 to vector<16xi32>
        %select_n3A_547 = arith.select %eq3A_544, %broadcast_in_dim3A_546, %broadcast_in_dim3A_539 : vector<16xi1>, vector<16xi32>
        %eq3A_548 = arith.constant 14 : i32
        %eq3A_549 = vector.broadcast %eq3A_548 : i32 to vector<16xi32>
        %eq3A_550 = arith.cmpi eq, %select_n3A_455, %eq3A_549 : vector<16xi32>
        %select_n3A_551 = arith.select %eq3A_550, %broadcast_in_dim3A_457, %get3A_368 : vector<16xi1>, vector<16xf32>
        %eq3A_552 = arith.cmpf oeq, %select_n3A_551, %max3A_537 : vector<16xf32>
        %jit3A_553 = arith.constant 14 : i32
        %broadcast_in_dim3A_554 = vector.broadcast %jit3A_553 : i32 to vector<16xi32>
        %select_n3A_555 = arith.select %eq3A_552, %broadcast_in_dim3A_554, %select_n3A_547 : vector<16xi1>, vector<16xi32>
        %eq3A_556 = arith.constant 13 : i32
        %eq3A_557 = vector.broadcast %eq3A_556 : i32 to vector<16xi32>
        %eq3A_558 = arith.cmpi eq, %select_n3A_455, %eq3A_557 : vector<16xi32>
        %select_n3A_559 = arith.select %eq3A_558, %broadcast_in_dim3A_457, %get3A_359 : vector<16xi1>, vector<16xf32>
        %eq3A_560 = arith.cmpf oeq, %select_n3A_559, %max3A_537 : vector<16xf32>
        %jit3A_561 = arith.constant 13 : i32
        %broadcast_in_dim3A_562 = vector.broadcast %jit3A_561 : i32 to vector<16xi32>
        %select_n3A_563 = arith.select %eq3A_560, %broadcast_in_dim3A_562, %select_n3A_555 : vector<16xi1>, vector<16xi32>
        %eq3A_564 = arith.constant 12 : i32
        %eq3A_565 = vector.broadcast %eq3A_564 : i32 to vector<16xi32>
        %eq3A_566 = arith.cmpi eq, %select_n3A_455, %eq3A_565 : vector<16xi32>
        %select_n3A_567 = arith.select %eq3A_566, %broadcast_in_dim3A_457, %get3A_350 : vector<16xi1>, vector<16xf32>
        %eq3A_568 = arith.cmpf oeq, %select_n3A_567, %max3A_537 : vector<16xf32>
        %jit3A_569 = arith.constant 12 : i32
        %broadcast_in_dim3A_570 = vector.broadcast %jit3A_569 : i32 to vector<16xi32>
        %select_n3A_571 = arith.select %eq3A_568, %broadcast_in_dim3A_570, %select_n3A_563 : vector<16xi1>, vector<16xi32>
        %eq3A_572 = arith.constant 11 : i32
        %eq3A_573 = vector.broadcast %eq3A_572 : i32 to vector<16xi32>
        %eq3A_574 = arith.cmpi eq, %select_n3A_455, %eq3A_573 : vector<16xi32>
        %select_n3A_575 = arith.select %eq3A_574, %broadcast_in_dim3A_457, %get3A_341 : vector<16xi1>, vector<16xf32>
        %eq3A_576 = arith.cmpf oeq, %select_n3A_575, %max3A_537 : vector<16xf32>
        %jit3A_577 = arith.constant 11 : i32
        %broadcast_in_dim3A_578 = vector.broadcast %jit3A_577 : i32 to vector<16xi32>
        %select_n3A_579 = arith.select %eq3A_576, %broadcast_in_dim3A_578, %select_n3A_571 : vector<16xi1>, vector<16xi32>
        %eq3A_580 = arith.constant 10 : i32
        %eq3A_581 = vector.broadcast %eq3A_580 : i32 to vector<16xi32>
        %eq3A_582 = arith.cmpi eq, %select_n3A_455, %eq3A_581 : vector<16xi32>
        %select_n3A_583 = arith.select %eq3A_582, %broadcast_in_dim3A_457, %get3A_332 : vector<16xi1>, vector<16xf32>
        %eq3A_584 = arith.cmpf oeq, %select_n3A_583, %max3A_537 : vector<16xf32>
        %jit3A_585 = arith.constant 10 : i32
        %broadcast_in_dim3A_586 = vector.broadcast %jit3A_585 : i32 to vector<16xi32>
        %select_n3A_587 = arith.select %eq3A_584, %broadcast_in_dim3A_586, %select_n3A_579 : vector<16xi1>, vector<16xi32>
        %eq3A_588 = arith.constant 9 : i32
        %eq3A_589 = vector.broadcast %eq3A_588 : i32 to vector<16xi32>
        %eq3A_590 = arith.cmpi eq, %select_n3A_455, %eq3A_589 : vector<16xi32>
        %select_n3A_591 = arith.select %eq3A_590, %broadcast_in_dim3A_457, %get3A_323 : vector<16xi1>, vector<16xf32>
        %eq3A_592 = arith.cmpf oeq, %select_n3A_591, %max3A_537 : vector<16xf32>
        %jit3A_593 = arith.constant 9 : i32
        %broadcast_in_dim3A_594 = vector.broadcast %jit3A_593 : i32 to vector<16xi32>
        %select_n3A_595 = arith.select %eq3A_592, %broadcast_in_dim3A_594, %select_n3A_587 : vector<16xi1>, vector<16xi32>
        %eq3A_596 = arith.constant 8 : i32
        %eq3A_597 = vector.broadcast %eq3A_596 : i32 to vector<16xi32>
        %eq3A_598 = arith.cmpi eq, %select_n3A_455, %eq3A_597 : vector<16xi32>
        %select_n3A_599 = arith.select %eq3A_598, %broadcast_in_dim3A_457, %get3A_314 : vector<16xi1>, vector<16xf32>
        %eq3A_600 = arith.cmpf oeq, %select_n3A_599, %max3A_537 : vector<16xf32>
        %jit3A_601 = arith.constant 8 : i32
        %broadcast_in_dim3A_602 = vector.broadcast %jit3A_601 : i32 to vector<16xi32>
        %select_n3A_603 = arith.select %eq3A_600, %broadcast_in_dim3A_602, %select_n3A_595 : vector<16xi1>, vector<16xi32>
        %eq3A_604 = arith.constant 7 : i32
        %eq3A_605 = vector.broadcast %eq3A_604 : i32 to vector<16xi32>
        %eq3A_606 = arith.cmpi eq, %select_n3A_455, %eq3A_605 : vector<16xi32>
        %select_n3A_607 = arith.select %eq3A_606, %broadcast_in_dim3A_457, %get3A_305 : vector<16xi1>, vector<16xf32>
        %eq3A_608 = arith.cmpf oeq, %select_n3A_607, %max3A_537 : vector<16xf32>
        %jit3A_609 = arith.constant 7 : i32
        %broadcast_in_dim3A_610 = vector.broadcast %jit3A_609 : i32 to vector<16xi32>
        %select_n3A_611 = arith.select %eq3A_608, %broadcast_in_dim3A_610, %select_n3A_603 : vector<16xi1>, vector<16xi32>
        %eq3A_612 = arith.constant 6 : i32
        %eq3A_613 = vector.broadcast %eq3A_612 : i32 to vector<16xi32>
        %eq3A_614 = arith.cmpi eq, %select_n3A_455, %eq3A_613 : vector<16xi32>
        %select_n3A_615 = arith.select %eq3A_614, %broadcast_in_dim3A_457, %get3A_296 : vector<16xi1>, vector<16xf32>
        %eq3A_616 = arith.cmpf oeq, %select_n3A_615, %max3A_537 : vector<16xf32>
        %jit3A_617 = arith.constant 6 : i32
        %broadcast_in_dim3A_618 = vector.broadcast %jit3A_617 : i32 to vector<16xi32>
        %select_n3A_619 = arith.select %eq3A_616, %broadcast_in_dim3A_618, %select_n3A_611 : vector<16xi1>, vector<16xi32>
        %eq3A_620 = arith.constant 5 : i32
        %eq3A_621 = vector.broadcast %eq3A_620 : i32 to vector<16xi32>
        %eq3A_622 = arith.cmpi eq, %select_n3A_455, %eq3A_621 : vector<16xi32>
        %select_n3A_623 = arith.select %eq3A_622, %broadcast_in_dim3A_457, %get3A_287 : vector<16xi1>, vector<16xf32>
        %eq3A_624 = arith.cmpf oeq, %select_n3A_623, %max3A_537 : vector<16xf32>
        %jit3A_625 = arith.constant 5 : i32
        %broadcast_in_dim3A_626 = vector.broadcast %jit3A_625 : i32 to vector<16xi32>
        %select_n3A_627 = arith.select %eq3A_624, %broadcast_in_dim3A_626, %select_n3A_619 : vector<16xi1>, vector<16xi32>
        %eq3A_628 = arith.constant 4 : i32
        %eq3A_629 = vector.broadcast %eq3A_628 : i32 to vector<16xi32>
        %eq3A_630 = arith.cmpi eq, %select_n3A_455, %eq3A_629 : vector<16xi32>
        %select_n3A_631 = arith.select %eq3A_630, %broadcast_in_dim3A_457, %get3A_278 : vector<16xi1>, vector<16xf32>
        %eq3A_632 = arith.cmpf oeq, %select_n3A_631, %max3A_537 : vector<16xf32>
        %jit3A_633 = arith.constant 4 : i32
        %broadcast_in_dim3A_634 = vector.broadcast %jit3A_633 : i32 to vector<16xi32>
        %select_n3A_635 = arith.select %eq3A_632, %broadcast_in_dim3A_634, %select_n3A_627 : vector<16xi1>, vector<16xi32>
        %eq3A_636 = arith.constant 3 : i32
        %eq3A_637 = vector.broadcast %eq3A_636 : i32 to vector<16xi32>
        %eq3A_638 = arith.cmpi eq, %select_n3A_455, %eq3A_637 : vector<16xi32>
        %select_n3A_639 = arith.select %eq3A_638, %broadcast_in_dim3A_457, %get3A_269 : vector<16xi1>, vector<16xf32>
        %eq3A_640 = arith.cmpf oeq, %select_n3A_639, %max3A_537 : vector<16xf32>
        %jit3A_641 = arith.constant 3 : i32
        %broadcast_in_dim3A_642 = vector.broadcast %jit3A_641 : i32 to vector<16xi32>
        %select_n3A_643 = arith.select %eq3A_640, %broadcast_in_dim3A_642, %select_n3A_635 : vector<16xi1>, vector<16xi32>
        %eq3A_644 = arith.constant 2 : i32
        %eq3A_645 = vector.broadcast %eq3A_644 : i32 to vector<16xi32>
        %eq3A_646 = arith.cmpi eq, %select_n3A_455, %eq3A_645 : vector<16xi32>
        %select_n3A_647 = arith.select %eq3A_646, %broadcast_in_dim3A_457, %get3A_260 : vector<16xi1>, vector<16xf32>
        %eq3A_648 = arith.cmpf oeq, %select_n3A_647, %max3A_537 : vector<16xf32>
        %jit3A_649 = arith.constant 2 : i32
        %broadcast_in_dim3A_650 = vector.broadcast %jit3A_649 : i32 to vector<16xi32>
        %select_n3A_651 = arith.select %eq3A_648, %broadcast_in_dim3A_650, %select_n3A_643 : vector<16xi1>, vector<16xi32>
        %eq3A_652 = arith.constant 1 : i32
        %eq3A_653 = vector.broadcast %eq3A_652 : i32 to vector<16xi32>
        %eq3A_654 = arith.cmpi eq, %select_n3A_455, %eq3A_653 : vector<16xi32>
        %select_n3A_655 = arith.select %eq3A_654, %broadcast_in_dim3A_457, %get3A_251 : vector<16xi1>, vector<16xf32>
        %eq3A_656 = arith.cmpf oeq, %select_n3A_655, %max3A_537 : vector<16xf32>
        %jit3A_657 = arith.constant 1 : i32
        %broadcast_in_dim3A_658 = vector.broadcast %jit3A_657 : i32 to vector<16xi32>
        %select_n3A_659 = arith.select %eq3A_656, %broadcast_in_dim3A_658, %select_n3A_651 : vector<16xi1>, vector<16xi32>
        %eq3A_660 = arith.constant 0 : i32
        %eq3A_661 = vector.broadcast %eq3A_660 : i32 to vector<16xi32>
        %eq3A_662 = arith.cmpi eq, %select_n3A_455, %eq3A_661 : vector<16xi32>
        %select_n3A_663 = arith.select %eq3A_662, %broadcast_in_dim3A_457, %get3A_242 : vector<16xi1>, vector<16xf32>
        %eq3A_664 = arith.cmpf oeq, %select_n3A_663, %max3A_537 : vector<16xf32>
        %jit3A_665 = arith.constant 0 : i32
        %broadcast_in_dim3A_666 = vector.broadcast %jit3A_665 : i32 to vector<16xi32>
        %select_n3A_667 = arith.select %eq3A_664, %broadcast_in_dim3A_666, %select_n3A_659 : vector<16xi1>, vector<16xi32>
        %sub3A_668 = arith.subf %max3A_537, %max3A_391 : vector<16xf32>
        %mul3A_669 = arith.constant 1.250000e+00 : f32
        %mul3A_670 = vector.broadcast %mul3A_669 : f32 to vector<16xf32>
        %mul3A_671 = arith.mulf %sub3A_668, %mul3A_670 : vector<16xf32>
        %exp3A = math.exp %mul3A_671 : vector<16xf32>
        %add3A_672 = arith.constant 1.000000e+00 : f32
        %add3A_673 = vector.broadcast %add3A_672 : f32 to vector<16xf32>
        %add3A_674 = arith.addf %add3A_673, %exp3A : vector<16xf32>
        %div3A = arith.constant 1.000000e+00 : f32
        %div3A_675 = vector.broadcast %div3A : f32 to vector<16xf32>
        %div3A_676 = arith.divf %div3A_675, %add3A_674 : vector<16xf32>
        %swap3A = arith.constant 0 : i32
        %swap3A_677 = arith.constant 0 : i32
        %swap3A_678 = arith.constant 0 : i32
        %swap3A_679 = tpu.memref_slice %run_scoped3A_8[%rem3A_232, %swap3A_677, %swap3A_678] : memref<2x2x128xf32, #tpu.memory_space<vmem>> -> memref<1x2x128xf32, #tpu.memory_space<vmem>>
        %swap3A_680 = tpu.memref_squeeze %swap3A_679 : memref<1x2x128xf32, #tpu.memory_space<vmem>> -> memref<2x128xf32, #tpu.memory_space<vmem>>
        %swap3A_681 = arith.index_cast %swap3A : i32 to index
        %swap3A_682 = arith.constant 0 : index
        %swap3A_683 = tpu.vector_load %swap3A_680[%swap3A_681, %swap3A_682] {strides = array<i32>} : memref<2x128xf32, #tpu.memory_space<vmem>>, vector<1x16xf32>,
        %swap3A_684 = vector.shape_cast %swap3A_683 : vector<1x16xf32> to vector<16xf32>
        %swap3A_685 = vector.shape_cast %div3A_676 : vector<16xf32> to vector<1x16xf32>
        tpu.vector_store %swap3A_680[%swap3A_681, %swap3A_682], %swap3A_685 {strides = array<i32>} : memref<2x128xf32, #tpu.memory_space<vmem>>, vector<1x16xf32>,
        %mul3A_686 = arith.mulf %exp3A, %div3A_676 : vector<16xf32>
        %swap3A_687 = arith.constant 1 : i32
        %swap3A_688 = arith.constant 0 : i32
        %swap3A_689 = arith.constant 0 : i32
        %swap3A_690 = tpu.memref_slice %run_scoped3A_8[%rem3A_232, %swap3A_688, %swap3A_689] : memref<2x2x128xf32, #tpu.memory_space<vmem>> -> memref<1x2x128xf32, #tpu.memory_space<vmem>>
        %swap3A_691 = tpu.memref_squeeze %swap3A_690 : memref<1x2x128xf32, #tpu.memory_space<vmem>> -> memref<2x128xf32, #tpu.memory_space<vmem>>
        %swap3A_692 = arith.index_cast %swap3A_687 : i32 to index
        %swap3A_693 = arith.constant 0 : index
        %swap3A_694 = tpu.vector_load %swap3A_691[%swap3A_692, %swap3A_693] {strides = array<i32>} : memref<2x128xf32, #tpu.memory_space<vmem>>, vector<1x16xf32>,
        %swap3A_695 = vector.shape_cast %swap3A_694 : vector<1x16xf32> to vector<16xf32>
        %swap3A_696 = vector.shape_cast %mul3A_686 : vector<16xf32> to vector<1x16xf32>
        tpu.vector_store %swap3A_691[%swap3A_692, %swap3A_693], %swap3A_696 {strides = array<i32>} : memref<2x128xf32, #tpu.memory_space<vmem>>, vector<1x16xf32>,
        %swap3A_697 = arith.constant 0 : i32
        %swap3A_698 = arith.constant 0 : i32
        %swap3A_699 = arith.constant 0 : i32
        %swap3A_700 = tpu.memref_slice %run_scoped3A_10[%rem3A_234, %swap3A_698, %swap3A_699] : memref<2x2x128xi32, #tpu.memory_space<vmem>> -> memref<1x2x128xi32, #tpu.memory_space<vmem>>
        %swap3A_701 = tpu.memref_squeeze %swap3A_700 : memref<1x2x128xi32, #tpu.memory_space<vmem>> -> memref<2x128xi32, #tpu.memory_space<vmem>>
        %swap3A_702 = arith.index_cast %swap3A_697 : i32 to index
        %swap3A_703 = arith.constant 0 : index
        %swap3A_704 = tpu.vector_load %swap3A_701[%swap3A_702, %swap3A_703] {strides = array<i32>} : memref<2x128xi32, #tpu.memory_space<vmem>>, vector<1x16xi32>,
        %swap3A_705 = vector.shape_cast %swap3A_704 : vector<1x16xi32> to vector<16xi32>
        %swap3A_706 = vector.shape_cast %select_n3A_455 : vector<16xi32> to vector<1x16xi32>
        tpu.vector_store %swap3A_701[%swap3A_702, %swap3A_703], %swap3A_706 {strides = array<i32>} : memref<2x128xi32, #tpu.memory_space<vmem>>, vector<1x16xi32>,
        %swap3A_707 = arith.constant 1 : i32
        %swap3A_708 = arith.constant 0 : i32
        %swap3A_709 = arith.constant 0 : i32
        %swap3A_710 = tpu.memref_slice %run_scoped3A_10[%rem3A_234, %swap3A_708, %swap3A_709] : memref<2x2x128xi32, #tpu.memory_space<vmem>> -> memref<1x2x128xi32, #tpu.memory_space<vmem>>
        %swap3A_711 = tpu.memref_squeeze %swap3A_710 : memref<1x2x128xi32, #tpu.memory_space<vmem>> -> memref<2x128xi32, #tpu.memory_space<vmem>>
        %swap3A_712 = arith.index_cast %swap3A_707 : i32 to index
        %swap3A_713 = arith.constant 0 : index
        %swap3A_714 = tpu.vector_load %swap3A_711[%swap3A_712, %swap3A_713] {strides = array<i32>} : memref<2x128xi32, #tpu.memory_space<vmem>>, vector<1x16xi32>,
        %swap3A_715 = vector.shape_cast %swap3A_714 : vector<1x16xi32> to vector<16xi32>
        %swap3A_716 = vector.shape_cast %select_n3A_667 : vector<16xi32> to vector<1x16xi32>
        tpu.vector_store %swap3A_711[%swap3A_712, %swap3A_713], %swap3A_716 {strides = array<i32>} : memref<2x128xi32, #tpu.memory_space<vmem>>, vector<1x16xi32>,
        %get3A_717 = arith.constant 0 : i32
        %get3A_718 = arith.constant 0 : i32
        %get3A_719 = arith.constant 0 : i32
        %get3A_720 = tpu.memref_slice %run_scoped3A[%rem3A_230, %get3A_718, %get3A_719] : memref<2x16x128xf32, #tpu.memory_space<vmem>> -> memref<1x16x128xf32, #tpu.memory_space<vmem>>
        %get3A_721 = tpu.memref_squeeze %get3A_720 : memref<1x16x128xf32, #tpu.memory_space<vmem>> -> memref<16x128xf32, #tpu.memory_space<vmem>>
        %get3A_722 = arith.index_cast %get3A_717 : i32 to index
        %get3A_723 = arith.constant 16 : index
        %get3A_724 = tpu.vector_load %get3A_721[%get3A_722, %get3A_723] {strides = array<i32>} : memref<16x128xf32, #tpu.memory_space<vmem>>, vector<1x16xf32>,
        %get3A_725 = vector.shape_cast %get3A_724 : vector<1x16xf32> to vector<16xf32>
        %get3A_726 = arith.constant 1 : i32
        %get3A_727 = arith.constant 0 : i32
        %get3A_728 = arith.constant 0 : i32
        %get3A_729 = tpu.memref_slice %run_scoped3A[%rem3A_230, %get3A_727, %get3A_728] : memref<2x16x128xf32, #tpu.memory_space<vmem>> -> memref<1x16x128xf32, #tpu.memory_space<vmem>>
        %get3A_730 = tpu.memref_squeeze %get3A_729 : memref<1x16x128xf32, #tpu.memory_space<vmem>> -> memref<16x128xf32, #tpu.memory_space<vmem>>
        %get3A_731 = arith.index_cast %get3A_726 : i32 to index
        %get3A_732 = arith.constant 16 : index
        %get3A_733 = tpu.vector_load %get3A_730[%get3A_731, %get3A_732] {strides = array<i32>} : memref<16x128xf32, #tpu.memory_space<vmem>>, vector<1x16xf32>,
        %get3A_734 = vector.shape_cast %get3A_733 : vector<1x16xf32> to vector<16xf32>
        %get3A_735 = arith.constant 2 : i32
        %get3A_736 = arith.constant 0 : i32
        %get3A_737 = arith.constant 0 : i32
        %get3A_738 = tpu.memref_slice %run_scoped3A[%rem3A_230, %get3A_736, %get3A_737] : memref<2x16x128xf32, #tpu.memory_space<vmem>> -> memref<1x16x128xf32, #tpu.memory_space<vmem>>
        %get3A_739 = tpu.memref_squeeze %get3A_738 : memref<1x16x128xf32, #tpu.memory_space<vmem>> -> memref<16x128xf32, #tpu.memory_space<vmem>>
        %get3A_740 = arith.index_cast %get3A_735 : i32 to index
        %get3A_741 = arith.constant 16 : index
        %get3A_742 = tpu.vector_load %get3A_739[%get3A_740, %get3A_741] {strides = array<i32>} : memref<16x128xf32, #tpu.memory_space<vmem>>, vector<1x16xf32>,
        %get3A_743 = vector.shape_cast %get3A_742 : vector<1x16xf32> to vector<16xf32>
        %get3A_744 = arith.constant 3 : i32
        %get3A_745 = arith.constant 0 : i32
        %get3A_746 = arith.constant 0 : i32
        %get3A_747 = tpu.memref_slice %run_scoped3A[%rem3A_230, %get3A_745, %get3A_746] : memref<2x16x128xf32, #tpu.memory_space<vmem>> -> memref<1x16x128xf32, #tpu.memory_space<vmem>>
        %get3A_748 = tpu.memref_squeeze %get3A_747 : memref<1x16x128xf32, #tpu.memory_space<vmem>> -> memref<16x128xf32, #tpu.memory_space<vmem>>
        %get3A_749 = arith.index_cast %get3A_744 : i32 to index
        %get3A_750 = arith.constant 16 : index
        %get3A_751 = tpu.vector_load %get3A_748[%get3A_749, %get3A_750] {strides = array<i32>} : memref<16x128xf32, #tpu.memory_space<vmem>>, vector<1x16xf32>,
        %get3A_752 = vector.shape_cast %get3A_751 : vector<1x16xf32> to vector<16xf32>
        %get3A_753 = arith.constant 4 : i32
        %get3A_754 = arith.constant 0 : i32
        %get3A_755 = arith.constant 0 : i32
        %get3A_756 = tpu.memref_slice %run_scoped3A[%rem3A_230, %get3A_754, %get3A_755] : memref<2x16x128xf32, #tpu.memory_space<vmem>> -> memref<1x16x128xf32, #tpu.memory_space<vmem>>
        %get3A_757 = tpu.memref_squeeze %get3A_756 : memref<1x16x128xf32, #tpu.memory_space<vmem>> -> memref<16x128xf32, #tpu.memory_space<vmem>>
        %get3A_758 = arith.index_cast %get3A_753 : i32 to index
        %get3A_759 = arith.constant 16 : index
        %get3A_760 = tpu.vector_load %get3A_757[%get3A_758, %get3A_759] {strides = array<i32>} : memref<16x128xf32, #tpu.memory_space<vmem>>, vector<1x16xf32>,
        %get3A_761 = vector.shape_cast %get3A_760 : vector<1x16xf32> to vector<16xf32>
        %get3A_762 = arith.constant 5 : i32
        %get3A_763 = arith.constant 0 : i32
        %get3A_764 = arith.constant 0 : i32
        %get3A_765 = tpu.memref_slice %run_scoped3A[%rem3A_230, %get3A_763, %get3A_764] : memref<2x16x128xf32, #tpu.memory_space<vmem>> -> memref<1x16x128xf32, #tpu.memory_space<vmem>>
        %get3A_766 = tpu.memref_squeeze %get3A_765 : memref<1x16x128xf32, #tpu.memory_space<vmem>> -> memref<16x128xf32, #tpu.memory_space<vmem>>
        %get3A_767 = arith.index_cast %get3A_762 : i32 to index
        %get3A_768 = arith.constant 16 : index
        %get3A_769 = tpu.vector_load %get3A_766[%get3A_767, %get3A_768] {strides = array<i32>} : memref<16x128xf32, #tpu.memory_space<vmem>>, vector<1x16xf32>,
        %get3A_770 = vector.shape_cast %get3A_769 : vector<1x16xf32> to vector<16xf32>
        %get3A_771 = arith.constant 6 : i32
        %get3A_772 = arith.constant 0 : i32
        %get3A_773 = arith.constant 0 : i32
        %get3A_774 = tpu.memref_slice %run_scoped3A[%rem3A_230, %get3A_772, %get3A_773] : memref<2x16x128xf32, #tpu.memory_space<vmem>> -> memref<1x16x128xf32, #tpu.memory_space<vmem>>
        %get3A_775 = tpu.memref_squeeze %get3A_774 : memref<1x16x128xf32, #tpu.memory_space<vmem>> -> memref<16x128xf32, #tpu.memory_space<vmem>>
        %get3A_776 = arith.index_cast %get3A_771 : i32 to index
        %get3A_777 = arith.constant 16 : index
        %get3A_778 = tpu.vector_load %get3A_775[%get3A_776, %get3A_777] {strides = array<i32>} : memref<16x128xf32, #tpu.memory_space<vmem>>, vector<1x16xf32>,
        %get3A_779 = vector.shape_cast %get3A_778 : vector<1x16xf32> to vector<16xf32>
        %get3A_780 = arith.constant 7 : i32
        %get3A_781 = arith.constant 0 : i32
        %get3A_782 = arith.constant 0 : i32
        %get3A_783 = tpu.memref_slice %run_scoped3A[%rem3A_230, %get3A_781, %get3A_782] : memref<2x16x128xf32, #tpu.memory_space<vmem>> -> memref<1x16x128xf32, #tpu.memory_space<vmem>>
        %get3A_784 = tpu.memref_squeeze %get3A_783 : memref<1x16x128xf32, #tpu.memory_space<vmem>> -> memref<16x128xf32, #tpu.memory_space<vmem>>
        %get3A_785 = arith.index_cast %get3A_780 : i32 to index
        %get3A_786 = arith.constant 16 : index
        %get3A_787 = tpu.vector_load %get3A_784[%get3A_785, %get3A_786] {strides = array<i32>} : memref<16x128xf32, #tpu.memory_space<vmem>>, vector<1x16xf32>,
        %get3A_788 = vector.shape_cast %get3A_787 : vector<1x16xf32> to vector<16xf32>
        %get3A_789 = arith.constant 8 : i32
        %get3A_790 = arith.constant 0 : i32
        %get3A_791 = arith.constant 0 : i32
        %get3A_792 = tpu.memref_slice %run_scoped3A[%rem3A_230, %get3A_790, %get3A_791] : memref<2x16x128xf32, #tpu.memory_space<vmem>> -> memref<1x16x128xf32, #tpu.memory_space<vmem>>
        %get3A_793 = tpu.memref_squeeze %get3A_792 : memref<1x16x128xf32, #tpu.memory_space<vmem>> -> memref<16x128xf32, #tpu.memory_space<vmem>>
        %get3A_794 = arith.index_cast %get3A_789 : i32 to index
        %get3A_795 = arith.constant 16 : index
        %get3A_796 = tpu.vector_load %get3A_793[%get3A_794, %get3A_795] {strides = array<i32>} : memref<16x128xf32, #tpu.memory_space<vmem>>, vector<1x16xf32>,
        %get3A_797 = vector.shape_cast %get3A_796 : vector<1x16xf32> to vector<16xf32>
        %get3A_798 = arith.constant 9 : i32
        %get3A_799 = arith.constant 0 : i32
        %get3A_800 = arith.constant 0 : i32
        %get3A_801 = tpu.memref_slice %run_scoped3A[%rem3A_230, %get3A_799, %get3A_800] : memref<2x16x128xf32, #tpu.memory_space<vmem>> -> memref<1x16x128xf32, #tpu.memory_space<vmem>>
        %get3A_802 = tpu.memref_squeeze %get3A_801 : memref<1x16x128xf32, #tpu.memory_space<vmem>> -> memref<16x128xf32, #tpu.memory_space<vmem>>
        %get3A_803 = arith.index_cast %get3A_798 : i32 to index
        %get3A_804 = arith.constant 16 : index
        %get3A_805 = tpu.vector_load %get3A_802[%get3A_803, %get3A_804] {strides = array<i32>} : memref<16x128xf32, #tpu.memory_space<vmem>>, vector<1x16xf32>,
        %get3A_806 = vector.shape_cast %get3A_805 : vector<1x16xf32> to vector<16xf32>
        %get3A_807 = arith.constant 10 : i32
        %get3A_808 = arith.constant 0 : i32
        %get3A_809 = arith.constant 0 : i32
        %get3A_810 = tpu.memref_slice %run_scoped3A[%rem3A_230, %get3A_808, %get3A_809] : memref<2x16x128xf32, #tpu.memory_space<vmem>> -> memref<1x16x128xf32, #tpu.memory_space<vmem>>
        %get3A_811 = tpu.memref_squeeze %get3A_810 : memref<1x16x128xf32, #tpu.memory_space<vmem>> -> memref<16x128xf32, #tpu.memory_space<vmem>>
        %get3A_812 = arith.index_cast %get3A_807 : i32 to index
        %get3A_813 = arith.constant 16 : index
        %get3A_814 = tpu.vector_load %get3A_811[%get3A_812, %get3A_813] {strides = array<i32>} : memref<16x128xf32, #tpu.memory_space<vmem>>, vector<1x16xf32>,
        %get3A_815 = vector.shape_cast %get3A_814 : vector<1x16xf32> to vector<16xf32>
        %get3A_816 = arith.constant 11 : i32
        %get3A_817 = arith.constant 0 : i32
        %get3A_818 = arith.constant 0 : i32
        %get3A_819 = tpu.memref_slice %run_scoped3A[%rem3A_230, %get3A_817, %get3A_818] : memref<2x16x128xf32, #tpu.memory_space<vmem>> -> memref<1x16x128xf32, #tpu.memory_space<vmem>>
        %get3A_820 = tpu.memref_squeeze %get3A_819 : memref<1x16x128xf32, #tpu.memory_space<vmem>> -> memref<16x128xf32, #tpu.memory_space<vmem>>
        %get3A_821 = arith.index_cast %get3A_816 : i32 to index
        %get3A_822 = arith.constant 16 : index
        %get3A_823 = tpu.vector_load %get3A_820[%get3A_821, %get3A_822] {strides = array<i32>} : memref<16x128xf32, #tpu.memory_space<vmem>>, vector<1x16xf32>,
        %get3A_824 = vector.shape_cast %get3A_823 : vector<1x16xf32> to vector<16xf32>
        %get3A_825 = arith.constant 12 : i32
        %get3A_826 = arith.constant 0 : i32
        %get3A_827 = arith.constant 0 : i32
        %get3A_828 = tpu.memref_slice %run_scoped3A[%rem3A_230, %get3A_826, %get3A_827] : memref<2x16x128xf32, #tpu.memory_space<vmem>> -> memref<1x16x128xf32, #tpu.memory_space<vmem>>
        %get3A_829 = tpu.memref_squeeze %get3A_828 : memref<1x16x128xf32, #tpu.memory_space<vmem>> -> memref<16x128xf32, #tpu.memory_space<vmem>>
        %get3A_830 = arith.index_cast %get3A_825 : i32 to index
        %get3A_831 = arith.constant 16 : index
        %get3A_832 = tpu.vector_load %get3A_829[%get3A_830, %get3A_831] {strides = array<i32>} : memref<16x128xf32, #tpu.memory_space<vmem>>, vector<1x16xf32>,
        %get3A_833 = vector.shape_cast %get3A_832 : vector<1x16xf32> to vector<16xf32>
        %get3A_834 = arith.constant 13 : i32
        %get3A_835 = arith.constant 0 : i32
        %get3A_836 = arith.constant 0 : i32
        %get3A_837 = tpu.memref_slice %run_scoped3A[%rem3A_230, %get3A_835, %get3A_836] : memref<2x16x128xf32, #tpu.memory_space<vmem>> -> memref<1x16x128xf32, #tpu.memory_space<vmem>>
        %get3A_838 = tpu.memref_squeeze %get3A_837 : memref<1x16x128xf32, #tpu.memory_space<vmem>> -> memref<16x128xf32, #tpu.memory_space<vmem>>
        %get3A_839 = arith.index_cast %get3A_834 : i32 to index
        %get3A_840 = arith.constant 16 : index
        %get3A_841 = tpu.vector_load %get3A_838[%get3A_839, %get3A_840] {strides = array<i32>} : memref<16x128xf32, #tpu.memory_space<vmem>>, vector<1x16xf32>,
        %get3A_842 = vector.shape_cast %get3A_841 : vector<1x16xf32> to vector<16xf32>
        %get3A_843 = arith.constant 14 : i32
        %get3A_844 = arith.constant 0 : i32
        %get3A_845 = arith.constant 0 : i32
        %get3A_846 = tpu.memref_slice %run_scoped3A[%rem3A_230, %get3A_844, %get3A_845] : memref<2x16x128xf32, #tpu.memory_space<vmem>> -> memref<1x16x128xf32, #tpu.memory_space<vmem>>
        %get3A_847 = tpu.memref_squeeze %get3A_846 : memref<1x16x128xf32, #tpu.memory_space<vmem>> -> memref<16x128xf32, #tpu.memory_space<vmem>>
        %get3A_848 = arith.index_cast %get3A_843 : i32 to index
        %get3A_849 = arith.constant 16 : index
        %get3A_850 = tpu.vector_load %get3A_847[%get3A_848, %get3A_849] {strides = array<i32>} : memref<16x128xf32, #tpu.memory_space<vmem>>, vector<1x16xf32>,
        %get3A_851 = vector.shape_cast %get3A_850 : vector<1x16xf32> to vector<16xf32>
        %get3A_852 = arith.constant 15 : i32
        %get3A_853 = arith.constant 0 : i32
        %get3A_854 = arith.constant 0 : i32
        %get3A_855 = tpu.memref_slice %run_scoped3A[%rem3A_230, %get3A_853, %get3A_854] : memref<2x16x128xf32, #tpu.memory_space<vmem>> -> memref<1x16x128xf32, #tpu.memory_space<vmem>>
        %get3A_856 = tpu.memref_squeeze %get3A_855 : memref<1x16x128xf32, #tpu.memory_space<vmem>> -> memref<16x128xf32, #tpu.memory_space<vmem>>
        %get3A_857 = arith.index_cast %get3A_852 : i32 to index
        %get3A_858 = arith.constant 16 : index
        %get3A_859 = tpu.vector_load %get3A_856[%get3A_857, %get3A_858] {strides = array<i32>} : memref<16x128xf32, #tpu.memory_space<vmem>>, vector<1x16xf32>,
        %get3A_860 = vector.shape_cast %get3A_859 : vector<1x16xf32> to vector<16xf32>
        %max3A_861 = arith.maximumf %get3A_725, %get3A_734 : vector<16xf32>
        %max3A_862 = arith.maximumf %max3A_861, %get3A_743 : vector<16xf32>
        %max3A_863 = arith.maximumf %max3A_862, %get3A_752 : vector<16xf32>
        %max3A_864 = arith.maximumf %max3A_863, %get3A_761 : vector<16xf32>
        %max3A_865 = arith.maximumf %max3A_864, %get3A_770 : vector<16xf32>
        %max3A_866 = arith.maximumf %max3A_865, %get3A_779 : vector<16xf32>
        %max3A_867 = arith.maximumf %max3A_866, %get3A_788 : vector<16xf32>
        %max3A_868 = arith.maximumf %max3A_867, %get3A_797 : vector<16xf32>
        %max3A_869 = arith.maximumf %max3A_868, %get3A_806 : vector<16xf32>
        %max3A_870 = arith.maximumf %max3A_869, %get3A_815 : vector<16xf32>
        %max3A_871 = arith.maximumf %max3A_870, %get3A_824 : vector<16xf32>
        %max3A_872 = arith.maximumf %max3A_871, %get3A_833 : vector<16xf32>
        %max3A_873 = arith.maximumf %max3A_872, %get3A_842 : vector<16xf32>
        %max3A_874 = arith.maximumf %max3A_873, %get3A_851 : vector<16xf32>
        %max3A_875 = arith.maximumf %max3A_874, %get3A_860 : vector<16xf32>
        %broadcast_in_dim3A_876 = arith.constant 16 : i32
        %broadcast_in_dim3A_877 = vector.broadcast %broadcast_in_dim3A_876 : i32 to vector<16xi32>
        %eq3A_878 = arith.cmpf oeq, %get3A_860, %max3A_875 : vector<16xf32>
        %jit3A_879 = arith.constant 15 : i32
        %broadcast_in_dim3A_880 = vector.broadcast %jit3A_879 : i32 to vector<16xi32>
        %select_n3A_881 = arith.select %eq3A_878, %broadcast_in_dim3A_880, %broadcast_in_dim3A_877 : vector<16xi1>, vector<16xi32>
        %eq3A_882 = arith.cmpf oeq, %get3A_851, %max3A_875 : vector<16xf32>
        %jit3A_883 = arith.constant 14 : i32
        %broadcast_in_dim3A_884 = vector.broadcast %jit3A_883 : i32 to vector<16xi32>
        %select_n3A_885 = arith.select %eq3A_882, %broadcast_in_dim3A_884, %select_n3A_881 : vector<16xi1>, vector<16xi32>
        %eq3A_886 = arith.cmpf oeq, %get3A_842, %max3A_875 : vector<16xf32>
        %jit3A_887 = arith.constant 13 : i32
        %broadcast_in_dim3A_888 = vector.broadcast %jit3A_887 : i32 to vector<16xi32>
        %select_n3A_889 = arith.select %eq3A_886, %broadcast_in_dim3A_888, %select_n3A_885 : vector<16xi1>, vector<16xi32>
        %eq3A_890 = arith.cmpf oeq, %get3A_833, %max3A_875 : vector<16xf32>
        %jit3A_891 = arith.constant 12 : i32
        %broadcast_in_dim3A_892 = vector.broadcast %jit3A_891 : i32 to vector<16xi32>
        %select_n3A_893 = arith.select %eq3A_890, %broadcast_in_dim3A_892, %select_n3A_889 : vector<16xi1>, vector<16xi32>
        %eq3A_894 = arith.cmpf oeq, %get3A_824, %max3A_875 : vector<16xf32>
        %jit3A_895 = arith.constant 11 : i32
        %broadcast_in_dim3A_896 = vector.broadcast %jit3A_895 : i32 to vector<16xi32>
        %select_n3A_897 = arith.select %eq3A_894, %broadcast_in_dim3A_896, %select_n3A_893 : vector<16xi1>, vector<16xi32>
        %eq3A_898 = arith.cmpf oeq, %get3A_815, %max3A_875 : vector<16xf32>
        %jit3A_899 = arith.constant 10 : i32
        %broadcast_in_dim3A_900 = vector.broadcast %jit3A_899 : i32 to vector<16xi32>
        %select_n3A_901 = arith.select %eq3A_898, %broadcast_in_dim3A_900, %select_n3A_897 : vector<16xi1>, vector<16xi32>
        %eq3A_902 = arith.cmpf oeq, %get3A_806, %max3A_875 : vector<16xf32>
        %jit3A_903 = arith.constant 9 : i32
        %broadcast_in_dim3A_904 = vector.broadcast %jit3A_903 : i32 to vector<16xi32>
        %select_n3A_905 = arith.select %eq3A_902, %broadcast_in_dim3A_904, %select_n3A_901 : vector<16xi1>, vector<16xi32>
        %eq3A_906 = arith.cmpf oeq, %get3A_797, %max3A_875 : vector<16xf32>
        %jit3A_907 = arith.constant 8 : i32
        %broadcast_in_dim3A_908 = vector.broadcast %jit3A_907 : i32 to vector<16xi32>
        %select_n3A_909 = arith.select %eq3A_906, %broadcast_in_dim3A_908, %select_n3A_905 : vector<16xi1>, vector<16xi32>
        %eq3A_910 = arith.cmpf oeq, %get3A_788, %max3A_875 : vector<16xf32>
        %jit3A_911 = arith.constant 7 : i32
        %broadcast_in_dim3A_912 = vector.broadcast %jit3A_911 : i32 to vector<16xi32>
        %select_n3A_913 = arith.select %eq3A_910, %broadcast_in_dim3A_912, %select_n3A_909 : vector<16xi1>, vector<16xi32>
        %eq3A_914 = arith.cmpf oeq, %get3A_779, %max3A_875 : vector<16xf32>
        %jit3A_915 = arith.constant 6 : i32
        %broadcast_in_dim3A_916 = vector.broadcast %jit3A_915 : i32 to vector<16xi32>
        %select_n3A_917 = arith.select %eq3A_914, %broadcast_in_dim3A_916, %select_n3A_913 : vector<16xi1>, vector<16xi32>
        %eq3A_918 = arith.cmpf oeq, %get3A_770, %max3A_875 : vector<16xf32>
        %jit3A_919 = arith.constant 5 : i32
        %broadcast_in_dim3A_920 = vector.broadcast %jit3A_919 : i32 to vector<16xi32>
        %select_n3A_921 = arith.select %eq3A_918, %broadcast_in_dim3A_920, %select_n3A_917 : vector<16xi1>, vector<16xi32>
        %eq3A_922 = arith.cmpf oeq, %get3A_761, %max3A_875 : vector<16xf32>
        %jit3A_923 = arith.constant 4 : i32
        %broadcast_in_dim3A_924 = vector.broadcast %jit3A_923 : i32 to vector<16xi32>
        %select_n3A_925 = arith.select %eq3A_922, %broadcast_in_dim3A_924, %select_n3A_921 : vector<16xi1>, vector<16xi32>
        %eq3A_926 = arith.cmpf oeq, %get3A_752, %max3A_875 : vector<16xf32>
        %jit3A_927 = arith.constant 3 : i32
        %broadcast_in_dim3A_928 = vector.broadcast %jit3A_927 : i32 to vector<16xi32>
        %select_n3A_929 = arith.select %eq3A_926, %broadcast_in_dim3A_928, %select_n3A_925 : vector<16xi1>, vector<16xi32>
        %eq3A_930 = arith.cmpf oeq, %get3A_743, %max3A_875 : vector<16xf32>
        %jit3A_931 = arith.constant 2 : i32
        %broadcast_in_dim3A_932 = vector.broadcast %jit3A_931 : i32 to vector<16xi32>
        %select_n3A_933 = arith.select %eq3A_930, %broadcast_in_dim3A_932, %select_n3A_929 : vector<16xi1>, vector<16xi32>
        %eq3A_934 = arith.cmpf oeq, %get3A_734, %max3A_875 : vector<16xf32>
        %jit3A_935 = arith.constant 1 : i32
        %broadcast_in_dim3A_936 = vector.broadcast %jit3A_935 : i32 to vector<16xi32>
        %select_n3A_937 = arith.select %eq3A_934, %broadcast_in_dim3A_936, %select_n3A_933 : vector<16xi1>, vector<16xi32>
        %eq3A_938 = arith.cmpf oeq, %get3A_725, %max3A_875 : vector<16xf32>
        %jit3A_939 = arith.constant 0 : i32
        %broadcast_in_dim3A_940 = vector.broadcast %jit3A_939 : i32 to vector<16xi32>
        %select_n3A_941 = arith.select %eq3A_938, %broadcast_in_dim3A_940, %select_n3A_937 : vector<16xi1>, vector<16xi32>
        %broadcast_in_dim3A_942 = arith.constant 0xFF800000 : f32
        %broadcast_in_dim3A_943 = vector.broadcast %broadcast_in_dim3A_942 : f32 to vector<16xf32>
        %eq3A_944 = arith.constant 0 : i32
        %eq3A_945 = vector.broadcast %eq3A_944 : i32 to vector<16xi32>
        %eq3A_946 = arith.cmpi eq, %select_n3A_941, %eq3A_945 : vector<16xi32>
        %select_n3A_947 = arith.select %eq3A_946, %broadcast_in_dim3A_943, %get3A_725 : vector<16xi1>, vector<16xf32>
        %max3A_948 = arith.maximumf %broadcast_in_dim3A_943, %select_n3A_947 : vector<16xf32>
        %eq3A_949 = arith.constant 1 : i32
        %eq3A_950 = vector.broadcast %eq3A_949 : i32 to vector<16xi32>
        %eq3A_951 = arith.cmpi eq, %select_n3A_941, %eq3A_950 : vector<16xi32>
        %select_n3A_952 = arith.select %eq3A_951, %broadcast_in_dim3A_943, %get3A_734 : vector<16xi1>, vector<16xf32>
        %max3A_953 = arith.maximumf %max3A_948, %select_n3A_952 : vector<16xf32>
        %eq3A_954 = arith.constant 2 : i32
        %eq3A_955 = vector.broadcast %eq3A_954 : i32 to vector<16xi32>
        %eq3A_956 = arith.cmpi eq, %select_n3A_941, %eq3A_955 : vector<16xi32>
        %select_n3A_957 = arith.select %eq3A_956, %broadcast_in_dim3A_943, %get3A_743 : vector<16xi1>, vector<16xf32>
        %max3A_958 = arith.maximumf %max3A_953, %select_n3A_957 : vector<16xf32>
        %eq3A_959 = arith.constant 3 : i32
        %eq3A_960 = vector.broadcast %eq3A_959 : i32 to vector<16xi32>
        %eq3A_961 = arith.cmpi eq, %select_n3A_941, %eq3A_960 : vector<16xi32>
        %select_n3A_962 = arith.select %eq3A_961, %broadcast_in_dim3A_943, %get3A_752 : vector<16xi1>, vector<16xf32>
        %max3A_963 = arith.maximumf %max3A_958, %select_n3A_962 : vector<16xf32>
        %eq3A_964 = arith.constant 4 : i32
        %eq3A_965 = vector.broadcast %eq3A_964 : i32 to vector<16xi32>
        %eq3A_966 = arith.cmpi eq, %select_n3A_941, %eq3A_965 : vector<16xi32>
        %select_n3A_967 = arith.select %eq3A_966, %broadcast_in_dim3A_943, %get3A_761 : vector<16xi1>, vector<16xf32>
        %max3A_968 = arith.maximumf %max3A_963, %select_n3A_967 : vector<16xf32>
        %eq3A_969 = arith.constant 5 : i32
        %eq3A_970 = vector.broadcast %eq3A_969 : i32 to vector<16xi32>
        %eq3A_971 = arith.cmpi eq, %select_n3A_941, %eq3A_970 : vector<16xi32>
        %select_n3A_972 = arith.select %eq3A_971, %broadcast_in_dim3A_943, %get3A_770 : vector<16xi1>, vector<16xf32>
        %max3A_973 = arith.maximumf %max3A_968, %select_n3A_972 : vector<16xf32>
        %eq3A_974 = arith.constant 6 : i32
        %eq3A_975 = vector.broadcast %eq3A_974 : i32 to vector<16xi32>
        %eq3A_976 = arith.cmpi eq, %select_n3A_941, %eq3A_975 : vector<16xi32>
        %select_n3A_977 = arith.select %eq3A_976, %broadcast_in_dim3A_943, %get3A_779 : vector<16xi1>, vector<16xf32>
        %max3A_978 = arith.maximumf %max3A_973, %select_n3A_977 : vector<16xf32>
        %eq3A_979 = arith.constant 7 : i32
        %eq3A_980 = vector.broadcast %eq3A_979 : i32 to vector<16xi32>
        %eq3A_981 = arith.cmpi eq, %select_n3A_941, %eq3A_980 : vector<16xi32>
        %select_n3A_982 = arith.select %eq3A_981, %broadcast_in_dim3A_943, %get3A_788 : vector<16xi1>, vector<16xf32>
        %max3A_983 = arith.maximumf %max3A_978, %select_n3A_982 : vector<16xf32>
        %eq3A_984 = arith.constant 8 : i32
        %eq3A_985 = vector.broadcast %eq3A_984 : i32 to vector<16xi32>
        %eq3A_986 = arith.cmpi eq, %select_n3A_941, %eq3A_985 : vector<16xi32>
        %select_n3A_987 = arith.select %eq3A_986, %broadcast_in_dim3A_943, %get3A_797 : vector<16xi1>, vector<16xf32>
        %max3A_988 = arith.maximumf %max3A_983, %select_n3A_987 : vector<16xf32>
        %eq3A_989 = arith.constant 9 : i32
        %eq3A_990 = vector.broadcast %eq3A_989 : i32 to vector<16xi32>
        %eq3A_991 = arith.cmpi eq, %select_n3A_941, %eq3A_990 : vector<16xi32>
        %select_n3A_992 = arith.select %eq3A_991, %broadcast_in_dim3A_943, %get3A_806 : vector<16xi1>, vector<16xf32>
        %max3A_993 = arith.maximumf %max3A_988, %select_n3A_992 : vector<16xf32>
        %eq3A_994 = arith.constant 10 : i32
        %eq3A_995 = vector.broadcast %eq3A_994 : i32 to vector<16xi32>
        %eq3A_996 = arith.cmpi eq, %select_n3A_941, %eq3A_995 : vector<16xi32>
        %select_n3A_997 = arith.select %eq3A_996, %broadcast_in_dim3A_943, %get3A_815 : vector<16xi1>, vector<16xf32>
        %max3A_998 = arith.maximumf %max3A_993, %select_n3A_997 : vector<16xf32>
        %eq3A_999 = arith.constant 11 : i32
        %eq3A_1000 = vector.broadcast %eq3A_999 : i32 to vector<16xi32>
        %eq3A_1001 = arith.cmpi eq, %select_n3A_941, %eq3A_1000 : vector<16xi32>
        %select_n3A_1002 = arith.select %eq3A_1001, %broadcast_in_dim3A_943, %get3A_824 : vector<16xi1>, vector<16xf32>
        %max3A_1003 = arith.maximumf %max3A_998, %select_n3A_1002 : vector<16xf32>
        %eq3A_1004 = arith.constant 12 : i32
        %eq3A_1005 = vector.broadcast %eq3A_1004 : i32 to vector<16xi32>
        %eq3A_1006 = arith.cmpi eq, %select_n3A_941, %eq3A_1005 : vector<16xi32>
        %select_n3A_1007 = arith.select %eq3A_1006, %broadcast_in_dim3A_943, %get3A_833 : vector<16xi1>, vector<16xf32>
        %max3A_1008 = arith.maximumf %max3A_1003, %select_n3A_1007 : vector<16xf32>
        %eq3A_1009 = arith.constant 13 : i32
        %eq3A_1010 = vector.broadcast %eq3A_1009 : i32 to vector<16xi32>
        %eq3A_1011 = arith.cmpi eq, %select_n3A_941, %eq3A_1010 : vector<16xi32>
        %select_n3A_1012 = arith.select %eq3A_1011, %broadcast_in_dim3A_943, %get3A_842 : vector<16xi1>, vector<16xf32>
        %max3A_1013 = arith.maximumf %max3A_1008, %select_n3A_1012 : vector<16xf32>
        %eq3A_1014 = arith.constant 14 : i32
        %eq3A_1015 = vector.broadcast %eq3A_1014 : i32 to vector<16xi32>
        %eq3A_1016 = arith.cmpi eq, %select_n3A_941, %eq3A_1015 : vector<16xi32>
        %select_n3A_1017 = arith.select %eq3A_1016, %broadcast_in_dim3A_943, %get3A_851 : vector<16xi1>, vector<16xf32>
        %max3A_1018 = arith.maximumf %max3A_1013, %select_n3A_1017 : vector<16xf32>
        %eq3A_1019 = arith.constant 15 : i32
        %eq3A_1020 = vector.broadcast %eq3A_1019 : i32 to vector<16xi32>
        %eq3A_1021 = arith.cmpi eq, %select_n3A_941, %eq3A_1020 : vector<16xi32>
        %select_n3A_1022 = arith.select %eq3A_1021, %broadcast_in_dim3A_943, %get3A_860 : vector<16xi1>, vector<16xf32>
        %max3A_1023 = arith.maximumf %max3A_1018, %select_n3A_1022 : vector<16xf32>
        %broadcast_in_dim3A_1024 = arith.constant 16 : i32
        %broadcast_in_dim3A_1025 = vector.broadcast %broadcast_in_dim3A_1024 : i32 to vector<16xi32>
        %eq3A_1026 = arith.constant 15 : i32
        %eq3A_1027 = vector.broadcast %eq3A_1026 : i32 to vector<16xi32>
        %eq3A_1028 = arith.cmpi eq, %select_n3A_941, %eq3A_1027 : vector<16xi32>
        %select_n3A_1029 = arith.select %eq3A_1028, %broadcast_in_dim3A_943, %get3A_860 : vector<16xi1>, vector<16xf32>
        %eq3A_1030 = arith.cmpf oeq, %select_n3A_1029, %max3A_1023 : vector<16xf32>
        %jit3A_1031 = arith.constant 15 : i32
        %broadcast_in_dim3A_1032 = vector.broadcast %jit3A_1031 : i32 to vector<16xi32>
        %select_n3A_1033 = arith.select %eq3A_1030, %broadcast_in_dim3A_1032, %broadcast_in_dim3A_1025 : vector<16xi1>, vector<16xi32>
        %eq3A_1034 = arith.constant 14 : i32
        %eq3A_1035 = vector.broadcast %eq3A_1034 : i32 to vector<16xi32>
        %eq3A_1036 = arith.cmpi eq, %select_n3A_941, %eq3A_1035 : vector<16xi32>
        %select_n3A_1037 = arith.select %eq3A_1036, %broadcast_in_dim3A_943, %get3A_851 : vector<16xi1>, vector<16xf32>
        %eq3A_1038 = arith.cmpf oeq, %select_n3A_1037, %max3A_1023 : vector<16xf32>
        %jit3A_1039 = arith.constant 14 : i32
        %broadcast_in_dim3A_1040 = vector.broadcast %jit3A_1039 : i32 to vector<16xi32>
        %select_n3A_1041 = arith.select %eq3A_1038, %broadcast_in_dim3A_1040, %select_n3A_1033 : vector<16xi1>, vector<16xi32>
        %eq3A_1042 = arith.constant 13 : i32
        %eq3A_1043 = vector.broadcast %eq3A_1042 : i32 to vector<16xi32>
        %eq3A_1044 = arith.cmpi eq, %select_n3A_941, %eq3A_1043 : vector<16xi32>
        %select_n3A_1045 = arith.select %eq3A_1044, %broadcast_in_dim3A_943, %get3A_842 : vector<16xi1>, vector<16xf32>
        %eq3A_1046 = arith.cmpf oeq, %select_n3A_1045, %max3A_1023 : vector<16xf32>
        %jit3A_1047 = arith.constant 13 : i32
        %broadcast_in_dim3A_1048 = vector.broadcast %jit3A_1047 : i32 to vector<16xi32>
        %select_n3A_1049 = arith.select %eq3A_1046, %broadcast_in_dim3A_1048, %select_n3A_1041 : vector<16xi1>, vector<16xi32>
        %eq3A_1050 = arith.constant 12 : i32
        %eq3A_1051 = vector.broadcast %eq3A_1050 : i32 to vector<16xi32>
        %eq3A_1052 = arith.cmpi eq, %select_n3A_941, %eq3A_1051 : vector<16xi32>
        %select_n3A_1053 = arith.select %eq3A_1052, %broadcast_in_dim3A_943, %get3A_833 : vector<16xi1>, vector<16xf32>
        %eq3A_1054 = arith.cmpf oeq, %select_n3A_1053, %max3A_1023 : vector<16xf32>
        %jit3A_1055 = arith.constant 12 : i32
        %broadcast_in_dim3A_1056 = vector.broadcast %jit3A_1055 : i32 to vector<16xi32>
        %select_n3A_1057 = arith.select %eq3A_1054, %broadcast_in_dim3A_1056, %select_n3A_1049 : vector<16xi1>, vector<16xi32>
        %eq3A_1058 = arith.constant 11 : i32
        %eq3A_1059 = vector.broadcast %eq3A_1058 : i32 to vector<16xi32>
        %eq3A_1060 = arith.cmpi eq, %select_n3A_941, %eq3A_1059 : vector<16xi32>
        %select_n3A_1061 = arith.select %eq3A_1060, %broadcast_in_dim3A_943, %get3A_824 : vector<16xi1>, vector<16xf32>
        %eq3A_1062 = arith.cmpf oeq, %select_n3A_1061, %max3A_1023 : vector<16xf32>
        %jit3A_1063 = arith.constant 11 : i32
        %broadcast_in_dim3A_1064 = vector.broadcast %jit3A_1063 : i32 to vector<16xi32>
        %select_n3A_1065 = arith.select %eq3A_1062, %broadcast_in_dim3A_1064, %select_n3A_1057 : vector<16xi1>, vector<16xi32>
        %eq3A_1066 = arith.constant 10 : i32
        %eq3A_1067 = vector.broadcast %eq3A_1066 : i32 to vector<16xi32>
        %eq3A_1068 = arith.cmpi eq, %select_n3A_941, %eq3A_1067 : vector<16xi32>
        %select_n3A_1069 = arith.select %eq3A_1068, %broadcast_in_dim3A_943, %get3A_815 : vector<16xi1>, vector<16xf32>
        %eq3A_1070 = arith.cmpf oeq, %select_n3A_1069, %max3A_1023 : vector<16xf32>
        %jit3A_1071 = arith.constant 10 : i32
        %broadcast_in_dim3A_1072 = vector.broadcast %jit3A_1071 : i32 to vector<16xi32>
        %select_n3A_1073 = arith.select %eq3A_1070, %broadcast_in_dim3A_1072, %select_n3A_1065 : vector<16xi1>, vector<16xi32>
        %eq3A_1074 = arith.constant 9 : i32
        %eq3A_1075 = vector.broadcast %eq3A_1074 : i32 to vector<16xi32>
        %eq3A_1076 = arith.cmpi eq, %select_n3A_941, %eq3A_1075 : vector<16xi32>
        %select_n3A_1077 = arith.select %eq3A_1076, %broadcast_in_dim3A_943, %get3A_806 : vector<16xi1>, vector<16xf32>
        %eq3A_1078 = arith.cmpf oeq, %select_n3A_1077, %max3A_1023 : vector<16xf32>
        %jit3A_1079 = arith.constant 9 : i32
        %broadcast_in_dim3A_1080 = vector.broadcast %jit3A_1079 : i32 to vector<16xi32>
        %select_n3A_1081 = arith.select %eq3A_1078, %broadcast_in_dim3A_1080, %select_n3A_1073 : vector<16xi1>, vector<16xi32>
        %eq3A_1082 = arith.constant 8 : i32
        %eq3A_1083 = vector.broadcast %eq3A_1082 : i32 to vector<16xi32>
        %eq3A_1084 = arith.cmpi eq, %select_n3A_941, %eq3A_1083 : vector<16xi32>
        %select_n3A_1085 = arith.select %eq3A_1084, %broadcast_in_dim3A_943, %get3A_797 : vector<16xi1>, vector<16xf32>
        %eq3A_1086 = arith.cmpf oeq, %select_n3A_1085, %max3A_1023 : vector<16xf32>
        %jit3A_1087 = arith.constant 8 : i32
        %broadcast_in_dim3A_1088 = vector.broadcast %jit3A_1087 : i32 to vector<16xi32>
        %select_n3A_1089 = arith.select %eq3A_1086, %broadcast_in_dim3A_1088, %select_n3A_1081 : vector<16xi1>, vector<16xi32>
        %eq3A_1090 = arith.constant 7 : i32
        %eq3A_1091 = vector.broadcast %eq3A_1090 : i32 to vector<16xi32>
        %eq3A_1092 = arith.cmpi eq, %select_n3A_941, %eq3A_1091 : vector<16xi32>
        %select_n3A_1093 = arith.select %eq3A_1092, %broadcast_in_dim3A_943, %get3A_788 : vector<16xi1>, vector<16xf32>
        %eq3A_1094 = arith.cmpf oeq, %select_n3A_1093, %max3A_1023 : vector<16xf32>
        %jit3A_1095 = arith.constant 7 : i32
        %broadcast_in_dim3A_1096 = vector.broadcast %jit3A_1095 : i32 to vector<16xi32>
        %select_n3A_1097 = arith.select %eq3A_1094, %broadcast_in_dim3A_1096, %select_n3A_1089 : vector<16xi1>, vector<16xi32>
        %eq3A_1098 = arith.constant 6 : i32
        %eq3A_1099 = vector.broadcast %eq3A_1098 : i32 to vector<16xi32>
        %eq3A_1100 = arith.cmpi eq, %select_n3A_941, %eq3A_1099 : vector<16xi32>
        %select_n3A_1101 = arith.select %eq3A_1100, %broadcast_in_dim3A_943, %get3A_779 : vector<16xi1>, vector<16xf32>
        %eq3A_1102 = arith.cmpf oeq, %select_n3A_1101, %max3A_1023 : vector<16xf32>
        %jit3A_1103 = arith.constant 6 : i32
        %broadcast_in_dim3A_1104 = vector.broadcast %jit3A_1103 : i32 to vector<16xi32>
        %select_n3A_1105 = arith.select %eq3A_1102, %broadcast_in_dim3A_1104, %select_n3A_1097 : vector<16xi1>, vector<16xi32>
        %eq3A_1106 = arith.constant 5 : i32
        %eq3A_1107 = vector.broadcast %eq3A_1106 : i32 to vector<16xi32>
        %eq3A_1108 = arith.cmpi eq, %select_n3A_941, %eq3A_1107 : vector<16xi32>
        %select_n3A_1109 = arith.select %eq3A_1108, %broadcast_in_dim3A_943, %get3A_770 : vector<16xi1>, vector<16xf32>
        %eq3A_1110 = arith.cmpf oeq, %select_n3A_1109, %max3A_1023 : vector<16xf32>
        %jit3A_1111 = arith.constant 5 : i32
        %broadcast_in_dim3A_1112 = vector.broadcast %jit3A_1111 : i32 to vector<16xi32>
        %select_n3A_1113 = arith.select %eq3A_1110, %broadcast_in_dim3A_1112, %select_n3A_1105 : vector<16xi1>, vector<16xi32>
        %eq3A_1114 = arith.constant 4 : i32
        %eq3A_1115 = vector.broadcast %eq3A_1114 : i32 to vector<16xi32>
        %eq3A_1116 = arith.cmpi eq, %select_n3A_941, %eq3A_1115 : vector<16xi32>
        %select_n3A_1117 = arith.select %eq3A_1116, %broadcast_in_dim3A_943, %get3A_761 : vector<16xi1>, vector<16xf32>
        %eq3A_1118 = arith.cmpf oeq, %select_n3A_1117, %max3A_1023 : vector<16xf32>
        %jit3A_1119 = arith.constant 4 : i32
        %broadcast_in_dim3A_1120 = vector.broadcast %jit3A_1119 : i32 to vector<16xi32>
        %select_n3A_1121 = arith.select %eq3A_1118, %broadcast_in_dim3A_1120, %select_n3A_1113 : vector<16xi1>, vector<16xi32>
        %eq3A_1122 = arith.constant 3 : i32
        %eq3A_1123 = vector.broadcast %eq3A_1122 : i32 to vector<16xi32>
        %eq3A_1124 = arith.cmpi eq, %select_n3A_941, %eq3A_1123 : vector<16xi32>
        %select_n3A_1125 = arith.select %eq3A_1124, %broadcast_in_dim3A_943, %get3A_752 : vector<16xi1>, vector<16xf32>
        %eq3A_1126 = arith.cmpf oeq, %select_n3A_1125, %max3A_1023 : vector<16xf32>
        %jit3A_1127 = arith.constant 3 : i32
        %broadcast_in_dim3A_1128 = vector.broadcast %jit3A_1127 : i32 to vector<16xi32>
        %select_n3A_1129 = arith.select %eq3A_1126, %broadcast_in_dim3A_1128, %select_n3A_1121 : vector<16xi1>, vector<16xi32>
        %eq3A_1130 = arith.constant 2 : i32
        %eq3A_1131 = vector.broadcast %eq3A_1130 : i32 to vector<16xi32>
        %eq3A_1132 = arith.cmpi eq, %select_n3A_941, %eq3A_1131 : vector<16xi32>
        %select_n3A_1133 = arith.select %eq3A_1132, %broadcast_in_dim3A_943, %get3A_743 : vector<16xi1>, vector<16xf32>
        %eq3A_1134 = arith.cmpf oeq, %select_n3A_1133, %max3A_1023 : vector<16xf32>
        %jit3A_1135 = arith.constant 2 : i32
        %broadcast_in_dim3A_1136 = vector.broadcast %jit3A_1135 : i32 to vector<16xi32>
        %select_n3A_1137 = arith.select %eq3A_1134, %broadcast_in_dim3A_1136, %select_n3A_1129 : vector<16xi1>, vector<16xi32>
        %eq3A_1138 = arith.constant 1 : i32
        %eq3A_1139 = vector.broadcast %eq3A_1138 : i32 to vector<16xi32>
        %eq3A_1140 = arith.cmpi eq, %select_n3A_941, %eq3A_1139 : vector<16xi32>
        %select_n3A_1141 = arith.select %eq3A_1140, %broadcast_in_dim3A_943, %get3A_734 : vector<16xi1>, vector<16xf32>
        %eq3A_1142 = arith.cmpf oeq, %select_n3A_1141, %max3A_1023 : vector<16xf32>
        %jit3A_1143 = arith.constant 1 : i32
        %broadcast_in_dim3A_1144 = vector.broadcast %jit3A_1143 : i32 to vector<16xi32>
        %select_n3A_1145 = arith.select %eq3A_1142, %broadcast_in_dim3A_1144, %select_n3A_1137 : vector<16xi1>, vector<16xi32>
        %eq3A_1146 = arith.constant 0 : i32
        %eq3A_1147 = vector.broadcast %eq3A_1146 : i32 to vector<16xi32>
        %eq3A_1148 = arith.cmpi eq, %select_n3A_941, %eq3A_1147 : vector<16xi32>
        %select_n3A_1149 = arith.select %eq3A_1148, %broadcast_in_dim3A_943, %get3A_725 : vector<16xi1>, vector<16xf32>
        %eq3A_1150 = arith.cmpf oeq, %select_n3A_1149, %max3A_1023 : vector<16xf32>
        %jit3A_1151 = arith.constant 0 : i32
        %broadcast_in_dim3A_1152 = vector.broadcast %jit3A_1151 : i32 to vector<16xi32>
        %select_n3A_1153 = arith.select %eq3A_1150, %broadcast_in_dim3A_1152, %select_n3A_1145 : vector<16xi1>, vector<16xi32>
        %sub3A_1154 = arith.subf %max3A_1023, %max3A_875 : vector<16xf32>
        %mul3A_1155 = arith.constant 1.250000e+00 : f32
        %mul3A_1156 = vector.broadcast %mul3A_1155 : f32 to vector<16xf32>
        %mul3A_1157 = arith.mulf %sub3A_1154, %mul3A_1156 : vector<16xf32>
        %exp3A_1158 = math.exp %mul3A_1157 : vector<16xf32>
        %add3A_1159 = arith.constant 1.000000e+00 : f32
        %add3A_1160 = vector.broadcast %add3A_1159 : f32 to vector<16xf32>
        %add3A_1161 = arith.addf %add3A_1160, %exp3A_1158 : vector<16xf32>
        %div3A_1162 = arith.constant 1.000000e+00 : f32
        %div3A_1163 = vector.broadcast %div3A_1162 : f32 to vector<16xf32>
        %div3A_1164 = arith.divf %div3A_1163, %add3A_1161 : vector<16xf32>
        %swap3A_1165 = arith.constant 0 : i32
        %swap3A_1166 = arith.constant 0 : i32
        %swap3A_1167 = arith.constant 0 : i32
        %swap3A_1168 = tpu.memref_slice %run_scoped3A_8[%rem3A_232, %swap3A_1166, %swap3A_1167] : memref<2x2x128xf32, #tpu.memory_space<vmem>> -> memref<1x2x128xf32, #tpu.memory_space<vmem>>
        %swap3A_1169 = tpu.memref_squeeze %swap3A_1168 : memref<1x2x128xf32, #tpu.memory_space<vmem>> -> memref<2x128xf32, #tpu.memory_space<vmem>>
        %swap3A_1170 = arith.index_cast %swap3A_1165 : i32 to index
        %swap3A_1171 = arith.constant 16 : index
        %swap3A_1172 = tpu.vector_load %swap3A_1169[%swap3A_1170, %swap3A_1171] {strides = array<i32>} : memref<2x128xf32, #tpu.memory_space<vmem>>, vector<1x16xf32>,
        %swap3A_1173 = vector.shape_cast %swap3A_1172 : vector<1x16xf32> to vector<16xf32>
        %swap3A_1174 = vector.shape_cast %div3A_1164 : vector<16xf32> to vector<1x16xf32>
        tpu.vector_store %swap3A_1169[%swap3A_1170, %swap3A_1171], %swap3A_1174 {strides = array<i32>} : memref<2x128xf32, #tpu.memory_space<vmem>>, vector<1x16xf32>,
        %mul3A_1175 = arith.mulf %exp3A_1158, %div3A_1164 : vector<16xf32>
        %swap3A_1176 = arith.constant 1 : i32
        %swap3A_1177 = arith.constant 0 : i32
        %swap3A_1178 = arith.constant 0 : i32
        %swap3A_1179 = tpu.memref_slice %run_scoped3A_8[%rem3A_232, %swap3A_1177, %swap3A_1178] : memref<2x2x128xf32, #tpu.memory_space<vmem>> -> memref<1x2x128xf32, #tpu.memory_space<vmem>>
        %swap3A_1180 = tpu.memref_squeeze %swap3A_1179 : memref<1x2x128xf32, #tpu.memory_space<vmem>> -> memref<2x128xf32, #tpu.memory_space<vmem>>
        %swap3A_1181 = arith.index_cast %swap3A_1176 : i32 to index
        %swap3A_1182 = arith.constant 16 : index
        %swap3A_1183 = tpu.vector_load %swap3A_1180[%swap3A_1181, %swap3A_1182] {strides = array<i32>} : memref<2x128xf32, #tpu.memory_space<vmem>>, vector<1x16xf32>,
        %swap3A_1184 = vector.shape_cast %swap3A_1183 : vector<1x16xf32> to vector<16xf32>
        %swap3A_1185 = vector.shape_cast %mul3A_1175 : vector<16xf32> to vector<1x16xf32>
        tpu.vector_store %swap3A_1180[%swap3A_1181, %swap3A_1182], %swap3A_1185 {strides = array<i32>} : memref<2x128xf32, #tpu.memory_space<vmem>>, vector<1x16xf32>,
        %swap3A_1186 = arith.constant 0 : i32
        %swap3A_1187 = arith.constant 0 : i32
        %swap3A_1188 = arith.constant 0 : i32
        %swap3A_1189 = tpu.memref_slice %run_scoped3A_10[%rem3A_234, %swap3A_1187, %swap3A_1188] : memref<2x2x128xi32, #tpu.memory_space<vmem>> -> memref<1x2x128xi32, #tpu.memory_space<vmem>>
        %swap3A_1190 = tpu.memref_squeeze %swap3A_1189 : memref<1x2x128xi32, #tpu.memory_space<vmem>> -> memref<2x128xi32, #tpu.memory_space<vmem>>
        %swap3A_1191 = arith.index_cast %swap3A_1186 : i32 to index
        %swap3A_1192 = arith.constant 16 : index
        %swap3A_1193 = tpu.vector_load %swap3A_1190[%swap3A_1191, %swap3A_1192] {strides = array<i32>} : memref<2x128xi32, #tpu.memory_space<vmem>>, vector<1x16xi32>,
        %swap3A_1194 = vector.shape_cast %swap3A_1193 : vector<1x16xi32> to vector<16xi32>
        %swap3A_1195 = vector.shape_cast %select_n3A_941 : vector<16xi32> to vector<1x16xi32>
        tpu.vector_store %swap3A_1190[%swap3A_1191, %swap3A_1192], %swap3A_1195 {strides = array<i32>} : memref<2x128xi32, #tpu.memory_space<vmem>>, vector<1x16xi32>,
        %swap3A_1196 = arith.constant 1 : i32
        %swap3A_1197 = arith.constant 0 : i32
        %swap3A_1198 = arith.constant 0 : i32
        %swap3A_1199 = tpu.memref_slice %run_scoped3A_10[%rem3A_234, %swap3A_1197, %swap3A_1198] : memref<2x2x128xi32, #tpu.memory_space<vmem>> -> memref<1x2x128xi32, #tpu.memory_space<vmem>>
        %swap3A_1200 = tpu.memref_squeeze %swap3A_1199 : memref<1x2x128xi32, #tpu.memory_space<vmem>> -> memref<2x128xi32, #tpu.memory_space<vmem>>
        %swap3A_1201 = arith.index_cast %swap3A_1196 : i32 to index
        %swap3A_1202 = arith.constant 16 : index
        %swap3A_1203 = tpu.vector_load %swap3A_1200[%swap3A_1201, %swap3A_1202] {strides = array<i32>} : memref<2x128xi32, #tpu.memory_space<vmem>>, vector<1x16xi32>,
        %swap3A_1204 = vector.shape_cast %swap3A_1203 : vector<1x16xi32> to vector<16xi32>
        %swap3A_1205 = vector.shape_cast %select_n3A_1153 : vector<16xi32> to vector<1x16xi32>
        tpu.vector_store %swap3A_1200[%swap3A_1201, %swap3A_1202], %swap3A_1205 {strides = array<i32>} : memref<2x128xi32, #tpu.memory_space<vmem>>, vector<1x16xi32>,
        %get3A_1206 = arith.constant 0 : i32
        %get3A_1207 = arith.constant 0 : i32
        %get3A_1208 = arith.constant 0 : i32
        %get3A_1209 = tpu.memref_slice %run_scoped3A[%rem3A_230, %get3A_1207, %get3A_1208] : memref<2x16x128xf32, #tpu.memory_space<vmem>> -> memref<1x16x128xf32, #tpu.memory_space<vmem>>
        %get3A_1210 = tpu.memref_squeeze %get3A_1209 : memref<1x16x128xf32, #tpu.memory_space<vmem>> -> memref<16x128xf32, #tpu.memory_space<vmem>>
        %get3A_1211 = arith.index_cast %get3A_1206 : i32 to index
        %get3A_1212 = arith.constant 32 : index
        %get3A_1213 = tpu.vector_load %get3A_1210[%get3A_1211, %get3A_1212] {strides = array<i32>} : memref<16x128xf32, #tpu.memory_space<vmem>>, vector<1x16xf32>,
        %get3A_1214 = vector.shape_cast %get3A_1213 : vector<1x16xf32> to vector<16xf32>
        %get3A_1215 = arith.constant 1 : i32
        %get3A_1216 = arith.constant 0 : i32
        %get3A_1217 = arith.constant 0 : i32
        %get3A_1218 = tpu.memref_slice %run_scoped3A[%rem3A_230, %get3A_1216, %get3A_1217] : memref<2x16x128xf32, #tpu.memory_space<vmem>> -> memref<1x16x128xf32, #tpu.memory_space<vmem>>
        %get3A_1219 = tpu.memref_squeeze %get3A_1218 : memref<1x16x128xf32, #tpu.memory_space<vmem>> -> memref<16x128xf32, #tpu.memory_space<vmem>>
        %get3A_1220 = arith.index_cast %get3A_1215 : i32 to index
        %get3A_1221 = arith.constant 32 : index
        %get3A_1222 = tpu.vector_load %get3A_1219[%get3A_1220, %get3A_1221] {strides = array<i32>} : memref<16x128xf32, #tpu.memory_space<vmem>>, vector<1x16xf32>,
        %get3A_1223 = vector.shape_cast %get3A_1222 : vector<1x16xf32> to vector<16xf32>
        %get3A_1224 = arith.constant 2 : i32
        %get3A_1225 = arith.constant 0 : i32
        %get3A_1226 = arith.constant 0 : i32
        %get3A_1227 = tpu.memref_slice %run_scoped3A[%rem3A_230, %get3A_1225, %get3A_1226] : memref<2x16x128xf32, #tpu.memory_space<vmem>> -> memref<1x16x128xf32, #tpu.memory_space<vmem>>
        %get3A_1228 = tpu.memref_squeeze %get3A_1227 : memref<1x16x128xf32, #tpu.memory_space<vmem>> -> memref<16x128xf32, #tpu.memory_space<vmem>>
        %get3A_1229 = arith.index_cast %get3A_1224 : i32 to index
        %get3A_1230 = arith.constant 32 : index
        %get3A_1231 = tpu.vector_load %get3A_1228[%get3A_1229, %get3A_1230] {strides = array<i32>} : memref<16x128xf32, #tpu.memory_space<vmem>>, vector<1x16xf32>,
        %get3A_1232 = vector.shape_cast %get3A_1231 : vector<1x16xf32> to vector<16xf32>
        %get3A_1233 = arith.constant 3 : i32
        %get3A_1234 = arith.constant 0 : i32
        %get3A_1235 = arith.constant 0 : i32
        %get3A_1236 = tpu.memref_slice %run_scoped3A[%rem3A_230, %get3A_1234, %get3A_1235] : memref<2x16x128xf32, #tpu.memory_space<vmem>> -> memref<1x16x128xf32, #tpu.memory_space<vmem>>
        %get3A_1237 = tpu.memref_squeeze %get3A_1236 : memref<1x16x128xf32, #tpu.memory_space<vmem>> -> memref<16x128xf32, #tpu.memory_space<vmem>>
        %get3A_1238 = arith.index_cast %get3A_1233 : i32 to index
        %get3A_1239 = arith.constant 32 : index
        %get3A_1240 = tpu.vector_load %get3A_1237[%get3A_1238, %get3A_1239] {strides = array<i32>} : memref<16x128xf32, #tpu.memory_space<vmem>>, vector<1x16xf32>,
        %get3A_1241 = vector.shape_cast %get3A_1240 : vector<1x16xf32> to vector<16xf32>
        %get3A_1242 = arith.constant 4 : i32
        %get3A_1243 = arith.constant 0 : i32
        %get3A_1244 = arith.constant 0 : i32
        %get3A_1245 = tpu.memref_slice %run_scoped3A[%rem3A_230, %get3A_1243, %get3A_1244] : memref<2x16x128xf32, #tpu.memory_space<vmem>> -> memref<1x16x128xf32, #tpu.memory_space<vmem>>
        %get3A_1246 = tpu.memref_squeeze %get3A_1245 : memref<1x16x128xf32, #tpu.memory_space<vmem>> -> memref<16x128xf32, #tpu.memory_space<vmem>>
        %get3A_1247 = arith.index_cast %get3A_1242 : i32 to index
        %get3A_1248 = arith.constant 32 : index
        %get3A_1249 = tpu.vector_load %get3A_1246[%get3A_1247, %get3A_1248] {strides = array<i32>} : memref<16x128xf32, #tpu.memory_space<vmem>>, vector<1x16xf32>,
        %get3A_1250 = vector.shape_cast %get3A_1249 : vector<1x16xf32> to vector<16xf32>
        %get3A_1251 = arith.constant 5 : i32
        %get3A_1252 = arith.constant 0 : i32
        %get3A_1253 = arith.constant 0 : i32
        %get3A_1254 = tpu.memref_slice %run_scoped3A[%rem3A_230, %get3A_1252, %get3A_1253] : memref<2x16x128xf32, #tpu.memory_space<vmem>> -> memref<1x16x128xf32, #tpu.memory_space<vmem>>
        %get3A_1255 = tpu.memref_squeeze %get3A_1254 : memref<1x16x128xf32, #tpu.memory_space<vmem>> -> memref<16x128xf32, #tpu.memory_space<vmem>>
        %get3A_1256 = arith.index_cast %get3A_1251 : i32 to index
        %get3A_1257 = arith.constant 32 : index
        %get3A_1258 = tpu.vector_load %get3A_1255[%get3A_1256, %get3A_1257] {strides = array<i32>} : memref<16x128xf32, #tpu.memory_space<vmem>>, vector<1x16xf32>,
        %get3A_1259 = vector.shape_cast %get3A_1258 : vector<1x16xf32> to vector<16xf32>
        %get3A_1260 = arith.constant 6 : i32
        %get3A_1261 = arith.constant 0 : i32
        %get3A_1262 = arith.constant 0 : i32
        %get3A_1263 = tpu.memref_slice %run_scoped3A[%rem3A_230, %get3A_1261, %get3A_1262] : memref<2x16x128xf32, #tpu.memory_space<vmem>> -> memref<1x16x128xf32, #tpu.memory_space<vmem>>
        %get3A_1264 = tpu.memref_squeeze %get3A_1263 : memref<1x16x128xf32, #tpu.memory_space<vmem>> -> memref<16x128xf32, #tpu.memory_space<vmem>>
        %get3A_1265 = arith.index_cast %get3A_1260 : i32 to index
        %get3A_1266 = arith.constant 32 : index
        %get3A_1267 = tpu.vector_load %get3A_1264[%get3A_1265, %get3A_1266] {strides = array<i32>} : memref<16x128xf32, #tpu.memory_space<vmem>>, vector<1x16xf32>,
        %get3A_1268 = vector.shape_cast %get3A_1267 : vector<1x16xf32> to vector<16xf32>
        %get3A_1269 = arith.constant 7 : i32
        %get3A_1270 = arith.constant 0 : i32
        %get3A_1271 = arith.constant 0 : i32
        %get3A_1272 = tpu.memref_slice %run_scoped3A[%rem3A_230, %get3A_1270, %get3A_1271] : memref<2x16x128xf32, #tpu.memory_space<vmem>> -> memref<1x16x128xf32, #tpu.memory_space<vmem>>
        %get3A_1273 = tpu.memref_squeeze %get3A_1272 : memref<1x16x128xf32, #tpu.memory_space<vmem>> -> memref<16x128xf32, #tpu.memory_space<vmem>>
        %get3A_1274 = arith.index_cast %get3A_1269 : i32 to index
        %get3A_1275 = arith.constant 32 : index
        %get3A_1276 = tpu.vector_load %get3A_1273[%get3A_1274, %get3A_1275] {strides = array<i32>} : memref<16x128xf32, #tpu.memory_space<vmem>>, vector<1x16xf32>,
        %get3A_1277 = vector.shape_cast %get3A_1276 : vector<1x16xf32> to vector<16xf32>
        %get3A_1278 = arith.constant 8 : i32
        %get3A_1279 = arith.constant 0 : i32
        %get3A_1280 = arith.constant 0 : i32
        %get3A_1281 = tpu.memref_slice %run_scoped3A[%rem3A_230, %get3A_1279, %get3A_1280] : memref<2x16x128xf32, #tpu.memory_space<vmem>> -> memref<1x16x128xf32, #tpu.memory_space<vmem>>
        %get3A_1282 = tpu.memref_squeeze %get3A_1281 : memref<1x16x128xf32, #tpu.memory_space<vmem>> -> memref<16x128xf32, #tpu.memory_space<vmem>>
        %get3A_1283 = arith.index_cast %get3A_1278 : i32 to index
        %get3A_1284 = arith.constant 32 : index
        %get3A_1285 = tpu.vector_load %get3A_1282[%get3A_1283, %get3A_1284] {strides = array<i32>} : memref<16x128xf32, #tpu.memory_space<vmem>>, vector<1x16xf32>,
        %get3A_1286 = vector.shape_cast %get3A_1285 : vector<1x16xf32> to vector<16xf32>
        %get3A_1287 = arith.constant 9 : i32
        %get3A_1288 = arith.constant 0 : i32
        %get3A_1289 = arith.constant 0 : i32
        %get3A_1290 = tpu.memref_slice %run_scoped3A[%rem3A_230, %get3A_1288, %get3A_1289] : memref<2x16x128xf32, #tpu.memory_space<vmem>> -> memref<1x16x128xf32, #tpu.memory_space<vmem>>
        %get3A_1291 = tpu.memref_squeeze %get3A_1290 : memref<1x16x128xf32, #tpu.memory_space<vmem>> -> memref<16x128xf32, #tpu.memory_space<vmem>>
        %get3A_1292 = arith.index_cast %get3A_1287 : i32 to index
        %get3A_1293 = arith.constant 32 : index
        %get3A_1294 = tpu.vector_load %get3A_1291[%get3A_1292, %get3A_1293] {strides = array<i32>} : memref<16x128xf32, #tpu.memory_space<vmem>>, vector<1x16xf32>,
        %get3A_1295 = vector.shape_cast %get3A_1294 : vector<1x16xf32> to vector<16xf32>
        %get3A_1296 = arith.constant 10 : i32
        %get3A_1297 = arith.constant 0 : i32
        %get3A_1298 = arith.constant 0 : i32
        %get3A_1299 = tpu.memref_slice %run_scoped3A[%rem3A_230, %get3A_1297, %get3A_1298] : memref<2x16x128xf32, #tpu.memory_space<vmem>> -> memref<1x16x128xf32, #tpu.memory_space<vmem>>
        %get3A_1300 = tpu.memref_squeeze %get3A_1299 : memref<1x16x128xf32, #tpu.memory_space<vmem>> -> memref<16x128xf32, #tpu.memory_space<vmem>>
        %get3A_1301 = arith.index_cast %get3A_1296 : i32 to index
        %get3A_1302 = arith.constant 32 : index
        %get3A_1303 = tpu.vector_load %get3A_1300[%get3A_1301, %get3A_1302] {strides = array<i32>} : memref<16x128xf32, #tpu.memory_space<vmem>>, vector<1x16xf32>,
        %get3A_1304 = vector.shape_cast %get3A_1303 : vector<1x16xf32> to vector<16xf32>
        %get3A_1305 = arith.constant 11 : i32
        %get3A_1306 = arith.constant 0 : i32
        %get3A_1307 = arith.constant 0 : i32
        %get3A_1308 = tpu.memref_slice %run_scoped3A[%rem3A_230, %get3A_1306, %get3A_1307] : memref<2x16x128xf32, #tpu.memory_space<vmem>> -> memref<1x16x128xf32, #tpu.memory_space<vmem>>
        %get3A_1309 = tpu.memref_squeeze %get3A_1308 : memref<1x16x128xf32, #tpu.memory_space<vmem>> -> memref<16x128xf32, #tpu.memory_space<vmem>>
        %get3A_1310 = arith.index_cast %get3A_1305 : i32 to index
        %get3A_1311 = arith.constant 32 : index
        %get3A_1312 = tpu.vector_load %get3A_1309[%get3A_1310, %get3A_1311] {strides = array<i32>} : memref<16x128xf32, #tpu.memory_space<vmem>>, vector<1x16xf32>,
        %get3A_1313 = vector.shape_cast %get3A_1312 : vector<1x16xf32> to vector<16xf32>
        %get3A_1314 = arith.constant 12 : i32
        %get3A_1315 = arith.constant 0 : i32
        %get3A_1316 = arith.constant 0 : i32
        %get3A_1317 = tpu.memref_slice %run_scoped3A[%rem3A_230, %get3A_1315, %get3A_1316] : memref<2x16x128xf32, #tpu.memory_space<vmem>> -> memref<1x16x128xf32, #tpu.memory_space<vmem>>
        %get3A_1318 = tpu.memref_squeeze %get3A_1317 : memref<1x16x128xf32, #tpu.memory_space<vmem>> -> memref<16x128xf32, #tpu.memory_space<vmem>>
        %get3A_1319 = arith.index_cast %get3A_1314 : i32 to index
        %get3A_1320 = arith.constant 32 : index
        %get3A_1321 = tpu.vector_load %get3A_1318[%get3A_1319, %get3A_1320] {strides = array<i32>} : memref<16x128xf32, #tpu.memory_space<vmem>>, vector<1x16xf32>,
        %get3A_1322 = vector.shape_cast %get3A_1321 : vector<1x16xf32> to vector<16xf32>
        %get3A_1323 = arith.constant 13 : i32
        %get3A_1324 = arith.constant 0 : i32
        %get3A_1325 = arith.constant 0 : i32
        %get3A_1326 = tpu.memref_slice %run_scoped3A[%rem3A_230, %get3A_1324, %get3A_1325] : memref<2x16x128xf32, #tpu.memory_space<vmem>> -> memref<1x16x128xf32, #tpu.memory_space<vmem>>
        %get3A_1327 = tpu.memref_squeeze %get3A_1326 : memref<1x16x128xf32, #tpu.memory_space<vmem>> -> memref<16x128xf32, #tpu.memory_space<vmem>>
        %get3A_1328 = arith.index_cast %get3A_1323 : i32 to index
        %get3A_1329 = arith.constant 32 : index
        %get3A_1330 = tpu.vector_load %get3A_1327[%get3A_1328, %get3A_1329] {strides = array<i32>} : memref<16x128xf32, #tpu.memory_space<vmem>>, vector<1x16xf32>,
        %get3A_1331 = vector.shape_cast %get3A_1330 : vector<1x16xf32> to vector<16xf32>
        %get3A_1332 = arith.constant 14 : i32
        %get3A_1333 = arith.constant 0 : i32
        %get3A_1334 = arith.constant 0 : i32
        %get3A_1335 = tpu.memref_slice %run_scoped3A[%rem3A_230, %get3A_1333, %get3A_1334] : memref<2x16x128xf32, #tpu.memory_space<vmem>> -> memref<1x16x128xf32, #tpu.memory_space<vmem>>
        %get3A_1336 = tpu.memref_squeeze %get3A_1335 : memref<1x16x128xf32, #tpu.memory_space<vmem>> -> memref<16x128xf32, #tpu.memory_space<vmem>>
        %get3A_1337 = arith.index_cast %get3A_1332 : i32 to index
        %get3A_1338 = arith.constant 32 : index
        %get3A_1339 = tpu.vector_load %get3A_1336[%get3A_1337, %get3A_1338] {strides = array<i32>} : memref<16x128xf32, #tpu.memory_space<vmem>>, vector<1x16xf32>,
        %get3A_1340 = vector.shape_cast %get3A_1339 : vector<1x16xf32> to vector<16xf32>
        %get3A_1341 = arith.constant 15 : i32
        %get3A_1342 = arith.constant 0 : i32
        %get3A_1343 = arith.constant 0 : i32
        %get3A_1344 = tpu.memref_slice %run_scoped3A[%rem3A_230, %get3A_1342, %get3A_1343] : memref<2x16x128xf32, #tpu.memory_space<vmem>> -> memref<1x16x128xf32, #tpu.memory_space<vmem>>
        %get3A_1345 = tpu.memref_squeeze %get3A_1344 : memref<1x16x128xf32, #tpu.memory_space<vmem>> -> memref<16x128xf32, #tpu.memory_space<vmem>>
        %get3A_1346 = arith.index_cast %get3A_1341 : i32 to index
        %get3A_1347 = arith.constant 32 : index
        %get3A_1348 = tpu.vector_load %get3A_1345[%get3A_1346, %get3A_1347] {strides = array<i32>} : memref<16x128xf32, #tpu.memory_space<vmem>>, vector<1x16xf32>,
        %get3A_1349 = vector.shape_cast %get3A_1348 : vector<1x16xf32> to vector<16xf32>
        %max3A_1350 = arith.maximumf %get3A_1214, %get3A_1223 : vector<16xf32>
        %max3A_1351 = arith.maximumf %max3A_1350, %get3A_1232 : vector<16xf32>
        %max3A_1352 = arith.maximumf %max3A_1351, %get3A_1241 : vector<16xf32>
        %max3A_1353 = arith.maximumf %max3A_1352, %get3A_1250 : vector<16xf32>
        %max3A_1354 = arith.maximumf %max3A_1353, %get3A_1259 : vector<16xf32>
        %max3A_1355 = arith.maximumf %max3A_1354, %get3A_1268 : vector<16xf32>
        %max3A_1356 = arith.maximumf %max3A_1355, %get3A_1277 : vector<16xf32>
        %max3A_1357 = arith.maximumf %max3A_1356, %get3A_1286 : vector<16xf32>
        %max3A_1358 = arith.maximumf %max3A_1357, %get3A_1295 : vector<16xf32>
        %max3A_1359 = arith.maximumf %max3A_1358, %get3A_1304 : vector<16xf32>
        %max3A_1360 = arith.maximumf %max3A_1359, %get3A_1313 : vector<16xf32>
        %max3A_1361 = arith.maximumf %max3A_1360, %get3A_1322 : vector<16xf32>
        %max3A_1362 = arith.maximumf %max3A_1361, %get3A_1331 : vector<16xf32>
        %max3A_1363 = arith.maximumf %max3A_1362, %get3A_1340 : vector<16xf32>
        %max3A_1364 = arith.maximumf %max3A_1363, %get3A_1349 : vector<16xf32>
        %broadcast_in_dim3A_1365 = arith.constant 16 : i32
        %broadcast_in_dim3A_1366 = vector.broadcast %broadcast_in_dim3A_1365 : i32 to vector<16xi32>
        %eq3A_1367 = arith.cmpf oeq, %get3A_1349, %max3A_1364 : vector<16xf32>
        %jit3A_1368 = arith.constant 15 : i32
        %broadcast_in_dim3A_1369 = vector.broadcast %jit3A_1368 : i32 to vector<16xi32>
        %select_n3A_1370 = arith.select %eq3A_1367, %broadcast_in_dim3A_1369, %broadcast_in_dim3A_1366 : vector<16xi1>, vector<16xi32>
        %eq3A_1371 = arith.cmpf oeq, %get3A_1340, %max3A_1364 : vector<16xf32>
        %jit3A_1372 = arith.constant 14 : i32
        %broadcast_in_dim3A_1373 = vector.broadcast %jit3A_1372 : i32 to vector<16xi32>
        %select_n3A_1374 = arith.select %eq3A_1371, %broadcast_in_dim3A_1373, %select_n3A_1370 : vector<16xi1>, vector<16xi32>
        %eq3A_1375 = arith.cmpf oeq, %get3A_1331, %max3A_1364 : vector<16xf32>
        %jit3A_1376 = arith.constant 13 : i32
        %broadcast_in_dim3A_1377 = vector.broadcast %jit3A_1376 : i32 to vector<16xi32>
        %select_n3A_1378 = arith.select %eq3A_1375, %broadcast_in_dim3A_1377, %select_n3A_1374 : vector<16xi1>, vector<16xi32>
        %eq3A_1379 = arith.cmpf oeq, %get3A_1322, %max3A_1364 : vector<16xf32>
        %jit3A_1380 = arith.constant 12 : i32
        %broadcast_in_dim3A_1381 = vector.broadcast %jit3A_1380 : i32 to vector<16xi32>
        %select_n3A_1382 = arith.select %eq3A_1379, %broadcast_in_dim3A_1381, %select_n3A_1378 : vector<16xi1>, vector<16xi32>
        %eq3A_1383 = arith.cmpf oeq, %get3A_1313, %max3A_1364 : vector<16xf32>
        %jit3A_1384 = arith.constant 11 : i32
        %broadcast_in_dim3A_1385 = vector.broadcast %jit3A_1384 : i32 to vector<16xi32>
        %select_n3A_1386 = arith.select %eq3A_1383, %broadcast_in_dim3A_1385, %select_n3A_1382 : vector<16xi1>, vector<16xi32>
        %eq3A_1387 = arith.cmpf oeq, %get3A_1304, %max3A_1364 : vector<16xf32>
        %jit3A_1388 = arith.constant 10 : i32
        %broadcast_in_dim3A_1389 = vector.broadcast %jit3A_1388 : i32 to vector<16xi32>
        %select_n3A_1390 = arith.select %eq3A_1387, %broadcast_in_dim3A_1389, %select_n3A_1386 : vector<16xi1>, vector<16xi32>
        %eq3A_1391 = arith.cmpf oeq, %get3A_1295, %max3A_1364 : vector<16xf32>
        %jit3A_1392 = arith.constant 9 : i32
        %broadcast_in_dim3A_1393 = vector.broadcast %jit3A_1392 : i32 to vector<16xi32>
        %select_n3A_1394 = arith.select %eq3A_1391, %broadcast_in_dim3A_1393, %select_n3A_1390 : vector<16xi1>, vector<16xi32>
        %eq3A_1395 = arith.cmpf oeq, %get3A_1286, %max3A_1364 : vector<16xf32>
        %jit3A_1396 = arith.constant 8 : i32
        %broadcast_in_dim3A_1397 = vector.broadcast %jit3A_1396 : i32 to vector<16xi32>
        %select_n3A_1398 = arith.select %eq3A_1395, %broadcast_in_dim3A_1397, %select_n3A_1394 : vector<16xi1>, vector<16xi32>
        %eq3A_1399 = arith.cmpf oeq, %get3A_1277, %max3A_1364 : vector<16xf32>
        %jit3A_1400 = arith.constant 7 : i32
        %broadcast_in_dim3A_1401 = vector.broadcast %jit3A_1400 : i32 to vector<16xi32>
        %select_n3A_1402 = arith.select %eq3A_1399, %broadcast_in_dim3A_1401, %select_n3A_1398 : vector<16xi1>, vector<16xi32>
        %eq3A_1403 = arith.cmpf oeq, %get3A_1268, %max3A_1364 : vector<16xf32>
        %jit3A_1404 = arith.constant 6 : i32
        %broadcast_in_dim3A_1405 = vector.broadcast %jit3A_1404 : i32 to vector<16xi32>
        %select_n3A_1406 = arith.select %eq3A_1403, %broadcast_in_dim3A_1405, %select_n3A_1402 : vector<16xi1>, vector<16xi32>
        %eq3A_1407 = arith.cmpf oeq, %get3A_1259, %max3A_1364 : vector<16xf32>
        %jit3A_1408 = arith.constant 5 : i32
        %broadcast_in_dim3A_1409 = vector.broadcast %jit3A_1408 : i32 to vector<16xi32>
        %select_n3A_1410 = arith.select %eq3A_1407, %broadcast_in_dim3A_1409, %select_n3A_1406 : vector<16xi1>, vector<16xi32>
        %eq3A_1411 = arith.cmpf oeq, %get3A_1250, %max3A_1364 : vector<16xf32>
        %jit3A_1412 = arith.constant 4 : i32
        %broadcast_in_dim3A_1413 = vector.broadcast %jit3A_1412 : i32 to vector<16xi32>
        %select_n3A_1414 = arith.select %eq3A_1411, %broadcast_in_dim3A_1413, %select_n3A_1410 : vector<16xi1>, vector<16xi32>
        %eq3A_1415 = arith.cmpf oeq, %get3A_1241, %max3A_1364 : vector<16xf32>
        %jit3A_1416 = arith.constant 3 : i32
        %broadcast_in_dim3A_1417 = vector.broadcast %jit3A_1416 : i32 to vector<16xi32>
        %select_n3A_1418 = arith.select %eq3A_1415, %broadcast_in_dim3A_1417, %select_n3A_1414 : vector<16xi1>, vector<16xi32>
        %eq3A_1419 = arith.cmpf oeq, %get3A_1232, %max3A_1364 : vector<16xf32>
        %jit3A_1420 = arith.constant 2 : i32
        %broadcast_in_dim3A_1421 = vector.broadcast %jit3A_1420 : i32 to vector<16xi32>
        %select_n3A_1422 = arith.select %eq3A_1419, %broadcast_in_dim3A_1421, %select_n3A_1418 : vector<16xi1>, vector<16xi32>
        %eq3A_1423 = arith.cmpf oeq, %get3A_1223, %max3A_1364 : vector<16xf32>
        %jit3A_1424 = arith.constant 1 : i32
        %broadcast_in_dim3A_1425 = vector.broadcast %jit3A_1424 : i32 to vector<16xi32>
        %select_n3A_1426 = arith.select %eq3A_1423, %broadcast_in_dim3A_1425, %select_n3A_1422 : vector<16xi1>, vector<16xi32>
        %eq3A_1427 = arith.cmpf oeq, %get3A_1214, %max3A_1364 : vector<16xf32>
        %jit3A_1428 = arith.constant 0 : i32
        %broadcast_in_dim3A_1429 = vector.broadcast %jit3A_1428 : i32 to vector<16xi32>
        %select_n3A_1430 = arith.select %eq3A_1427, %broadcast_in_dim3A_1429, %select_n3A_1426 : vector<16xi1>, vector<16xi32>
        %broadcast_in_dim3A_1431 = arith.constant 0xFF800000 : f32
        %broadcast_in_dim3A_1432 = vector.broadcast %broadcast_in_dim3A_1431 : f32 to vector<16xf32>
        %eq3A_1433 = arith.constant 0 : i32
        %eq3A_1434 = vector.broadcast %eq3A_1433 : i32 to vector<16xi32>
        %eq3A_1435 = arith.cmpi eq, %select_n3A_1430, %eq3A_1434 : vector<16xi32>
        %select_n3A_1436 = arith.select %eq3A_1435, %broadcast_in_dim3A_1432, %get3A_1214 : vector<16xi1>, vector<16xf32>
        %max3A_1437 = arith.maximumf %broadcast_in_dim3A_1432, %select_n3A_1436 : vector<16xf32>
        %eq3A_1438 = arith.constant 1 : i32
        %eq3A_1439 = vector.broadcast %eq3A_1438 : i32 to vector<16xi32>
        %eq3A_1440 = arith.cmpi eq, %select_n3A_1430, %eq3A_1439 : vector<16xi32>
        %select_n3A_1441 = arith.select %eq3A_1440, %broadcast_in_dim3A_1432, %get3A_1223 : vector<16xi1>, vector<16xf32>
        %max3A_1442 = arith.maximumf %max3A_1437, %select_n3A_1441 : vector<16xf32>
        %eq3A_1443 = arith.constant 2 : i32
        %eq3A_1444 = vector.broadcast %eq3A_1443 : i32 to vector<16xi32>
        %eq3A_1445 = arith.cmpi eq, %select_n3A_1430, %eq3A_1444 : vector<16xi32>
        %select_n3A_1446 = arith.select %eq3A_1445, %broadcast_in_dim3A_1432, %get3A_1232 : vector<16xi1>, vector<16xf32>
        %max3A_1447 = arith.maximumf %max3A_1442, %select_n3A_1446 : vector<16xf32>
        %eq3A_1448 = arith.constant 3 : i32
        %eq3A_1449 = vector.broadcast %eq3A_1448 : i32 to vector<16xi32>
        %eq3A_1450 = arith.cmpi eq, %select_n3A_1430, %eq3A_1449 : vector<16xi32>
        %select_n3A_1451 = arith.select %eq3A_1450, %broadcast_in_dim3A_1432, %get3A_1241 : vector<16xi1>, vector<16xf32>
        %max3A_1452 = arith.maximumf %max3A_1447, %select_n3A_1451 : vector<16xf32>
        %eq3A_1453 = arith.constant 4 : i32
        %eq3A_1454 = vector.broadcast %eq3A_1453 : i32 to vector<16xi32>
        %eq3A_1455 = arith.cmpi eq, %select_n3A_1430, %eq3A_1454 : vector<16xi32>
        %select_n3A_1456 = arith.select %eq3A_1455, %broadcast_in_dim3A_1432, %get3A_1250 : vector<16xi1>, vector<16xf32>
        %max3A_1457 = arith.maximumf %max3A_1452, %select_n3A_1456 : vector<16xf32>
        %eq3A_1458 = arith.constant 5 : i32
        %eq3A_1459 = vector.broadcast %eq3A_1458 : i32 to vector<16xi32>
        %eq3A_1460 = arith.cmpi eq, %select_n3A_1430, %eq3A_1459 : vector<16xi32>
        %select_n3A_1461 = arith.select %eq3A_1460, %broadcast_in_dim3A_1432, %get3A_1259 : vector<16xi1>, vector<16xf32>
        %max3A_1462 = arith.maximumf %max3A_1457, %select_n3A_1461 : vector<16xf32>
        %eq3A_1463 = arith.constant 6 : i32
        %eq3A_1464 = vector.broadcast %eq3A_1463 : i32 to vector<16xi32>
        %eq3A_1465 = arith.cmpi eq, %select_n3A_1430, %eq3A_1464 : vector<16xi32>
        %select_n3A_1466 = arith.select %eq3A_1465, %broadcast_in_dim3A_1432, %get3A_1268 : vector<16xi1>, vector<16xf32>
        %max3A_1467 = arith.maximumf %max3A_1462, %select_n3A_1466 : vector<16xf32>
        %eq3A_1468 = arith.constant 7 : i32
        %eq3A_1469 = vector.broadcast %eq3A_1468 : i32 to vector<16xi32>
        %eq3A_1470 = arith.cmpi eq, %select_n3A_1430, %eq3A_1469 : vector<16xi32>
        %select_n3A_1471 = arith.select %eq3A_1470, %broadcast_in_dim3A_1432, %get3A_1277 : vector<16xi1>, vector<16xf32>
        %max3A_1472 = arith.maximumf %max3A_1467, %select_n3A_1471 : vector<16xf32>
        %eq3A_1473 = arith.constant 8 : i32
        %eq3A_1474 = vector.broadcast %eq3A_1473 : i32 to vector<16xi32>
        %eq3A_1475 = arith.cmpi eq, %select_n3A_1430, %eq3A_1474 : vector<16xi32>
        %select_n3A_1476 = arith.select %eq3A_1475, %broadcast_in_dim3A_1432, %get3A_1286 : vector<16xi1>, vector<16xf32>
        %max3A_1477 = arith.maximumf %max3A_1472, %select_n3A_1476 : vector<16xf32>
        %eq3A_1478 = arith.constant 9 : i32
        %eq3A_1479 = vector.broadcast %eq3A_1478 : i32 to vector<16xi32>
        %eq3A_1480 = arith.cmpi eq, %select_n3A_1430, %eq3A_1479 : vector<16xi32>
        %select_n3A_1481 = arith.select %eq3A_1480, %broadcast_in_dim3A_1432, %get3A_1295 : vector<16xi1>, vector<16xf32>
        %max3A_1482 = arith.maximumf %max3A_1477, %select_n3A_1481 : vector<16xf32>
        %eq3A_1483 = arith.constant 10 : i32
        %eq3A_1484 = vector.broadcast %eq3A_1483 : i32 to vector<16xi32>
        %eq3A_1485 = arith.cmpi eq, %select_n3A_1430, %eq3A_1484 : vector<16xi32>
        %select_n3A_1486 = arith.select %eq3A_1485, %broadcast_in_dim3A_1432, %get3A_1304 : vector<16xi1>, vector<16xf32>
        %max3A_1487 = arith.maximumf %max3A_1482, %select_n3A_1486 : vector<16xf32>
        %eq3A_1488 = arith.constant 11 : i32
        %eq3A_1489 = vector.broadcast %eq3A_1488 : i32 to vector<16xi32>
        %eq3A_1490 = arith.cmpi eq, %select_n3A_1430, %eq3A_1489 : vector<16xi32>
        %select_n3A_1491 = arith.select %eq3A_1490, %broadcast_in_dim3A_1432, %get3A_1313 : vector<16xi1>, vector<16xf32>
        %max3A_1492 = arith.maximumf %max3A_1487, %select_n3A_1491 : vector<16xf32>
        %eq3A_1493 = arith.constant 12 : i32
        %eq3A_1494 = vector.broadcast %eq3A_1493 : i32 to vector<16xi32>
        %eq3A_1495 = arith.cmpi eq, %select_n3A_1430, %eq3A_1494 : vector<16xi32>
        %select_n3A_1496 = arith.select %eq3A_1495, %broadcast_in_dim3A_1432, %get3A_1322 : vector<16xi1>, vector<16xf32>
        %max3A_1497 = arith.maximumf %max3A_1492, %select_n3A_1496 : vector<16xf32>
        %eq3A_1498 = arith.constant 13 : i32
        %eq3A_1499 = vector.broadcast %eq3A_1498 : i32 to vector<16xi32>
        %eq3A_1500 = arith.cmpi eq, %select_n3A_1430, %eq3A_1499 : vector<16xi32>
        %select_n3A_1501 = arith.select %eq3A_1500, %broadcast_in_dim3A_1432, %get3A_1331 : vector<16xi1>, vector<16xf32>
        %max3A_1502 = arith.maximumf %max3A_1497, %select_n3A_1501 : vector<16xf32>
        %eq3A_1503 = arith.constant 14 : i32
        %eq3A_1504 = vector.broadcast %eq3A_1503 : i32 to vector<16xi32>
        %eq3A_1505 = arith.cmpi eq, %select_n3A_1430, %eq3A_1504 : vector<16xi32>
        %select_n3A_1506 = arith.select %eq3A_1505, %broadcast_in_dim3A_1432, %get3A_1340 : vector<16xi1>, vector<16xf32>
        %max3A_1507 = arith.maximumf %max3A_1502, %select_n3A_1506 : vector<16xf32>
        %eq3A_1508 = arith.constant 15 : i32
        %eq3A_1509 = vector.broadcast %eq3A_1508 : i32 to vector<16xi32>
        %eq3A_1510 = arith.cmpi eq, %select_n3A_1430, %eq3A_1509 : vector<16xi32>
        %select_n3A_1511 = arith.select %eq3A_1510, %broadcast_in_dim3A_1432, %get3A_1349 : vector<16xi1>, vector<16xf32>
        %max3A_1512 = arith.maximumf %max3A_1507, %select_n3A_1511 : vector<16xf32>
        %broadcast_in_dim3A_1513 = arith.constant 16 : i32
        %broadcast_in_dim3A_1514 = vector.broadcast %broadcast_in_dim3A_1513 : i32 to vector<16xi32>
        %eq3A_1515 = arith.constant 15 : i32
        %eq3A_1516 = vector.broadcast %eq3A_1515 : i32 to vector<16xi32>
        %eq3A_1517 = arith.cmpi eq, %select_n3A_1430, %eq3A_1516 : vector<16xi32>
        %select_n3A_1518 = arith.select %eq3A_1517, %broadcast_in_dim3A_1432, %get3A_1349 : vector<16xi1>, vector<16xf32>
        %eq3A_1519 = arith.cmpf oeq, %select_n3A_1518, %max3A_1512 : vector<16xf32>
        %jit3A_1520 = arith.constant 15 : i32
        %broadcast_in_dim3A_1521 = vector.broadcast %jit3A_1520 : i32 to vector<16xi32>
        %select_n3A_1522 = arith.select %eq3A_1519, %broadcast_in_dim3A_1521, %broadcast_in_dim3A_1514 : vector<16xi1>, vector<16xi32>
        %eq3A_1523 = arith.constant 14 : i32
        %eq3A_1524 = vector.broadcast %eq3A_1523 : i32 to vector<16xi32>
        %eq3A_1525 = arith.cmpi eq, %select_n3A_1430, %eq3A_1524 : vector<16xi32>
        %select_n3A_1526 = arith.select %eq3A_1525, %broadcast_in_dim3A_1432, %get3A_1340 : vector<16xi1>, vector<16xf32>
        %eq3A_1527 = arith.cmpf oeq, %select_n3A_1526, %max3A_1512 : vector<16xf32>
        %jit3A_1528 = arith.constant 14 : i32
        %broadcast_in_dim3A_1529 = vector.broadcast %jit3A_1528 : i32 to vector<16xi32>
        %select_n3A_1530 = arith.select %eq3A_1527, %broadcast_in_dim3A_1529, %select_n3A_1522 : vector<16xi1>, vector<16xi32>
        %eq3A_1531 = arith.constant 13 : i32
        %eq3A_1532 = vector.broadcast %eq3A_1531 : i32 to vector<16xi32>
        %eq3A_1533 = arith.cmpi eq, %select_n3A_1430, %eq3A_1532 : vector<16xi32>
        %select_n3A_1534 = arith.select %eq3A_1533, %broadcast_in_dim3A_1432, %get3A_1331 : vector<16xi1>, vector<16xf32>
        %eq3A_1535 = arith.cmpf oeq, %select_n3A_1534, %max3A_1512 : vector<16xf32>
        %jit3A_1536 = arith.constant 13 : i32
        %broadcast_in_dim3A_1537 = vector.broadcast %jit3A_1536 : i32 to vector<16xi32>
        %select_n3A_1538 = arith.select %eq3A_1535, %broadcast_in_dim3A_1537, %select_n3A_1530 : vector<16xi1>, vector<16xi32>
        %eq3A_1539 = arith.constant 12 : i32
        %eq3A_1540 = vector.broadcast %eq3A_1539 : i32 to vector<16xi32>
        %eq3A_1541 = arith.cmpi eq, %select_n3A_1430, %eq3A_1540 : vector<16xi32>
        %select_n3A_1542 = arith.select %eq3A_1541, %broadcast_in_dim3A_1432, %get3A_1322 : vector<16xi1>, vector<16xf32>
        %eq3A_1543 = arith.cmpf oeq, %select_n3A_1542, %max3A_1512 : vector<16xf32>
        %jit3A_1544 = arith.constant 12 : i32
        %broadcast_in_dim3A_1545 = vector.broadcast %jit3A_1544 : i32 to vector<16xi32>
        %select_n3A_1546 = arith.select %eq3A_1543, %broadcast_in_dim3A_1545, %select_n3A_1538 : vector<16xi1>, vector<16xi32>
        %eq3A_1547 = arith.constant 11 : i32
        %eq3A_1548 = vector.broadcast %eq3A_1547 : i32 to vector<16xi32>
        %eq3A_1549 = arith.cmpi eq, %select_n3A_1430, %eq3A_1548 : vector<16xi32>
        %select_n3A_1550 = arith.select %eq3A_1549, %broadcast_in_dim3A_1432, %get3A_1313 : vector<16xi1>, vector<16xf32>
        %eq3A_1551 = arith.cmpf oeq, %select_n3A_1550, %max3A_1512 : vector<16xf32>
        %jit3A_1552 = arith.constant 11 : i32
        %broadcast_in_dim3A_1553 = vector.broadcast %jit3A_1552 : i32 to vector<16xi32>
        %select_n3A_1554 = arith.select %eq3A_1551, %broadcast_in_dim3A_1553, %select_n3A_1546 : vector<16xi1>, vector<16xi32>
        %eq3A_1555 = arith.constant 10 : i32
        %eq3A_1556 = vector.broadcast %eq3A_1555 : i32 to vector<16xi32>
        %eq3A_1557 = arith.cmpi eq, %select_n3A_1430, %eq3A_1556 : vector<16xi32>
        %select_n3A_1558 = arith.select %eq3A_1557, %broadcast_in_dim3A_1432, %get3A_1304 : vector<16xi1>, vector<16xf32>
        %eq3A_1559 = arith.cmpf oeq, %select_n3A_1558, %max3A_1512 : vector<16xf32>
        %jit3A_1560 = arith.constant 10 : i32
        %broadcast_in_dim3A_1561 = vector.broadcast %jit3A_1560 : i32 to vector<16xi32>
        %select_n3A_1562 = arith.select %eq3A_1559, %broadcast_in_dim3A_1561, %select_n3A_1554 : vector<16xi1>, vector<16xi32>
        %eq3A_1563 = arith.constant 9 : i32
        %eq3A_1564 = vector.broadcast %eq3A_1563 : i32 to vector<16xi32>
        %eq3A_1565 = arith.cmpi eq, %select_n3A_1430, %eq3A_1564 : vector<16xi32>
        %select_n3A_1566 = arith.select %eq3A_1565, %broadcast_in_dim3A_1432, %get3A_1295 : vector<16xi1>, vector<16xf32>
        %eq3A_1567 = arith.cmpf oeq, %select_n3A_1566, %max3A_1512 : vector<16xf32>
        %jit3A_1568 = arith.constant 9 : i32
        %broadcast_in_dim3A_1569 = vector.broadcast %jit3A_1568 : i32 to vector<16xi32>
        %select_n3A_1570 = arith.select %eq3A_1567, %broadcast_in_dim3A_1569, %select_n3A_1562 : vector<16xi1>, vector<16xi32>
        %eq3A_1571 = arith.constant 8 : i32
        %eq3A_1572 = vector.broadcast %eq3A_1571 : i32 to vector<16xi32>
        %eq3A_1573 = arith.cmpi eq, %select_n3A_1430, %eq3A_1572 : vector<16xi32>
        %select_n3A_1574 = arith.select %eq3A_1573, %broadcast_in_dim3A_1432, %get3A_1286 : vector<16xi1>, vector<16xf32>
        %eq3A_1575 = arith.cmpf oeq, %select_n3A_1574, %max3A_1512 : vector<16xf32>
        %jit3A_1576 = arith.constant 8 : i32
        %broadcast_in_dim3A_1577 = vector.broadcast %jit3A_1576 : i32 to vector<16xi32>
        %select_n3A_1578 = arith.select %eq3A_1575, %broadcast_in_dim3A_1577, %select_n3A_1570 : vector<16xi1>, vector<16xi32>
        %eq3A_1579 = arith.constant 7 : i32
        %eq3A_1580 = vector.broadcast %eq3A_1579 : i32 to vector<16xi32>
        %eq3A_1581 = arith.cmpi eq, %select_n3A_1430, %eq3A_1580 : vector<16xi32>
        %select_n3A_1582 = arith.select %eq3A_1581, %broadcast_in_dim3A_1432, %get3A_1277 : vector<16xi1>, vector<16xf32>
        %eq3A_1583 = arith.cmpf oeq, %select_n3A_1582, %max3A_1512 : vector<16xf32>
        %jit3A_1584 = arith.constant 7 : i32
        %broadcast_in_dim3A_1585 = vector.broadcast %jit3A_1584 : i32 to vector<16xi32>
        %select_n3A_1586 = arith.select %eq3A_1583, %broadcast_in_dim3A_1585, %select_n3A_1578 : vector<16xi1>, vector<16xi32>
        %eq3A_1587 = arith.constant 6 : i32
        %eq3A_1588 = vector.broadcast %eq3A_1587 : i32 to vector<16xi32>
        %eq3A_1589 = arith.cmpi eq, %select_n3A_1430, %eq3A_1588 : vector<16xi32>
        %select_n3A_1590 = arith.select %eq3A_1589, %broadcast_in_dim3A_1432, %get3A_1268 : vector<16xi1>, vector<16xf32>
        %eq3A_1591 = arith.cmpf oeq, %select_n3A_1590, %max3A_1512 : vector<16xf32>
        %jit3A_1592 = arith.constant 6 : i32
        %broadcast_in_dim3A_1593 = vector.broadcast %jit3A_1592 : i32 to vector<16xi32>
        %select_n3A_1594 = arith.select %eq3A_1591, %broadcast_in_dim3A_1593, %select_n3A_1586 : vector<16xi1>, vector<16xi32>
        %eq3A_1595 = arith.constant 5 : i32
        %eq3A_1596 = vector.broadcast %eq3A_1595 : i32 to vector<16xi32>
        %eq3A_1597 = arith.cmpi eq, %select_n3A_1430, %eq3A_1596 : vector<16xi32>
        %select_n3A_1598 = arith.select %eq3A_1597, %broadcast_in_dim3A_1432, %get3A_1259 : vector<16xi1>, vector<16xf32>
        %eq3A_1599 = arith.cmpf oeq, %select_n3A_1598, %max3A_1512 : vector<16xf32>
        %jit3A_1600 = arith.constant 5 : i32
        %broadcast_in_dim3A_1601 = vector.broadcast %jit3A_1600 : i32 to vector<16xi32>
        %select_n3A_1602 = arith.select %eq3A_1599, %broadcast_in_dim3A_1601, %select_n3A_1594 : vector<16xi1>, vector<16xi32>
        %eq3A_1603 = arith.constant 4 : i32
        %eq3A_1604 = vector.broadcast %eq3A_1603 : i32 to vector<16xi32>
        %eq3A_1605 = arith.cmpi eq, %select_n3A_1430, %eq3A_1604 : vector<16xi32>
        %select_n3A_1606 = arith.select %eq3A_1605, %broadcast_in_dim3A_1432, %get3A_1250 : vector<16xi1>, vector<16xf32>
        %eq3A_1607 = arith.cmpf oeq, %select_n3A_1606, %max3A_1512 : vector<16xf32>
        %jit3A_1608 = arith.constant 4 : i32
        %broadcast_in_dim3A_1609 = vector.broadcast %jit3A_1608 : i32 to vector<16xi32>
        %select_n3A_1610 = arith.select %eq3A_1607, %broadcast_in_dim3A_1609, %select_n3A_1602 : vector<16xi1>, vector<16xi32>
        %eq3A_1611 = arith.constant 3 : i32
        %eq3A_1612 = vector.broadcast %eq3A_1611 : i32 to vector<16xi32>
        %eq3A_1613 = arith.cmpi eq, %select_n3A_1430, %eq3A_1612 : vector<16xi32>
        %select_n3A_1614 = arith.select %eq3A_1613, %broadcast_in_dim3A_1432, %get3A_1241 : vector<16xi1>, vector<16xf32>
        %eq3A_1615 = arith.cmpf oeq, %select_n3A_1614, %max3A_1512 : vector<16xf32>
        %jit3A_1616 = arith.constant 3 : i32
        %broadcast_in_dim3A_1617 = vector.broadcast %jit3A_1616 : i32 to vector<16xi32>
        %select_n3A_1618 = arith.select %eq3A_1615, %broadcast_in_dim3A_1617, %select_n3A_1610 : vector<16xi1>, vector<16xi32>
        %eq3A_1619 = arith.constant 2 : i32
        %eq3A_1620 = vector.broadcast %eq3A_1619 : i32 to vector<16xi32>
        %eq3A_1621 = arith.cmpi eq, %select_n3A_1430, %eq3A_1620 : vector<16xi32>
        %select_n3A_1622 = arith.select %eq3A_1621, %broadcast_in_dim3A_1432, %get3A_1232 : vector<16xi1>, vector<16xf32>
        %eq3A_1623 = arith.cmpf oeq, %select_n3A_1622, %max3A_1512 : vector<16xf32>
        %jit3A_1624 = arith.constant 2 : i32
        %broadcast_in_dim3A_1625 = vector.broadcast %jit3A_1624 : i32 to vector<16xi32>
        %select_n3A_1626 = arith.select %eq3A_1623, %broadcast_in_dim3A_1625, %select_n3A_1618 : vector<16xi1>, vector<16xi32>
        %eq3A_1627 = arith.constant 1 : i32
        %eq3A_1628 = vector.broadcast %eq3A_1627 : i32 to vector<16xi32>
        %eq3A_1629 = arith.cmpi eq, %select_n3A_1430, %eq3A_1628 : vector<16xi32>
        %select_n3A_1630 = arith.select %eq3A_1629, %broadcast_in_dim3A_1432, %get3A_1223 : vector<16xi1>, vector<16xf32>
        %eq3A_1631 = arith.cmpf oeq, %select_n3A_1630, %max3A_1512 : vector<16xf32>
        %jit3A_1632 = arith.constant 1 : i32
        %broadcast_in_dim3A_1633 = vector.broadcast %jit3A_1632 : i32 to vector<16xi32>
        %select_n3A_1634 = arith.select %eq3A_1631, %broadcast_in_dim3A_1633, %select_n3A_1626 : vector<16xi1>, vector<16xi32>
        %eq3A_1635 = arith.constant 0 : i32
        %eq3A_1636 = vector.broadcast %eq3A_1635 : i32 to vector<16xi32>
        %eq3A_1637 = arith.cmpi eq, %select_n3A_1430, %eq3A_1636 : vector<16xi32>
        %select_n3A_1638 = arith.select %eq3A_1637, %broadcast_in_dim3A_1432, %get3A_1214 : vector<16xi1>, vector<16xf32>
        %eq3A_1639 = arith.cmpf oeq, %select_n3A_1638, %max3A_1512 : vector<16xf32>
        %jit3A_1640 = arith.constant 0 : i32
        %broadcast_in_dim3A_1641 = vector.broadcast %jit3A_1640 : i32 to vector<16xi32>
        %select_n3A_1642 = arith.select %eq3A_1639, %broadcast_in_dim3A_1641, %select_n3A_1634 : vector<16xi1>, vector<16xi32>
        %sub3A_1643 = arith.subf %max3A_1512, %max3A_1364 : vector<16xf32>
        %mul3A_1644 = arith.constant 1.250000e+00 : f32
        %mul3A_1645 = vector.broadcast %mul3A_1644 : f32 to vector<16xf32>
        %mul3A_1646 = arith.mulf %sub3A_1643, %mul3A_1645 : vector<16xf32>
        %exp3A_1647 = math.exp %mul3A_1646 : vector<16xf32>
        %add3A_1648 = arith.constant 1.000000e+00 : f32
        %add3A_1649 = vector.broadcast %add3A_1648 : f32 to vector<16xf32>
        %add3A_1650 = arith.addf %add3A_1649, %exp3A_1647 : vector<16xf32>
        %div3A_1651 = arith.constant 1.000000e+00 : f32
        %div3A_1652 = vector.broadcast %div3A_1651 : f32 to vector<16xf32>
        %div3A_1653 = arith.divf %div3A_1652, %add3A_1650 : vector<16xf32>
        %swap3A_1654 = arith.constant 0 : i32
        %swap3A_1655 = arith.constant 0 : i32
        %swap3A_1656 = arith.constant 0 : i32
        %swap3A_1657 = tpu.memref_slice %run_scoped3A_8[%rem3A_232, %swap3A_1655, %swap3A_1656] : memref<2x2x128xf32, #tpu.memory_space<vmem>> -> memref<1x2x128xf32, #tpu.memory_space<vmem>>
        %swap3A_1658 = tpu.memref_squeeze %swap3A_1657 : memref<1x2x128xf32, #tpu.memory_space<vmem>> -> memref<2x128xf32, #tpu.memory_space<vmem>>
        %swap3A_1659 = arith.index_cast %swap3A_1654 : i32 to index
        %swap3A_1660 = arith.constant 32 : index
        %swap3A_1661 = tpu.vector_load %swap3A_1658[%swap3A_1659, %swap3A_1660] {strides = array<i32>} : memref<2x128xf32, #tpu.memory_space<vmem>>, vector<1x16xf32>,
        %swap3A_1662 = vector.shape_cast %swap3A_1661 : vector<1x16xf32> to vector<16xf32>
        %swap3A_1663 = vector.shape_cast %div3A_1653 : vector<16xf32> to vector<1x16xf32>
        tpu.vector_store %swap3A_1658[%swap3A_1659, %swap3A_1660], %swap3A_1663 {strides = array<i32>} : memref<2x128xf32, #tpu.memory_space<vmem>>, vector<1x16xf32>,
        %mul3A_1664 = arith.mulf %exp3A_1647, %div3A_1653 : vector<16xf32>
        %swap3A_1665 = arith.constant 1 : i32
        %swap3A_1666 = arith.constant 0 : i32
        %swap3A_1667 = arith.constant 0 : i32
        %swap3A_1668 = tpu.memref_slice %run_scoped3A_8[%rem3A_232, %swap3A_1666, %swap3A_1667] : memref<2x2x128xf32, #tpu.memory_space<vmem>> -> memref<1x2x128xf32, #tpu.memory_space<vmem>>
        %swap3A_1669 = tpu.memref_squeeze %swap3A_1668 : memref<1x2x128xf32, #tpu.memory_space<vmem>> -> memref<2x128xf32, #tpu.memory_space<vmem>>
        %swap3A_1670 = arith.index_cast %swap3A_1665 : i32 to index
        %swap3A_1671 = arith.constant 32 : index
        %swap3A_1672 = tpu.vector_load %swap3A_1669[%swap3A_1670, %swap3A_1671] {strides = array<i32>} : memref<2x128xf32, #tpu.memory_space<vmem>>, vector<1x16xf32>,
        %swap3A_1673 = vector.shape_cast %swap3A_1672 : vector<1x16xf32> to vector<16xf32>
        %swap3A_1674 = vector.shape_cast %mul3A_1664 : vector<16xf32> to vector<1x16xf32>
        tpu.vector_store %swap3A_1669[%swap3A_1670, %swap3A_1671], %swap3A_1674 {strides = array<i32>} : memref<2x128xf32, #tpu.memory_space<vmem>>, vector<1x16xf32>,
        %swap3A_1675 = arith.constant 0 : i32
        %swap3A_1676 = arith.constant 0 : i32
        %swap3A_1677 = arith.constant 0 : i32
        %swap3A_1678 = tpu.memref_slice %run_scoped3A_10[%rem3A_234, %swap3A_1676, %swap3A_1677] : memref<2x2x128xi32, #tpu.memory_space<vmem>> -> memref<1x2x128xi32, #tpu.memory_space<vmem>>
        %swap3A_1679 = tpu.memref_squeeze %swap3A_1678 : memref<1x2x128xi32, #tpu.memory_space<vmem>> -> memref<2x128xi32, #tpu.memory_space<vmem>>
        %swap3A_1680 = arith.index_cast %swap3A_1675 : i32 to index
        %swap3A_1681 = arith.constant 32 : index
        %swap3A_1682 = tpu.vector_load %swap3A_1679[%swap3A_1680, %swap3A_1681] {strides = array<i32>} : memref<2x128xi32, #tpu.memory_space<vmem>>, vector<1x16xi32>,
        %swap3A_1683 = vector.shape_cast %swap3A_1682 : vector<1x16xi32> to vector<16xi32>
        %swap3A_1684 = vector.shape_cast %select_n3A_1430 : vector<16xi32> to vector<1x16xi32>
        tpu.vector_store %swap3A_1679[%swap3A_1680, %swap3A_1681], %swap3A_1684 {strides = array<i32>} : memref<2x128xi32, #tpu.memory_space<vmem>>, vector<1x16xi32>,
        %swap3A_1685 = arith.constant 1 : i32
        %swap3A_1686 = arith.constant 0 : i32
        %swap3A_1687 = arith.constant 0 : i32
        %swap3A_1688 = tpu.memref_slice %run_scoped3A_10[%rem3A_234, %swap3A_1686, %swap3A_1687] : memref<2x2x128xi32, #tpu.memory_space<vmem>> -> memref<1x2x128xi32, #tpu.memory_space<vmem>>
        %swap3A_1689 = tpu.memref_squeeze %swap3A_1688 : memref<1x2x128xi32, #tpu.memory_space<vmem>> -> memref<2x128xi32, #tpu.memory_space<vmem>>
        %swap3A_1690 = arith.index_cast %swap3A_1685 : i32 to index
        %swap3A_1691 = arith.constant 32 : index
        %swap3A_1692 = tpu.vector_load %swap3A_1689[%swap3A_1690, %swap3A_1691] {strides = array<i32>} : memref<2x128xi32, #tpu.memory_space<vmem>>, vector<1x16xi32>,
        %swap3A_1693 = vector.shape_cast %swap3A_1692 : vector<1x16xi32> to vector<16xi32>
        %swap3A_1694 = vector.shape_cast %select_n3A_1642 : vector<16xi32> to vector<1x16xi32>
        tpu.vector_store %swap3A_1689[%swap3A_1690, %swap3A_1691], %swap3A_1694 {strides = array<i32>} : memref<2x128xi32, #tpu.memory_space<vmem>>, vector<1x16xi32>,
        %get3A_1695 = arith.constant 0 : i32
        %get3A_1696 = arith.constant 0 : i32
        %get3A_1697 = arith.constant 0 : i32
        %get3A_1698 = tpu.memref_slice %run_scoped3A[%rem3A_230, %get3A_1696, %get3A_1697] : memref<2x16x128xf32, #tpu.memory_space<vmem>> -> memref<1x16x128xf32, #tpu.memory_space<vmem>>
        %get3A_1699 = tpu.memref_squeeze %get3A_1698 : memref<1x16x128xf32, #tpu.memory_space<vmem>> -> memref<16x128xf32, #tpu.memory_space<vmem>>
        %get3A_1700 = arith.index_cast %get3A_1695 : i32 to index
        %get3A_1701 = arith.constant 48 : index
        %get3A_1702 = tpu.vector_load %get3A_1699[%get3A_1700, %get3A_1701] {strides = array<i32>} : memref<16x128xf32, #tpu.memory_space<vmem>>, vector<1x16xf32>,
        %get3A_1703 = vector.shape_cast %get3A_1702 : vector<1x16xf32> to vector<16xf32>
        %get3A_1704 = arith.constant 1 : i32
        %get3A_1705 = arith.constant 0 : i32
        %get3A_1706 = arith.constant 0 : i32
        %get3A_1707 = tpu.memref_slice %run_scoped3A[%rem3A_230, %get3A_1705, %get3A_1706] : memref<2x16x128xf32, #tpu.memory_space<vmem>> -> memref<1x16x128xf32, #tpu.memory_space<vmem>>
        %get3A_1708 = tpu.memref_squeeze %get3A_1707 : memref<1x16x128xf32, #tpu.memory_space<vmem>> -> memref<16x128xf32, #tpu.memory_space<vmem>>
        %get3A_1709 = arith.index_cast %get3A_1704 : i32 to index
        %get3A_1710 = arith.constant 48 : index
        %get3A_1711 = tpu.vector_load %get3A_1708[%get3A_1709, %get3A_1710] {strides = array<i32>} : memref<16x128xf32, #tpu.memory_space<vmem>>, vector<1x16xf32>,
        %get3A_1712 = vector.shape_cast %get3A_1711 : vector<1x16xf32> to vector<16xf32>
        %get3A_1713 = arith.constant 2 : i32
        %get3A_1714 = arith.constant 0 : i32
        %get3A_1715 = arith.constant 0 : i32
        %get3A_1716 = tpu.memref_slice %run_scoped3A[%rem3A_230, %get3A_1714, %get3A_1715] : memref<2x16x128xf32, #tpu.memory_space<vmem>> -> memref<1x16x128xf32, #tpu.memory_space<vmem>>
        %get3A_1717 = tpu.memref_squeeze %get3A_1716 : memref<1x16x128xf32, #tpu.memory_space<vmem>> -> memref<16x128xf32, #tpu.memory_space<vmem>>
        %get3A_1718 = arith.index_cast %get3A_1713 : i32 to index
        %get3A_1719 = arith.constant 48 : index
        %get3A_1720 = tpu.vector_load %get3A_1717[%get3A_1718, %get3A_1719] {strides = array<i32>} : memref<16x128xf32, #tpu.memory_space<vmem>>, vector<1x16xf32>,
        %get3A_1721 = vector.shape_cast %get3A_1720 : vector<1x16xf32> to vector<16xf32>
        %get3A_1722 = arith.constant 3 : i32
        %get3A_1723 = arith.constant 0 : i32
        %get3A_1724 = arith.constant 0 : i32
        %get3A_1725 = tpu.memref_slice %run_scoped3A[%rem3A_230, %get3A_1723, %get3A_1724] : memref<2x16x128xf32, #tpu.memory_space<vmem>> -> memref<1x16x128xf32, #tpu.memory_space<vmem>>
        %get3A_1726 = tpu.memref_squeeze %get3A_1725 : memref<1x16x128xf32, #tpu.memory_space<vmem>> -> memref<16x128xf32, #tpu.memory_space<vmem>>
        %get3A_1727 = arith.index_cast %get3A_1722 : i32 to index
        %get3A_1728 = arith.constant 48 : index
        %get3A_1729 = tpu.vector_load %get3A_1726[%get3A_1727, %get3A_1728] {strides = array<i32>} : memref<16x128xf32, #tpu.memory_space<vmem>>, vector<1x16xf32>,
        %get3A_1730 = vector.shape_cast %get3A_1729 : vector<1x16xf32> to vector<16xf32>
        %get3A_1731 = arith.constant 4 : i32
        %get3A_1732 = arith.constant 0 : i32
        %get3A_1733 = arith.constant 0 : i32
        %get3A_1734 = tpu.memref_slice %run_scoped3A[%rem3A_230, %get3A_1732, %get3A_1733] : memref<2x16x128xf32, #tpu.memory_space<vmem>> -> memref<1x16x128xf32, #tpu.memory_space<vmem>>
        %get3A_1735 = tpu.memref_squeeze %get3A_1734 : memref<1x16x128xf32, #tpu.memory_space<vmem>> -> memref<16x128xf32, #tpu.memory_space<vmem>>
        %get3A_1736 = arith.index_cast %get3A_1731 : i32 to index
        %get3A_1737 = arith.constant 48 : index
        %get3A_1738 = tpu.vector_load %get3A_1735[%get3A_1736, %get3A_1737] {strides = array<i32>} : memref<16x128xf32, #tpu.memory_space<vmem>>, vector<1x16xf32>,
        %get3A_1739 = vector.shape_cast %get3A_1738 : vector<1x16xf32> to vector<16xf32>
        %get3A_1740 = arith.constant 5 : i32
        %get3A_1741 = arith.constant 0 : i32
        %get3A_1742 = arith.constant 0 : i32
        %get3A_1743 = tpu.memref_slice %run_scoped3A[%rem3A_230, %get3A_1741, %get3A_1742] : memref<2x16x128xf32, #tpu.memory_space<vmem>> -> memref<1x16x128xf32, #tpu.memory_space<vmem>>
        %get3A_1744 = tpu.memref_squeeze %get3A_1743 : memref<1x16x128xf32, #tpu.memory_space<vmem>> -> memref<16x128xf32, #tpu.memory_space<vmem>>
        %get3A_1745 = arith.index_cast %get3A_1740 : i32 to index
        %get3A_1746 = arith.constant 48 : index
        %get3A_1747 = tpu.vector_load %get3A_1744[%get3A_1745, %get3A_1746] {strides = array<i32>} : memref<16x128xf32, #tpu.memory_space<vmem>>, vector<1x16xf32>,
        %get3A_1748 = vector.shape_cast %get3A_1747 : vector<1x16xf32> to vector<16xf32>
        %get3A_1749 = arith.constant 6 : i32
        %get3A_1750 = arith.constant 0 : i32
        %get3A_1751 = arith.constant 0 : i32
        %get3A_1752 = tpu.memref_slice %run_scoped3A[%rem3A_230, %get3A_1750, %get3A_1751] : memref<2x16x128xf32, #tpu.memory_space<vmem>> -> memref<1x16x128xf32, #tpu.memory_space<vmem>>
        %get3A_1753 = tpu.memref_squeeze %get3A_1752 : memref<1x16x128xf32, #tpu.memory_space<vmem>> -> memref<16x128xf32, #tpu.memory_space<vmem>>
        %get3A_1754 = arith.index_cast %get3A_1749 : i32 to index
        %get3A_1755 = arith.constant 48 : index
        %get3A_1756 = tpu.vector_load %get3A_1753[%get3A_1754, %get3A_1755] {strides = array<i32>} : memref<16x128xf32, #tpu.memory_space<vmem>>, vector<1x16xf32>,
        %get3A_1757 = vector.shape_cast %get3A_1756 : vector<1x16xf32> to vector<16xf32>
        %get3A_1758 = arith.constant 7 : i32
        %get3A_1759 = arith.constant 0 : i32
        %get3A_1760 = arith.constant 0 : i32
        %get3A_1761 = tpu.memref_slice %run_scoped3A[%rem3A_230, %get3A_1759, %get3A_1760] : memref<2x16x128xf32, #tpu.memory_space<vmem>> -> memref<1x16x128xf32, #tpu.memory_space<vmem>>
        %get3A_1762 = tpu.memref_squeeze %get3A_1761 : memref<1x16x128xf32, #tpu.memory_space<vmem>> -> memref<16x128xf32, #tpu.memory_space<vmem>>
        %get3A_1763 = arith.index_cast %get3A_1758 : i32 to index
        %get3A_1764 = arith.constant 48 : index
        %get3A_1765 = tpu.vector_load %get3A_1762[%get3A_1763, %get3A_1764] {strides = array<i32>} : memref<16x128xf32, #tpu.memory_space<vmem>>, vector<1x16xf32>,
        %get3A_1766 = vector.shape_cast %get3A_1765 : vector<1x16xf32> to vector<16xf32>
        %get3A_1767 = arith.constant 8 : i32
        %get3A_1768 = arith.constant 0 : i32
        %get3A_1769 = arith.constant 0 : i32
        %get3A_1770 = tpu.memref_slice %run_scoped3A[%rem3A_230, %get3A_1768, %get3A_1769] : memref<2x16x128xf32, #tpu.memory_space<vmem>> -> memref<1x16x128xf32, #tpu.memory_space<vmem>>
        %get3A_1771 = tpu.memref_squeeze %get3A_1770 : memref<1x16x128xf32, #tpu.memory_space<vmem>> -> memref<16x128xf32, #tpu.memory_space<vmem>>
        %get3A_1772 = arith.index_cast %get3A_1767 : i32 to index
        %get3A_1773 = arith.constant 48 : index
        %get3A_1774 = tpu.vector_load %get3A_1771[%get3A_1772, %get3A_1773] {strides = array<i32>} : memref<16x128xf32, #tpu.memory_space<vmem>>, vector<1x16xf32>,
        %get3A_1775 = vector.shape_cast %get3A_1774 : vector<1x16xf32> to vector<16xf32>
        %get3A_1776 = arith.constant 9 : i32
        %get3A_1777 = arith.constant 0 : i32
        %get3A_1778 = arith.constant 0 : i32
        %get3A_1779 = tpu.memref_slice %run_scoped3A[%rem3A_230, %get3A_1777, %get3A_1778] : memref<2x16x128xf32, #tpu.memory_space<vmem>> -> memref<1x16x128xf32, #tpu.memory_space<vmem>>
        %get3A_1780 = tpu.memref_squeeze %get3A_1779 : memref<1x16x128xf32, #tpu.memory_space<vmem>> -> memref<16x128xf32, #tpu.memory_space<vmem>>
        %get3A_1781 = arith.index_cast %get3A_1776 : i32 to index
        %get3A_1782 = arith.constant 48 : index
        %get3A_1783 = tpu.vector_load %get3A_1780[%get3A_1781, %get3A_1782] {strides = array<i32>} : memref<16x128xf32, #tpu.memory_space<vmem>>, vector<1x16xf32>,
        %get3A_1784 = vector.shape_cast %get3A_1783 : vector<1x16xf32> to vector<16xf32>
        %get3A_1785 = arith.constant 10 : i32
        %get3A_1786 = arith.constant 0 : i32
        %get3A_1787 = arith.constant 0 : i32
        %get3A_1788 = tpu.memref_slice %run_scoped3A[%rem3A_230, %get3A_1786, %get3A_1787] : memref<2x16x128xf32, #tpu.memory_space<vmem>> -> memref<1x16x128xf32, #tpu.memory_space<vmem>>
        %get3A_1789 = tpu.memref_squeeze %get3A_1788 : memref<1x16x128xf32, #tpu.memory_space<vmem>> -> memref<16x128xf32, #tpu.memory_space<vmem>>
        %get3A_1790 = arith.index_cast %get3A_1785 : i32 to index
        %get3A_1791 = arith.constant 48 : index
        %get3A_1792 = tpu.vector_load %get3A_1789[%get3A_1790, %get3A_1791] {strides = array<i32>} : memref<16x128xf32, #tpu.memory_space<vmem>>, vector<1x16xf32>,
        %get3A_1793 = vector.shape_cast %get3A_1792 : vector<1x16xf32> to vector<16xf32>
        %get3A_1794 = arith.constant 11 : i32
        %get3A_1795 = arith.constant 0 : i32
        %get3A_1796 = arith.constant 0 : i32
        %get3A_1797 = tpu.memref_slice %run_scoped3A[%rem3A_230, %get3A_1795, %get3A_1796] : memref<2x16x128xf32, #tpu.memory_space<vmem>> -> memref<1x16x128xf32, #tpu.memory_space<vmem>>
        %get3A_1798 = tpu.memref_squeeze %get3A_1797 : memref<1x16x128xf32, #tpu.memory_space<vmem>> -> memref<16x128xf32, #tpu.memory_space<vmem>>
        %get3A_1799 = arith.index_cast %get3A_1794 : i32 to index
        %get3A_1800 = arith.constant 48 : index
        %get3A_1801 = tpu.vector_load %get3A_1798[%get3A_1799, %get3A_1800] {strides = array<i32>} : memref<16x128xf32, #tpu.memory_space<vmem>>, vector<1x16xf32>,
        %get3A_1802 = vector.shape_cast %get3A_1801 : vector<1x16xf32> to vector<16xf32>
        %get3A_1803 = arith.constant 12 : i32
        %get3A_1804 = arith.constant 0 : i32
        %get3A_1805 = arith.constant 0 : i32
        %get3A_1806 = tpu.memref_slice %run_scoped3A[%rem3A_230, %get3A_1804, %get3A_1805] : memref<2x16x128xf32, #tpu.memory_space<vmem>> -> memref<1x16x128xf32, #tpu.memory_space<vmem>>
        %get3A_1807 = tpu.memref_squeeze %get3A_1806 : memref<1x16x128xf32, #tpu.memory_space<vmem>> -> memref<16x128xf32, #tpu.memory_space<vmem>>
        %get3A_1808 = arith.index_cast %get3A_1803 : i32 to index
        %get3A_1809 = arith.constant 48 : index
        %get3A_1810 = tpu.vector_load %get3A_1807[%get3A_1808, %get3A_1809] {strides = array<i32>} : memref<16x128xf32, #tpu.memory_space<vmem>>, vector<1x16xf32>,
        %get3A_1811 = vector.shape_cast %get3A_1810 : vector<1x16xf32> to vector<16xf32>
        %get3A_1812 = arith.constant 13 : i32
        %get3A_1813 = arith.constant 0 : i32
        %get3A_1814 = arith.constant 0 : i32
        %get3A_1815 = tpu.memref_slice %run_scoped3A[%rem3A_230, %get3A_1813, %get3A_1814] : memref<2x16x128xf32, #tpu.memory_space<vmem>> -> memref<1x16x128xf32, #tpu.memory_space<vmem>>
        %get3A_1816 = tpu.memref_squeeze %get3A_1815 : memref<1x16x128xf32, #tpu.memory_space<vmem>> -> memref<16x128xf32, #tpu.memory_space<vmem>>
        %get3A_1817 = arith.index_cast %get3A_1812 : i32 to index
        %get3A_1818 = arith.constant 48 : index
        %get3A_1819 = tpu.vector_load %get3A_1816[%get3A_1817, %get3A_1818] {strides = array<i32>} : memref<16x128xf32, #tpu.memory_space<vmem>>, vector<1x16xf32>,
        %get3A_1820 = vector.shape_cast %get3A_1819 : vector<1x16xf32> to vector<16xf32>
        %get3A_1821 = arith.constant 14 : i32
        %get3A_1822 = arith.constant 0 : i32
        %get3A_1823 = arith.constant 0 : i32
        %get3A_1824 = tpu.memref_slice %run_scoped3A[%rem3A_230, %get3A_1822, %get3A_1823] : memref<2x16x128xf32, #tpu.memory_space<vmem>> -> memref<1x16x128xf32, #tpu.memory_space<vmem>>
        %get3A_1825 = tpu.memref_squeeze %get3A_1824 : memref<1x16x128xf32, #tpu.memory_space<vmem>> -> memref<16x128xf32, #tpu.memory_space<vmem>>
        %get3A_1826 = arith.index_cast %get3A_1821 : i32 to index
        %get3A_1827 = arith.constant 48 : index
        %get3A_1828 = tpu.vector_load %get3A_1825[%get3A_1826, %get3A_1827] {strides = array<i32>} : memref<16x128xf32, #tpu.memory_space<vmem>>, vector<1x16xf32>,
        %get3A_1829 = vector.shape_cast %get3A_1828 : vector<1x16xf32> to vector<16xf32>
        %get3A_1830 = arith.constant 15 : i32
        %get3A_1831 = arith.constant 0 : i32
        %get3A_1832 = arith.constant 0 : i32
        %get3A_1833 = tpu.memref_slice %run_scoped3A[%rem3A_230, %get3A_1831, %get3A_1832] : memref<2x16x128xf32, #tpu.memory_space<vmem>> -> memref<1x16x128xf32, #tpu.memory_space<vmem>>
        %get3A_1834 = tpu.memref_squeeze %get3A_1833 : memref<1x16x128xf32, #tpu.memory_space<vmem>> -> memref<16x128xf32, #tpu.memory_space<vmem>>
        %get3A_1835 = arith.index_cast %get3A_1830 : i32 to index
        %get3A_1836 = arith.constant 48 : index
        %get3A_1837 = tpu.vector_load %get3A_1834[%get3A_1835, %get3A_1836] {strides = array<i32>} : memref<16x128xf32, #tpu.memory_space<vmem>>, vector<1x16xf32>,
        %get3A_1838 = vector.shape_cast %get3A_1837 : vector<1x16xf32> to vector<16xf32>
        %max3A_1839 = arith.maximumf %get3A_1703, %get3A_1712 : vector<16xf32>
        %max3A_1840 = arith.maximumf %max3A_1839, %get3A_1721 : vector<16xf32>
        %max3A_1841 = arith.maximumf %max3A_1840, %get3A_1730 : vector<16xf32>
        %max3A_1842 = arith.maximumf %max3A_1841, %get3A_1739 : vector<16xf32>
        %max3A_1843 = arith.maximumf %max3A_1842, %get3A_1748 : vector<16xf32>
        %max3A_1844 = arith.maximumf %max3A_1843, %get3A_1757 : vector<16xf32>
        %max3A_1845 = arith.maximumf %max3A_1844, %get3A_1766 : vector<16xf32>
        %max3A_1846 = arith.maximumf %max3A_1845, %get3A_1775 : vector<16xf32>
        %max3A_1847 = arith.maximumf %max3A_1846, %get3A_1784 : vector<16xf32>
        %max3A_1848 = arith.maximumf %max3A_1847, %get3A_1793 : vector<16xf32>
        %max3A_1849 = arith.maximumf %max3A_1848, %get3A_1802 : vector<16xf32>
        %max3A_1850 = arith.maximumf %max3A_1849, %get3A_1811 : vector<16xf32>
        %max3A_1851 = arith.maximumf %max3A_1850, %get3A_1820 : vector<16xf32>
        %max3A_1852 = arith.maximumf %max3A_1851, %get3A_1829 : vector<16xf32>
        %max3A_1853 = arith.maximumf %max3A_1852, %get3A_1838 : vector<16xf32>
        %broadcast_in_dim3A_1854 = arith.constant 16 : i32
        %broadcast_in_dim3A_1855 = vector.broadcast %broadcast_in_dim3A_1854 : i32 to vector<16xi32>
        %eq3A_1856 = arith.cmpf oeq, %get3A_1838, %max3A_1853 : vector<16xf32>
        %jit3A_1857 = arith.constant 15 : i32
        %broadcast_in_dim3A_1858 = vector.broadcast %jit3A_1857 : i32 to vector<16xi32>
        %select_n3A_1859 = arith.select %eq3A_1856, %broadcast_in_dim3A_1858, %broadcast_in_dim3A_1855 : vector<16xi1>, vector<16xi32>
        %eq3A_1860 = arith.cmpf oeq, %get3A_1829, %max3A_1853 : vector<16xf32>
        %jit3A_1861 = arith.constant 14 : i32
        %broadcast_in_dim3A_1862 = vector.broadcast %jit3A_1861 : i32 to vector<16xi32>
        %select_n3A_1863 = arith.select %eq3A_1860, %broadcast_in_dim3A_1862, %select_n3A_1859 : vector<16xi1>, vector<16xi32>
        %eq3A_1864 = arith.cmpf oeq, %get3A_1820, %max3A_1853 : vector<16xf32>
        %jit3A_1865 = arith.constant 13 : i32
        %broadcast_in_dim3A_1866 = vector.broadcast %jit3A_1865 : i32 to vector<16xi32>
        %select_n3A_1867 = arith.select %eq3A_1864, %broadcast_in_dim3A_1866, %select_n3A_1863 : vector<16xi1>, vector<16xi32>
        %eq3A_1868 = arith.cmpf oeq, %get3A_1811, %max3A_1853 : vector<16xf32>
        %jit3A_1869 = arith.constant 12 : i32
        %broadcast_in_dim3A_1870 = vector.broadcast %jit3A_1869 : i32 to vector<16xi32>
        %select_n3A_1871 = arith.select %eq3A_1868, %broadcast_in_dim3A_1870, %select_n3A_1867 : vector<16xi1>, vector<16xi32>
        %eq3A_1872 = arith.cmpf oeq, %get3A_1802, %max3A_1853 : vector<16xf32>
        %jit3A_1873 = arith.constant 11 : i32
        %broadcast_in_dim3A_1874 = vector.broadcast %jit3A_1873 : i32 to vector<16xi32>
        %select_n3A_1875 = arith.select %eq3A_1872, %broadcast_in_dim3A_1874, %select_n3A_1871 : vector<16xi1>, vector<16xi32>
        %eq3A_1876 = arith.cmpf oeq, %get3A_1793, %max3A_1853 : vector<16xf32>
        %jit3A_1877 = arith.constant 10 : i32
        %broadcast_in_dim3A_1878 = vector.broadcast %jit3A_1877 : i32 to vector<16xi32>
        %select_n3A_1879 = arith.select %eq3A_1876, %broadcast_in_dim3A_1878, %select_n3A_1875 : vector<16xi1>, vector<16xi32>
        %eq3A_1880 = arith.cmpf oeq, %get3A_1784, %max3A_1853 : vector<16xf32>
        %jit3A_1881 = arith.constant 9 : i32
        %broadcast_in_dim3A_1882 = vector.broadcast %jit3A_1881 : i32 to vector<16xi32>
        %select_n3A_1883 = arith.select %eq3A_1880, %broadcast_in_dim3A_1882, %select_n3A_1879 : vector<16xi1>, vector<16xi32>
        %eq3A_1884 = arith.cmpf oeq, %get3A_1775, %max3A_1853 : vector<16xf32>
        %jit3A_1885 = arith.constant 8 : i32
        %broadcast_in_dim3A_1886 = vector.broadcast %jit3A_1885 : i32 to vector<16xi32>
        %select_n3A_1887 = arith.select %eq3A_1884, %broadcast_in_dim3A_1886, %select_n3A_1883 : vector<16xi1>, vector<16xi32>
        %eq3A_1888 = arith.cmpf oeq, %get3A_1766, %max3A_1853 : vector<16xf32>
        %jit3A_1889 = arith.constant 7 : i32
        %broadcast_in_dim3A_1890 = vector.broadcast %jit3A_1889 : i32 to vector<16xi32>
        %select_n3A_1891 = arith.select %eq3A_1888, %broadcast_in_dim3A_1890, %select_n3A_1887 : vector<16xi1>, vector<16xi32>
        %eq3A_1892 = arith.cmpf oeq, %get3A_1757, %max3A_1853 : vector<16xf32>
        %jit3A_1893 = arith.constant 6 : i32
        %broadcast_in_dim3A_1894 = vector.broadcast %jit3A_1893 : i32 to vector<16xi32>
        %select_n3A_1895 = arith.select %eq3A_1892, %broadcast_in_dim3A_1894, %select_n3A_1891 : vector<16xi1>, vector<16xi32>
        %eq3A_1896 = arith.cmpf oeq, %get3A_1748, %max3A_1853 : vector<16xf32>
        %jit3A_1897 = arith.constant 5 : i32
        %broadcast_in_dim3A_1898 = vector.broadcast %jit3A_1897 : i32 to vector<16xi32>
        %select_n3A_1899 = arith.select %eq3A_1896, %broadcast_in_dim3A_1898, %select_n3A_1895 : vector<16xi1>, vector<16xi32>
        %eq3A_1900 = arith.cmpf oeq, %get3A_1739, %max3A_1853 : vector<16xf32>
        %jit3A_1901 = arith.constant 4 : i32
        %broadcast_in_dim3A_1902 = vector.broadcast %jit3A_1901 : i32 to vector<16xi32>
        %select_n3A_1903 = arith.select %eq3A_1900, %broadcast_in_dim3A_1902, %select_n3A_1899 : vector<16xi1>, vector<16xi32>
        %eq3A_1904 = arith.cmpf oeq, %get3A_1730, %max3A_1853 : vector<16xf32>
        %jit3A_1905 = arith.constant 3 : i32
        %broadcast_in_dim3A_1906 = vector.broadcast %jit3A_1905 : i32 to vector<16xi32>
        %select_n3A_1907 = arith.select %eq3A_1904, %broadcast_in_dim3A_1906, %select_n3A_1903 : vector<16xi1>, vector<16xi32>
        %eq3A_1908 = arith.cmpf oeq, %get3A_1721, %max3A_1853 : vector<16xf32>
        %jit3A_1909 = arith.constant 2 : i32
        %broadcast_in_dim3A_1910 = vector.broadcast %jit3A_1909 : i32 to vector<16xi32>
        %select_n3A_1911 = arith.select %eq3A_1908, %broadcast_in_dim3A_1910, %select_n3A_1907 : vector<16xi1>, vector<16xi32>
        %eq3A_1912 = arith.cmpf oeq, %get3A_1712, %max3A_1853 : vector<16xf32>
        %jit3A_1913 = arith.constant 1 : i32
        %broadcast_in_dim3A_1914 = vector.broadcast %jit3A_1913 : i32 to vector<16xi32>
        %select_n3A_1915 = arith.select %eq3A_1912, %broadcast_in_dim3A_1914, %select_n3A_1911 : vector<16xi1>, vector<16xi32>
        %eq3A_1916 = arith.cmpf oeq, %get3A_1703, %max3A_1853 : vector<16xf32>
        %jit3A_1917 = arith.constant 0 : i32
        %broadcast_in_dim3A_1918 = vector.broadcast %jit3A_1917 : i32 to vector<16xi32>
        %select_n3A_1919 = arith.select %eq3A_1916, %broadcast_in_dim3A_1918, %select_n3A_1915 : vector<16xi1>, vector<16xi32>
        %broadcast_in_dim3A_1920 = arith.constant 0xFF800000 : f32
        %broadcast_in_dim3A_1921 = vector.broadcast %broadcast_in_dim3A_1920 : f32 to vector<16xf32>
        %eq3A_1922 = arith.constant 0 : i32
        %eq3A_1923 = vector.broadcast %eq3A_1922 : i32 to vector<16xi32>
        %eq3A_1924 = arith.cmpi eq, %select_n3A_1919, %eq3A_1923 : vector<16xi32>
        %select_n3A_1925 = arith.select %eq3A_1924, %broadcast_in_dim3A_1921, %get3A_1703 : vector<16xi1>, vector<16xf32>
        %max3A_1926 = arith.maximumf %broadcast_in_dim3A_1921, %select_n3A_1925 : vector<16xf32>
        %eq3A_1927 = arith.constant 1 : i32
        %eq3A_1928 = vector.broadcast %eq3A_1927 : i32 to vector<16xi32>
        %eq3A_1929 = arith.cmpi eq, %select_n3A_1919, %eq3A_1928 : vector<16xi32>
        %select_n3A_1930 = arith.select %eq3A_1929, %broadcast_in_dim3A_1921, %get3A_1712 : vector<16xi1>, vector<16xf32>
        %max3A_1931 = arith.maximumf %max3A_1926, %select_n3A_1930 : vector<16xf32>
        %eq3A_1932 = arith.constant 2 : i32
        %eq3A_1933 = vector.broadcast %eq3A_1932 : i32 to vector<16xi32>
        %eq3A_1934 = arith.cmpi eq, %select_n3A_1919, %eq3A_1933 : vector<16xi32>
        %select_n3A_1935 = arith.select %eq3A_1934, %broadcast_in_dim3A_1921, %get3A_1721 : vector<16xi1>, vector<16xf32>
        %max3A_1936 = arith.maximumf %max3A_1931, %select_n3A_1935 : vector<16xf32>
        %eq3A_1937 = arith.constant 3 : i32
        %eq3A_1938 = vector.broadcast %eq3A_1937 : i32 to vector<16xi32>
        %eq3A_1939 = arith.cmpi eq, %select_n3A_1919, %eq3A_1938 : vector<16xi32>
        %select_n3A_1940 = arith.select %eq3A_1939, %broadcast_in_dim3A_1921, %get3A_1730 : vector<16xi1>, vector<16xf32>
        %max3A_1941 = arith.maximumf %max3A_1936, %select_n3A_1940 : vector<16xf32>
        %eq3A_1942 = arith.constant 4 : i32
        %eq3A_1943 = vector.broadcast %eq3A_1942 : i32 to vector<16xi32>
        %eq3A_1944 = arith.cmpi eq, %select_n3A_1919, %eq3A_1943 : vector<16xi32>
        %select_n3A_1945 = arith.select %eq3A_1944, %broadcast_in_dim3A_1921, %get3A_1739 : vector<16xi1>, vector<16xf32>
        %max3A_1946 = arith.maximumf %max3A_1941, %select_n3A_1945 : vector<16xf32>
        %eq3A_1947 = arith.constant 5 : i32
        %eq3A_1948 = vector.broadcast %eq3A_1947 : i32 to vector<16xi32>
        %eq3A_1949 = arith.cmpi eq, %select_n3A_1919, %eq3A_1948 : vector<16xi32>
        %select_n3A_1950 = arith.select %eq3A_1949, %broadcast_in_dim3A_1921, %get3A_1748 : vector<16xi1>, vector<16xf32>
        %max3A_1951 = arith.maximumf %max3A_1946, %select_n3A_1950 : vector<16xf32>
        %eq3A_1952 = arith.constant 6 : i32
        %eq3A_1953 = vector.broadcast %eq3A_1952 : i32 to vector<16xi32>
        %eq3A_1954 = arith.cmpi eq, %select_n3A_1919, %eq3A_1953 : vector<16xi32>
        %select_n3A_1955 = arith.select %eq3A_1954, %broadcast_in_dim3A_1921, %get3A_1757 : vector<16xi1>, vector<16xf32>
        %max3A_1956 = arith.maximumf %max3A_1951, %select_n3A_1955 : vector<16xf32>
        %eq3A_1957 = arith.constant 7 : i32
        %eq3A_1958 = vector.broadcast %eq3A_1957 : i32 to vector<16xi32>
        %eq3A_1959 = arith.cmpi eq, %select_n3A_1919, %eq3A_1958 : vector<16xi32>
        %select_n3A_1960 = arith.select %eq3A_1959, %broadcast_in_dim3A_1921, %get3A_1766 : vector<16xi1>, vector<16xf32>
        %max3A_1961 = arith.maximumf %max3A_1956, %select_n3A_1960 : vector<16xf32>
        %eq3A_1962 = arith.constant 8 : i32
        %eq3A_1963 = vector.broadcast %eq3A_1962 : i32 to vector<16xi32>
        %eq3A_1964 = arith.cmpi eq, %select_n3A_1919, %eq3A_1963 : vector<16xi32>
        %select_n3A_1965 = arith.select %eq3A_1964, %broadcast_in_dim3A_1921, %get3A_1775 : vector<16xi1>, vector<16xf32>
        %max3A_1966 = arith.maximumf %max3A_1961, %select_n3A_1965 : vector<16xf32>
        %eq3A_1967 = arith.constant 9 : i32
        %eq3A_1968 = vector.broadcast %eq3A_1967 : i32 to vector<16xi32>
        %eq3A_1969 = arith.cmpi eq, %select_n3A_1919, %eq3A_1968 : vector<16xi32>
        %select_n3A_1970 = arith.select %eq3A_1969, %broadcast_in_dim3A_1921, %get3A_1784 : vector<16xi1>, vector<16xf32>
        %max3A_1971 = arith.maximumf %max3A_1966, %select_n3A_1970 : vector<16xf32>
        %eq3A_1972 = arith.constant 10 : i32
        %eq3A_1973 = vector.broadcast %eq3A_1972 : i32 to vector<16xi32>
        %eq3A_1974 = arith.cmpi eq, %select_n3A_1919, %eq3A_1973 : vector<16xi32>
        %select_n3A_1975 = arith.select %eq3A_1974, %broadcast_in_dim3A_1921, %get3A_1793 : vector<16xi1>, vector<16xf32>
        %max3A_1976 = arith.maximumf %max3A_1971, %select_n3A_1975 : vector<16xf32>
        %eq3A_1977 = arith.constant 11 : i32
        %eq3A_1978 = vector.broadcast %eq3A_1977 : i32 to vector<16xi32>
        %eq3A_1979 = arith.cmpi eq, %select_n3A_1919, %eq3A_1978 : vector<16xi32>
        %select_n3A_1980 = arith.select %eq3A_1979, %broadcast_in_dim3A_1921, %get3A_1802 : vector<16xi1>, vector<16xf32>
        %max3A_1981 = arith.maximumf %max3A_1976, %select_n3A_1980 : vector<16xf32>
        %eq3A_1982 = arith.constant 12 : i32
        %eq3A_1983 = vector.broadcast %eq3A_1982 : i32 to vector<16xi32>
        %eq3A_1984 = arith.cmpi eq, %select_n3A_1919, %eq3A_1983 : vector<16xi32>
        %select_n3A_1985 = arith.select %eq3A_1984, %broadcast_in_dim3A_1921, %get3A_1811 : vector<16xi1>, vector<16xf32>
        %max3A_1986 = arith.maximumf %max3A_1981, %select_n3A_1985 : vector<16xf32>
        %eq3A_1987 = arith.constant 13 : i32
        %eq3A_1988 = vector.broadcast %eq3A_1987 : i32 to vector<16xi32>
        %eq3A_1989 = arith.cmpi eq, %select_n3A_1919, %eq3A_1988 : vector<16xi32>
        %select_n3A_1990 = arith.select %eq3A_1989, %broadcast_in_dim3A_1921, %get3A_1820 : vector<16xi1>, vector<16xf32>
        %max3A_1991 = arith.maximumf %max3A_1986, %select_n3A_1990 : vector<16xf32>
        %eq3A_1992 = arith.constant 14 : i32
        %eq3A_1993 = vector.broadcast %eq3A_1992 : i32 to vector<16xi32>
        %eq3A_1994 = arith.cmpi eq, %select_n3A_1919, %eq3A_1993 : vector<16xi32>
        %select_n3A_1995 = arith.select %eq3A_1994, %broadcast_in_dim3A_1921, %get3A_1829 : vector<16xi1>, vector<16xf32>
        %max3A_1996 = arith.maximumf %max3A_1991, %select_n3A_1995 : vector<16xf32>
        %eq3A_1997 = arith.constant 15 : i32
        %eq3A_1998 = vector.broadcast %eq3A_1997 : i32 to vector<16xi32>
        %eq3A_1999 = arith.cmpi eq, %select_n3A_1919, %eq3A_1998 : vector<16xi32>
        %select_n3A_2000 = arith.select %eq3A_1999, %broadcast_in_dim3A_1921, %get3A_1838 : vector<16xi1>, vector<16xf32>
        %max3A_2001 = arith.maximumf %max3A_1996, %select_n3A_2000 : vector<16xf32>
        %broadcast_in_dim3A_2002 = arith.constant 16 : i32
        %broadcast_in_dim3A_2003 = vector.broadcast %broadcast_in_dim3A_2002 : i32 to vector<16xi32>
        %eq3A_2004 = arith.constant 15 : i32
        %eq3A_2005 = vector.broadcast %eq3A_2004 : i32 to vector<16xi32>
        %eq3A_2006 = arith.cmpi eq, %select_n3A_1919, %eq3A_2005 : vector<16xi32>
        %select_n3A_2007 = arith.select %eq3A_2006, %broadcast_in_dim3A_1921, %get3A_1838 : vector<16xi1>, vector<16xf32>
        %eq3A_2008 = arith.cmpf oeq, %select_n3A_2007, %max3A_2001 : vector<16xf32>
        %jit3A_2009 = arith.constant 15 : i32
        %broadcast_in_dim3A_2010 = vector.broadcast %jit3A_2009 : i32 to vector<16xi32>
        %select_n3A_2011 = arith.select %eq3A_2008, %broadcast_in_dim3A_2010, %broadcast_in_dim3A_2003 : vector<16xi1>, vector<16xi32>
        %eq3A_2012 = arith.constant 14 : i32
        %eq3A_2013 = vector.broadcast %eq3A_2012 : i32 to vector<16xi32>
        %eq3A_2014 = arith.cmpi eq, %select_n3A_1919, %eq3A_2013 : vector<16xi32>
        %select_n3A_2015 = arith.select %eq3A_2014, %broadcast_in_dim3A_1921, %get3A_1829 : vector<16xi1>, vector<16xf32>
        %eq3A_2016 = arith.cmpf oeq, %select_n3A_2015, %max3A_2001 : vector<16xf32>
        %jit3A_2017 = arith.constant 14 : i32
        %broadcast_in_dim3A_2018 = vector.broadcast %jit3A_2017 : i32 to vector<16xi32>
        %select_n3A_2019 = arith.select %eq3A_2016, %broadcast_in_dim3A_2018, %select_n3A_2011 : vector<16xi1>, vector<16xi32>
        %eq3A_2020 = arith.constant 13 : i32
        %eq3A_2021 = vector.broadcast %eq3A_2020 : i32 to vector<16xi32>
        %eq3A_2022 = arith.cmpi eq, %select_n3A_1919, %eq3A_2021 : vector<16xi32>
        %select_n3A_2023 = arith.select %eq3A_2022, %broadcast_in_dim3A_1921, %get3A_1820 : vector<16xi1>, vector<16xf32>
        %eq3A_2024 = arith.cmpf oeq, %select_n3A_2023, %max3A_2001 : vector<16xf32>
        %jit3A_2025 = arith.constant 13 : i32
        %broadcast_in_dim3A_2026 = vector.broadcast %jit3A_2025 : i32 to vector<16xi32>
        %select_n3A_2027 = arith.select %eq3A_2024, %broadcast_in_dim3A_2026, %select_n3A_2019 : vector<16xi1>, vector<16xi32>
        %eq3A_2028 = arith.constant 12 : i32
        %eq3A_2029 = vector.broadcast %eq3A_2028 : i32 to vector<16xi32>
        %eq3A_2030 = arith.cmpi eq, %select_n3A_1919, %eq3A_2029 : vector<16xi32>
        %select_n3A_2031 = arith.select %eq3A_2030, %broadcast_in_dim3A_1921, %get3A_1811 : vector<16xi1>, vector<16xf32>
        %eq3A_2032 = arith.cmpf oeq, %select_n3A_2031, %max3A_2001 : vector<16xf32>
        %jit3A_2033 = arith.constant 12 : i32
        %broadcast_in_dim3A_2034 = vector.broadcast %jit3A_2033 : i32 to vector<16xi32>
        %select_n3A_2035 = arith.select %eq3A_2032, %broadcast_in_dim3A_2034, %select_n3A_2027 : vector<16xi1>, vector<16xi32>
        %eq3A_2036 = arith.constant 11 : i32
        %eq3A_2037 = vector.broadcast %eq3A_2036 : i32 to vector<16xi32>
        %eq3A_2038 = arith.cmpi eq, %select_n3A_1919, %eq3A_2037 : vector<16xi32>
        %select_n3A_2039 = arith.select %eq3A_2038, %broadcast_in_dim3A_1921, %get3A_1802 : vector<16xi1>, vector<16xf32>
        %eq3A_2040 = arith.cmpf oeq, %select_n3A_2039, %max3A_2001 : vector<16xf32>
        %jit3A_2041 = arith.constant 11 : i32
        %broadcast_in_dim3A_2042 = vector.broadcast %jit3A_2041 : i32 to vector<16xi32>
        %select_n3A_2043 = arith.select %eq3A_2040, %broadcast_in_dim3A_2042, %select_n3A_2035 : vector<16xi1>, vector<16xi32>
        %eq3A_2044 = arith.constant 10 : i32
        %eq3A_2045 = vector.broadcast %eq3A_2044 : i32 to vector<16xi32>
        %eq3A_2046 = arith.cmpi eq, %select_n3A_1919, %eq3A_2045 : vector<16xi32>
        %select_n3A_2047 = arith.select %eq3A_2046, %broadcast_in_dim3A_1921, %get3A_1793 : vector<16xi1>, vector<16xf32>
        %eq3A_2048 = arith.cmpf oeq, %select_n3A_2047, %max3A_2001 : vector<16xf32>
        %jit3A_2049 = arith.constant 10 : i32
        %broadcast_in_dim3A_2050 = vector.broadcast %jit3A_2049 : i32 to vector<16xi32>
        %select_n3A_2051 = arith.select %eq3A_2048, %broadcast_in_dim3A_2050, %select_n3A_2043 : vector<16xi1>, vector<16xi32>
        %eq3A_2052 = arith.constant 9 : i32
        %eq3A_2053 = vector.broadcast %eq3A_2052 : i32 to vector<16xi32>
        %eq3A_2054 = arith.cmpi eq, %select_n3A_1919, %eq3A_2053 : vector<16xi32>
        %select_n3A_2055 = arith.select %eq3A_2054, %broadcast_in_dim3A_1921, %get3A_1784 : vector<16xi1>, vector<16xf32>
        %eq3A_2056 = arith.cmpf oeq, %select_n3A_2055, %max3A_2001 : vector<16xf32>
        %jit3A_2057 = arith.constant 9 : i32
        %broadcast_in_dim3A_2058 = vector.broadcast %jit3A_2057 : i32 to vector<16xi32>
        %select_n3A_2059 = arith.select %eq3A_2056, %broadcast_in_dim3A_2058, %select_n3A_2051 : vector<16xi1>, vector<16xi32>
        %eq3A_2060 = arith.constant 8 : i32
        %eq3A_2061 = vector.broadcast %eq3A_2060 : i32 to vector<16xi32>
        %eq3A_2062 = arith.cmpi eq, %select_n3A_1919, %eq3A_2061 : vector<16xi32>
        %select_n3A_2063 = arith.select %eq3A_2062, %broadcast_in_dim3A_1921, %get3A_1775 : vector<16xi1>, vector<16xf32>
        %eq3A_2064 = arith.cmpf oeq, %select_n3A_2063, %max3A_2001 : vector<16xf32>
        %jit3A_2065 = arith.constant 8 : i32
        %broadcast_in_dim3A_2066 = vector.broadcast %jit3A_2065 : i32 to vector<16xi32>
        %select_n3A_2067 = arith.select %eq3A_2064, %broadcast_in_dim3A_2066, %select_n3A_2059 : vector<16xi1>, vector<16xi32>
        %eq3A_2068 = arith.constant 7 : i32
        %eq3A_2069 = vector.broadcast %eq3A_2068 : i32 to vector<16xi32>
        %eq3A_2070 = arith.cmpi eq, %select_n3A_1919, %eq3A_2069 : vector<16xi32>
        %select_n3A_2071 = arith.select %eq3A_2070, %broadcast_in_dim3A_1921, %get3A_1766 : vector<16xi1>, vector<16xf32>
        %eq3A_2072 = arith.cmpf oeq, %select_n3A_2071, %max3A_2001 : vector<16xf32>
        %jit3A_2073 = arith.constant 7 : i32
        %broadcast_in_dim3A_2074 = vector.broadcast %jit3A_2073 : i32 to vector<16xi32>
        %select_n3A_2075 = arith.select %eq3A_2072, %broadcast_in_dim3A_2074, %select_n3A_2067 : vector<16xi1>, vector<16xi32>
        %eq3A_2076 = arith.constant 6 : i32
        %eq3A_2077 = vector.broadcast %eq3A_2076 : i32 to vector<16xi32>
        %eq3A_2078 = arith.cmpi eq, %select_n3A_1919, %eq3A_2077 : vector<16xi32>
        %select_n3A_2079 = arith.select %eq3A_2078, %broadcast_in_dim3A_1921, %get3A_1757 : vector<16xi1>, vector<16xf32>
        %eq3A_2080 = arith.cmpf oeq, %select_n3A_2079, %max3A_2001 : vector<16xf32>
        %jit3A_2081 = arith.constant 6 : i32
        %broadcast_in_dim3A_2082 = vector.broadcast %jit3A_2081 : i32 to vector<16xi32>
        %select_n3A_2083 = arith.select %eq3A_2080, %broadcast_in_dim3A_2082, %select_n3A_2075 : vector<16xi1>, vector<16xi32>
        %eq3A_2084 = arith.constant 5 : i32
        %eq3A_2085 = vector.broadcast %eq3A_2084 : i32 to vector<16xi32>
        %eq3A_2086 = arith.cmpi eq, %select_n3A_1919, %eq3A_2085 : vector<16xi32>
        %select_n3A_2087 = arith.select %eq3A_2086, %broadcast_in_dim3A_1921, %get3A_1748 : vector<16xi1>, vector<16xf32>
        %eq3A_2088 = arith.cmpf oeq, %select_n3A_2087, %max3A_2001 : vector<16xf32>
        %jit3A_2089 = arith.constant 5 : i32
        %broadcast_in_dim3A_2090 = vector.broadcast %jit3A_2089 : i32 to vector<16xi32>
        %select_n3A_2091 = arith.select %eq3A_2088, %broadcast_in_dim3A_2090, %select_n3A_2083 : vector<16xi1>, vector<16xi32>
        %eq3A_2092 = arith.constant 4 : i32
        %eq3A_2093 = vector.broadcast %eq3A_2092 : i32 to vector<16xi32>
        %eq3A_2094 = arith.cmpi eq, %select_n3A_1919, %eq3A_2093 : vector<16xi32>
        %select_n3A_2095 = arith.select %eq3A_2094, %broadcast_in_dim3A_1921, %get3A_1739 : vector<16xi1>, vector<16xf32>
        %eq3A_2096 = arith.cmpf oeq, %select_n3A_2095, %max3A_2001 : vector<16xf32>
        %jit3A_2097 = arith.constant 4 : i32
        %broadcast_in_dim3A_2098 = vector.broadcast %jit3A_2097 : i32 to vector<16xi32>
        %select_n3A_2099 = arith.select %eq3A_2096, %broadcast_in_dim3A_2098, %select_n3A_2091 : vector<16xi1>, vector<16xi32>
        %eq3A_2100 = arith.constant 3 : i32
        %eq3A_2101 = vector.broadcast %eq3A_2100 : i32 to vector<16xi32>
        %eq3A_2102 = arith.cmpi eq, %select_n3A_1919, %eq3A_2101 : vector<16xi32>
        %select_n3A_2103 = arith.select %eq3A_2102, %broadcast_in_dim3A_1921, %get3A_1730 : vector<16xi1>, vector<16xf32>
        %eq3A_2104 = arith.cmpf oeq, %select_n3A_2103, %max3A_2001 : vector<16xf32>
        %jit3A_2105 = arith.constant 3 : i32
        %broadcast_in_dim3A_2106 = vector.broadcast %jit3A_2105 : i32 to vector<16xi32>
        %select_n3A_2107 = arith.select %eq3A_2104, %broadcast_in_dim3A_2106, %select_n3A_2099 : vector<16xi1>, vector<16xi32>
        %eq3A_2108 = arith.constant 2 : i32
        %eq3A_2109 = vector.broadcast %eq3A_2108 : i32 to vector<16xi32>
        %eq3A_2110 = arith.cmpi eq, %select_n3A_1919, %eq3A_2109 : vector<16xi32>
        %select_n3A_2111 = arith.select %eq3A_2110, %broadcast_in_dim3A_1921, %get3A_1721 : vector<16xi1>, vector<16xf32>
        %eq3A_2112 = arith.cmpf oeq, %select_n3A_2111, %max3A_2001 : vector<16xf32>
        %jit3A_2113 = arith.constant 2 : i32
        %broadcast_in_dim3A_2114 = vector.broadcast %jit3A_2113 : i32 to vector<16xi32>
        %select_n3A_2115 = arith.select %eq3A_2112, %broadcast_in_dim3A_2114, %select_n3A_2107 : vector<16xi1>, vector<16xi32>
        %eq3A_2116 = arith.constant 1 : i32
        %eq3A_2117 = vector.broadcast %eq3A_2116 : i32 to vector<16xi32>
        %eq3A_2118 = arith.cmpi eq, %select_n3A_1919, %eq3A_2117 : vector<16xi32>
        %select_n3A_2119 = arith.select %eq3A_2118, %broadcast_in_dim3A_1921, %get3A_1712 : vector<16xi1>, vector<16xf32>
        %eq3A_2120 = arith.cmpf oeq, %select_n3A_2119, %max3A_2001 : vector<16xf32>
        %jit3A_2121 = arith.constant 1 : i32
        %broadcast_in_dim3A_2122 = vector.broadcast %jit3A_2121 : i32 to vector<16xi32>
        %select_n3A_2123 = arith.select %eq3A_2120, %broadcast_in_dim3A_2122, %select_n3A_2115 : vector<16xi1>, vector<16xi32>
        %eq3A_2124 = arith.constant 0 : i32
        %eq3A_2125 = vector.broadcast %eq3A_2124 : i32 to vector<16xi32>
        %eq3A_2126 = arith.cmpi eq, %select_n3A_1919, %eq3A_2125 : vector<16xi32>
        %select_n3A_2127 = arith.select %eq3A_2126, %broadcast_in_dim3A_1921, %get3A_1703 : vector<16xi1>, vector<16xf32>
        %eq3A_2128 = arith.cmpf oeq, %select_n3A_2127, %max3A_2001 : vector<16xf32>
        %jit3A_2129 = arith.constant 0 : i32
        %broadcast_in_dim3A_2130 = vector.broadcast %jit3A_2129 : i32 to vector<16xi32>
        %select_n3A_2131 = arith.select %eq3A_2128, %broadcast_in_dim3A_2130, %select_n3A_2123 : vector<16xi1>, vector<16xi32>
        %sub3A_2132 = arith.subf %max3A_2001, %max3A_1853 : vector<16xf32>
        %mul3A_2133 = arith.constant 1.250000e+00 : f32
        %mul3A_2134 = vector.broadcast %mul3A_2133 : f32 to vector<16xf32>
        %mul3A_2135 = arith.mulf %sub3A_2132, %mul3A_2134 : vector<16xf32>
        %exp3A_2136 = math.exp %mul3A_2135 : vector<16xf32>
        %add3A_2137 = arith.constant 1.000000e+00 : f32
        %add3A_2138 = vector.broadcast %add3A_2137 : f32 to vector<16xf32>
        %add3A_2139 = arith.addf %add3A_2138, %exp3A_2136 : vector<16xf32>
        %div3A_2140 = arith.constant 1.000000e+00 : f32
        %div3A_2141 = vector.broadcast %div3A_2140 : f32 to vector<16xf32>
        %div3A_2142 = arith.divf %div3A_2141, %add3A_2139 : vector<16xf32>
        %swap3A_2143 = arith.constant 0 : i32
        %swap3A_2144 = arith.constant 0 : i32
        %swap3A_2145 = arith.constant 0 : i32
        %swap3A_2146 = tpu.memref_slice %run_scoped3A_8[%rem3A_232, %swap3A_2144, %swap3A_2145] : memref<2x2x128xf32, #tpu.memory_space<vmem>> -> memref<1x2x128xf32, #tpu.memory_space<vmem>>
        %swap3A_2147 = tpu.memref_squeeze %swap3A_2146 : memref<1x2x128xf32, #tpu.memory_space<vmem>> -> memref<2x128xf32, #tpu.memory_space<vmem>>
        %swap3A_2148 = arith.index_cast %swap3A_2143 : i32 to index
        %swap3A_2149 = arith.constant 48 : index
        %swap3A_2150 = tpu.vector_load %swap3A_2147[%swap3A_2148, %swap3A_2149] {strides = array<i32>} : memref<2x128xf32, #tpu.memory_space<vmem>>, vector<1x16xf32>,
        %swap3A_2151 = vector.shape_cast %swap3A_2150 : vector<1x16xf32> to vector<16xf32>
        %swap3A_2152 = vector.shape_cast %div3A_2142 : vector<16xf32> to vector<1x16xf32>
        tpu.vector_store %swap3A_2147[%swap3A_2148, %swap3A_2149], %swap3A_2152 {strides = array<i32>} : memref<2x128xf32, #tpu.memory_space<vmem>>, vector<1x16xf32>,
        %mul3A_2153 = arith.mulf %exp3A_2136, %div3A_2142 : vector<16xf32>
        %swap3A_2154 = arith.constant 1 : i32
        %swap3A_2155 = arith.constant 0 : i32
        %swap3A_2156 = arith.constant 0 : i32
        %swap3A_2157 = tpu.memref_slice %run_scoped3A_8[%rem3A_232, %swap3A_2155, %swap3A_2156] : memref<2x2x128xf32, #tpu.memory_space<vmem>> -> memref<1x2x128xf32, #tpu.memory_space<vmem>>
        %swap3A_2158 = tpu.memref_squeeze %swap3A_2157 : memref<1x2x128xf32, #tpu.memory_space<vmem>> -> memref<2x128xf32, #tpu.memory_space<vmem>>
        %swap3A_2159 = arith.index_cast %swap3A_2154 : i32 to index
        %swap3A_2160 = arith.constant 48 : index
        %swap3A_2161 = tpu.vector_load %swap3A_2158[%swap3A_2159, %swap3A_2160] {strides = array<i32>} : memref<2x128xf32, #tpu.memory_space<vmem>>, vector<1x16xf32>,
        %swap3A_2162 = vector.shape_cast %swap3A_2161 : vector<1x16xf32> to vector<16xf32>
        %swap3A_2163 = vector.shape_cast %mul3A_2153 : vector<16xf32> to vector<1x16xf32>
        tpu.vector_store %swap3A_2158[%swap3A_2159, %swap3A_2160], %swap3A_2163 {strides = array<i32>} : memref<2x128xf32, #tpu.memory_space<vmem>>, vector<1x16xf32>,
        %swap3A_2164 = arith.constant 0 : i32
        %swap3A_2165 = arith.constant 0 : i32
        %swap3A_2166 = arith.constant 0 : i32
        %swap3A_2167 = tpu.memref_slice %run_scoped3A_10[%rem3A_234, %swap3A_2165, %swap3A_2166] : memref<2x2x128xi32, #tpu.memory_space<vmem>> -> memref<1x2x128xi32, #tpu.memory_space<vmem>>
        %swap3A_2168 = tpu.memref_squeeze %swap3A_2167 : memref<1x2x128xi32, #tpu.memory_space<vmem>> -> memref<2x128xi32, #tpu.memory_space<vmem>>
        %swap3A_2169 = arith.index_cast %swap3A_2164 : i32 to index
        %swap3A_2170 = arith.constant 48 : index
        %swap3A_2171 = tpu.vector_load %swap3A_2168[%swap3A_2169, %swap3A_2170] {strides = array<i32>} : memref<2x128xi32, #tpu.memory_space<vmem>>, vector<1x16xi32>,
        %swap3A_2172 = vector.shape_cast %swap3A_2171 : vector<1x16xi32> to vector<16xi32>
        %swap3A_2173 = vector.shape_cast %select_n3A_1919 : vector<16xi32> to vector<1x16xi32>
        tpu.vector_store %swap3A_2168[%swap3A_2169, %swap3A_2170], %swap3A_2173 {strides = array<i32>} : memref<2x128xi32, #tpu.memory_space<vmem>>, vector<1x16xi32>,
        %swap3A_2174 = arith.constant 1 : i32
        %swap3A_2175 = arith.constant 0 : i32
        %swap3A_2176 = arith.constant 0 : i32
        %swap3A_2177 = tpu.memref_slice %run_scoped3A_10[%rem3A_234, %swap3A_2175, %swap3A_2176] : memref<2x2x128xi32, #tpu.memory_space<vmem>> -> memref<1x2x128xi32, #tpu.memory_space<vmem>>
        %swap3A_2178 = tpu.memref_squeeze %swap3A_2177 : memref<1x2x128xi32, #tpu.memory_space<vmem>> -> memref<2x128xi32, #tpu.memory_space<vmem>>
        %swap3A_2179 = arith.index_cast %swap3A_2174 : i32 to index
        %swap3A_2180 = arith.constant 48 : index
        %swap3A_2181 = tpu.vector_load %swap3A_2178[%swap3A_2179, %swap3A_2180] {strides = array<i32>} : memref<2x128xi32, #tpu.memory_space<vmem>>, vector<1x16xi32>,
        %swap3A_2182 = vector.shape_cast %swap3A_2181 : vector<1x16xi32> to vector<16xi32>
        %swap3A_2183 = vector.shape_cast %select_n3A_2131 : vector<16xi32> to vector<1x16xi32>
        tpu.vector_store %swap3A_2178[%swap3A_2179, %swap3A_2180], %swap3A_2183 {strides = array<i32>} : memref<2x128xi32, #tpu.memory_space<vmem>>, vector<1x16xi32>,
        %get3A_2184 = arith.constant 0 : i32
        %get3A_2185 = arith.constant 0 : i32
        %get3A_2186 = arith.constant 0 : i32
        %get3A_2187 = tpu.memref_slice %run_scoped3A[%rem3A_230, %get3A_2185, %get3A_2186] : memref<2x16x128xf32, #tpu.memory_space<vmem>> -> memref<1x16x128xf32, #tpu.memory_space<vmem>>
        %get3A_2188 = tpu.memref_squeeze %get3A_2187 : memref<1x16x128xf32, #tpu.memory_space<vmem>> -> memref<16x128xf32, #tpu.memory_space<vmem>>
        %get3A_2189 = arith.index_cast %get3A_2184 : i32 to index
        %get3A_2190 = arith.constant 64 : index
        %get3A_2191 = tpu.vector_load %get3A_2188[%get3A_2189, %get3A_2190] {strides = array<i32>} : memref<16x128xf32, #tpu.memory_space<vmem>>, vector<1x16xf32>,
        %get3A_2192 = vector.shape_cast %get3A_2191 : vector<1x16xf32> to vector<16xf32>
        %get3A_2193 = arith.constant 1 : i32
        %get3A_2194 = arith.constant 0 : i32
        %get3A_2195 = arith.constant 0 : i32
        %get3A_2196 = tpu.memref_slice %run_scoped3A[%rem3A_230, %get3A_2194, %get3A_2195] : memref<2x16x128xf32, #tpu.memory_space<vmem>> -> memref<1x16x128xf32, #tpu.memory_space<vmem>>
        %get3A_2197 = tpu.memref_squeeze %get3A_2196 : memref<1x16x128xf32, #tpu.memory_space<vmem>> -> memref<16x128xf32, #tpu.memory_space<vmem>>
        %get3A_2198 = arith.index_cast %get3A_2193 : i32 to index
        %get3A_2199 = arith.constant 64 : index
        %get3A_2200 = tpu.vector_load %get3A_2197[%get3A_2198, %get3A_2199] {strides = array<i32>} : memref<16x128xf32, #tpu.memory_space<vmem>>, vector<1x16xf32>,
        %get3A_2201 = vector.shape_cast %get3A_2200 : vector<1x16xf32> to vector<16xf32>
        %get3A_2202 = arith.constant 2 : i32
        %get3A_2203 = arith.constant 0 : i32
        %get3A_2204 = arith.constant 0 : i32
        %get3A_2205 = tpu.memref_slice %run_scoped3A[%rem3A_230, %get3A_2203, %get3A_2204] : memref<2x16x128xf32, #tpu.memory_space<vmem>> -> memref<1x16x128xf32, #tpu.memory_space<vmem>>
        %get3A_2206 = tpu.memref_squeeze %get3A_2205 : memref<1x16x128xf32, #tpu.memory_space<vmem>> -> memref<16x128xf32, #tpu.memory_space<vmem>>
        %get3A_2207 = arith.index_cast %get3A_2202 : i32 to index
        %get3A_2208 = arith.constant 64 : index
        %get3A_2209 = tpu.vector_load %get3A_2206[%get3A_2207, %get3A_2208] {strides = array<i32>} : memref<16x128xf32, #tpu.memory_space<vmem>>, vector<1x16xf32>,
        %get3A_2210 = vector.shape_cast %get3A_2209 : vector<1x16xf32> to vector<16xf32>
        %get3A_2211 = arith.constant 3 : i32
        %get3A_2212 = arith.constant 0 : i32
        %get3A_2213 = arith.constant 0 : i32
        %get3A_2214 = tpu.memref_slice %run_scoped3A[%rem3A_230, %get3A_2212, %get3A_2213] : memref<2x16x128xf32, #tpu.memory_space<vmem>> -> memref<1x16x128xf32, #tpu.memory_space<vmem>>
        %get3A_2215 = tpu.memref_squeeze %get3A_2214 : memref<1x16x128xf32, #tpu.memory_space<vmem>> -> memref<16x128xf32, #tpu.memory_space<vmem>>
        %get3A_2216 = arith.index_cast %get3A_2211 : i32 to index
        %get3A_2217 = arith.constant 64 : index
        %get3A_2218 = tpu.vector_load %get3A_2215[%get3A_2216, %get3A_2217] {strides = array<i32>} : memref<16x128xf32, #tpu.memory_space<vmem>>, vector<1x16xf32>,
        %get3A_2219 = vector.shape_cast %get3A_2218 : vector<1x16xf32> to vector<16xf32>
        %get3A_2220 = arith.constant 4 : i32
        %get3A_2221 = arith.constant 0 : i32
        %get3A_2222 = arith.constant 0 : i32
        %get3A_2223 = tpu.memref_slice %run_scoped3A[%rem3A_230, %get3A_2221, %get3A_2222] : memref<2x16x128xf32, #tpu.memory_space<vmem>> -> memref<1x16x128xf32, #tpu.memory_space<vmem>>
        %get3A_2224 = tpu.memref_squeeze %get3A_2223 : memref<1x16x128xf32, #tpu.memory_space<vmem>> -> memref<16x128xf32, #tpu.memory_space<vmem>>
        %get3A_2225 = arith.index_cast %get3A_2220 : i32 to index
        %get3A_2226 = arith.constant 64 : index
        %get3A_2227 = tpu.vector_load %get3A_2224[%get3A_2225, %get3A_2226] {strides = array<i32>} : memref<16x128xf32, #tpu.memory_space<vmem>>, vector<1x16xf32>,
        %get3A_2228 = vector.shape_cast %get3A_2227 : vector<1x16xf32> to vector<16xf32>
        %get3A_2229 = arith.constant 5 : i32
        %get3A_2230 = arith.constant 0 : i32
        %get3A_2231 = arith.constant 0 : i32
        %get3A_2232 = tpu.memref_slice %run_scoped3A[%rem3A_230, %get3A_2230, %get3A_2231] : memref<2x16x128xf32, #tpu.memory_space<vmem>> -> memref<1x16x128xf32, #tpu.memory_space<vmem>>
        %get3A_2233 = tpu.memref_squeeze %get3A_2232 : memref<1x16x128xf32, #tpu.memory_space<vmem>> -> memref<16x128xf32, #tpu.memory_space<vmem>>
        %get3A_2234 = arith.index_cast %get3A_2229 : i32 to index
        %get3A_2235 = arith.constant 64 : index
        %get3A_2236 = tpu.vector_load %get3A_2233[%get3A_2234, %get3A_2235] {strides = array<i32>} : memref<16x128xf32, #tpu.memory_space<vmem>>, vector<1x16xf32>,
        %get3A_2237 = vector.shape_cast %get3A_2236 : vector<1x16xf32> to vector<16xf32>
        %get3A_2238 = arith.constant 6 : i32
        %get3A_2239 = arith.constant 0 : i32
        %get3A_2240 = arith.constant 0 : i32
        %get3A_2241 = tpu.memref_slice %run_scoped3A[%rem3A_230, %get3A_2239, %get3A_2240] : memref<2x16x128xf32, #tpu.memory_space<vmem>> -> memref<1x16x128xf32, #tpu.memory_space<vmem>>
        %get3A_2242 = tpu.memref_squeeze %get3A_2241 : memref<1x16x128xf32, #tpu.memory_space<vmem>> -> memref<16x128xf32, #tpu.memory_space<vmem>>
        %get3A_2243 = arith.index_cast %get3A_2238 : i32 to index
        %get3A_2244 = arith.constant 64 : index
        %get3A_2245 = tpu.vector_load %get3A_2242[%get3A_2243, %get3A_2244] {strides = array<i32>} : memref<16x128xf32, #tpu.memory_space<vmem>>, vector<1x16xf32>,
        %get3A_2246 = vector.shape_cast %get3A_2245 : vector<1x16xf32> to vector<16xf32>
        %get3A_2247 = arith.constant 7 : i32
        %get3A_2248 = arith.constant 0 : i32
        %get3A_2249 = arith.constant 0 : i32
        %get3A_2250 = tpu.memref_slice %run_scoped3A[%rem3A_230, %get3A_2248, %get3A_2249] : memref<2x16x128xf32, #tpu.memory_space<vmem>> -> memref<1x16x128xf32, #tpu.memory_space<vmem>>
        %get3A_2251 = tpu.memref_squeeze %get3A_2250 : memref<1x16x128xf32, #tpu.memory_space<vmem>> -> memref<16x128xf32, #tpu.memory_space<vmem>>
        %get3A_2252 = arith.index_cast %get3A_2247 : i32 to index
        %get3A_2253 = arith.constant 64 : index
        %get3A_2254 = tpu.vector_load %get3A_2251[%get3A_2252, %get3A_2253] {strides = array<i32>} : memref<16x128xf32, #tpu.memory_space<vmem>>, vector<1x16xf32>,
        %get3A_2255 = vector.shape_cast %get3A_2254 : vector<1x16xf32> to vector<16xf32>
        %get3A_2256 = arith.constant 8 : i32
        %get3A_2257 = arith.constant 0 : i32
        %get3A_2258 = arith.constant 0 : i32
        %get3A_2259 = tpu.memref_slice %run_scoped3A[%rem3A_230, %get3A_2257, %get3A_2258] : memref<2x16x128xf32, #tpu.memory_space<vmem>> -> memref<1x16x128xf32, #tpu.memory_space<vmem>>
        %get3A_2260 = tpu.memref_squeeze %get3A_2259 : memref<1x16x128xf32, #tpu.memory_space<vmem>> -> memref<16x128xf32, #tpu.memory_space<vmem>>
        %get3A_2261 = arith.index_cast %get3A_2256 : i32 to index
        %get3A_2262 = arith.constant 64 : index
        %get3A_2263 = tpu.vector_load %get3A_2260[%get3A_2261, %get3A_2262] {strides = array<i32>} : memref<16x128xf32, #tpu.memory_space<vmem>>, vector<1x16xf32>,
        %get3A_2264 = vector.shape_cast %get3A_2263 : vector<1x16xf32> to vector<16xf32>
        %get3A_2265 = arith.constant 9 : i32
        %get3A_2266 = arith.constant 0 : i32
        %get3A_2267 = arith.constant 0 : i32
        %get3A_2268 = tpu.memref_slice %run_scoped3A[%rem3A_230, %get3A_2266, %get3A_2267] : memref<2x16x128xf32, #tpu.memory_space<vmem>> -> memref<1x16x128xf32, #tpu.memory_space<vmem>>
        %get3A_2269 = tpu.memref_squeeze %get3A_2268 : memref<1x16x128xf32, #tpu.memory_space<vmem>> -> memref<16x128xf32, #tpu.memory_space<vmem>>
        %get3A_2270 = arith.index_cast %get3A_2265 : i32 to index
        %get3A_2271 = arith.constant 64 : index
        %get3A_2272 = tpu.vector_load %get3A_2269[%get3A_2270, %get3A_2271] {strides = array<i32>} : memref<16x128xf32, #tpu.memory_space<vmem>>, vector<1x16xf32>,
        %get3A_2273 = vector.shape_cast %get3A_2272 : vector<1x16xf32> to vector<16xf32>
        %get3A_2274 = arith.constant 10 : i32
        %get3A_2275 = arith.constant 0 : i32
        %get3A_2276 = arith.constant 0 : i32
        %get3A_2277 = tpu.memref_slice %run_scoped3A[%rem3A_230, %get3A_2275, %get3A_2276] : memref<2x16x128xf32, #tpu.memory_space<vmem>> -> memref<1x16x128xf32, #tpu.memory_space<vmem>>
        %get3A_2278 = tpu.memref_squeeze %get3A_2277 : memref<1x16x128xf32, #tpu.memory_space<vmem>> -> memref<16x128xf32, #tpu.memory_space<vmem>>
        %get3A_2279 = arith.index_cast %get3A_2274 : i32 to index
        %get3A_2280 = arith.constant 64 : index
        %get3A_2281 = tpu.vector_load %get3A_2278[%get3A_2279, %get3A_2280] {strides = array<i32>} : memref<16x128xf32, #tpu.memory_space<vmem>>, vector<1x16xf32>,
        %get3A_2282 = vector.shape_cast %get3A_2281 : vector<1x16xf32> to vector<16xf32>
        %get3A_2283 = arith.constant 11 : i32
        %get3A_2284 = arith.constant 0 : i32
        %get3A_2285 = arith.constant 0 : i32
        %get3A_2286 = tpu.memref_slice %run_scoped3A[%rem3A_230, %get3A_2284, %get3A_2285] : memref<2x16x128xf32, #tpu.memory_space<vmem>> -> memref<1x16x128xf32, #tpu.memory_space<vmem>>
        %get3A_2287 = tpu.memref_squeeze %get3A_2286 : memref<1x16x128xf32, #tpu.memory_space<vmem>> -> memref<16x128xf32, #tpu.memory_space<vmem>>
        %get3A_2288 = arith.index_cast %get3A_2283 : i32 to index
        %get3A_2289 = arith.constant 64 : index
        %get3A_2290 = tpu.vector_load %get3A_2287[%get3A_2288, %get3A_2289] {strides = array<i32>} : memref<16x128xf32, #tpu.memory_space<vmem>>, vector<1x16xf32>,
        %get3A_2291 = vector.shape_cast %get3A_2290 : vector<1x16xf32> to vector<16xf32>
        %get3A_2292 = arith.constant 12 : i32
        %get3A_2293 = arith.constant 0 : i32
        %get3A_2294 = arith.constant 0 : i32
        %get3A_2295 = tpu.memref_slice %run_scoped3A[%rem3A_230, %get3A_2293, %get3A_2294] : memref<2x16x128xf32, #tpu.memory_space<vmem>> -> memref<1x16x128xf32, #tpu.memory_space<vmem>>
        %get3A_2296 = tpu.memref_squeeze %get3A_2295 : memref<1x16x128xf32, #tpu.memory_space<vmem>> -> memref<16x128xf32, #tpu.memory_space<vmem>>
        %get3A_2297 = arith.index_cast %get3A_2292 : i32 to index
        %get3A_2298 = arith.constant 64 : index
        %get3A_2299 = tpu.vector_load %get3A_2296[%get3A_2297, %get3A_2298] {strides = array<i32>} : memref<16x128xf32, #tpu.memory_space<vmem>>, vector<1x16xf32>,
        %get3A_2300 = vector.shape_cast %get3A_2299 : vector<1x16xf32> to vector<16xf32>
        %get3A_2301 = arith.constant 13 : i32
        %get3A_2302 = arith.constant 0 : i32
        %get3A_2303 = arith.constant 0 : i32
        %get3A_2304 = tpu.memref_slice %run_scoped3A[%rem3A_230, %get3A_2302, %get3A_2303] : memref<2x16x128xf32, #tpu.memory_space<vmem>> -> memref<1x16x128xf32, #tpu.memory_space<vmem>>
        %get3A_2305 = tpu.memref_squeeze %get3A_2304 : memref<1x16x128xf32, #tpu.memory_space<vmem>> -> memref<16x128xf32, #tpu.memory_space<vmem>>
        %get3A_2306 = arith.index_cast %get3A_2301 : i32 to index
        %get3A_2307 = arith.constant 64 : index
        %get3A_2308 = tpu.vector_load %get3A_2305[%get3A_2306, %get3A_2307] {strides = array<i32>} : memref<16x128xf32, #tpu.memory_space<vmem>>, vector<1x16xf32>,
        %get3A_2309 = vector.shape_cast %get3A_2308 : vector<1x16xf32> to vector<16xf32>
        %get3A_2310 = arith.constant 14 : i32
        %get3A_2311 = arith.constant 0 : i32
        %get3A_2312 = arith.constant 0 : i32
        %get3A_2313 = tpu.memref_slice %run_scoped3A[%rem3A_230, %get3A_2311, %get3A_2312] : memref<2x16x128xf32, #tpu.memory_space<vmem>> -> memref<1x16x128xf32, #tpu.memory_space<vmem>>
        %get3A_2314 = tpu.memref_squeeze %get3A_2313 : memref<1x16x128xf32, #tpu.memory_space<vmem>> -> memref<16x128xf32, #tpu.memory_space<vmem>>
        %get3A_2315 = arith.index_cast %get3A_2310 : i32 to index
        %get3A_2316 = arith.constant 64 : index
        %get3A_2317 = tpu.vector_load %get3A_2314[%get3A_2315, %get3A_2316] {strides = array<i32>} : memref<16x128xf32, #tpu.memory_space<vmem>>, vector<1x16xf32>,
        %get3A_2318 = vector.shape_cast %get3A_2317 : vector<1x16xf32> to vector<16xf32>
        %get3A_2319 = arith.constant 15 : i32
        %get3A_2320 = arith.constant 0 : i32
        %get3A_2321 = arith.constant 0 : i32
        %get3A_2322 = tpu.memref_slice %run_scoped3A[%rem3A_230, %get3A_2320, %get3A_2321] : memref<2x16x128xf32, #tpu.memory_space<vmem>> -> memref<1x16x128xf32, #tpu.memory_space<vmem>>
        %get3A_2323 = tpu.memref_squeeze %get3A_2322 : memref<1x16x128xf32, #tpu.memory_space<vmem>> -> memref<16x128xf32, #tpu.memory_space<vmem>>
        %get3A_2324 = arith.index_cast %get3A_2319 : i32 to index
        %get3A_2325 = arith.constant 64 : index
        %get3A_2326 = tpu.vector_load %get3A_2323[%get3A_2324, %get3A_2325] {strides = array<i32>} : memref<16x128xf32, #tpu.memory_space<vmem>>, vector<1x16xf32>,
        %get3A_2327 = vector.shape_cast %get3A_2326 : vector<1x16xf32> to vector<16xf32>
        %max3A_2328 = arith.maximumf %get3A_2192, %get3A_2201 : vector<16xf32>
        %max3A_2329 = arith.maximumf %max3A_2328, %get3A_2210 : vector<16xf32>
        %max3A_2330 = arith.maximumf %max3A_2329, %get3A_2219 : vector<16xf32>
        %max3A_2331 = arith.maximumf %max3A_2330, %get3A_2228 : vector<16xf32>
        %max3A_2332 = arith.maximumf %max3A_2331, %get3A_2237 : vector<16xf32>
        %max3A_2333 = arith.maximumf %max3A_2332, %get3A_2246 : vector<16xf32>
        %max3A_2334 = arith.maximumf %max3A_2333, %get3A_2255 : vector<16xf32>
        %max3A_2335 = arith.maximumf %max3A_2334, %get3A_2264 : vector<16xf32>
        %max3A_2336 = arith.maximumf %max3A_2335, %get3A_2273 : vector<16xf32>
        %max3A_2337 = arith.maximumf %max3A_2336, %get3A_2282 : vector<16xf32>
        %max3A_2338 = arith.maximumf %max3A_2337, %get3A_2291 : vector<16xf32>
        %max3A_2339 = arith.maximumf %max3A_2338, %get3A_2300 : vector<16xf32>
        %max3A_2340 = arith.maximumf %max3A_2339, %get3A_2309 : vector<16xf32>
        %max3A_2341 = arith.maximumf %max3A_2340, %get3A_2318 : vector<16xf32>
        %max3A_2342 = arith.maximumf %max3A_2341, %get3A_2327 : vector<16xf32>
        %broadcast_in_dim3A_2343 = arith.constant 16 : i32
        %broadcast_in_dim3A_2344 = vector.broadcast %broadcast_in_dim3A_2343 : i32 to vector<16xi32>
        %eq3A_2345 = arith.cmpf oeq, %get3A_2327, %max3A_2342 : vector<16xf32>
        %jit3A_2346 = arith.constant 15 : i32
        %broadcast_in_dim3A_2347 = vector.broadcast %jit3A_2346 : i32 to vector<16xi32>
        %select_n3A_2348 = arith.select %eq3A_2345, %broadcast_in_dim3A_2347, %broadcast_in_dim3A_2344 : vector<16xi1>, vector<16xi32>
        %eq3A_2349 = arith.cmpf oeq, %get3A_2318, %max3A_2342 : vector<16xf32>
        %jit3A_2350 = arith.constant 14 : i32
        %broadcast_in_dim3A_2351 = vector.broadcast %jit3A_2350 : i32 to vector<16xi32>
        %select_n3A_2352 = arith.select %eq3A_2349, %broadcast_in_dim3A_2351, %select_n3A_2348 : vector<16xi1>, vector<16xi32>
        %eq3A_2353 = arith.cmpf oeq, %get3A_2309, %max3A_2342 : vector<16xf32>
        %jit3A_2354 = arith.constant 13 : i32
        %broadcast_in_dim3A_2355 = vector.broadcast %jit3A_2354 : i32 to vector<16xi32>
        %select_n3A_2356 = arith.select %eq3A_2353, %broadcast_in_dim3A_2355, %select_n3A_2352 : vector<16xi1>, vector<16xi32>
        %eq3A_2357 = arith.cmpf oeq, %get3A_2300, %max3A_2342 : vector<16xf32>
        %jit3A_2358 = arith.constant 12 : i32
        %broadcast_in_dim3A_2359 = vector.broadcast %jit3A_2358 : i32 to vector<16xi32>
        %select_n3A_2360 = arith.select %eq3A_2357, %broadcast_in_dim3A_2359, %select_n3A_2356 : vector<16xi1>, vector<16xi32>
        %eq3A_2361 = arith.cmpf oeq, %get3A_2291, %max3A_2342 : vector<16xf32>
        %jit3A_2362 = arith.constant 11 : i32
        %broadcast_in_dim3A_2363 = vector.broadcast %jit3A_2362 : i32 to vector<16xi32>
        %select_n3A_2364 = arith.select %eq3A_2361, %broadcast_in_dim3A_2363, %select_n3A_2360 : vector<16xi1>, vector<16xi32>
        %eq3A_2365 = arith.cmpf oeq, %get3A_2282, %max3A_2342 : vector<16xf32>
        %jit3A_2366 = arith.constant 10 : i32
        %broadcast_in_dim3A_2367 = vector.broadcast %jit3A_2366 : i32 to vector<16xi32>
        %select_n3A_2368 = arith.select %eq3A_2365, %broadcast_in_dim3A_2367, %select_n3A_2364 : vector<16xi1>, vector<16xi32>
        %eq3A_2369 = arith.cmpf oeq, %get3A_2273, %max3A_2342 : vector<16xf32>
        %jit3A_2370 = arith.constant 9 : i32
        %broadcast_in_dim3A_2371 = vector.broadcast %jit3A_2370 : i32 to vector<16xi32>
        %select_n3A_2372 = arith.select %eq3A_2369, %broadcast_in_dim3A_2371, %select_n3A_2368 : vector<16xi1>, vector<16xi32>
        %eq3A_2373 = arith.cmpf oeq, %get3A_2264, %max3A_2342 : vector<16xf32>
        %jit3A_2374 = arith.constant 8 : i32
        %broadcast_in_dim3A_2375 = vector.broadcast %jit3A_2374 : i32 to vector<16xi32>
        %select_n3A_2376 = arith.select %eq3A_2373, %broadcast_in_dim3A_2375, %select_n3A_2372 : vector<16xi1>, vector<16xi32>
        %eq3A_2377 = arith.cmpf oeq, %get3A_2255, %max3A_2342 : vector<16xf32>
        %jit3A_2378 = arith.constant 7 : i32
        %broadcast_in_dim3A_2379 = vector.broadcast %jit3A_2378 : i32 to vector<16xi32>
        %select_n3A_2380 = arith.select %eq3A_2377, %broadcast_in_dim3A_2379, %select_n3A_2376 : vector<16xi1>, vector<16xi32>
        %eq3A_2381 = arith.cmpf oeq, %get3A_2246, %max3A_2342 : vector<16xf32>
        %jit3A_2382 = arith.constant 6 : i32
        %broadcast_in_dim3A_2383 = vector.broadcast %jit3A_2382 : i32 to vector<16xi32>
        %select_n3A_2384 = arith.select %eq3A_2381, %broadcast_in_dim3A_2383, %select_n3A_2380 : vector<16xi1>, vector<16xi32>
        %eq3A_2385 = arith.cmpf oeq, %get3A_2237, %max3A_2342 : vector<16xf32>
        %jit3A_2386 = arith.constant 5 : i32
        %broadcast_in_dim3A_2387 = vector.broadcast %jit3A_2386 : i32 to vector<16xi32>
        %select_n3A_2388 = arith.select %eq3A_2385, %broadcast_in_dim3A_2387, %select_n3A_2384 : vector<16xi1>, vector<16xi32>
        %eq3A_2389 = arith.cmpf oeq, %get3A_2228, %max3A_2342 : vector<16xf32>
        %jit3A_2390 = arith.constant 4 : i32
        %broadcast_in_dim3A_2391 = vector.broadcast %jit3A_2390 : i32 to vector<16xi32>
        %select_n3A_2392 = arith.select %eq3A_2389, %broadcast_in_dim3A_2391, %select_n3A_2388 : vector<16xi1>, vector<16xi32>
        %eq3A_2393 = arith.cmpf oeq, %get3A_2219, %max3A_2342 : vector<16xf32>
        %jit3A_2394 = arith.constant 3 : i32
        %broadcast_in_dim3A_2395 = vector.broadcast %jit3A_2394 : i32 to vector<16xi32>
        %select_n3A_2396 = arith.select %eq3A_2393, %broadcast_in_dim3A_2395, %select_n3A_2392 : vector<16xi1>, vector<16xi32>
        %eq3A_2397 = arith.cmpf oeq, %get3A_2210, %max3A_2342 : vector<16xf32>
        %jit3A_2398 = arith.constant 2 : i32
        %broadcast_in_dim3A_2399 = vector.broadcast %jit3A_2398 : i32 to vector<16xi32>
        %select_n3A_2400 = arith.select %eq3A_2397, %broadcast_in_dim3A_2399, %select_n3A_2396 : vector<16xi1>, vector<16xi32>
        %eq3A_2401 = arith.cmpf oeq, %get3A_2201, %max3A_2342 : vector<16xf32>
        %jit3A_2402 = arith.constant 1 : i32
        %broadcast_in_dim3A_2403 = vector.broadcast %jit3A_2402 : i32 to vector<16xi32>
        %select_n3A_2404 = arith.select %eq3A_2401, %broadcast_in_dim3A_2403, %select_n3A_2400 : vector<16xi1>, vector<16xi32>
        %eq3A_2405 = arith.cmpf oeq, %get3A_2192, %max3A_2342 : vector<16xf32>
        %jit3A_2406 = arith.constant 0 : i32
        %broadcast_in_dim3A_2407 = vector.broadcast %jit3A_2406 : i32 to vector<16xi32>
        %select_n3A_2408 = arith.select %eq3A_2405, %broadcast_in_dim3A_2407, %select_n3A_2404 : vector<16xi1>, vector<16xi32>
        %broadcast_in_dim3A_2409 = arith.constant 0xFF800000 : f32
        %broadcast_in_dim3A_2410 = vector.broadcast %broadcast_in_dim3A_2409 : f32 to vector<16xf32>
        %eq3A_2411 = arith.constant 0 : i32
        %eq3A_2412 = vector.broadcast %eq3A_2411 : i32 to vector<16xi32>
        %eq3A_2413 = arith.cmpi eq, %select_n3A_2408, %eq3A_2412 : vector<16xi32>
        %select_n3A_2414 = arith.select %eq3A_2413, %broadcast_in_dim3A_2410, %get3A_2192 : vector<16xi1>, vector<16xf32>
        %max3A_2415 = arith.maximumf %broadcast_in_dim3A_2410, %select_n3A_2414 : vector<16xf32>
        %eq3A_2416 = arith.constant 1 : i32
        %eq3A_2417 = vector.broadcast %eq3A_2416 : i32 to vector<16xi32>
        %eq3A_2418 = arith.cmpi eq, %select_n3A_2408, %eq3A_2417 : vector<16xi32>
        %select_n3A_2419 = arith.select %eq3A_2418, %broadcast_in_dim3A_2410, %get3A_2201 : vector<16xi1>, vector<16xf32>
        %max3A_2420 = arith.maximumf %max3A_2415, %select_n3A_2419 : vector<16xf32>
        %eq3A_2421 = arith.constant 2 : i32
        %eq3A_2422 = vector.broadcast %eq3A_2421 : i32 to vector<16xi32>
        %eq3A_2423 = arith.cmpi eq, %select_n3A_2408, %eq3A_2422 : vector<16xi32>
        %select_n3A_2424 = arith.select %eq3A_2423, %broadcast_in_dim3A_2410, %get3A_2210 : vector<16xi1>, vector<16xf32>
        %max3A_2425 = arith.maximumf %max3A_2420, %select_n3A_2424 : vector<16xf32>
        %eq3A_2426 = arith.constant 3 : i32
        %eq3A_2427 = vector.broadcast %eq3A_2426 : i32 to vector<16xi32>
        %eq3A_2428 = arith.cmpi eq, %select_n3A_2408, %eq3A_2427 : vector<16xi32>
        %select_n3A_2429 = arith.select %eq3A_2428, %broadcast_in_dim3A_2410, %get3A_2219 : vector<16xi1>, vector<16xf32>
        %max3A_2430 = arith.maximumf %max3A_2425, %select_n3A_2429 : vector<16xf32>
        %eq3A_2431 = arith.constant 4 : i32
        %eq3A_2432 = vector.broadcast %eq3A_2431 : i32 to vector<16xi32>
        %eq3A_2433 = arith.cmpi eq, %select_n3A_2408, %eq3A_2432 : vector<16xi32>
        %select_n3A_2434 = arith.select %eq3A_2433, %broadcast_in_dim3A_2410, %get3A_2228 : vector<16xi1>, vector<16xf32>
        %max3A_2435 = arith.maximumf %max3A_2430, %select_n3A_2434 : vector<16xf32>
        %eq3A_2436 = arith.constant 5 : i32
        %eq3A_2437 = vector.broadcast %eq3A_2436 : i32 to vector<16xi32>
        %eq3A_2438 = arith.cmpi eq, %select_n3A_2408, %eq3A_2437 : vector<16xi32>
        %select_n3A_2439 = arith.select %eq3A_2438, %broadcast_in_dim3A_2410, %get3A_2237 : vector<16xi1>, vector<16xf32>
        %max3A_2440 = arith.maximumf %max3A_2435, %select_n3A_2439 : vector<16xf32>
        %eq3A_2441 = arith.constant 6 : i32
        %eq3A_2442 = vector.broadcast %eq3A_2441 : i32 to vector<16xi32>
        %eq3A_2443 = arith.cmpi eq, %select_n3A_2408, %eq3A_2442 : vector<16xi32>
        %select_n3A_2444 = arith.select %eq3A_2443, %broadcast_in_dim3A_2410, %get3A_2246 : vector<16xi1>, vector<16xf32>
        %max3A_2445 = arith.maximumf %max3A_2440, %select_n3A_2444 : vector<16xf32>
        %eq3A_2446 = arith.constant 7 : i32
        %eq3A_2447 = vector.broadcast %eq3A_2446 : i32 to vector<16xi32>
        %eq3A_2448 = arith.cmpi eq, %select_n3A_2408, %eq3A_2447 : vector<16xi32>
        %select_n3A_2449 = arith.select %eq3A_2448, %broadcast_in_dim3A_2410, %get3A_2255 : vector<16xi1>, vector<16xf32>
        %max3A_2450 = arith.maximumf %max3A_2445, %select_n3A_2449 : vector<16xf32>
        %eq3A_2451 = arith.constant 8 : i32
        %eq3A_2452 = vector.broadcast %eq3A_2451 : i32 to vector<16xi32>
        %eq3A_2453 = arith.cmpi eq, %select_n3A_2408, %eq3A_2452 : vector<16xi32>
        %select_n3A_2454 = arith.select %eq3A_2453, %broadcast_in_dim3A_2410, %get3A_2264 : vector<16xi1>, vector<16xf32>
        %max3A_2455 = arith.maximumf %max3A_2450, %select_n3A_2454 : vector<16xf32>
        %eq3A_2456 = arith.constant 9 : i32
        %eq3A_2457 = vector.broadcast %eq3A_2456 : i32 to vector<16xi32>
        %eq3A_2458 = arith.cmpi eq, %select_n3A_2408, %eq3A_2457 : vector<16xi32>
        %select_n3A_2459 = arith.select %eq3A_2458, %broadcast_in_dim3A_2410, %get3A_2273 : vector<16xi1>, vector<16xf32>
        %max3A_2460 = arith.maximumf %max3A_2455, %select_n3A_2459 : vector<16xf32>
        %eq3A_2461 = arith.constant 10 : i32
        %eq3A_2462 = vector.broadcast %eq3A_2461 : i32 to vector<16xi32>
        %eq3A_2463 = arith.cmpi eq, %select_n3A_2408, %eq3A_2462 : vector<16xi32>
        %select_n3A_2464 = arith.select %eq3A_2463, %broadcast_in_dim3A_2410, %get3A_2282 : vector<16xi1>, vector<16xf32>
        %max3A_2465 = arith.maximumf %max3A_2460, %select_n3A_2464 : vector<16xf32>
        %eq3A_2466 = arith.constant 11 : i32
        %eq3A_2467 = vector.broadcast %eq3A_2466 : i32 to vector<16xi32>
        %eq3A_2468 = arith.cmpi eq, %select_n3A_2408, %eq3A_2467 : vector<16xi32>
        %select_n3A_2469 = arith.select %eq3A_2468, %broadcast_in_dim3A_2410, %get3A_2291 : vector<16xi1>, vector<16xf32>
        %max3A_2470 = arith.maximumf %max3A_2465, %select_n3A_2469 : vector<16xf32>
        %eq3A_2471 = arith.constant 12 : i32
        %eq3A_2472 = vector.broadcast %eq3A_2471 : i32 to vector<16xi32>
        %eq3A_2473 = arith.cmpi eq, %select_n3A_2408, %eq3A_2472 : vector<16xi32>
        %select_n3A_2474 = arith.select %eq3A_2473, %broadcast_in_dim3A_2410, %get3A_2300 : vector<16xi1>, vector<16xf32>
        %max3A_2475 = arith.maximumf %max3A_2470, %select_n3A_2474 : vector<16xf32>
        %eq3A_2476 = arith.constant 13 : i32
        %eq3A_2477 = vector.broadcast %eq3A_2476 : i32 to vector<16xi32>
        %eq3A_2478 = arith.cmpi eq, %select_n3A_2408, %eq3A_2477 : vector<16xi32>
        %select_n3A_2479 = arith.select %eq3A_2478, %broadcast_in_dim3A_2410, %get3A_2309 : vector<16xi1>, vector<16xf32>
        %max3A_2480 = arith.maximumf %max3A_2475, %select_n3A_2479 : vector<16xf32>
        %eq3A_2481 = arith.constant 14 : i32
        %eq3A_2482 = vector.broadcast %eq3A_2481 : i32 to vector<16xi32>
        %eq3A_2483 = arith.cmpi eq, %select_n3A_2408, %eq3A_2482 : vector<16xi32>
        %select_n3A_2484 = arith.select %eq3A_2483, %broadcast_in_dim3A_2410, %get3A_2318 : vector<16xi1>, vector<16xf32>
        %max3A_2485 = arith.maximumf %max3A_2480, %select_n3A_2484 : vector<16xf32>
        %eq3A_2486 = arith.constant 15 : i32
        %eq3A_2487 = vector.broadcast %eq3A_2486 : i32 to vector<16xi32>
        %eq3A_2488 = arith.cmpi eq, %select_n3A_2408, %eq3A_2487 : vector<16xi32>
        %select_n3A_2489 = arith.select %eq3A_2488, %broadcast_in_dim3A_2410, %get3A_2327 : vector<16xi1>, vector<16xf32>
        %max3A_2490 = arith.maximumf %max3A_2485, %select_n3A_2489 : vector<16xf32>
        %broadcast_in_dim3A_2491 = arith.constant 16 : i32
        %broadcast_in_dim3A_2492 = vector.broadcast %broadcast_in_dim3A_2491 : i32 to vector<16xi32>
        %eq3A_2493 = arith.constant 15 : i32
        %eq3A_2494 = vector.broadcast %eq3A_2493 : i32 to vector<16xi32>
        %eq3A_2495 = arith.cmpi eq, %select_n3A_2408, %eq3A_2494 : vector<16xi32>
        %select_n3A_2496 = arith.select %eq3A_2495, %broadcast_in_dim3A_2410, %get3A_2327 : vector<16xi1>, vector<16xf32>
        %eq3A_2497 = arith.cmpf oeq, %select_n3A_2496, %max3A_2490 : vector<16xf32>
        %jit3A_2498 = arith.constant 15 : i32
        %broadcast_in_dim3A_2499 = vector.broadcast %jit3A_2498 : i32 to vector<16xi32>
        %select_n3A_2500 = arith.select %eq3A_2497, %broadcast_in_dim3A_2499, %broadcast_in_dim3A_2492 : vector<16xi1>, vector<16xi32>
        %eq3A_2501 = arith.constant 14 : i32
        %eq3A_2502 = vector.broadcast %eq3A_2501 : i32 to vector<16xi32>
        %eq3A_2503 = arith.cmpi eq, %select_n3A_2408, %eq3A_2502 : vector<16xi32>
        %select_n3A_2504 = arith.select %eq3A_2503, %broadcast_in_dim3A_2410, %get3A_2318 : vector<16xi1>, vector<16xf32>
        %eq3A_2505 = arith.cmpf oeq, %select_n3A_2504, %max3A_2490 : vector<16xf32>
        %jit3A_2506 = arith.constant 14 : i32
        %broadcast_in_dim3A_2507 = vector.broadcast %jit3A_2506 : i32 to vector<16xi32>
        %select_n3A_2508 = arith.select %eq3A_2505, %broadcast_in_dim3A_2507, %select_n3A_2500 : vector<16xi1>, vector<16xi32>
        %eq3A_2509 = arith.constant 13 : i32
        %eq3A_2510 = vector.broadcast %eq3A_2509 : i32 to vector<16xi32>
        %eq3A_2511 = arith.cmpi eq, %select_n3A_2408, %eq3A_2510 : vector<16xi32>
        %select_n3A_2512 = arith.select %eq3A_2511, %broadcast_in_dim3A_2410, %get3A_2309 : vector<16xi1>, vector<16xf32>
        %eq3A_2513 = arith.cmpf oeq, %select_n3A_2512, %max3A_2490 : vector<16xf32>
        %jit3A_2514 = arith.constant 13 : i32
        %broadcast_in_dim3A_2515 = vector.broadcast %jit3A_2514 : i32 to vector<16xi32>
        %select_n3A_2516 = arith.select %eq3A_2513, %broadcast_in_dim3A_2515, %select_n3A_2508 : vector<16xi1>, vector<16xi32>
        %eq3A_2517 = arith.constant 12 : i32
        %eq3A_2518 = vector.broadcast %eq3A_2517 : i32 to vector<16xi32>
        %eq3A_2519 = arith.cmpi eq, %select_n3A_2408, %eq3A_2518 : vector<16xi32>
        %select_n3A_2520 = arith.select %eq3A_2519, %broadcast_in_dim3A_2410, %get3A_2300 : vector<16xi1>, vector<16xf32>
        %eq3A_2521 = arith.cmpf oeq, %select_n3A_2520, %max3A_2490 : vector<16xf32>
        %jit3A_2522 = arith.constant 12 : i32
        %broadcast_in_dim3A_2523 = vector.broadcast %jit3A_2522 : i32 to vector<16xi32>
        %select_n3A_2524 = arith.select %eq3A_2521, %broadcast_in_dim3A_2523, %select_n3A_2516 : vector<16xi1>, vector<16xi32>
        %eq3A_2525 = arith.constant 11 : i32
        %eq3A_2526 = vector.broadcast %eq3A_2525 : i32 to vector<16xi32>
        %eq3A_2527 = arith.cmpi eq, %select_n3A_2408, %eq3A_2526 : vector<16xi32>
        %select_n3A_2528 = arith.select %eq3A_2527, %broadcast_in_dim3A_2410, %get3A_2291 : vector<16xi1>, vector<16xf32>
        %eq3A_2529 = arith.cmpf oeq, %select_n3A_2528, %max3A_2490 : vector<16xf32>
        %jit3A_2530 = arith.constant 11 : i32
        %broadcast_in_dim3A_2531 = vector.broadcast %jit3A_2530 : i32 to vector<16xi32>
        %select_n3A_2532 = arith.select %eq3A_2529, %broadcast_in_dim3A_2531, %select_n3A_2524 : vector<16xi1>, vector<16xi32>
        %eq3A_2533 = arith.constant 10 : i32
        %eq3A_2534 = vector.broadcast %eq3A_2533 : i32 to vector<16xi32>
        %eq3A_2535 = arith.cmpi eq, %select_n3A_2408, %eq3A_2534 : vector<16xi32>
        %select_n3A_2536 = arith.select %eq3A_2535, %broadcast_in_dim3A_2410, %get3A_2282 : vector<16xi1>, vector<16xf32>
        %eq3A_2537 = arith.cmpf oeq, %select_n3A_2536, %max3A_2490 : vector<16xf32>
        %jit3A_2538 = arith.constant 10 : i32
        %broadcast_in_dim3A_2539 = vector.broadcast %jit3A_2538 : i32 to vector<16xi32>
        %select_n3A_2540 = arith.select %eq3A_2537, %broadcast_in_dim3A_2539, %select_n3A_2532 : vector<16xi1>, vector<16xi32>
        %eq3A_2541 = arith.constant 9 : i32
        %eq3A_2542 = vector.broadcast %eq3A_2541 : i32 to vector<16xi32>
        %eq3A_2543 = arith.cmpi eq, %select_n3A_2408, %eq3A_2542 : vector<16xi32>
        %select_n3A_2544 = arith.select %eq3A_2543, %broadcast_in_dim3A_2410, %get3A_2273 : vector<16xi1>, vector<16xf32>
        %eq3A_2545 = arith.cmpf oeq, %select_n3A_2544, %max3A_2490 : vector<16xf32>
        %jit3A_2546 = arith.constant 9 : i32
        %broadcast_in_dim3A_2547 = vector.broadcast %jit3A_2546 : i32 to vector<16xi32>
        %select_n3A_2548 = arith.select %eq3A_2545, %broadcast_in_dim3A_2547, %select_n3A_2540 : vector<16xi1>, vector<16xi32>
        %eq3A_2549 = arith.constant 8 : i32
        %eq3A_2550 = vector.broadcast %eq3A_2549 : i32 to vector<16xi32>
        %eq3A_2551 = arith.cmpi eq, %select_n3A_2408, %eq3A_2550 : vector<16xi32>
        %select_n3A_2552 = arith.select %eq3A_2551, %broadcast_in_dim3A_2410, %get3A_2264 : vector<16xi1>, vector<16xf32>
        %eq3A_2553 = arith.cmpf oeq, %select_n3A_2552, %max3A_2490 : vector<16xf32>
        %jit3A_2554 = arith.constant 8 : i32
        %broadcast_in_dim3A_2555 = vector.broadcast %jit3A_2554 : i32 to vector<16xi32>
        %select_n3A_2556 = arith.select %eq3A_2553, %broadcast_in_dim3A_2555, %select_n3A_2548 : vector<16xi1>, vector<16xi32>
        %eq3A_2557 = arith.constant 7 : i32
        %eq3A_2558 = vector.broadcast %eq3A_2557 : i32 to vector<16xi32>
        %eq3A_2559 = arith.cmpi eq, %select_n3A_2408, %eq3A_2558 : vector<16xi32>
        %select_n3A_2560 = arith.select %eq3A_2559, %broadcast_in_dim3A_2410, %get3A_2255 : vector<16xi1>, vector<16xf32>
        %eq3A_2561 = arith.cmpf oeq, %select_n3A_2560, %max3A_2490 : vector<16xf32>
        %jit3A_2562 = arith.constant 7 : i32
        %broadcast_in_dim3A_2563 = vector.broadcast %jit3A_2562 : i32 to vector<16xi32>
        %select_n3A_2564 = arith.select %eq3A_2561, %broadcast_in_dim3A_2563, %select_n3A_2556 : vector<16xi1>, vector<16xi32>
        %eq3A_2565 = arith.constant 6 : i32
        %eq3A_2566 = vector.broadcast %eq3A_2565 : i32 to vector<16xi32>
        %eq3A_2567 = arith.cmpi eq, %select_n3A_2408, %eq3A_2566 : vector<16xi32>
        %select_n3A_2568 = arith.select %eq3A_2567, %broadcast_in_dim3A_2410, %get3A_2246 : vector<16xi1>, vector<16xf32>
        %eq3A_2569 = arith.cmpf oeq, %select_n3A_2568, %max3A_2490 : vector<16xf32>
        %jit3A_2570 = arith.constant 6 : i32
        %broadcast_in_dim3A_2571 = vector.broadcast %jit3A_2570 : i32 to vector<16xi32>
        %select_n3A_2572 = arith.select %eq3A_2569, %broadcast_in_dim3A_2571, %select_n3A_2564 : vector<16xi1>, vector<16xi32>
        %eq3A_2573 = arith.constant 5 : i32
        %eq3A_2574 = vector.broadcast %eq3A_2573 : i32 to vector<16xi32>
        %eq3A_2575 = arith.cmpi eq, %select_n3A_2408, %eq3A_2574 : vector<16xi32>
        %select_n3A_2576 = arith.select %eq3A_2575, %broadcast_in_dim3A_2410, %get3A_2237 : vector<16xi1>, vector<16xf32>
        %eq3A_2577 = arith.cmpf oeq, %select_n3A_2576, %max3A_2490 : vector<16xf32>
        %jit3A_2578 = arith.constant 5 : i32
        %broadcast_in_dim3A_2579 = vector.broadcast %jit3A_2578 : i32 to vector<16xi32>
        %select_n3A_2580 = arith.select %eq3A_2577, %broadcast_in_dim3A_2579, %select_n3A_2572 : vector<16xi1>, vector<16xi32>
        %eq3A_2581 = arith.constant 4 : i32
        %eq3A_2582 = vector.broadcast %eq3A_2581 : i32 to vector<16xi32>
        %eq3A_2583 = arith.cmpi eq, %select_n3A_2408, %eq3A_2582 : vector<16xi32>
        %select_n3A_2584 = arith.select %eq3A_2583, %broadcast_in_dim3A_2410, %get3A_2228 : vector<16xi1>, vector<16xf32>
        %eq3A_2585 = arith.cmpf oeq, %select_n3A_2584, %max3A_2490 : vector<16xf32>
        %jit3A_2586 = arith.constant 4 : i32
        %broadcast_in_dim3A_2587 = vector.broadcast %jit3A_2586 : i32 to vector<16xi32>
        %select_n3A_2588 = arith.select %eq3A_2585, %broadcast_in_dim3A_2587, %select_n3A_2580 : vector<16xi1>, vector<16xi32>
        %eq3A_2589 = arith.constant 3 : i32
        %eq3A_2590 = vector.broadcast %eq3A_2589 : i32 to vector<16xi32>
        %eq3A_2591 = arith.cmpi eq, %select_n3A_2408, %eq3A_2590 : vector<16xi32>
        %select_n3A_2592 = arith.select %eq3A_2591, %broadcast_in_dim3A_2410, %get3A_2219 : vector<16xi1>, vector<16xf32>
        %eq3A_2593 = arith.cmpf oeq, %select_n3A_2592, %max3A_2490 : vector<16xf32>
        %jit3A_2594 = arith.constant 3 : i32
        %broadcast_in_dim3A_2595 = vector.broadcast %jit3A_2594 : i32 to vector<16xi32>
        %select_n3A_2596 = arith.select %eq3A_2593, %broadcast_in_dim3A_2595, %select_n3A_2588 : vector<16xi1>, vector<16xi32>
        %eq3A_2597 = arith.constant 2 : i32
        %eq3A_2598 = vector.broadcast %eq3A_2597 : i32 to vector<16xi32>
        %eq3A_2599 = arith.cmpi eq, %select_n3A_2408, %eq3A_2598 : vector<16xi32>
        %select_n3A_2600 = arith.select %eq3A_2599, %broadcast_in_dim3A_2410, %get3A_2210 : vector<16xi1>, vector<16xf32>
        %eq3A_2601 = arith.cmpf oeq, %select_n3A_2600, %max3A_2490 : vector<16xf32>
        %jit3A_2602 = arith.constant 2 : i32
        %broadcast_in_dim3A_2603 = vector.broadcast %jit3A_2602 : i32 to vector<16xi32>
        %select_n3A_2604 = arith.select %eq3A_2601, %broadcast_in_dim3A_2603, %select_n3A_2596 : vector<16xi1>, vector<16xi32>
        %eq3A_2605 = arith.constant 1 : i32
        %eq3A_2606 = vector.broadcast %eq3A_2605 : i32 to vector<16xi32>
        %eq3A_2607 = arith.cmpi eq, %select_n3A_2408, %eq3A_2606 : vector<16xi32>
        %select_n3A_2608 = arith.select %eq3A_2607, %broadcast_in_dim3A_2410, %get3A_2201 : vector<16xi1>, vector<16xf32>
        %eq3A_2609 = arith.cmpf oeq, %select_n3A_2608, %max3A_2490 : vector<16xf32>
        %jit3A_2610 = arith.constant 1 : i32
        %broadcast_in_dim3A_2611 = vector.broadcast %jit3A_2610 : i32 to vector<16xi32>
        %select_n3A_2612 = arith.select %eq3A_2609, %broadcast_in_dim3A_2611, %select_n3A_2604 : vector<16xi1>, vector<16xi32>
        %eq3A_2613 = arith.constant 0 : i32
        %eq3A_2614 = vector.broadcast %eq3A_2613 : i32 to vector<16xi32>
        %eq3A_2615 = arith.cmpi eq, %select_n3A_2408, %eq3A_2614 : vector<16xi32>
        %select_n3A_2616 = arith.select %eq3A_2615, %broadcast_in_dim3A_2410, %get3A_2192 : vector<16xi1>, vector<16xf32>
        %eq3A_2617 = arith.cmpf oeq, %select_n3A_2616, %max3A_2490 : vector<16xf32>
        %jit3A_2618 = arith.constant 0 : i32
        %broadcast_in_dim3A_2619 = vector.broadcast %jit3A_2618 : i32 to vector<16xi32>
        %select_n3A_2620 = arith.select %eq3A_2617, %broadcast_in_dim3A_2619, %select_n3A_2612 : vector<16xi1>, vector<16xi32>
        %sub3A_2621 = arith.subf %max3A_2490, %max3A_2342 : vector<16xf32>
        %mul3A_2622 = arith.constant 1.250000e+00 : f32
        %mul3A_2623 = vector.broadcast %mul3A_2622 : f32 to vector<16xf32>
        %mul3A_2624 = arith.mulf %sub3A_2621, %mul3A_2623 : vector<16xf32>
        %exp3A_2625 = math.exp %mul3A_2624 : vector<16xf32>
        %add3A_2626 = arith.constant 1.000000e+00 : f32
        %add3A_2627 = vector.broadcast %add3A_2626 : f32 to vector<16xf32>
        %add3A_2628 = arith.addf %add3A_2627, %exp3A_2625 : vector<16xf32>
        %div3A_2629 = arith.constant 1.000000e+00 : f32
        %div3A_2630 = vector.broadcast %div3A_2629 : f32 to vector<16xf32>
        %div3A_2631 = arith.divf %div3A_2630, %add3A_2628 : vector<16xf32>
        %swap3A_2632 = arith.constant 0 : i32
        %swap3A_2633 = arith.constant 0 : i32
        %swap3A_2634 = arith.constant 0 : i32
        %swap3A_2635 = tpu.memref_slice %run_scoped3A_8[%rem3A_232, %swap3A_2633, %swap3A_2634] : memref<2x2x128xf32, #tpu.memory_space<vmem>> -> memref<1x2x128xf32, #tpu.memory_space<vmem>>
        %swap3A_2636 = tpu.memref_squeeze %swap3A_2635 : memref<1x2x128xf32, #tpu.memory_space<vmem>> -> memref<2x128xf32, #tpu.memory_space<vmem>>
        %swap3A_2637 = arith.index_cast %swap3A_2632 : i32 to index
        %swap3A_2638 = arith.constant 64 : index
        %swap3A_2639 = tpu.vector_load %swap3A_2636[%swap3A_2637, %swap3A_2638] {strides = array<i32>} : memref<2x128xf32, #tpu.memory_space<vmem>>, vector<1x16xf32>,
        %swap3A_2640 = vector.shape_cast %swap3A_2639 : vector<1x16xf32> to vector<16xf32>
        %swap3A_2641 = vector.shape_cast %div3A_2631 : vector<16xf32> to vector<1x16xf32>
        tpu.vector_store %swap3A_2636[%swap3A_2637, %swap3A_2638], %swap3A_2641 {strides = array<i32>} : memref<2x128xf32, #tpu.memory_space<vmem>>, vector<1x16xf32>,
        %mul3A_2642 = arith.mulf %exp3A_2625, %div3A_2631 : vector<16xf32>
        %swap3A_2643 = arith.constant 1 : i32
        %swap3A_2644 = arith.constant 0 : i32
        %swap3A_2645 = arith.constant 0 : i32
        %swap3A_2646 = tpu.memref_slice %run_scoped3A_8[%rem3A_232, %swap3A_2644, %swap3A_2645] : memref<2x2x128xf32, #tpu.memory_space<vmem>> -> memref<1x2x128xf32, #tpu.memory_space<vmem>>
        %swap3A_2647 = tpu.memref_squeeze %swap3A_2646 : memref<1x2x128xf32, #tpu.memory_space<vmem>> -> memref<2x128xf32, #tpu.memory_space<vmem>>
        %swap3A_2648 = arith.index_cast %swap3A_2643 : i32 to index
        %swap3A_2649 = arith.constant 64 : index
        %swap3A_2650 = tpu.vector_load %swap3A_2647[%swap3A_2648, %swap3A_2649] {strides = array<i32>} : memref<2x128xf32, #tpu.memory_space<vmem>>, vector<1x16xf32>,
        %swap3A_2651 = vector.shape_cast %swap3A_2650 : vector<1x16xf32> to vector<16xf32>
        %swap3A_2652 = vector.shape_cast %mul3A_2642 : vector<16xf32> to vector<1x16xf32>
        tpu.vector_store %swap3A_2647[%swap3A_2648, %swap3A_2649], %swap3A_2652 {strides = array<i32>} : memref<2x128xf32, #tpu.memory_space<vmem>>, vector<1x16xf32>,
        %swap3A_2653 = arith.constant 0 : i32
        %swap3A_2654 = arith.constant 0 : i32
        %swap3A_2655 = arith.constant 0 : i32
        %swap3A_2656 = tpu.memref_slice %run_scoped3A_10[%rem3A_234, %swap3A_2654, %swap3A_2655] : memref<2x2x128xi32, #tpu.memory_space<vmem>> -> memref<1x2x128xi32, #tpu.memory_space<vmem>>
        %swap3A_2657 = tpu.memref_squeeze %swap3A_2656 : memref<1x2x128xi32, #tpu.memory_space<vmem>> -> memref<2x128xi32, #tpu.memory_space<vmem>>
        %swap3A_2658 = arith.index_cast %swap3A_2653 : i32 to index
        %swap3A_2659 = arith.constant 64 : index
        %swap3A_2660 = tpu.vector_load %swap3A_2657[%swap3A_2658, %swap3A_2659] {strides = array<i32>} : memref<2x128xi32, #tpu.memory_space<vmem>>, vector<1x16xi32>,
        %swap3A_2661 = vector.shape_cast %swap3A_2660 : vector<1x16xi32> to vector<16xi32>
        %swap3A_2662 = vector.shape_cast %select_n3A_2408 : vector<16xi32> to vector<1x16xi32>
        tpu.vector_store %swap3A_2657[%swap3A_2658, %swap3A_2659], %swap3A_2662 {strides = array<i32>} : memref<2x128xi32, #tpu.memory_space<vmem>>, vector<1x16xi32>,
        %swap3A_2663 = arith.constant 1 : i32
        %swap3A_2664 = arith.constant 0 : i32
        %swap3A_2665 = arith.constant 0 : i32
        %swap3A_2666 = tpu.memref_slice %run_scoped3A_10[%rem3A_234, %swap3A_2664, %swap3A_2665] : memref<2x2x128xi32, #tpu.memory_space<vmem>> -> memref<1x2x128xi32, #tpu.memory_space<vmem>>
        %swap3A_2667 = tpu.memref_squeeze %swap3A_2666 : memref<1x2x128xi32, #tpu.memory_space<vmem>> -> memref<2x128xi32, #tpu.memory_space<vmem>>
        %swap3A_2668 = arith.index_cast %swap3A_2663 : i32 to index
        %swap3A_2669 = arith.constant 64 : index
        %swap3A_2670 = tpu.vector_load %swap3A_2667[%swap3A_2668, %swap3A_2669] {strides = array<i32>} : memref<2x128xi32, #tpu.memory_space<vmem>>, vector<1x16xi32>,
        %swap3A_2671 = vector.shape_cast %swap3A_2670 : vector<1x16xi32> to vector<16xi32>
        %swap3A_2672 = vector.shape_cast %select_n3A_2620 : vector<16xi32> to vector<1x16xi32>
        tpu.vector_store %swap3A_2667[%swap3A_2668, %swap3A_2669], %swap3A_2672 {strides = array<i32>} : memref<2x128xi32, #tpu.memory_space<vmem>>, vector<1x16xi32>,
        %get3A_2673 = arith.constant 0 : i32
        %get3A_2674 = arith.constant 0 : i32
        %get3A_2675 = arith.constant 0 : i32
        %get3A_2676 = tpu.memref_slice %run_scoped3A[%rem3A_230, %get3A_2674, %get3A_2675] : memref<2x16x128xf32, #tpu.memory_space<vmem>> -> memref<1x16x128xf32, #tpu.memory_space<vmem>>
        %get3A_2677 = tpu.memref_squeeze %get3A_2676 : memref<1x16x128xf32, #tpu.memory_space<vmem>> -> memref<16x128xf32, #tpu.memory_space<vmem>>
        %get3A_2678 = arith.index_cast %get3A_2673 : i32 to index
        %get3A_2679 = arith.constant 80 : index
        %get3A_2680 = tpu.vector_load %get3A_2677[%get3A_2678, %get3A_2679] {strides = array<i32>} : memref<16x128xf32, #tpu.memory_space<vmem>>, vector<1x16xf32>,
        %get3A_2681 = vector.shape_cast %get3A_2680 : vector<1x16xf32> to vector<16xf32>
        %get3A_2682 = arith.constant 1 : i32
        %get3A_2683 = arith.constant 0 : i32
        %get3A_2684 = arith.constant 0 : i32
        %get3A_2685 = tpu.memref_slice %run_scoped3A[%rem3A_230, %get3A_2683, %get3A_2684] : memref<2x16x128xf32, #tpu.memory_space<vmem>> -> memref<1x16x128xf32, #tpu.memory_space<vmem>>
        %get3A_2686 = tpu.memref_squeeze %get3A_2685 : memref<1x16x128xf32, #tpu.memory_space<vmem>> -> memref<16x128xf32, #tpu.memory_space<vmem>>
        %get3A_2687 = arith.index_cast %get3A_2682 : i32 to index
        %get3A_2688 = arith.constant 80 : index
        %get3A_2689 = tpu.vector_load %get3A_2686[%get3A_2687, %get3A_2688] {strides = array<i32>} : memref<16x128xf32, #tpu.memory_space<vmem>>, vector<1x16xf32>,
        %get3A_2690 = vector.shape_cast %get3A_2689 : vector<1x16xf32> to vector<16xf32>
        %get3A_2691 = arith.constant 2 : i32
        %get3A_2692 = arith.constant 0 : i32
        %get3A_2693 = arith.constant 0 : i32
        %get3A_2694 = tpu.memref_slice %run_scoped3A[%rem3A_230, %get3A_2692, %get3A_2693] : memref<2x16x128xf32, #tpu.memory_space<vmem>> -> memref<1x16x128xf32, #tpu.memory_space<vmem>>
        %get3A_2695 = tpu.memref_squeeze %get3A_2694 : memref<1x16x128xf32, #tpu.memory_space<vmem>> -> memref<16x128xf32, #tpu.memory_space<vmem>>
        %get3A_2696 = arith.index_cast %get3A_2691 : i32 to index
        %get3A_2697 = arith.constant 80 : index
        %get3A_2698 = tpu.vector_load %get3A_2695[%get3A_2696, %get3A_2697] {strides = array<i32>} : memref<16x128xf32, #tpu.memory_space<vmem>>, vector<1x16xf32>,
        %get3A_2699 = vector.shape_cast %get3A_2698 : vector<1x16xf32> to vector<16xf32>
        %get3A_2700 = arith.constant 3 : i32
        %get3A_2701 = arith.constant 0 : i32
        %get3A_2702 = arith.constant 0 : i32
        %get3A_2703 = tpu.memref_slice %run_scoped3A[%rem3A_230, %get3A_2701, %get3A_2702] : memref<2x16x128xf32, #tpu.memory_space<vmem>> -> memref<1x16x128xf32, #tpu.memory_space<vmem>>
        %get3A_2704 = tpu.memref_squeeze %get3A_2703 : memref<1x16x128xf32, #tpu.memory_space<vmem>> -> memref<16x128xf32, #tpu.memory_space<vmem>>
        %get3A_2705 = arith.index_cast %get3A_2700 : i32 to index
        %get3A_2706 = arith.constant 80 : index
        %get3A_2707 = tpu.vector_load %get3A_2704[%get3A_2705, %get3A_2706] {strides = array<i32>} : memref<16x128xf32, #tpu.memory_space<vmem>>, vector<1x16xf32>,
        %get3A_2708 = vector.shape_cast %get3A_2707 : vector<1x16xf32> to vector<16xf32>
        %get3A_2709 = arith.constant 4 : i32
        %get3A_2710 = arith.constant 0 : i32
        %get3A_2711 = arith.constant 0 : i32
        %get3A_2712 = tpu.memref_slice %run_scoped3A[%rem3A_230, %get3A_2710, %get3A_2711] : memref<2x16x128xf32, #tpu.memory_space<vmem>> -> memref<1x16x128xf32, #tpu.memory_space<vmem>>
        %get3A_2713 = tpu.memref_squeeze %get3A_2712 : memref<1x16x128xf32, #tpu.memory_space<vmem>> -> memref<16x128xf32, #tpu.memory_space<vmem>>
        %get3A_2714 = arith.index_cast %get3A_2709 : i32 to index
        %get3A_2715 = arith.constant 80 : index
        %get3A_2716 = tpu.vector_load %get3A_2713[%get3A_2714, %get3A_2715] {strides = array<i32>} : memref<16x128xf32, #tpu.memory_space<vmem>>, vector<1x16xf32>,
        %get3A_2717 = vector.shape_cast %get3A_2716 : vector<1x16xf32> to vector<16xf32>
        %get3A_2718 = arith.constant 5 : i32
        %get3A_2719 = arith.constant 0 : i32
        %get3A_2720 = arith.constant 0 : i32
        %get3A_2721 = tpu.memref_slice %run_scoped3A[%rem3A_230, %get3A_2719, %get3A_2720] : memref<2x16x128xf32, #tpu.memory_space<vmem>> -> memref<1x16x128xf32, #tpu.memory_space<vmem>>
        %get3A_2722 = tpu.memref_squeeze %get3A_2721 : memref<1x16x128xf32, #tpu.memory_space<vmem>> -> memref<16x128xf32, #tpu.memory_space<vmem>>
        %get3A_2723 = arith.index_cast %get3A_2718 : i32 to index
        %get3A_2724 = arith.constant 80 : index
        %get3A_2725 = tpu.vector_load %get3A_2722[%get3A_2723, %get3A_2724] {strides = array<i32>} : memref<16x128xf32, #tpu.memory_space<vmem>>, vector<1x16xf32>,
        %get3A_2726 = vector.shape_cast %get3A_2725 : vector<1x16xf32> to vector<16xf32>
        %get3A_2727 = arith.constant 6 : i32
        %get3A_2728 = arith.constant 0 : i32
        %get3A_2729 = arith.constant 0 : i32
        %get3A_2730 = tpu.memref_slice %run_scoped3A[%rem3A_230, %get3A_2728, %get3A_2729] : memref<2x16x128xf32, #tpu.memory_space<vmem>> -> memref<1x16x128xf32, #tpu.memory_space<vmem>>
        %get3A_2731 = tpu.memref_squeeze %get3A_2730 : memref<1x16x128xf32, #tpu.memory_space<vmem>> -> memref<16x128xf32, #tpu.memory_space<vmem>>
        %get3A_2732 = arith.index_cast %get3A_2727 : i32 to index
        %get3A_2733 = arith.constant 80 : index
        %get3A_2734 = tpu.vector_load %get3A_2731[%get3A_2732, %get3A_2733] {strides = array<i32>} : memref<16x128xf32, #tpu.memory_space<vmem>>, vector<1x16xf32>,
        %get3A_2735 = vector.shape_cast %get3A_2734 : vector<1x16xf32> to vector<16xf32>
        %get3A_2736 = arith.constant 7 : i32
        %get3A_2737 = arith.constant 0 : i32
        %get3A_2738 = arith.constant 0 : i32
        %get3A_2739 = tpu.memref_slice %run_scoped3A[%rem3A_230, %get3A_2737, %get3A_2738] : memref<2x16x128xf32, #tpu.memory_space<vmem>> -> memref<1x16x128xf32, #tpu.memory_space<vmem>>
        %get3A_2740 = tpu.memref_squeeze %get3A_2739 : memref<1x16x128xf32, #tpu.memory_space<vmem>> -> memref<16x128xf32, #tpu.memory_space<vmem>>
        %get3A_2741 = arith.index_cast %get3A_2736 : i32 to index
        %get3A_2742 = arith.constant 80 : index
        %get3A_2743 = tpu.vector_load %get3A_2740[%get3A_2741, %get3A_2742] {strides = array<i32>} : memref<16x128xf32, #tpu.memory_space<vmem>>, vector<1x16xf32>,
        %get3A_2744 = vector.shape_cast %get3A_2743 : vector<1x16xf32> to vector<16xf32>
        %get3A_2745 = arith.constant 8 : i32
        %get3A_2746 = arith.constant 0 : i32
        %get3A_2747 = arith.constant 0 : i32
        %get3A_2748 = tpu.memref_slice %run_scoped3A[%rem3A_230, %get3A_2746, %get3A_2747] : memref<2x16x128xf32, #tpu.memory_space<vmem>> -> memref<1x16x128xf32, #tpu.memory_space<vmem>>
        %get3A_2749 = tpu.memref_squeeze %get3A_2748 : memref<1x16x128xf32, #tpu.memory_space<vmem>> -> memref<16x128xf32, #tpu.memory_space<vmem>>
        %get3A_2750 = arith.index_cast %get3A_2745 : i32 to index
        %get3A_2751 = arith.constant 80 : index
        %get3A_2752 = tpu.vector_load %get3A_2749[%get3A_2750, %get3A_2751] {strides = array<i32>} : memref<16x128xf32, #tpu.memory_space<vmem>>, vector<1x16xf32>,
        %get3A_2753 = vector.shape_cast %get3A_2752 : vector<1x16xf32> to vector<16xf32>
        %get3A_2754 = arith.constant 9 : i32
        %get3A_2755 = arith.constant 0 : i32
        %get3A_2756 = arith.constant 0 : i32
        %get3A_2757 = tpu.memref_slice %run_scoped3A[%rem3A_230, %get3A_2755, %get3A_2756] : memref<2x16x128xf32, #tpu.memory_space<vmem>> -> memref<1x16x128xf32, #tpu.memory_space<vmem>>
        %get3A_2758 = tpu.memref_squeeze %get3A_2757 : memref<1x16x128xf32, #tpu.memory_space<vmem>> -> memref<16x128xf32, #tpu.memory_space<vmem>>
        %get3A_2759 = arith.index_cast %get3A_2754 : i32 to index
        %get3A_2760 = arith.constant 80 : index
        %get3A_2761 = tpu.vector_load %get3A_2758[%get3A_2759, %get3A_2760] {strides = array<i32>} : memref<16x128xf32, #tpu.memory_space<vmem>>, vector<1x16xf32>,
        %get3A_2762 = vector.shape_cast %get3A_2761 : vector<1x16xf32> to vector<16xf32>
        %get3A_2763 = arith.constant 10 : i32
        %get3A_2764 = arith.constant 0 : i32
        %get3A_2765 = arith.constant 0 : i32
        %get3A_2766 = tpu.memref_slice %run_scoped3A[%rem3A_230, %get3A_2764, %get3A_2765] : memref<2x16x128xf32, #tpu.memory_space<vmem>> -> memref<1x16x128xf32, #tpu.memory_space<vmem>>
        %get3A_2767 = tpu.memref_squeeze %get3A_2766 : memref<1x16x128xf32, #tpu.memory_space<vmem>> -> memref<16x128xf32, #tpu.memory_space<vmem>>
        %get3A_2768 = arith.index_cast %get3A_2763 : i32 to index
        %get3A_2769 = arith.constant 80 : index
        %get3A_2770 = tpu.vector_load %get3A_2767[%get3A_2768, %get3A_2769] {strides = array<i32>} : memref<16x128xf32, #tpu.memory_space<vmem>>, vector<1x16xf32>,
        %get3A_2771 = vector.shape_cast %get3A_2770 : vector<1x16xf32> to vector<16xf32>
        %get3A_2772 = arith.constant 11 : i32
        %get3A_2773 = arith.constant 0 : i32
        %get3A_2774 = arith.constant 0 : i32
        %get3A_2775 = tpu.memref_slice %run_scoped3A[%rem3A_230, %get3A_2773, %get3A_2774] : memref<2x16x128xf32, #tpu.memory_space<vmem>> -> memref<1x16x128xf32, #tpu.memory_space<vmem>>
        %get3A_2776 = tpu.memref_squeeze %get3A_2775 : memref<1x16x128xf32, #tpu.memory_space<vmem>> -> memref<16x128xf32, #tpu.memory_space<vmem>>
        %get3A_2777 = arith.index_cast %get3A_2772 : i32 to index
        %get3A_2778 = arith.constant 80 : index
        %get3A_2779 = tpu.vector_load %get3A_2776[%get3A_2777, %get3A_2778] {strides = array<i32>} : memref<16x128xf32, #tpu.memory_space<vmem>>, vector<1x16xf32>,
        %get3A_2780 = vector.shape_cast %get3A_2779 : vector<1x16xf32> to vector<16xf32>
        %get3A_2781 = arith.constant 12 : i32
        %get3A_2782 = arith.constant 0 : i32
        %get3A_2783 = arith.constant 0 : i32
        %get3A_2784 = tpu.memref_slice %run_scoped3A[%rem3A_230, %get3A_2782, %get3A_2783] : memref<2x16x128xf32, #tpu.memory_space<vmem>> -> memref<1x16x128xf32, #tpu.memory_space<vmem>>
        %get3A_2785 = tpu.memref_squeeze %get3A_2784 : memref<1x16x128xf32, #tpu.memory_space<vmem>> -> memref<16x128xf32, #tpu.memory_space<vmem>>
        %get3A_2786 = arith.index_cast %get3A_2781 : i32 to index
        %get3A_2787 = arith.constant 80 : index
        %get3A_2788 = tpu.vector_load %get3A_2785[%get3A_2786, %get3A_2787] {strides = array<i32>} : memref<16x128xf32, #tpu.memory_space<vmem>>, vector<1x16xf32>,
        %get3A_2789 = vector.shape_cast %get3A_2788 : vector<1x16xf32> to vector<16xf32>
        %get3A_2790 = arith.constant 13 : i32
        %get3A_2791 = arith.constant 0 : i32
        %get3A_2792 = arith.constant 0 : i32
        %get3A_2793 = tpu.memref_slice %run_scoped3A[%rem3A_230, %get3A_2791, %get3A_2792] : memref<2x16x128xf32, #tpu.memory_space<vmem>> -> memref<1x16x128xf32, #tpu.memory_space<vmem>>
        %get3A_2794 = tpu.memref_squeeze %get3A_2793 : memref<1x16x128xf32, #tpu.memory_space<vmem>> -> memref<16x128xf32, #tpu.memory_space<vmem>>
        %get3A_2795 = arith.index_cast %get3A_2790 : i32 to index
        %get3A_2796 = arith.constant 80 : index
        %get3A_2797 = tpu.vector_load %get3A_2794[%get3A_2795, %get3A_2796] {strides = array<i32>} : memref<16x128xf32, #tpu.memory_space<vmem>>, vector<1x16xf32>,
        %get3A_2798 = vector.shape_cast %get3A_2797 : vector<1x16xf32> to vector<16xf32>
        %get3A_2799 = arith.constant 14 : i32
        %get3A_2800 = arith.constant 0 : i32
        %get3A_2801 = arith.constant 0 : i32
        %get3A_2802 = tpu.memref_slice %run_scoped3A[%rem3A_230, %get3A_2800, %get3A_2801] : memref<2x16x128xf32, #tpu.memory_space<vmem>> -> memref<1x16x128xf32, #tpu.memory_space<vmem>>
        %get3A_2803 = tpu.memref_squeeze %get3A_2802 : memref<1x16x128xf32, #tpu.memory_space<vmem>> -> memref<16x128xf32, #tpu.memory_space<vmem>>
        %get3A_2804 = arith.index_cast %get3A_2799 : i32 to index
        %get3A_2805 = arith.constant 80 : index
        %get3A_2806 = tpu.vector_load %get3A_2803[%get3A_2804, %get3A_2805] {strides = array<i32>} : memref<16x128xf32, #tpu.memory_space<vmem>>, vector<1x16xf32>,
        %get3A_2807 = vector.shape_cast %get3A_2806 : vector<1x16xf32> to vector<16xf32>
        %get3A_2808 = arith.constant 15 : i32
        %get3A_2809 = arith.constant 0 : i32
        %get3A_2810 = arith.constant 0 : i32
        %get3A_2811 = tpu.memref_slice %run_scoped3A[%rem3A_230, %get3A_2809, %get3A_2810] : memref<2x16x128xf32, #tpu.memory_space<vmem>> -> memref<1x16x128xf32, #tpu.memory_space<vmem>>
        %get3A_2812 = tpu.memref_squeeze %get3A_2811 : memref<1x16x128xf32, #tpu.memory_space<vmem>> -> memref<16x128xf32, #tpu.memory_space<vmem>>
        %get3A_2813 = arith.index_cast %get3A_2808 : i32 to index
        %get3A_2814 = arith.constant 80 : index
        %get3A_2815 = tpu.vector_load %get3A_2812[%get3A_2813, %get3A_2814] {strides = array<i32>} : memref<16x128xf32, #tpu.memory_space<vmem>>, vector<1x16xf32>,
        %get3A_2816 = vector.shape_cast %get3A_2815 : vector<1x16xf32> to vector<16xf32>
        %max3A_2817 = arith.maximumf %get3A_2681, %get3A_2690 : vector<16xf32>
        %max3A_2818 = arith.maximumf %max3A_2817, %get3A_2699 : vector<16xf32>
        %max3A_2819 = arith.maximumf %max3A_2818, %get3A_2708 : vector<16xf32>
        %max3A_2820 = arith.maximumf %max3A_2819, %get3A_2717 : vector<16xf32>
        %max3A_2821 = arith.maximumf %max3A_2820, %get3A_2726 : vector<16xf32>
        %max3A_2822 = arith.maximumf %max3A_2821, %get3A_2735 : vector<16xf32>
        %max3A_2823 = arith.maximumf %max3A_2822, %get3A_2744 : vector<16xf32>
        %max3A_2824 = arith.maximumf %max3A_2823, %get3A_2753 : vector<16xf32>
        %max3A_2825 = arith.maximumf %max3A_2824, %get3A_2762 : vector<16xf32>
        %max3A_2826 = arith.maximumf %max3A_2825, %get3A_2771 : vector<16xf32>
        %max3A_2827 = arith.maximumf %max3A_2826, %get3A_2780 : vector<16xf32>
        %max3A_2828 = arith.maximumf %max3A_2827, %get3A_2789 : vector<16xf32>
        %max3A_2829 = arith.maximumf %max3A_2828, %get3A_2798 : vector<16xf32>
        %max3A_2830 = arith.maximumf %max3A_2829, %get3A_2807 : vector<16xf32>
        %max3A_2831 = arith.maximumf %max3A_2830, %get3A_2816 : vector<16xf32>
        %broadcast_in_dim3A_2832 = arith.constant 16 : i32
        %broadcast_in_dim3A_2833 = vector.broadcast %broadcast_in_dim3A_2832 : i32 to vector<16xi32>
        %eq3A_2834 = arith.cmpf oeq, %get3A_2816, %max3A_2831 : vector<16xf32>
        %jit3A_2835 = arith.constant 15 : i32
        %broadcast_in_dim3A_2836 = vector.broadcast %jit3A_2835 : i32 to vector<16xi32>
        %select_n3A_2837 = arith.select %eq3A_2834, %broadcast_in_dim3A_2836, %broadcast_in_dim3A_2833 : vector<16xi1>, vector<16xi32>
        %eq3A_2838 = arith.cmpf oeq, %get3A_2807, %max3A_2831 : vector<16xf32>
        %jit3A_2839 = arith.constant 14 : i32
        %broadcast_in_dim3A_2840 = vector.broadcast %jit3A_2839 : i32 to vector<16xi32>
        %select_n3A_2841 = arith.select %eq3A_2838, %broadcast_in_dim3A_2840, %select_n3A_2837 : vector<16xi1>, vector<16xi32>
        %eq3A_2842 = arith.cmpf oeq, %get3A_2798, %max3A_2831 : vector<16xf32>
        %jit3A_2843 = arith.constant 13 : i32
        %broadcast_in_dim3A_2844 = vector.broadcast %jit3A_2843 : i32 to vector<16xi32>
        %select_n3A_2845 = arith.select %eq3A_2842, %broadcast_in_dim3A_2844, %select_n3A_2841 : vector<16xi1>, vector<16xi32>
        %eq3A_2846 = arith.cmpf oeq, %get3A_2789, %max3A_2831 : vector<16xf32>
        %jit3A_2847 = arith.constant 12 : i32
        %broadcast_in_dim3A_2848 = vector.broadcast %jit3A_2847 : i32 to vector<16xi32>
        %select_n3A_2849 = arith.select %eq3A_2846, %broadcast_in_dim3A_2848, %select_n3A_2845 : vector<16xi1>, vector<16xi32>
        %eq3A_2850 = arith.cmpf oeq, %get3A_2780, %max3A_2831 : vector<16xf32>
        %jit3A_2851 = arith.constant 11 : i32
        %broadcast_in_dim3A_2852 = vector.broadcast %jit3A_2851 : i32 to vector<16xi32>
        %select_n3A_2853 = arith.select %eq3A_2850, %broadcast_in_dim3A_2852, %select_n3A_2849 : vector<16xi1>, vector<16xi32>
        %eq3A_2854 = arith.cmpf oeq, %get3A_2771, %max3A_2831 : vector<16xf32>
        %jit3A_2855 = arith.constant 10 : i32
        %broadcast_in_dim3A_2856 = vector.broadcast %jit3A_2855 : i32 to vector<16xi32>
        %select_n3A_2857 = arith.select %eq3A_2854, %broadcast_in_dim3A_2856, %select_n3A_2853 : vector<16xi1>, vector<16xi32>
        %eq3A_2858 = arith.cmpf oeq, %get3A_2762, %max3A_2831 : vector<16xf32>
        %jit3A_2859 = arith.constant 9 : i32
        %broadcast_in_dim3A_2860 = vector.broadcast %jit3A_2859 : i32 to vector<16xi32>
        %select_n3A_2861 = arith.select %eq3A_2858, %broadcast_in_dim3A_2860, %select_n3A_2857 : vector<16xi1>, vector<16xi32>
        %eq3A_2862 = arith.cmpf oeq, %get3A_2753, %max3A_2831 : vector<16xf32>
        %jit3A_2863 = arith.constant 8 : i32
        %broadcast_in_dim3A_2864 = vector.broadcast %jit3A_2863 : i32 to vector<16xi32>
        %select_n3A_2865 = arith.select %eq3A_2862, %broadcast_in_dim3A_2864, %select_n3A_2861 : vector<16xi1>, vector<16xi32>
        %eq3A_2866 = arith.cmpf oeq, %get3A_2744, %max3A_2831 : vector<16xf32>
        %jit3A_2867 = arith.constant 7 : i32
        %broadcast_in_dim3A_2868 = vector.broadcast %jit3A_2867 : i32 to vector<16xi32>
        %select_n3A_2869 = arith.select %eq3A_2866, %broadcast_in_dim3A_2868, %select_n3A_2865 : vector<16xi1>, vector<16xi32>
        %eq3A_2870 = arith.cmpf oeq, %get3A_2735, %max3A_2831 : vector<16xf32>
        %jit3A_2871 = arith.constant 6 : i32
        %broadcast_in_dim3A_2872 = vector.broadcast %jit3A_2871 : i32 to vector<16xi32>
        %select_n3A_2873 = arith.select %eq3A_2870, %broadcast_in_dim3A_2872, %select_n3A_2869 : vector<16xi1>, vector<16xi32>
        %eq3A_2874 = arith.cmpf oeq, %get3A_2726, %max3A_2831 : vector<16xf32>
        %jit3A_2875 = arith.constant 5 : i32
        %broadcast_in_dim3A_2876 = vector.broadcast %jit3A_2875 : i32 to vector<16xi32>
        %select_n3A_2877 = arith.select %eq3A_2874, %broadcast_in_dim3A_2876, %select_n3A_2873 : vector<16xi1>, vector<16xi32>
        %eq3A_2878 = arith.cmpf oeq, %get3A_2717, %max3A_2831 : vector<16xf32>
        %jit3A_2879 = arith.constant 4 : i32
        %broadcast_in_dim3A_2880 = vector.broadcast %jit3A_2879 : i32 to vector<16xi32>
        %select_n3A_2881 = arith.select %eq3A_2878, %broadcast_in_dim3A_2880, %select_n3A_2877 : vector<16xi1>, vector<16xi32>
        %eq3A_2882 = arith.cmpf oeq, %get3A_2708, %max3A_2831 : vector<16xf32>
        %jit3A_2883 = arith.constant 3 : i32
        %broadcast_in_dim3A_2884 = vector.broadcast %jit3A_2883 : i32 to vector<16xi32>
        %select_n3A_2885 = arith.select %eq3A_2882, %broadcast_in_dim3A_2884, %select_n3A_2881 : vector<16xi1>, vector<16xi32>
        %eq3A_2886 = arith.cmpf oeq, %get3A_2699, %max3A_2831 : vector<16xf32>
        %jit3A_2887 = arith.constant 2 : i32
        %broadcast_in_dim3A_2888 = vector.broadcast %jit3A_2887 : i32 to vector<16xi32>
        %select_n3A_2889 = arith.select %eq3A_2886, %broadcast_in_dim3A_2888, %select_n3A_2885 : vector<16xi1>, vector<16xi32>
        %eq3A_2890 = arith.cmpf oeq, %get3A_2690, %max3A_2831 : vector<16xf32>
        %jit3A_2891 = arith.constant 1 : i32
        %broadcast_in_dim3A_2892 = vector.broadcast %jit3A_2891 : i32 to vector<16xi32>
        %select_n3A_2893 = arith.select %eq3A_2890, %broadcast_in_dim3A_2892, %select_n3A_2889 : vector<16xi1>, vector<16xi32>
        %eq3A_2894 = arith.cmpf oeq, %get3A_2681, %max3A_2831 : vector<16xf32>
        %jit3A_2895 = arith.constant 0 : i32
        %broadcast_in_dim3A_2896 = vector.broadcast %jit3A_2895 : i32 to vector<16xi32>
        %select_n3A_2897 = arith.select %eq3A_2894, %broadcast_in_dim3A_2896, %select_n3A_2893 : vector<16xi1>, vector<16xi32>
        %broadcast_in_dim3A_2898 = arith.constant 0xFF800000 : f32
        %broadcast_in_dim3A_2899 = vector.broadcast %broadcast_in_dim3A_2898 : f32 to vector<16xf32>
        %eq3A_2900 = arith.constant 0 : i32
        %eq3A_2901 = vector.broadcast %eq3A_2900 : i32 to vector<16xi32>
        %eq3A_2902 = arith.cmpi eq, %select_n3A_2897, %eq3A_2901 : vector<16xi32>
        %select_n3A_2903 = arith.select %eq3A_2902, %broadcast_in_dim3A_2899, %get3A_2681 : vector<16xi1>, vector<16xf32>
        %max3A_2904 = arith.maximumf %broadcast_in_dim3A_2899, %select_n3A_2903 : vector<16xf32>
        %eq3A_2905 = arith.constant 1 : i32
        %eq3A_2906 = vector.broadcast %eq3A_2905 : i32 to vector<16xi32>
        %eq3A_2907 = arith.cmpi eq, %select_n3A_2897, %eq3A_2906 : vector<16xi32>
        %select_n3A_2908 = arith.select %eq3A_2907, %broadcast_in_dim3A_2899, %get3A_2690 : vector<16xi1>, vector<16xf32>
        %max3A_2909 = arith.maximumf %max3A_2904, %select_n3A_2908 : vector<16xf32>
        %eq3A_2910 = arith.constant 2 : i32
        %eq3A_2911 = vector.broadcast %eq3A_2910 : i32 to vector<16xi32>
        %eq3A_2912 = arith.cmpi eq, %select_n3A_2897, %eq3A_2911 : vector<16xi32>
        %select_n3A_2913 = arith.select %eq3A_2912, %broadcast_in_dim3A_2899, %get3A_2699 : vector<16xi1>, vector<16xf32>
        %max3A_2914 = arith.maximumf %max3A_2909, %select_n3A_2913 : vector<16xf32>
        %eq3A_2915 = arith.constant 3 : i32
        %eq3A_2916 = vector.broadcast %eq3A_2915 : i32 to vector<16xi32>
        %eq3A_2917 = arith.cmpi eq, %select_n3A_2897, %eq3A_2916 : vector<16xi32>
        %select_n3A_2918 = arith.select %eq3A_2917, %broadcast_in_dim3A_2899, %get3A_2708 : vector<16xi1>, vector<16xf32>
        %max3A_2919 = arith.maximumf %max3A_2914, %select_n3A_2918 : vector<16xf32>
        %eq3A_2920 = arith.constant 4 : i32
        %eq3A_2921 = vector.broadcast %eq3A_2920 : i32 to vector<16xi32>
        %eq3A_2922 = arith.cmpi eq, %select_n3A_2897, %eq3A_2921 : vector<16xi32>
        %select_n3A_2923 = arith.select %eq3A_2922, %broadcast_in_dim3A_2899, %get3A_2717 : vector<16xi1>, vector<16xf32>
        %max3A_2924 = arith.maximumf %max3A_2919, %select_n3A_2923 : vector<16xf32>
        %eq3A_2925 = arith.constant 5 : i32
        %eq3A_2926 = vector.broadcast %eq3A_2925 : i32 to vector<16xi32>
        %eq3A_2927 = arith.cmpi eq, %select_n3A_2897, %eq3A_2926 : vector<16xi32>
        %select_n3A_2928 = arith.select %eq3A_2927, %broadcast_in_dim3A_2899, %get3A_2726 : vector<16xi1>, vector<16xf32>
        %max3A_2929 = arith.maximumf %max3A_2924, %select_n3A_2928 : vector<16xf32>
        %eq3A_2930 = arith.constant 6 : i32
        %eq3A_2931 = vector.broadcast %eq3A_2930 : i32 to vector<16xi32>
        %eq3A_2932 = arith.cmpi eq, %select_n3A_2897, %eq3A_2931 : vector<16xi32>
        %select_n3A_2933 = arith.select %eq3A_2932, %broadcast_in_dim3A_2899, %get3A_2735 : vector<16xi1>, vector<16xf32>
        %max3A_2934 = arith.maximumf %max3A_2929, %select_n3A_2933 : vector<16xf32>
        %eq3A_2935 = arith.constant 7 : i32
        %eq3A_2936 = vector.broadcast %eq3A_2935 : i32 to vector<16xi32>
        %eq3A_2937 = arith.cmpi eq, %select_n3A_2897, %eq3A_2936 : vector<16xi32>
        %select_n3A_2938 = arith.select %eq3A_2937, %broadcast_in_dim3A_2899, %get3A_2744 : vector<16xi1>, vector<16xf32>
        %max3A_2939 = arith.maximumf %max3A_2934, %select_n3A_2938 : vector<16xf32>
        %eq3A_2940 = arith.constant 8 : i32
        %eq3A_2941 = vector.broadcast %eq3A_2940 : i32 to vector<16xi32>
        %eq3A_2942 = arith.cmpi eq, %select_n3A_2897, %eq3A_2941 : vector<16xi32>
        %select_n3A_2943 = arith.select %eq3A_2942, %broadcast_in_dim3A_2899, %get3A_2753 : vector<16xi1>, vector<16xf32>
        %max3A_2944 = arith.maximumf %max3A_2939, %select_n3A_2943 : vector<16xf32>
        %eq3A_2945 = arith.constant 9 : i32
        %eq3A_2946 = vector.broadcast %eq3A_2945 : i32 to vector<16xi32>
        %eq3A_2947 = arith.cmpi eq, %select_n3A_2897, %eq3A_2946 : vector<16xi32>
        %select_n3A_2948 = arith.select %eq3A_2947, %broadcast_in_dim3A_2899, %get3A_2762 : vector<16xi1>, vector<16xf32>
        %max3A_2949 = arith.maximumf %max3A_2944, %select_n3A_2948 : vector<16xf32>
        %eq3A_2950 = arith.constant 10 : i32
        %eq3A_2951 = vector.broadcast %eq3A_2950 : i32 to vector<16xi32>
        %eq3A_2952 = arith.cmpi eq, %select_n3A_2897, %eq3A_2951 : vector<16xi32>
        %select_n3A_2953 = arith.select %eq3A_2952, %broadcast_in_dim3A_2899, %get3A_2771 : vector<16xi1>, vector<16xf32>
        %max3A_2954 = arith.maximumf %max3A_2949, %select_n3A_2953 : vector<16xf32>
        %eq3A_2955 = arith.constant 11 : i32
        %eq3A_2956 = vector.broadcast %eq3A_2955 : i32 to vector<16xi32>
        %eq3A_2957 = arith.cmpi eq, %select_n3A_2897, %eq3A_2956 : vector<16xi32>
        %select_n3A_2958 = arith.select %eq3A_2957, %broadcast_in_dim3A_2899, %get3A_2780 : vector<16xi1>, vector<16xf32>
        %max3A_2959 = arith.maximumf %max3A_2954, %select_n3A_2958 : vector<16xf32>
        %eq3A_2960 = arith.constant 12 : i32
        %eq3A_2961 = vector.broadcast %eq3A_2960 : i32 to vector<16xi32>
        %eq3A_2962 = arith.cmpi eq, %select_n3A_2897, %eq3A_2961 : vector<16xi32>
        %select_n3A_2963 = arith.select %eq3A_2962, %broadcast_in_dim3A_2899, %get3A_2789 : vector<16xi1>, vector<16xf32>
        %max3A_2964 = arith.maximumf %max3A_2959, %select_n3A_2963 : vector<16xf32>
        %eq3A_2965 = arith.constant 13 : i32
        %eq3A_2966 = vector.broadcast %eq3A_2965 : i32 to vector<16xi32>
        %eq3A_2967 = arith.cmpi eq, %select_n3A_2897, %eq3A_2966 : vector<16xi32>
        %select_n3A_2968 = arith.select %eq3A_2967, %broadcast_in_dim3A_2899, %get3A_2798 : vector<16xi1>, vector<16xf32>
        %max3A_2969 = arith.maximumf %max3A_2964, %select_n3A_2968 : vector<16xf32>
        %eq3A_2970 = arith.constant 14 : i32
        %eq3A_2971 = vector.broadcast %eq3A_2970 : i32 to vector<16xi32>
        %eq3A_2972 = arith.cmpi eq, %select_n3A_2897, %eq3A_2971 : vector<16xi32>
        %select_n3A_2973 = arith.select %eq3A_2972, %broadcast_in_dim3A_2899, %get3A_2807 : vector<16xi1>, vector<16xf32>
        %max3A_2974 = arith.maximumf %max3A_2969, %select_n3A_2973 : vector<16xf32>
        %eq3A_2975 = arith.constant 15 : i32
        %eq3A_2976 = vector.broadcast %eq3A_2975 : i32 to vector<16xi32>
        %eq3A_2977 = arith.cmpi eq, %select_n3A_2897, %eq3A_2976 : vector<16xi32>
        %select_n3A_2978 = arith.select %eq3A_2977, %broadcast_in_dim3A_2899, %get3A_2816 : vector<16xi1>, vector<16xf32>
        %max3A_2979 = arith.maximumf %max3A_2974, %select_n3A_2978 : vector<16xf32>
        %broadcast_in_dim3A_2980 = arith.constant 16 : i32
        %broadcast_in_dim3A_2981 = vector.broadcast %broadcast_in_dim3A_2980 : i32 to vector<16xi32>
        %eq3A_2982 = arith.constant 15 : i32
        %eq3A_2983 = vector.broadcast %eq3A_2982 : i32 to vector<16xi32>
        %eq3A_2984 = arith.cmpi eq, %select_n3A_2897, %eq3A_2983 : vector<16xi32>
        %select_n3A_2985 = arith.select %eq3A_2984, %broadcast_in_dim3A_2899, %get3A_2816 : vector<16xi1>, vector<16xf32>
        %eq3A_2986 = arith.cmpf oeq, %select_n3A_2985, %max3A_2979 : vector<16xf32>
        %jit3A_2987 = arith.constant 15 : i32
        %broadcast_in_dim3A_2988 = vector.broadcast %jit3A_2987 : i32 to vector<16xi32>
        %select_n3A_2989 = arith.select %eq3A_2986, %broadcast_in_dim3A_2988, %broadcast_in_dim3A_2981 : vector<16xi1>, vector<16xi32>
        %eq3A_2990 = arith.constant 14 : i32
        %eq3A_2991 = vector.broadcast %eq3A_2990 : i32 to vector<16xi32>
        %eq3A_2992 = arith.cmpi eq, %select_n3A_2897, %eq3A_2991 : vector<16xi32>
        %select_n3A_2993 = arith.select %eq3A_2992, %broadcast_in_dim3A_2899, %get3A_2807 : vector<16xi1>, vector<16xf32>
        %eq3A_2994 = arith.cmpf oeq, %select_n3A_2993, %max3A_2979 : vector<16xf32>
        %jit3A_2995 = arith.constant 14 : i32
        %broadcast_in_dim3A_2996 = vector.broadcast %jit3A_2995 : i32 to vector<16xi32>
        %select_n3A_2997 = arith.select %eq3A_2994, %broadcast_in_dim3A_2996, %select_n3A_2989 : vector<16xi1>, vector<16xi32>
        %eq3A_2998 = arith.constant 13 : i32
        %eq3A_2999 = vector.broadcast %eq3A_2998 : i32 to vector<16xi32>
        %eq3A_3000 = arith.cmpi eq, %select_n3A_2897, %eq3A_2999 : vector<16xi32>
        %select_n3A_3001 = arith.select %eq3A_3000, %broadcast_in_dim3A_2899, %get3A_2798 : vector<16xi1>, vector<16xf32>
        %eq3A_3002 = arith.cmpf oeq, %select_n3A_3001, %max3A_2979 : vector<16xf32>
        %jit3A_3003 = arith.constant 13 : i32
        %broadcast_in_dim3A_3004 = vector.broadcast %jit3A_3003 : i32 to vector<16xi32>
        %select_n3A_3005 = arith.select %eq3A_3002, %broadcast_in_dim3A_3004, %select_n3A_2997 : vector<16xi1>, vector<16xi32>
        %eq3A_3006 = arith.constant 12 : i32
        %eq3A_3007 = vector.broadcast %eq3A_3006 : i32 to vector<16xi32>
        %eq3A_3008 = arith.cmpi eq, %select_n3A_2897, %eq3A_3007 : vector<16xi32>
        %select_n3A_3009 = arith.select %eq3A_3008, %broadcast_in_dim3A_2899, %get3A_2789 : vector<16xi1>, vector<16xf32>
        %eq3A_3010 = arith.cmpf oeq, %select_n3A_3009, %max3A_2979 : vector<16xf32>
        %jit3A_3011 = arith.constant 12 : i32
        %broadcast_in_dim3A_3012 = vector.broadcast %jit3A_3011 : i32 to vector<16xi32>
        %select_n3A_3013 = arith.select %eq3A_3010, %broadcast_in_dim3A_3012, %select_n3A_3005 : vector<16xi1>, vector<16xi32>
        %eq3A_3014 = arith.constant 11 : i32
        %eq3A_3015 = vector.broadcast %eq3A_3014 : i32 to vector<16xi32>
        %eq3A_3016 = arith.cmpi eq, %select_n3A_2897, %eq3A_3015 : vector<16xi32>
        %select_n3A_3017 = arith.select %eq3A_3016, %broadcast_in_dim3A_2899, %get3A_2780 : vector<16xi1>, vector<16xf32>
        %eq3A_3018 = arith.cmpf oeq, %select_n3A_3017, %max3A_2979 : vector<16xf32>
        %jit3A_3019 = arith.constant 11 : i32
        %broadcast_in_dim3A_3020 = vector.broadcast %jit3A_3019 : i32 to vector<16xi32>
        %select_n3A_3021 = arith.select %eq3A_3018, %broadcast_in_dim3A_3020, %select_n3A_3013 : vector<16xi1>, vector<16xi32>
        %eq3A_3022 = arith.constant 10 : i32
        %eq3A_3023 = vector.broadcast %eq3A_3022 : i32 to vector<16xi32>
        %eq3A_3024 = arith.cmpi eq, %select_n3A_2897, %eq3A_3023 : vector<16xi32>
        %select_n3A_3025 = arith.select %eq3A_3024, %broadcast_in_dim3A_2899, %get3A_2771 : vector<16xi1>, vector<16xf32>
        %eq3A_3026 = arith.cmpf oeq, %select_n3A_3025, %max3A_2979 : vector<16xf32>
        %jit3A_3027 = arith.constant 10 : i32
        %broadcast_in_dim3A_3028 = vector.broadcast %jit3A_3027 : i32 to vector<16xi32>
        %select_n3A_3029 = arith.select %eq3A_3026, %broadcast_in_dim3A_3028, %select_n3A_3021 : vector<16xi1>, vector<16xi32>
        %eq3A_3030 = arith.constant 9 : i32
        %eq3A_3031 = vector.broadcast %eq3A_3030 : i32 to vector<16xi32>
        %eq3A_3032 = arith.cmpi eq, %select_n3A_2897, %eq3A_3031 : vector<16xi32>
        %select_n3A_3033 = arith.select %eq3A_3032, %broadcast_in_dim3A_2899, %get3A_2762 : vector<16xi1>, vector<16xf32>
        %eq3A_3034 = arith.cmpf oeq, %select_n3A_3033, %max3A_2979 : vector<16xf32>
        %jit3A_3035 = arith.constant 9 : i32
        %broadcast_in_dim3A_3036 = vector.broadcast %jit3A_3035 : i32 to vector<16xi32>
        %select_n3A_3037 = arith.select %eq3A_3034, %broadcast_in_dim3A_3036, %select_n3A_3029 : vector<16xi1>, vector<16xi32>
        %eq3A_3038 = arith.constant 8 : i32
        %eq3A_3039 = vector.broadcast %eq3A_3038 : i32 to vector<16xi32>
        %eq3A_3040 = arith.cmpi eq, %select_n3A_2897, %eq3A_3039 : vector<16xi32>
        %select_n3A_3041 = arith.select %eq3A_3040, %broadcast_in_dim3A_2899, %get3A_2753 : vector<16xi1>, vector<16xf32>
        %eq3A_3042 = arith.cmpf oeq, %select_n3A_3041, %max3A_2979 : vector<16xf32>
        %jit3A_3043 = arith.constant 8 : i32
        %broadcast_in_dim3A_3044 = vector.broadcast %jit3A_3043 : i32 to vector<16xi32>
        %select_n3A_3045 = arith.select %eq3A_3042, %broadcast_in_dim3A_3044, %select_n3A_3037 : vector<16xi1>, vector<16xi32>
        %eq3A_3046 = arith.constant 7 : i32
        %eq3A_3047 = vector.broadcast %eq3A_3046 : i32 to vector<16xi32>
        %eq3A_3048 = arith.cmpi eq, %select_n3A_2897, %eq3A_3047 : vector<16xi32>
        %select_n3A_3049 = arith.select %eq3A_3048, %broadcast_in_dim3A_2899, %get3A_2744 : vector<16xi1>, vector<16xf32>
        %eq3A_3050 = arith.cmpf oeq, %select_n3A_3049, %max3A_2979 : vector<16xf32>
        %jit3A_3051 = arith.constant 7 : i32
        %broadcast_in_dim3A_3052 = vector.broadcast %jit3A_3051 : i32 to vector<16xi32>
        %select_n3A_3053 = arith.select %eq3A_3050, %broadcast_in_dim3A_3052, %select_n3A_3045 : vector<16xi1>, vector<16xi32>
        %eq3A_3054 = arith.constant 6 : i32
        %eq3A_3055 = vector.broadcast %eq3A_3054 : i32 to vector<16xi32>
        %eq3A_3056 = arith.cmpi eq, %select_n3A_2897, %eq3A_3055 : vector<16xi32>
        %select_n3A_3057 = arith.select %eq3A_3056, %broadcast_in_dim3A_2899, %get3A_2735 : vector<16xi1>, vector<16xf32>
        %eq3A_3058 = arith.cmpf oeq, %select_n3A_3057, %max3A_2979 : vector<16xf32>
        %jit3A_3059 = arith.constant 6 : i32
        %broadcast_in_dim3A_3060 = vector.broadcast %jit3A_3059 : i32 to vector<16xi32>
        %select_n3A_3061 = arith.select %eq3A_3058, %broadcast_in_dim3A_3060, %select_n3A_3053 : vector<16xi1>, vector<16xi32>
        %eq3A_3062 = arith.constant 5 : i32
        %eq3A_3063 = vector.broadcast %eq3A_3062 : i32 to vector<16xi32>
        %eq3A_3064 = arith.cmpi eq, %select_n3A_2897, %eq3A_3063 : vector<16xi32>
        %select_n3A_3065 = arith.select %eq3A_3064, %broadcast_in_dim3A_2899, %get3A_2726 : vector<16xi1>, vector<16xf32>
        %eq3A_3066 = arith.cmpf oeq, %select_n3A_3065, %max3A_2979 : vector<16xf32>
        %jit3A_3067 = arith.constant 5 : i32
        %broadcast_in_dim3A_3068 = vector.broadcast %jit3A_3067 : i32 to vector<16xi32>
        %select_n3A_3069 = arith.select %eq3A_3066, %broadcast_in_dim3A_3068, %select_n3A_3061 : vector<16xi1>, vector<16xi32>
        %eq3A_3070 = arith.constant 4 : i32
        %eq3A_3071 = vector.broadcast %eq3A_3070 : i32 to vector<16xi32>
        %eq3A_3072 = arith.cmpi eq, %select_n3A_2897, %eq3A_3071 : vector<16xi32>
        %select_n3A_3073 = arith.select %eq3A_3072, %broadcast_in_dim3A_2899, %get3A_2717 : vector<16xi1>, vector<16xf32>
        %eq3A_3074 = arith.cmpf oeq, %select_n3A_3073, %max3A_2979 : vector<16xf32>
        %jit3A_3075 = arith.constant 4 : i32
        %broadcast_in_dim3A_3076 = vector.broadcast %jit3A_3075 : i32 to vector<16xi32>
        %select_n3A_3077 = arith.select %eq3A_3074, %broadcast_in_dim3A_3076, %select_n3A_3069 : vector<16xi1>, vector<16xi32>
        %eq3A_3078 = arith.constant 3 : i32
        %eq3A_3079 = vector.broadcast %eq3A_3078 : i32 to vector<16xi32>
        %eq3A_3080 = arith.cmpi eq, %select_n3A_2897, %eq3A_3079 : vector<16xi32>
        %select_n3A_3081 = arith.select %eq3A_3080, %broadcast_in_dim3A_2899, %get3A_2708 : vector<16xi1>, vector<16xf32>
        %eq3A_3082 = arith.cmpf oeq, %select_n3A_3081, %max3A_2979 : vector<16xf32>
        %jit3A_3083 = arith.constant 3 : i32
        %broadcast_in_dim3A_3084 = vector.broadcast %jit3A_3083 : i32 to vector<16xi32>
        %select_n3A_3085 = arith.select %eq3A_3082, %broadcast_in_dim3A_3084, %select_n3A_3077 : vector<16xi1>, vector<16xi32>
        %eq3A_3086 = arith.constant 2 : i32
        %eq3A_3087 = vector.broadcast %eq3A_3086 : i32 to vector<16xi32>
        %eq3A_3088 = arith.cmpi eq, %select_n3A_2897, %eq3A_3087 : vector<16xi32>
        %select_n3A_3089 = arith.select %eq3A_3088, %broadcast_in_dim3A_2899, %get3A_2699 : vector<16xi1>, vector<16xf32>
        %eq3A_3090 = arith.cmpf oeq, %select_n3A_3089, %max3A_2979 : vector<16xf32>
        %jit3A_3091 = arith.constant 2 : i32
        %broadcast_in_dim3A_3092 = vector.broadcast %jit3A_3091 : i32 to vector<16xi32>
        %select_n3A_3093 = arith.select %eq3A_3090, %broadcast_in_dim3A_3092, %select_n3A_3085 : vector<16xi1>, vector<16xi32>
        %eq3A_3094 = arith.constant 1 : i32
        %eq3A_3095 = vector.broadcast %eq3A_3094 : i32 to vector<16xi32>
        %eq3A_3096 = arith.cmpi eq, %select_n3A_2897, %eq3A_3095 : vector<16xi32>
        %select_n3A_3097 = arith.select %eq3A_3096, %broadcast_in_dim3A_2899, %get3A_2690 : vector<16xi1>, vector<16xf32>
        %eq3A_3098 = arith.cmpf oeq, %select_n3A_3097, %max3A_2979 : vector<16xf32>
        %jit3A_3099 = arith.constant 1 : i32
        %broadcast_in_dim3A_3100 = vector.broadcast %jit3A_3099 : i32 to vector<16xi32>
        %select_n3A_3101 = arith.select %eq3A_3098, %broadcast_in_dim3A_3100, %select_n3A_3093 : vector<16xi1>, vector<16xi32>
        %eq3A_3102 = arith.constant 0 : i32
        %eq3A_3103 = vector.broadcast %eq3A_3102 : i32 to vector<16xi32>
        %eq3A_3104 = arith.cmpi eq, %select_n3A_2897, %eq3A_3103 : vector<16xi32>
        %select_n3A_3105 = arith.select %eq3A_3104, %broadcast_in_dim3A_2899, %get3A_2681 : vector<16xi1>, vector<16xf32>
        %eq3A_3106 = arith.cmpf oeq, %select_n3A_3105, %max3A_2979 : vector<16xf32>
        %jit3A_3107 = arith.constant 0 : i32
        %broadcast_in_dim3A_3108 = vector.broadcast %jit3A_3107 : i32 to vector<16xi32>
        %select_n3A_3109 = arith.select %eq3A_3106, %broadcast_in_dim3A_3108, %select_n3A_3101 : vector<16xi1>, vector<16xi32>
        %sub3A_3110 = arith.subf %max3A_2979, %max3A_2831 : vector<16xf32>
        %mul3A_3111 = arith.constant 1.250000e+00 : f32
        %mul3A_3112 = vector.broadcast %mul3A_3111 : f32 to vector<16xf32>
        %mul3A_3113 = arith.mulf %sub3A_3110, %mul3A_3112 : vector<16xf32>
        %exp3A_3114 = math.exp %mul3A_3113 : vector<16xf32>
        %add3A_3115 = arith.constant 1.000000e+00 : f32
        %add3A_3116 = vector.broadcast %add3A_3115 : f32 to vector<16xf32>
        %add3A_3117 = arith.addf %add3A_3116, %exp3A_3114 : vector<16xf32>
        %div3A_3118 = arith.constant 1.000000e+00 : f32
        %div3A_3119 = vector.broadcast %div3A_3118 : f32 to vector<16xf32>
        %div3A_3120 = arith.divf %div3A_3119, %add3A_3117 : vector<16xf32>
        %swap3A_3121 = arith.constant 0 : i32
        %swap3A_3122 = arith.constant 0 : i32
        %swap3A_3123 = arith.constant 0 : i32
        %swap3A_3124 = tpu.memref_slice %run_scoped3A_8[%rem3A_232, %swap3A_3122, %swap3A_3123] : memref<2x2x128xf32, #tpu.memory_space<vmem>> -> memref<1x2x128xf32, #tpu.memory_space<vmem>>
        %swap3A_3125 = tpu.memref_squeeze %swap3A_3124 : memref<1x2x128xf32, #tpu.memory_space<vmem>> -> memref<2x128xf32, #tpu.memory_space<vmem>>
        %swap3A_3126 = arith.index_cast %swap3A_3121 : i32 to index
        %swap3A_3127 = arith.constant 80 : index
        %swap3A_3128 = tpu.vector_load %swap3A_3125[%swap3A_3126, %swap3A_3127] {strides = array<i32>} : memref<2x128xf32, #tpu.memory_space<vmem>>, vector<1x16xf32>,
        %swap3A_3129 = vector.shape_cast %swap3A_3128 : vector<1x16xf32> to vector<16xf32>
        %swap3A_3130 = vector.shape_cast %div3A_3120 : vector<16xf32> to vector<1x16xf32>
        tpu.vector_store %swap3A_3125[%swap3A_3126, %swap3A_3127], %swap3A_3130 {strides = array<i32>} : memref<2x128xf32, #tpu.memory_space<vmem>>, vector<1x16xf32>,
        %mul3A_3131 = arith.mulf %exp3A_3114, %div3A_3120 : vector<16xf32>
        %swap3A_3132 = arith.constant 1 : i32
        %swap3A_3133 = arith.constant 0 : i32
        %swap3A_3134 = arith.constant 0 : i32
        %swap3A_3135 = tpu.memref_slice %run_scoped3A_8[%rem3A_232, %swap3A_3133, %swap3A_3134] : memref<2x2x128xf32, #tpu.memory_space<vmem>> -> memref<1x2x128xf32, #tpu.memory_space<vmem>>
        %swap3A_3136 = tpu.memref_squeeze %swap3A_3135 : memref<1x2x128xf32, #tpu.memory_space<vmem>> -> memref<2x128xf32, #tpu.memory_space<vmem>>
        %swap3A_3137 = arith.index_cast %swap3A_3132 : i32 to index
        %swap3A_3138 = arith.constant 80 : index
        %swap3A_3139 = tpu.vector_load %swap3A_3136[%swap3A_3137, %swap3A_3138] {strides = array<i32>} : memref<2x128xf32, #tpu.memory_space<vmem>>, vector<1x16xf32>,
        %swap3A_3140 = vector.shape_cast %swap3A_3139 : vector<1x16xf32> to vector<16xf32>
        %swap3A_3141 = vector.shape_cast %mul3A_3131 : vector<16xf32> to vector<1x16xf32>
        tpu.vector_store %swap3A_3136[%swap3A_3137, %swap3A_3138], %swap3A_3141 {strides = array<i32>} : memref<2x128xf32, #tpu.memory_space<vmem>>, vector<1x16xf32>,
        %swap3A_3142 = arith.constant 0 : i32
        %swap3A_3143 = arith.constant 0 : i32
        %swap3A_3144 = arith.constant 0 : i32
        %swap3A_3145 = tpu.memref_slice %run_scoped3A_10[%rem3A_234, %swap3A_3143, %swap3A_3144] : memref<2x2x128xi32, #tpu.memory_space<vmem>> -> memref<1x2x128xi32, #tpu.memory_space<vmem>>
        %swap3A_3146 = tpu.memref_squeeze %swap3A_3145 : memref<1x2x128xi32, #tpu.memory_space<vmem>> -> memref<2x128xi32, #tpu.memory_space<vmem>>
        %swap3A_3147 = arith.index_cast %swap3A_3142 : i32 to index
        %swap3A_3148 = arith.constant 80 : index
        %swap3A_3149 = tpu.vector_load %swap3A_3146[%swap3A_3147, %swap3A_3148] {strides = array<i32>} : memref<2x128xi32, #tpu.memory_space<vmem>>, vector<1x16xi32>,
        %swap3A_3150 = vector.shape_cast %swap3A_3149 : vector<1x16xi32> to vector<16xi32>
        %swap3A_3151 = vector.shape_cast %select_n3A_2897 : vector<16xi32> to vector<1x16xi32>
        tpu.vector_store %swap3A_3146[%swap3A_3147, %swap3A_3148], %swap3A_3151 {strides = array<i32>} : memref<2x128xi32, #tpu.memory_space<vmem>>, vector<1x16xi32>,
        %swap3A_3152 = arith.constant 1 : i32
        %swap3A_3153 = arith.constant 0 : i32
        %swap3A_3154 = arith.constant 0 : i32
        %swap3A_3155 = tpu.memref_slice %run_scoped3A_10[%rem3A_234, %swap3A_3153, %swap3A_3154] : memref<2x2x128xi32, #tpu.memory_space<vmem>> -> memref<1x2x128xi32, #tpu.memory_space<vmem>>
        %swap3A_3156 = tpu.memref_squeeze %swap3A_3155 : memref<1x2x128xi32, #tpu.memory_space<vmem>> -> memref<2x128xi32, #tpu.memory_space<vmem>>
        %swap3A_3157 = arith.index_cast %swap3A_3152 : i32 to index
        %swap3A_3158 = arith.constant 80 : index
        %swap3A_3159 = tpu.vector_load %swap3A_3156[%swap3A_3157, %swap3A_3158] {strides = array<i32>} : memref<2x128xi32, #tpu.memory_space<vmem>>, vector<1x16xi32>,
        %swap3A_3160 = vector.shape_cast %swap3A_3159 : vector<1x16xi32> to vector<16xi32>
        %swap3A_3161 = vector.shape_cast %select_n3A_3109 : vector<16xi32> to vector<1x16xi32>
        tpu.vector_store %swap3A_3156[%swap3A_3157, %swap3A_3158], %swap3A_3161 {strides = array<i32>} : memref<2x128xi32, #tpu.memory_space<vmem>>, vector<1x16xi32>,
        %get3A_3162 = arith.constant 0 : i32
        %get3A_3163 = arith.constant 0 : i32
        %get3A_3164 = arith.constant 0 : i32
        %get3A_3165 = tpu.memref_slice %run_scoped3A[%rem3A_230, %get3A_3163, %get3A_3164] : memref<2x16x128xf32, #tpu.memory_space<vmem>> -> memref<1x16x128xf32, #tpu.memory_space<vmem>>
        %get3A_3166 = tpu.memref_squeeze %get3A_3165 : memref<1x16x128xf32, #tpu.memory_space<vmem>> -> memref<16x128xf32, #tpu.memory_space<vmem>>
        %get3A_3167 = arith.index_cast %get3A_3162 : i32 to index
        %get3A_3168 = arith.constant 96 : index
        %get3A_3169 = tpu.vector_load %get3A_3166[%get3A_3167, %get3A_3168] {strides = array<i32>} : memref<16x128xf32, #tpu.memory_space<vmem>>, vector<1x16xf32>,
        %get3A_3170 = vector.shape_cast %get3A_3169 : vector<1x16xf32> to vector<16xf32>
        %get3A_3171 = arith.constant 1 : i32
        %get3A_3172 = arith.constant 0 : i32
        %get3A_3173 = arith.constant 0 : i32
        %get3A_3174 = tpu.memref_slice %run_scoped3A[%rem3A_230, %get3A_3172, %get3A_3173] : memref<2x16x128xf32, #tpu.memory_space<vmem>> -> memref<1x16x128xf32, #tpu.memory_space<vmem>>
        %get3A_3175 = tpu.memref_squeeze %get3A_3174 : memref<1x16x128xf32, #tpu.memory_space<vmem>> -> memref<16x128xf32, #tpu.memory_space<vmem>>
        %get3A_3176 = arith.index_cast %get3A_3171 : i32 to index
        %get3A_3177 = arith.constant 96 : index
        %get3A_3178 = tpu.vector_load %get3A_3175[%get3A_3176, %get3A_3177] {strides = array<i32>} : memref<16x128xf32, #tpu.memory_space<vmem>>, vector<1x16xf32>,
        %get3A_3179 = vector.shape_cast %get3A_3178 : vector<1x16xf32> to vector<16xf32>
        %get3A_3180 = arith.constant 2 : i32
        %get3A_3181 = arith.constant 0 : i32
        %get3A_3182 = arith.constant 0 : i32
        %get3A_3183 = tpu.memref_slice %run_scoped3A[%rem3A_230, %get3A_3181, %get3A_3182] : memref<2x16x128xf32, #tpu.memory_space<vmem>> -> memref<1x16x128xf32, #tpu.memory_space<vmem>>
        %get3A_3184 = tpu.memref_squeeze %get3A_3183 : memref<1x16x128xf32, #tpu.memory_space<vmem>> -> memref<16x128xf32, #tpu.memory_space<vmem>>
        %get3A_3185 = arith.index_cast %get3A_3180 : i32 to index
        %get3A_3186 = arith.constant 96 : index
        %get3A_3187 = tpu.vector_load %get3A_3184[%get3A_3185, %get3A_3186] {strides = array<i32>} : memref<16x128xf32, #tpu.memory_space<vmem>>, vector<1x16xf32>,
        %get3A_3188 = vector.shape_cast %get3A_3187 : vector<1x16xf32> to vector<16xf32>
        %get3A_3189 = arith.constant 3 : i32
        %get3A_3190 = arith.constant 0 : i32
        %get3A_3191 = arith.constant 0 : i32
        %get3A_3192 = tpu.memref_slice %run_scoped3A[%rem3A_230, %get3A_3190, %get3A_3191] : memref<2x16x128xf32, #tpu.memory_space<vmem>> -> memref<1x16x128xf32, #tpu.memory_space<vmem>>
        %get3A_3193 = tpu.memref_squeeze %get3A_3192 : memref<1x16x128xf32, #tpu.memory_space<vmem>> -> memref<16x128xf32, #tpu.memory_space<vmem>>
        %get3A_3194 = arith.index_cast %get3A_3189 : i32 to index
        %get3A_3195 = arith.constant 96 : index
        %get3A_3196 = tpu.vector_load %get3A_3193[%get3A_3194, %get3A_3195] {strides = array<i32>} : memref<16x128xf32, #tpu.memory_space<vmem>>, vector<1x16xf32>,
        %get3A_3197 = vector.shape_cast %get3A_3196 : vector<1x16xf32> to vector<16xf32>
        %get3A_3198 = arith.constant 4 : i32
        %get3A_3199 = arith.constant 0 : i32
        %get3A_3200 = arith.constant 0 : i32
        %get3A_3201 = tpu.memref_slice %run_scoped3A[%rem3A_230, %get3A_3199, %get3A_3200] : memref<2x16x128xf32, #tpu.memory_space<vmem>> -> memref<1x16x128xf32, #tpu.memory_space<vmem>>
        %get3A_3202 = tpu.memref_squeeze %get3A_3201 : memref<1x16x128xf32, #tpu.memory_space<vmem>> -> memref<16x128xf32, #tpu.memory_space<vmem>>
        %get3A_3203 = arith.index_cast %get3A_3198 : i32 to index
        %get3A_3204 = arith.constant 96 : index
        %get3A_3205 = tpu.vector_load %get3A_3202[%get3A_3203, %get3A_3204] {strides = array<i32>} : memref<16x128xf32, #tpu.memory_space<vmem>>, vector<1x16xf32>,
        %get3A_3206 = vector.shape_cast %get3A_3205 : vector<1x16xf32> to vector<16xf32>
        %get3A_3207 = arith.constant 5 : i32
        %get3A_3208 = arith.constant 0 : i32
        %get3A_3209 = arith.constant 0 : i32
        %get3A_3210 = tpu.memref_slice %run_scoped3A[%rem3A_230, %get3A_3208, %get3A_3209] : memref<2x16x128xf32, #tpu.memory_space<vmem>> -> memref<1x16x128xf32, #tpu.memory_space<vmem>>
        %get3A_3211 = tpu.memref_squeeze %get3A_3210 : memref<1x16x128xf32, #tpu.memory_space<vmem>> -> memref<16x128xf32, #tpu.memory_space<vmem>>
        %get3A_3212 = arith.index_cast %get3A_3207 : i32 to index
        %get3A_3213 = arith.constant 96 : index
        %get3A_3214 = tpu.vector_load %get3A_3211[%get3A_3212, %get3A_3213] {strides = array<i32>} : memref<16x128xf32, #tpu.memory_space<vmem>>, vector<1x16xf32>,
        %get3A_3215 = vector.shape_cast %get3A_3214 : vector<1x16xf32> to vector<16xf32>
        %get3A_3216 = arith.constant 6 : i32
        %get3A_3217 = arith.constant 0 : i32
        %get3A_3218 = arith.constant 0 : i32
        %get3A_3219 = tpu.memref_slice %run_scoped3A[%rem3A_230, %get3A_3217, %get3A_3218] : memref<2x16x128xf32, #tpu.memory_space<vmem>> -> memref<1x16x128xf32, #tpu.memory_space<vmem>>
        %get3A_3220 = tpu.memref_squeeze %get3A_3219 : memref<1x16x128xf32, #tpu.memory_space<vmem>> -> memref<16x128xf32, #tpu.memory_space<vmem>>
        %get3A_3221 = arith.index_cast %get3A_3216 : i32 to index
        %get3A_3222 = arith.constant 96 : index
        %get3A_3223 = tpu.vector_load %get3A_3220[%get3A_3221, %get3A_3222] {strides = array<i32>} : memref<16x128xf32, #tpu.memory_space<vmem>>, vector<1x16xf32>,
        %get3A_3224 = vector.shape_cast %get3A_3223 : vector<1x16xf32> to vector<16xf32>
        %get3A_3225 = arith.constant 7 : i32
        %get3A_3226 = arith.constant 0 : i32
        %get3A_3227 = arith.constant 0 : i32
        %get3A_3228 = tpu.memref_slice %run_scoped3A[%rem3A_230, %get3A_3226, %get3A_3227] : memref<2x16x128xf32, #tpu.memory_space<vmem>> -> memref<1x16x128xf32, #tpu.memory_space<vmem>>
        %get3A_3229 = tpu.memref_squeeze %get3A_3228 : memref<1x16x128xf32, #tpu.memory_space<vmem>> -> memref<16x128xf32, #tpu.memory_space<vmem>>
        %get3A_3230 = arith.index_cast %get3A_3225 : i32 to index
        %get3A_3231 = arith.constant 96 : index
        %get3A_3232 = tpu.vector_load %get3A_3229[%get3A_3230, %get3A_3231] {strides = array<i32>} : memref<16x128xf32, #tpu.memory_space<vmem>>, vector<1x16xf32>,
        %get3A_3233 = vector.shape_cast %get3A_3232 : vector<1x16xf32> to vector<16xf32>
        %get3A_3234 = arith.constant 8 : i32
        %get3A_3235 = arith.constant 0 : i32
        %get3A_3236 = arith.constant 0 : i32
        %get3A_3237 = tpu.memref_slice %run_scoped3A[%rem3A_230, %get3A_3235, %get3A_3236] : memref<2x16x128xf32, #tpu.memory_space<vmem>> -> memref<1x16x128xf32, #tpu.memory_space<vmem>>
        %get3A_3238 = tpu.memref_squeeze %get3A_3237 : memref<1x16x128xf32, #tpu.memory_space<vmem>> -> memref<16x128xf32, #tpu.memory_space<vmem>>
        %get3A_3239 = arith.index_cast %get3A_3234 : i32 to index
        %get3A_3240 = arith.constant 96 : index
        %get3A_3241 = tpu.vector_load %get3A_3238[%get3A_3239, %get3A_3240] {strides = array<i32>} : memref<16x128xf32, #tpu.memory_space<vmem>>, vector<1x16xf32>,
        %get3A_3242 = vector.shape_cast %get3A_3241 : vector<1x16xf32> to vector<16xf32>
        %get3A_3243 = arith.constant 9 : i32
        %get3A_3244 = arith.constant 0 : i32
        %get3A_3245 = arith.constant 0 : i32
        %get3A_3246 = tpu.memref_slice %run_scoped3A[%rem3A_230, %get3A_3244, %get3A_3245] : memref<2x16x128xf32, #tpu.memory_space<vmem>> -> memref<1x16x128xf32, #tpu.memory_space<vmem>>
        %get3A_3247 = tpu.memref_squeeze %get3A_3246 : memref<1x16x128xf32, #tpu.memory_space<vmem>> -> memref<16x128xf32, #tpu.memory_space<vmem>>
        %get3A_3248 = arith.index_cast %get3A_3243 : i32 to index
        %get3A_3249 = arith.constant 96 : index
        %get3A_3250 = tpu.vector_load %get3A_3247[%get3A_3248, %get3A_3249] {strides = array<i32>} : memref<16x128xf32, #tpu.memory_space<vmem>>, vector<1x16xf32>,
        %get3A_3251 = vector.shape_cast %get3A_3250 : vector<1x16xf32> to vector<16xf32>
        %get3A_3252 = arith.constant 10 : i32
        %get3A_3253 = arith.constant 0 : i32
        %get3A_3254 = arith.constant 0 : i32
        %get3A_3255 = tpu.memref_slice %run_scoped3A[%rem3A_230, %get3A_3253, %get3A_3254] : memref<2x16x128xf32, #tpu.memory_space<vmem>> -> memref<1x16x128xf32, #tpu.memory_space<vmem>>
        %get3A_3256 = tpu.memref_squeeze %get3A_3255 : memref<1x16x128xf32, #tpu.memory_space<vmem>> -> memref<16x128xf32, #tpu.memory_space<vmem>>
        %get3A_3257 = arith.index_cast %get3A_3252 : i32 to index
        %get3A_3258 = arith.constant 96 : index
        %get3A_3259 = tpu.vector_load %get3A_3256[%get3A_3257, %get3A_3258] {strides = array<i32>} : memref<16x128xf32, #tpu.memory_space<vmem>>, vector<1x16xf32>,
        %get3A_3260 = vector.shape_cast %get3A_3259 : vector<1x16xf32> to vector<16xf32>
        %get3A_3261 = arith.constant 11 : i32
        %get3A_3262 = arith.constant 0 : i32
        %get3A_3263 = arith.constant 0 : i32
        %get3A_3264 = tpu.memref_slice %run_scoped3A[%rem3A_230, %get3A_3262, %get3A_3263] : memref<2x16x128xf32, #tpu.memory_space<vmem>> -> memref<1x16x128xf32, #tpu.memory_space<vmem>>
        %get3A_3265 = tpu.memref_squeeze %get3A_3264 : memref<1x16x128xf32, #tpu.memory_space<vmem>> -> memref<16x128xf32, #tpu.memory_space<vmem>>
        %get3A_3266 = arith.index_cast %get3A_3261 : i32 to index
        %get3A_3267 = arith.constant 96 : index
        %get3A_3268 = tpu.vector_load %get3A_3265[%get3A_3266, %get3A_3267] {strides = array<i32>} : memref<16x128xf32, #tpu.memory_space<vmem>>, vector<1x16xf32>,
        %get3A_3269 = vector.shape_cast %get3A_3268 : vector<1x16xf32> to vector<16xf32>
        %get3A_3270 = arith.constant 12 : i32
        %get3A_3271 = arith.constant 0 : i32
        %get3A_3272 = arith.constant 0 : i32
        %get3A_3273 = tpu.memref_slice %run_scoped3A[%rem3A_230, %get3A_3271, %get3A_3272] : memref<2x16x128xf32, #tpu.memory_space<vmem>> -> memref<1x16x128xf32, #tpu.memory_space<vmem>>
        %get3A_3274 = tpu.memref_squeeze %get3A_3273 : memref<1x16x128xf32, #tpu.memory_space<vmem>> -> memref<16x128xf32, #tpu.memory_space<vmem>>
        %get3A_3275 = arith.index_cast %get3A_3270 : i32 to index
        %get3A_3276 = arith.constant 96 : index
        %get3A_3277 = tpu.vector_load %get3A_3274[%get3A_3275, %get3A_3276] {strides = array<i32>} : memref<16x128xf32, #tpu.memory_space<vmem>>, vector<1x16xf32>,
        %get3A_3278 = vector.shape_cast %get3A_3277 : vector<1x16xf32> to vector<16xf32>
        %get3A_3279 = arith.constant 13 : i32
        %get3A_3280 = arith.constant 0 : i32
        %get3A_3281 = arith.constant 0 : i32
        %get3A_3282 = tpu.memref_slice %run_scoped3A[%rem3A_230, %get3A_3280, %get3A_3281] : memref<2x16x128xf32, #tpu.memory_space<vmem>> -> memref<1x16x128xf32, #tpu.memory_space<vmem>>
        %get3A_3283 = tpu.memref_squeeze %get3A_3282 : memref<1x16x128xf32, #tpu.memory_space<vmem>> -> memref<16x128xf32, #tpu.memory_space<vmem>>
        %get3A_3284 = arith.index_cast %get3A_3279 : i32 to index
        %get3A_3285 = arith.constant 96 : index
        %get3A_3286 = tpu.vector_load %get3A_3283[%get3A_3284, %get3A_3285] {strides = array<i32>} : memref<16x128xf32, #tpu.memory_space<vmem>>, vector<1x16xf32>,
        %get3A_3287 = vector.shape_cast %get3A_3286 : vector<1x16xf32> to vector<16xf32>
        %get3A_3288 = arith.constant 14 : i32
        %get3A_3289 = arith.constant 0 : i32
        %get3A_3290 = arith.constant 0 : i32
        %get3A_3291 = tpu.memref_slice %run_scoped3A[%rem3A_230, %get3A_3289, %get3A_3290] : memref<2x16x128xf32, #tpu.memory_space<vmem>> -> memref<1x16x128xf32, #tpu.memory_space<vmem>>
        %get3A_3292 = tpu.memref_squeeze %get3A_3291 : memref<1x16x128xf32, #tpu.memory_space<vmem>> -> memref<16x128xf32, #tpu.memory_space<vmem>>
        %get3A_3293 = arith.index_cast %get3A_3288 : i32 to index
        %get3A_3294 = arith.constant 96 : index
        %get3A_3295 = tpu.vector_load %get3A_3292[%get3A_3293, %get3A_3294] {strides = array<i32>} : memref<16x128xf32, #tpu.memory_space<vmem>>, vector<1x16xf32>,
        %get3A_3296 = vector.shape_cast %get3A_3295 : vector<1x16xf32> to vector<16xf32>
        %get3A_3297 = arith.constant 15 : i32
        %get3A_3298 = arith.constant 0 : i32
        %get3A_3299 = arith.constant 0 : i32
        %get3A_3300 = tpu.memref_slice %run_scoped3A[%rem3A_230, %get3A_3298, %get3A_3299] : memref<2x16x128xf32, #tpu.memory_space<vmem>> -> memref<1x16x128xf32, #tpu.memory_space<vmem>>
        %get3A_3301 = tpu.memref_squeeze %get3A_3300 : memref<1x16x128xf32, #tpu.memory_space<vmem>> -> memref<16x128xf32, #tpu.memory_space<vmem>>
        %get3A_3302 = arith.index_cast %get3A_3297 : i32 to index
        %get3A_3303 = arith.constant 96 : index
        %get3A_3304 = tpu.vector_load %get3A_3301[%get3A_3302, %get3A_3303] {strides = array<i32>} : memref<16x128xf32, #tpu.memory_space<vmem>>, vector<1x16xf32>,
        %get3A_3305 = vector.shape_cast %get3A_3304 : vector<1x16xf32> to vector<16xf32>
        %max3A_3306 = arith.maximumf %get3A_3170, %get3A_3179 : vector<16xf32>
        %max3A_3307 = arith.maximumf %max3A_3306, %get3A_3188 : vector<16xf32>
        %max3A_3308 = arith.maximumf %max3A_3307, %get3A_3197 : vector<16xf32>
        %max3A_3309 = arith.maximumf %max3A_3308, %get3A_3206 : vector<16xf32>
        %max3A_3310 = arith.maximumf %max3A_3309, %get3A_3215 : vector<16xf32>
        %max3A_3311 = arith.maximumf %max3A_3310, %get3A_3224 : vector<16xf32>
        %max3A_3312 = arith.maximumf %max3A_3311, %get3A_3233 : vector<16xf32>
        %max3A_3313 = arith.maximumf %max3A_3312, %get3A_3242 : vector<16xf32>
        %max3A_3314 = arith.maximumf %max3A_3313, %get3A_3251 : vector<16xf32>
        %max3A_3315 = arith.maximumf %max3A_3314, %get3A_3260 : vector<16xf32>
        %max3A_3316 = arith.maximumf %max3A_3315, %get3A_3269 : vector<16xf32>
        %max3A_3317 = arith.maximumf %max3A_3316, %get3A_3278 : vector<16xf32>
        %max3A_3318 = arith.maximumf %max3A_3317, %get3A_3287 : vector<16xf32>
        %max3A_3319 = arith.maximumf %max3A_3318, %get3A_3296 : vector<16xf32>
        %max3A_3320 = arith.maximumf %max3A_3319, %get3A_3305 : vector<16xf32>
        %broadcast_in_dim3A_3321 = arith.constant 16 : i32
        %broadcast_in_dim3A_3322 = vector.broadcast %broadcast_in_dim3A_3321 : i32 to vector<16xi32>
        %eq3A_3323 = arith.cmpf oeq, %get3A_3305, %max3A_3320 : vector<16xf32>
        %jit3A_3324 = arith.constant 15 : i32
        %broadcast_in_dim3A_3325 = vector.broadcast %jit3A_3324 : i32 to vector<16xi32>
        %select_n3A_3326 = arith.select %eq3A_3323, %broadcast_in_dim3A_3325, %broadcast_in_dim3A_3322 : vector<16xi1>, vector<16xi32>
        %eq3A_3327 = arith.cmpf oeq, %get3A_3296, %max3A_3320 : vector<16xf32>
        %jit3A_3328 = arith.constant 14 : i32
        %broadcast_in_dim3A_3329 = vector.broadcast %jit3A_3328 : i32 to vector<16xi32>
        %select_n3A_3330 = arith.select %eq3A_3327, %broadcast_in_dim3A_3329, %select_n3A_3326 : vector<16xi1>, vector<16xi32>
        %eq3A_3331 = arith.cmpf oeq, %get3A_3287, %max3A_3320 : vector<16xf32>
        %jit3A_3332 = arith.constant 13 : i32
        %broadcast_in_dim3A_3333 = vector.broadcast %jit3A_3332 : i32 to vector<16xi32>
        %select_n3A_3334 = arith.select %eq3A_3331, %broadcast_in_dim3A_3333, %select_n3A_3330 : vector<16xi1>, vector<16xi32>
        %eq3A_3335 = arith.cmpf oeq, %get3A_3278, %max3A_3320 : vector<16xf32>
        %jit3A_3336 = arith.constant 12 : i32
        %broadcast_in_dim3A_3337 = vector.broadcast %jit3A_3336 : i32 to vector<16xi32>
        %select_n3A_3338 = arith.select %eq3A_3335, %broadcast_in_dim3A_3337, %select_n3A_3334 : vector<16xi1>, vector<16xi32>
        %eq3A_3339 = arith.cmpf oeq, %get3A_3269, %max3A_3320 : vector<16xf32>
        %jit3A_3340 = arith.constant 11 : i32
        %broadcast_in_dim3A_3341 = vector.broadcast %jit3A_3340 : i32 to vector<16xi32>
        %select_n3A_3342 = arith.select %eq3A_3339, %broadcast_in_dim3A_3341, %select_n3A_3338 : vector<16xi1>, vector<16xi32>
        %eq3A_3343 = arith.cmpf oeq, %get3A_3260, %max3A_3320 : vector<16xf32>
        %jit3A_3344 = arith.constant 10 : i32
        %broadcast_in_dim3A_3345 = vector.broadcast %jit3A_3344 : i32 to vector<16xi32>
        %select_n3A_3346 = arith.select %eq3A_3343, %broadcast_in_dim3A_3345, %select_n3A_3342 : vector<16xi1>, vector<16xi32>
        %eq3A_3347 = arith.cmpf oeq, %get3A_3251, %max3A_3320 : vector<16xf32>
        %jit3A_3348 = arith.constant 9 : i32
        %broadcast_in_dim3A_3349 = vector.broadcast %jit3A_3348 : i32 to vector<16xi32>
        %select_n3A_3350 = arith.select %eq3A_3347, %broadcast_in_dim3A_3349, %select_n3A_3346 : vector<16xi1>, vector<16xi32>
        %eq3A_3351 = arith.cmpf oeq, %get3A_3242, %max3A_3320 : vector<16xf32>
        %jit3A_3352 = arith.constant 8 : i32
        %broadcast_in_dim3A_3353 = vector.broadcast %jit3A_3352 : i32 to vector<16xi32>
        %select_n3A_3354 = arith.select %eq3A_3351, %broadcast_in_dim3A_3353, %select_n3A_3350 : vector<16xi1>, vector<16xi32>
        %eq3A_3355 = arith.cmpf oeq, %get3A_3233, %max3A_3320 : vector<16xf32>
        %jit3A_3356 = arith.constant 7 : i32
        %broadcast_in_dim3A_3357 = vector.broadcast %jit3A_3356 : i32 to vector<16xi32>
        %select_n3A_3358 = arith.select %eq3A_3355, %broadcast_in_dim3A_3357, %select_n3A_3354 : vector<16xi1>, vector<16xi32>
        %eq3A_3359 = arith.cmpf oeq, %get3A_3224, %max3A_3320 : vector<16xf32>
        %jit3A_3360 = arith.constant 6 : i32
        %broadcast_in_dim3A_3361 = vector.broadcast %jit3A_3360 : i32 to vector<16xi32>
        %select_n3A_3362 = arith.select %eq3A_3359, %broadcast_in_dim3A_3361, %select_n3A_3358 : vector<16xi1>, vector<16xi32>
        %eq3A_3363 = arith.cmpf oeq, %get3A_3215, %max3A_3320 : vector<16xf32>
        %jit3A_3364 = arith.constant 5 : i32
        %broadcast_in_dim3A_3365 = vector.broadcast %jit3A_3364 : i32 to vector<16xi32>
        %select_n3A_3366 = arith.select %eq3A_3363, %broadcast_in_dim3A_3365, %select_n3A_3362 : vector<16xi1>, vector<16xi32>
        %eq3A_3367 = arith.cmpf oeq, %get3A_3206, %max3A_3320 : vector<16xf32>
        %jit3A_3368 = arith.constant 4 : i32
        %broadcast_in_dim3A_3369 = vector.broadcast %jit3A_3368 : i32 to vector<16xi32>
        %select_n3A_3370 = arith.select %eq3A_3367, %broadcast_in_dim3A_3369, %select_n3A_3366 : vector<16xi1>, vector<16xi32>
        %eq3A_3371 = arith.cmpf oeq, %get3A_3197, %max3A_3320 : vector<16xf32>
        %jit3A_3372 = arith.constant 3 : i32
        %broadcast_in_dim3A_3373 = vector.broadcast %jit3A_3372 : i32 to vector<16xi32>
        %select_n3A_3374 = arith.select %eq3A_3371, %broadcast_in_dim3A_3373, %select_n3A_3370 : vector<16xi1>, vector<16xi32>
        %eq3A_3375 = arith.cmpf oeq, %get3A_3188, %max3A_3320 : vector<16xf32>
        %jit3A_3376 = arith.constant 2 : i32
        %broadcast_in_dim3A_3377 = vector.broadcast %jit3A_3376 : i32 to vector<16xi32>
        %select_n3A_3378 = arith.select %eq3A_3375, %broadcast_in_dim3A_3377, %select_n3A_3374 : vector<16xi1>, vector<16xi32>
        %eq3A_3379 = arith.cmpf oeq, %get3A_3179, %max3A_3320 : vector<16xf32>
        %jit3A_3380 = arith.constant 1 : i32
        %broadcast_in_dim3A_3381 = vector.broadcast %jit3A_3380 : i32 to vector<16xi32>
        %select_n3A_3382 = arith.select %eq3A_3379, %broadcast_in_dim3A_3381, %select_n3A_3378 : vector<16xi1>, vector<16xi32>
        %eq3A_3383 = arith.cmpf oeq, %get3A_3170, %max3A_3320 : vector<16xf32>
        %jit3A_3384 = arith.constant 0 : i32
        %broadcast_in_dim3A_3385 = vector.broadcast %jit3A_3384 : i32 to vector<16xi32>
        %select_n3A_3386 = arith.select %eq3A_3383, %broadcast_in_dim3A_3385, %select_n3A_3382 : vector<16xi1>, vector<16xi32>
        %broadcast_in_dim3A_3387 = arith.constant 0xFF800000 : f32
        %broadcast_in_dim3A_3388 = vector.broadcast %broadcast_in_dim3A_3387 : f32 to vector<16xf32>
        %eq3A_3389 = arith.constant 0 : i32
        %eq3A_3390 = vector.broadcast %eq3A_3389 : i32 to vector<16xi32>
        %eq3A_3391 = arith.cmpi eq, %select_n3A_3386, %eq3A_3390 : vector<16xi32>
        %select_n3A_3392 = arith.select %eq3A_3391, %broadcast_in_dim3A_3388, %get3A_3170 : vector<16xi1>, vector<16xf32>
        %max3A_3393 = arith.maximumf %broadcast_in_dim3A_3388, %select_n3A_3392 : vector<16xf32>
        %eq3A_3394 = arith.constant 1 : i32
        %eq3A_3395 = vector.broadcast %eq3A_3394 : i32 to vector<16xi32>
        %eq3A_3396 = arith.cmpi eq, %select_n3A_3386, %eq3A_3395 : vector<16xi32>
        %select_n3A_3397 = arith.select %eq3A_3396, %broadcast_in_dim3A_3388, %get3A_3179 : vector<16xi1>, vector<16xf32>
        %max3A_3398 = arith.maximumf %max3A_3393, %select_n3A_3397 : vector<16xf32>
        %eq3A_3399 = arith.constant 2 : i32
        %eq3A_3400 = vector.broadcast %eq3A_3399 : i32 to vector<16xi32>
        %eq3A_3401 = arith.cmpi eq, %select_n3A_3386, %eq3A_3400 : vector<16xi32>
        %select_n3A_3402 = arith.select %eq3A_3401, %broadcast_in_dim3A_3388, %get3A_3188 : vector<16xi1>, vector<16xf32>
        %max3A_3403 = arith.maximumf %max3A_3398, %select_n3A_3402 : vector<16xf32>
        %eq3A_3404 = arith.constant 3 : i32
        %eq3A_3405 = vector.broadcast %eq3A_3404 : i32 to vector<16xi32>
        %eq3A_3406 = arith.cmpi eq, %select_n3A_3386, %eq3A_3405 : vector<16xi32>
        %select_n3A_3407 = arith.select %eq3A_3406, %broadcast_in_dim3A_3388, %get3A_3197 : vector<16xi1>, vector<16xf32>
        %max3A_3408 = arith.maximumf %max3A_3403, %select_n3A_3407 : vector<16xf32>
        %eq3A_3409 = arith.constant 4 : i32
        %eq3A_3410 = vector.broadcast %eq3A_3409 : i32 to vector<16xi32>
        %eq3A_3411 = arith.cmpi eq, %select_n3A_3386, %eq3A_3410 : vector<16xi32>
        %select_n3A_3412 = arith.select %eq3A_3411, %broadcast_in_dim3A_3388, %get3A_3206 : vector<16xi1>, vector<16xf32>
        %max3A_3413 = arith.maximumf %max3A_3408, %select_n3A_3412 : vector<16xf32>
        %eq3A_3414 = arith.constant 5 : i32
        %eq3A_3415 = vector.broadcast %eq3A_3414 : i32 to vector<16xi32>
        %eq3A_3416 = arith.cmpi eq, %select_n3A_3386, %eq3A_3415 : vector<16xi32>
        %select_n3A_3417 = arith.select %eq3A_3416, %broadcast_in_dim3A_3388, %get3A_3215 : vector<16xi1>, vector<16xf32>
        %max3A_3418 = arith.maximumf %max3A_3413, %select_n3A_3417 : vector<16xf32>
        %eq3A_3419 = arith.constant 6 : i32
        %eq3A_3420 = vector.broadcast %eq3A_3419 : i32 to vector<16xi32>
        %eq3A_3421 = arith.cmpi eq, %select_n3A_3386, %eq3A_3420 : vector<16xi32>
        %select_n3A_3422 = arith.select %eq3A_3421, %broadcast_in_dim3A_3388, %get3A_3224 : vector<16xi1>, vector<16xf32>
        %max3A_3423 = arith.maximumf %max3A_3418, %select_n3A_3422 : vector<16xf32>
        %eq3A_3424 = arith.constant 7 : i32
        %eq3A_3425 = vector.broadcast %eq3A_3424 : i32 to vector<16xi32>
        %eq3A_3426 = arith.cmpi eq, %select_n3A_3386, %eq3A_3425 : vector<16xi32>
        %select_n3A_3427 = arith.select %eq3A_3426, %broadcast_in_dim3A_3388, %get3A_3233 : vector<16xi1>, vector<16xf32>
        %max3A_3428 = arith.maximumf %max3A_3423, %select_n3A_3427 : vector<16xf32>
        %eq3A_3429 = arith.constant 8 : i32
        %eq3A_3430 = vector.broadcast %eq3A_3429 : i32 to vector<16xi32>
        %eq3A_3431 = arith.cmpi eq, %select_n3A_3386, %eq3A_3430 : vector<16xi32>
        %select_n3A_3432 = arith.select %eq3A_3431, %broadcast_in_dim3A_3388, %get3A_3242 : vector<16xi1>, vector<16xf32>
        %max3A_3433 = arith.maximumf %max3A_3428, %select_n3A_3432 : vector<16xf32>
        %eq3A_3434 = arith.constant 9 : i32
        %eq3A_3435 = vector.broadcast %eq3A_3434 : i32 to vector<16xi32>
        %eq3A_3436 = arith.cmpi eq, %select_n3A_3386, %eq3A_3435 : vector<16xi32>
        %select_n3A_3437 = arith.select %eq3A_3436, %broadcast_in_dim3A_3388, %get3A_3251 : vector<16xi1>, vector<16xf32>
        %max3A_3438 = arith.maximumf %max3A_3433, %select_n3A_3437 : vector<16xf32>
        %eq3A_3439 = arith.constant 10 : i32
        %eq3A_3440 = vector.broadcast %eq3A_3439 : i32 to vector<16xi32>
        %eq3A_3441 = arith.cmpi eq, %select_n3A_3386, %eq3A_3440 : vector<16xi32>
        %select_n3A_3442 = arith.select %eq3A_3441, %broadcast_in_dim3A_3388, %get3A_3260 : vector<16xi1>, vector<16xf32>
        %max3A_3443 = arith.maximumf %max3A_3438, %select_n3A_3442 : vector<16xf32>
        %eq3A_3444 = arith.constant 11 : i32
        %eq3A_3445 = vector.broadcast %eq3A_3444 : i32 to vector<16xi32>
        %eq3A_3446 = arith.cmpi eq, %select_n3A_3386, %eq3A_3445 : vector<16xi32>
        %select_n3A_3447 = arith.select %eq3A_3446, %broadcast_in_dim3A_3388, %get3A_3269 : vector<16xi1>, vector<16xf32>
        %max3A_3448 = arith.maximumf %max3A_3443, %select_n3A_3447 : vector<16xf32>
        %eq3A_3449 = arith.constant 12 : i32
        %eq3A_3450 = vector.broadcast %eq3A_3449 : i32 to vector<16xi32>
        %eq3A_3451 = arith.cmpi eq, %select_n3A_3386, %eq3A_3450 : vector<16xi32>
        %select_n3A_3452 = arith.select %eq3A_3451, %broadcast_in_dim3A_3388, %get3A_3278 : vector<16xi1>, vector<16xf32>
        %max3A_3453 = arith.maximumf %max3A_3448, %select_n3A_3452 : vector<16xf32>
        %eq3A_3454 = arith.constant 13 : i32
        %eq3A_3455 = vector.broadcast %eq3A_3454 : i32 to vector<16xi32>
        %eq3A_3456 = arith.cmpi eq, %select_n3A_3386, %eq3A_3455 : vector<16xi32>
        %select_n3A_3457 = arith.select %eq3A_3456, %broadcast_in_dim3A_3388, %get3A_3287 : vector<16xi1>, vector<16xf32>
        %max3A_3458 = arith.maximumf %max3A_3453, %select_n3A_3457 : vector<16xf32>
        %eq3A_3459 = arith.constant 14 : i32
        %eq3A_3460 = vector.broadcast %eq3A_3459 : i32 to vector<16xi32>
        %eq3A_3461 = arith.cmpi eq, %select_n3A_3386, %eq3A_3460 : vector<16xi32>
        %select_n3A_3462 = arith.select %eq3A_3461, %broadcast_in_dim3A_3388, %get3A_3296 : vector<16xi1>, vector<16xf32>
        %max3A_3463 = arith.maximumf %max3A_3458, %select_n3A_3462 : vector<16xf32>
        %eq3A_3464 = arith.constant 15 : i32
        %eq3A_3465 = vector.broadcast %eq3A_3464 : i32 to vector<16xi32>
        %eq3A_3466 = arith.cmpi eq, %select_n3A_3386, %eq3A_3465 : vector<16xi32>
        %select_n3A_3467 = arith.select %eq3A_3466, %broadcast_in_dim3A_3388, %get3A_3305 : vector<16xi1>, vector<16xf32>
        %max3A_3468 = arith.maximumf %max3A_3463, %select_n3A_3467 : vector<16xf32>
        %broadcast_in_dim3A_3469 = arith.constant 16 : i32
        %broadcast_in_dim3A_3470 = vector.broadcast %broadcast_in_dim3A_3469 : i32 to vector<16xi32>
        %eq3A_3471 = arith.constant 15 : i32
        %eq3A_3472 = vector.broadcast %eq3A_3471 : i32 to vector<16xi32>
        %eq3A_3473 = arith.cmpi eq, %select_n3A_3386, %eq3A_3472 : vector<16xi32>
        %select_n3A_3474 = arith.select %eq3A_3473, %broadcast_in_dim3A_3388, %get3A_3305 : vector<16xi1>, vector<16xf32>
        %eq3A_3475 = arith.cmpf oeq, %select_n3A_3474, %max3A_3468 : vector<16xf32>
        %jit3A_3476 = arith.constant 15 : i32
        %broadcast_in_dim3A_3477 = vector.broadcast %jit3A_3476 : i32 to vector<16xi32>
        %select_n3A_3478 = arith.select %eq3A_3475, %broadcast_in_dim3A_3477, %broadcast_in_dim3A_3470 : vector<16xi1>, vector<16xi32>
        %eq3A_3479 = arith.constant 14 : i32
        %eq3A_3480 = vector.broadcast %eq3A_3479 : i32 to vector<16xi32>
        %eq3A_3481 = arith.cmpi eq, %select_n3A_3386, %eq3A_3480 : vector<16xi32>
        %select_n3A_3482 = arith.select %eq3A_3481, %broadcast_in_dim3A_3388, %get3A_3296 : vector<16xi1>, vector<16xf32>
        %eq3A_3483 = arith.cmpf oeq, %select_n3A_3482, %max3A_3468 : vector<16xf32>
        %jit3A_3484 = arith.constant 14 : i32
        %broadcast_in_dim3A_3485 = vector.broadcast %jit3A_3484 : i32 to vector<16xi32>
        %select_n3A_3486 = arith.select %eq3A_3483, %broadcast_in_dim3A_3485, %select_n3A_3478 : vector<16xi1>, vector<16xi32>
        %eq3A_3487 = arith.constant 13 : i32
        %eq3A_3488 = vector.broadcast %eq3A_3487 : i32 to vector<16xi32>
        %eq3A_3489 = arith.cmpi eq, %select_n3A_3386, %eq3A_3488 : vector<16xi32>
        %select_n3A_3490 = arith.select %eq3A_3489, %broadcast_in_dim3A_3388, %get3A_3287 : vector<16xi1>, vector<16xf32>
        %eq3A_3491 = arith.cmpf oeq, %select_n3A_3490, %max3A_3468 : vector<16xf32>
        %jit3A_3492 = arith.constant 13 : i32
        %broadcast_in_dim3A_3493 = vector.broadcast %jit3A_3492 : i32 to vector<16xi32>
        %select_n3A_3494 = arith.select %eq3A_3491, %broadcast_in_dim3A_3493, %select_n3A_3486 : vector<16xi1>, vector<16xi32>
        %eq3A_3495 = arith.constant 12 : i32
        %eq3A_3496 = vector.broadcast %eq3A_3495 : i32 to vector<16xi32>
        %eq3A_3497 = arith.cmpi eq, %select_n3A_3386, %eq3A_3496 : vector<16xi32>
        %select_n3A_3498 = arith.select %eq3A_3497, %broadcast_in_dim3A_3388, %get3A_3278 : vector<16xi1>, vector<16xf32>
        %eq3A_3499 = arith.cmpf oeq, %select_n3A_3498, %max3A_3468 : vector<16xf32>
        %jit3A_3500 = arith.constant 12 : i32
        %broadcast_in_dim3A_3501 = vector.broadcast %jit3A_3500 : i32 to vector<16xi32>
        %select_n3A_3502 = arith.select %eq3A_3499, %broadcast_in_dim3A_3501, %select_n3A_3494 : vector<16xi1>, vector<16xi32>
        %eq3A_3503 = arith.constant 11 : i32
        %eq3A_3504 = vector.broadcast %eq3A_3503 : i32 to vector<16xi32>
        %eq3A_3505 = arith.cmpi eq, %select_n3A_3386, %eq3A_3504 : vector<16xi32>
        %select_n3A_3506 = arith.select %eq3A_3505, %broadcast_in_dim3A_3388, %get3A_3269 : vector<16xi1>, vector<16xf32>
        %eq3A_3507 = arith.cmpf oeq, %select_n3A_3506, %max3A_3468 : vector<16xf32>
        %jit3A_3508 = arith.constant 11 : i32
        %broadcast_in_dim3A_3509 = vector.broadcast %jit3A_3508 : i32 to vector<16xi32>
        %select_n3A_3510 = arith.select %eq3A_3507, %broadcast_in_dim3A_3509, %select_n3A_3502 : vector<16xi1>, vector<16xi32>
        %eq3A_3511 = arith.constant 10 : i32
        %eq3A_3512 = vector.broadcast %eq3A_3511 : i32 to vector<16xi32>
        %eq3A_3513 = arith.cmpi eq, %select_n3A_3386, %eq3A_3512 : vector<16xi32>
        %select_n3A_3514 = arith.select %eq3A_3513, %broadcast_in_dim3A_3388, %get3A_3260 : vector<16xi1>, vector<16xf32>
        %eq3A_3515 = arith.cmpf oeq, %select_n3A_3514, %max3A_3468 : vector<16xf32>
        %jit3A_3516 = arith.constant 10 : i32
        %broadcast_in_dim3A_3517 = vector.broadcast %jit3A_3516 : i32 to vector<16xi32>
        %select_n3A_3518 = arith.select %eq3A_3515, %broadcast_in_dim3A_3517, %select_n3A_3510 : vector<16xi1>, vector<16xi32>
        %eq3A_3519 = arith.constant 9 : i32
        %eq3A_3520 = vector.broadcast %eq3A_3519 : i32 to vector<16xi32>
        %eq3A_3521 = arith.cmpi eq, %select_n3A_3386, %eq3A_3520 : vector<16xi32>
        %select_n3A_3522 = arith.select %eq3A_3521, %broadcast_in_dim3A_3388, %get3A_3251 : vector<16xi1>, vector<16xf32>
        %eq3A_3523 = arith.cmpf oeq, %select_n3A_3522, %max3A_3468 : vector<16xf32>
        %jit3A_3524 = arith.constant 9 : i32
        %broadcast_in_dim3A_3525 = vector.broadcast %jit3A_3524 : i32 to vector<16xi32>
        %select_n3A_3526 = arith.select %eq3A_3523, %broadcast_in_dim3A_3525, %select_n3A_3518 : vector<16xi1>, vector<16xi32>
        %eq3A_3527 = arith.constant 8 : i32
        %eq3A_3528 = vector.broadcast %eq3A_3527 : i32 to vector<16xi32>
        %eq3A_3529 = arith.cmpi eq, %select_n3A_3386, %eq3A_3528 : vector<16xi32>
        %select_n3A_3530 = arith.select %eq3A_3529, %broadcast_in_dim3A_3388, %get3A_3242 : vector<16xi1>, vector<16xf32>
        %eq3A_3531 = arith.cmpf oeq, %select_n3A_3530, %max3A_3468 : vector<16xf32>
        %jit3A_3532 = arith.constant 8 : i32
        %broadcast_in_dim3A_3533 = vector.broadcast %jit3A_3532 : i32 to vector<16xi32>
        %select_n3A_3534 = arith.select %eq3A_3531, %broadcast_in_dim3A_3533, %select_n3A_3526 : vector<16xi1>, vector<16xi32>
        %eq3A_3535 = arith.constant 7 : i32
        %eq3A_3536 = vector.broadcast %eq3A_3535 : i32 to vector<16xi32>
        %eq3A_3537 = arith.cmpi eq, %select_n3A_3386, %eq3A_3536 : vector<16xi32>
        %select_n3A_3538 = arith.select %eq3A_3537, %broadcast_in_dim3A_3388, %get3A_3233 : vector<16xi1>, vector<16xf32>
        %eq3A_3539 = arith.cmpf oeq, %select_n3A_3538, %max3A_3468 : vector<16xf32>
        %jit3A_3540 = arith.constant 7 : i32
        %broadcast_in_dim3A_3541 = vector.broadcast %jit3A_3540 : i32 to vector<16xi32>
        %select_n3A_3542 = arith.select %eq3A_3539, %broadcast_in_dim3A_3541, %select_n3A_3534 : vector<16xi1>, vector<16xi32>
        %eq3A_3543 = arith.constant 6 : i32
        %eq3A_3544 = vector.broadcast %eq3A_3543 : i32 to vector<16xi32>
        %eq3A_3545 = arith.cmpi eq, %select_n3A_3386, %eq3A_3544 : vector<16xi32>
        %select_n3A_3546 = arith.select %eq3A_3545, %broadcast_in_dim3A_3388, %get3A_3224 : vector<16xi1>, vector<16xf32>
        %eq3A_3547 = arith.cmpf oeq, %select_n3A_3546, %max3A_3468 : vector<16xf32>
        %jit3A_3548 = arith.constant 6 : i32
        %broadcast_in_dim3A_3549 = vector.broadcast %jit3A_3548 : i32 to vector<16xi32>
        %select_n3A_3550 = arith.select %eq3A_3547, %broadcast_in_dim3A_3549, %select_n3A_3542 : vector<16xi1>, vector<16xi32>
        %eq3A_3551 = arith.constant 5 : i32
        %eq3A_3552 = vector.broadcast %eq3A_3551 : i32 to vector<16xi32>
        %eq3A_3553 = arith.cmpi eq, %select_n3A_3386, %eq3A_3552 : vector<16xi32>
        %select_n3A_3554 = arith.select %eq3A_3553, %broadcast_in_dim3A_3388, %get3A_3215 : vector<16xi1>, vector<16xf32>
        %eq3A_3555 = arith.cmpf oeq, %select_n3A_3554, %max3A_3468 : vector<16xf32>
        %jit3A_3556 = arith.constant 5 : i32
        %broadcast_in_dim3A_3557 = vector.broadcast %jit3A_3556 : i32 to vector<16xi32>
        %select_n3A_3558 = arith.select %eq3A_3555, %broadcast_in_dim3A_3557, %select_n3A_3550 : vector<16xi1>, vector<16xi32>
        %eq3A_3559 = arith.constant 4 : i32
        %eq3A_3560 = vector.broadcast %eq3A_3559 : i32 to vector<16xi32>
        %eq3A_3561 = arith.cmpi eq, %select_n3A_3386, %eq3A_3560 : vector<16xi32>
        %select_n3A_3562 = arith.select %eq3A_3561, %broadcast_in_dim3A_3388, %get3A_3206 : vector<16xi1>, vector<16xf32>
        %eq3A_3563 = arith.cmpf oeq, %select_n3A_3562, %max3A_3468 : vector<16xf32>
        %jit3A_3564 = arith.constant 4 : i32
        %broadcast_in_dim3A_3565 = vector.broadcast %jit3A_3564 : i32 to vector<16xi32>
        %select_n3A_3566 = arith.select %eq3A_3563, %broadcast_in_dim3A_3565, %select_n3A_3558 : vector<16xi1>, vector<16xi32>
        %eq3A_3567 = arith.constant 3 : i32
        %eq3A_3568 = vector.broadcast %eq3A_3567 : i32 to vector<16xi32>
        %eq3A_3569 = arith.cmpi eq, %select_n3A_3386, %eq3A_3568 : vector<16xi32>
        %select_n3A_3570 = arith.select %eq3A_3569, %broadcast_in_dim3A_3388, %get3A_3197 : vector<16xi1>, vector<16xf32>
        %eq3A_3571 = arith.cmpf oeq, %select_n3A_3570, %max3A_3468 : vector<16xf32>
        %jit3A_3572 = arith.constant 3 : i32
        %broadcast_in_dim3A_3573 = vector.broadcast %jit3A_3572 : i32 to vector<16xi32>
        %select_n3A_3574 = arith.select %eq3A_3571, %broadcast_in_dim3A_3573, %select_n3A_3566 : vector<16xi1>, vector<16xi32>
        %eq3A_3575 = arith.constant 2 : i32
        %eq3A_3576 = vector.broadcast %eq3A_3575 : i32 to vector<16xi32>
        %eq3A_3577 = arith.cmpi eq, %select_n3A_3386, %eq3A_3576 : vector<16xi32>
        %select_n3A_3578 = arith.select %eq3A_3577, %broadcast_in_dim3A_3388, %get3A_3188 : vector<16xi1>, vector<16xf32>
        %eq3A_3579 = arith.cmpf oeq, %select_n3A_3578, %max3A_3468 : vector<16xf32>
        %jit3A_3580 = arith.constant 2 : i32
        %broadcast_in_dim3A_3581 = vector.broadcast %jit3A_3580 : i32 to vector<16xi32>
        %select_n3A_3582 = arith.select %eq3A_3579, %broadcast_in_dim3A_3581, %select_n3A_3574 : vector<16xi1>, vector<16xi32>
        %eq3A_3583 = arith.constant 1 : i32
        %eq3A_3584 = vector.broadcast %eq3A_3583 : i32 to vector<16xi32>
        %eq3A_3585 = arith.cmpi eq, %select_n3A_3386, %eq3A_3584 : vector<16xi32>
        %select_n3A_3586 = arith.select %eq3A_3585, %broadcast_in_dim3A_3388, %get3A_3179 : vector<16xi1>, vector<16xf32>
        %eq3A_3587 = arith.cmpf oeq, %select_n3A_3586, %max3A_3468 : vector<16xf32>
        %jit3A_3588 = arith.constant 1 : i32
        %broadcast_in_dim3A_3589 = vector.broadcast %jit3A_3588 : i32 to vector<16xi32>
        %select_n3A_3590 = arith.select %eq3A_3587, %broadcast_in_dim3A_3589, %select_n3A_3582 : vector<16xi1>, vector<16xi32>
        %eq3A_3591 = arith.constant 0 : i32
        %eq3A_3592 = vector.broadcast %eq3A_3591 : i32 to vector<16xi32>
        %eq3A_3593 = arith.cmpi eq, %select_n3A_3386, %eq3A_3592 : vector<16xi32>
        %select_n3A_3594 = arith.select %eq3A_3593, %broadcast_in_dim3A_3388, %get3A_3170 : vector<16xi1>, vector<16xf32>
        %eq3A_3595 = arith.cmpf oeq, %select_n3A_3594, %max3A_3468 : vector<16xf32>
        %jit3A_3596 = arith.constant 0 : i32
        %broadcast_in_dim3A_3597 = vector.broadcast %jit3A_3596 : i32 to vector<16xi32>
        %select_n3A_3598 = arith.select %eq3A_3595, %broadcast_in_dim3A_3597, %select_n3A_3590 : vector<16xi1>, vector<16xi32>
        %sub3A_3599 = arith.subf %max3A_3468, %max3A_3320 : vector<16xf32>
        %mul3A_3600 = arith.constant 1.250000e+00 : f32
        %mul3A_3601 = vector.broadcast %mul3A_3600 : f32 to vector<16xf32>
        %mul3A_3602 = arith.mulf %sub3A_3599, %mul3A_3601 : vector<16xf32>
        %exp3A_3603 = math.exp %mul3A_3602 : vector<16xf32>
        %add3A_3604 = arith.constant 1.000000e+00 : f32
        %add3A_3605 = vector.broadcast %add3A_3604 : f32 to vector<16xf32>
        %add3A_3606 = arith.addf %add3A_3605, %exp3A_3603 : vector<16xf32>
        %div3A_3607 = arith.constant 1.000000e+00 : f32
        %div3A_3608 = vector.broadcast %div3A_3607 : f32 to vector<16xf32>
        %div3A_3609 = arith.divf %div3A_3608, %add3A_3606 : vector<16xf32>
        %swap3A_3610 = arith.constant 0 : i32
        %swap3A_3611 = arith.constant 0 : i32
        %swap3A_3612 = arith.constant 0 : i32
        %swap3A_3613 = tpu.memref_slice %run_scoped3A_8[%rem3A_232, %swap3A_3611, %swap3A_3612] : memref<2x2x128xf32, #tpu.memory_space<vmem>> -> memref<1x2x128xf32, #tpu.memory_space<vmem>>
        %swap3A_3614 = tpu.memref_squeeze %swap3A_3613 : memref<1x2x128xf32, #tpu.memory_space<vmem>> -> memref<2x128xf32, #tpu.memory_space<vmem>>
        %swap3A_3615 = arith.index_cast %swap3A_3610 : i32 to index
        %swap3A_3616 = arith.constant 96 : index
        %swap3A_3617 = tpu.vector_load %swap3A_3614[%swap3A_3615, %swap3A_3616] {strides = array<i32>} : memref<2x128xf32, #tpu.memory_space<vmem>>, vector<1x16xf32>,
        %swap3A_3618 = vector.shape_cast %swap3A_3617 : vector<1x16xf32> to vector<16xf32>
        %swap3A_3619 = vector.shape_cast %div3A_3609 : vector<16xf32> to vector<1x16xf32>
        tpu.vector_store %swap3A_3614[%swap3A_3615, %swap3A_3616], %swap3A_3619 {strides = array<i32>} : memref<2x128xf32, #tpu.memory_space<vmem>>, vector<1x16xf32>,
        %mul3A_3620 = arith.mulf %exp3A_3603, %div3A_3609 : vector<16xf32>
        %swap3A_3621 = arith.constant 1 : i32
        %swap3A_3622 = arith.constant 0 : i32
        %swap3A_3623 = arith.constant 0 : i32
        %swap3A_3624 = tpu.memref_slice %run_scoped3A_8[%rem3A_232, %swap3A_3622, %swap3A_3623] : memref<2x2x128xf32, #tpu.memory_space<vmem>> -> memref<1x2x128xf32, #tpu.memory_space<vmem>>
        %swap3A_3625 = tpu.memref_squeeze %swap3A_3624 : memref<1x2x128xf32, #tpu.memory_space<vmem>> -> memref<2x128xf32, #tpu.memory_space<vmem>>
        %swap3A_3626 = arith.index_cast %swap3A_3621 : i32 to index
        %swap3A_3627 = arith.constant 96 : index
        %swap3A_3628 = tpu.vector_load %swap3A_3625[%swap3A_3626, %swap3A_3627] {strides = array<i32>} : memref<2x128xf32, #tpu.memory_space<vmem>>, vector<1x16xf32>,
        %swap3A_3629 = vector.shape_cast %swap3A_3628 : vector<1x16xf32> to vector<16xf32>
        %swap3A_3630 = vector.shape_cast %mul3A_3620 : vector<16xf32> to vector<1x16xf32>
        tpu.vector_store %swap3A_3625[%swap3A_3626, %swap3A_3627], %swap3A_3630 {strides = array<i32>} : memref<2x128xf32, #tpu.memory_space<vmem>>, vector<1x16xf32>,
        %swap3A_3631 = arith.constant 0 : i32
        %swap3A_3632 = arith.constant 0 : i32
        %swap3A_3633 = arith.constant 0 : i32
        %swap3A_3634 = tpu.memref_slice %run_scoped3A_10[%rem3A_234, %swap3A_3632, %swap3A_3633] : memref<2x2x128xi32, #tpu.memory_space<vmem>> -> memref<1x2x128xi32, #tpu.memory_space<vmem>>
        %swap3A_3635 = tpu.memref_squeeze %swap3A_3634 : memref<1x2x128xi32, #tpu.memory_space<vmem>> -> memref<2x128xi32, #tpu.memory_space<vmem>>
        %swap3A_3636 = arith.index_cast %swap3A_3631 : i32 to index
        %swap3A_3637 = arith.constant 96 : index
        %swap3A_3638 = tpu.vector_load %swap3A_3635[%swap3A_3636, %swap3A_3637] {strides = array<i32>} : memref<2x128xi32, #tpu.memory_space<vmem>>, vector<1x16xi32>,
        %swap3A_3639 = vector.shape_cast %swap3A_3638 : vector<1x16xi32> to vector<16xi32>
        %swap3A_3640 = vector.shape_cast %select_n3A_3386 : vector<16xi32> to vector<1x16xi32>
        tpu.vector_store %swap3A_3635[%swap3A_3636, %swap3A_3637], %swap3A_3640 {strides = array<i32>} : memref<2x128xi32, #tpu.memory_space<vmem>>, vector<1x16xi32>,
        %swap3A_3641 = arith.constant 1 : i32
        %swap3A_3642 = arith.constant 0 : i32
        %swap3A_3643 = arith.constant 0 : i32
        %swap3A_3644 = tpu.memref_slice %run_scoped3A_10[%rem3A_234, %swap3A_3642, %swap3A_3643] : memref<2x2x128xi32, #tpu.memory_space<vmem>> -> memref<1x2x128xi32, #tpu.memory_space<vmem>>
        %swap3A_3645 = tpu.memref_squeeze %swap3A_3644 : memref<1x2x128xi32, #tpu.memory_space<vmem>> -> memref<2x128xi32, #tpu.memory_space<vmem>>
        %swap3A_3646 = arith.index_cast %swap3A_3641 : i32 to index
        %swap3A_3647 = arith.constant 96 : index
        %swap3A_3648 = tpu.vector_load %swap3A_3645[%swap3A_3646, %swap3A_3647] {strides = array<i32>} : memref<2x128xi32, #tpu.memory_space<vmem>>, vector<1x16xi32>,
        %swap3A_3649 = vector.shape_cast %swap3A_3648 : vector<1x16xi32> to vector<16xi32>
        %swap3A_3650 = vector.shape_cast %select_n3A_3598 : vector<16xi32> to vector<1x16xi32>
        tpu.vector_store %swap3A_3645[%swap3A_3646, %swap3A_3647], %swap3A_3650 {strides = array<i32>} : memref<2x128xi32, #tpu.memory_space<vmem>>, vector<1x16xi32>,
        %get3A_3651 = arith.constant 0 : i32
        %get3A_3652 = arith.constant 0 : i32
        %get3A_3653 = arith.constant 0 : i32
        %get3A_3654 = tpu.memref_slice %run_scoped3A[%rem3A_230, %get3A_3652, %get3A_3653] : memref<2x16x128xf32, #tpu.memory_space<vmem>> -> memref<1x16x128xf32, #tpu.memory_space<vmem>>
        %get3A_3655 = tpu.memref_squeeze %get3A_3654 : memref<1x16x128xf32, #tpu.memory_space<vmem>> -> memref<16x128xf32, #tpu.memory_space<vmem>>
        %get3A_3656 = arith.index_cast %get3A_3651 : i32 to index
        %get3A_3657 = arith.constant 112 : index
        %get3A_3658 = tpu.vector_load %get3A_3655[%get3A_3656, %get3A_3657] {strides = array<i32>} : memref<16x128xf32, #tpu.memory_space<vmem>>, vector<1x16xf32>,
        %get3A_3659 = vector.shape_cast %get3A_3658 : vector<1x16xf32> to vector<16xf32>
        %get3A_3660 = arith.constant 1 : i32
        %get3A_3661 = arith.constant 0 : i32
        %get3A_3662 = arith.constant 0 : i32
        %get3A_3663 = tpu.memref_slice %run_scoped3A[%rem3A_230, %get3A_3661, %get3A_3662] : memref<2x16x128xf32, #tpu.memory_space<vmem>> -> memref<1x16x128xf32, #tpu.memory_space<vmem>>
        %get3A_3664 = tpu.memref_squeeze %get3A_3663 : memref<1x16x128xf32, #tpu.memory_space<vmem>> -> memref<16x128xf32, #tpu.memory_space<vmem>>
        %get3A_3665 = arith.index_cast %get3A_3660 : i32 to index
        %get3A_3666 = arith.constant 112 : index
        %get3A_3667 = tpu.vector_load %get3A_3664[%get3A_3665, %get3A_3666] {strides = array<i32>} : memref<16x128xf32, #tpu.memory_space<vmem>>, vector<1x16xf32>,
        %get3A_3668 = vector.shape_cast %get3A_3667 : vector<1x16xf32> to vector<16xf32>
        %get3A_3669 = arith.constant 2 : i32
        %get3A_3670 = arith.constant 0 : i32
        %get3A_3671 = arith.constant 0 : i32
        %get3A_3672 = tpu.memref_slice %run_scoped3A[%rem3A_230, %get3A_3670, %get3A_3671] : memref<2x16x128xf32, #tpu.memory_space<vmem>> -> memref<1x16x128xf32, #tpu.memory_space<vmem>>
        %get3A_3673 = tpu.memref_squeeze %get3A_3672 : memref<1x16x128xf32, #tpu.memory_space<vmem>> -> memref<16x128xf32, #tpu.memory_space<vmem>>
        %get3A_3674 = arith.index_cast %get3A_3669 : i32 to index
        %get3A_3675 = arith.constant 112 : index
        %get3A_3676 = tpu.vector_load %get3A_3673[%get3A_3674, %get3A_3675] {strides = array<i32>} : memref<16x128xf32, #tpu.memory_space<vmem>>, vector<1x16xf32>,
        %get3A_3677 = vector.shape_cast %get3A_3676 : vector<1x16xf32> to vector<16xf32>
        %get3A_3678 = arith.constant 3 : i32
        %get3A_3679 = arith.constant 0 : i32
        %get3A_3680 = arith.constant 0 : i32
        %get3A_3681 = tpu.memref_slice %run_scoped3A[%rem3A_230, %get3A_3679, %get3A_3680] : memref<2x16x128xf32, #tpu.memory_space<vmem>> -> memref<1x16x128xf32, #tpu.memory_space<vmem>>
        %get3A_3682 = tpu.memref_squeeze %get3A_3681 : memref<1x16x128xf32, #tpu.memory_space<vmem>> -> memref<16x128xf32, #tpu.memory_space<vmem>>
        %get3A_3683 = arith.index_cast %get3A_3678 : i32 to index
        %get3A_3684 = arith.constant 112 : index
        %get3A_3685 = tpu.vector_load %get3A_3682[%get3A_3683, %get3A_3684] {strides = array<i32>} : memref<16x128xf32, #tpu.memory_space<vmem>>, vector<1x16xf32>,
        %get3A_3686 = vector.shape_cast %get3A_3685 : vector<1x16xf32> to vector<16xf32>
        %get3A_3687 = arith.constant 4 : i32
        %get3A_3688 = arith.constant 0 : i32
        %get3A_3689 = arith.constant 0 : i32
        %get3A_3690 = tpu.memref_slice %run_scoped3A[%rem3A_230, %get3A_3688, %get3A_3689] : memref<2x16x128xf32, #tpu.memory_space<vmem>> -> memref<1x16x128xf32, #tpu.memory_space<vmem>>
        %get3A_3691 = tpu.memref_squeeze %get3A_3690 : memref<1x16x128xf32, #tpu.memory_space<vmem>> -> memref<16x128xf32, #tpu.memory_space<vmem>>
        %get3A_3692 = arith.index_cast %get3A_3687 : i32 to index
        %get3A_3693 = arith.constant 112 : index
        %get3A_3694 = tpu.vector_load %get3A_3691[%get3A_3692, %get3A_3693] {strides = array<i32>} : memref<16x128xf32, #tpu.memory_space<vmem>>, vector<1x16xf32>,
        %get3A_3695 = vector.shape_cast %get3A_3694 : vector<1x16xf32> to vector<16xf32>
        %get3A_3696 = arith.constant 5 : i32
        %get3A_3697 = arith.constant 0 : i32
        %get3A_3698 = arith.constant 0 : i32
        %get3A_3699 = tpu.memref_slice %run_scoped3A[%rem3A_230, %get3A_3697, %get3A_3698] : memref<2x16x128xf32, #tpu.memory_space<vmem>> -> memref<1x16x128xf32, #tpu.memory_space<vmem>>
        %get3A_3700 = tpu.memref_squeeze %get3A_3699 : memref<1x16x128xf32, #tpu.memory_space<vmem>> -> memref<16x128xf32, #tpu.memory_space<vmem>>
        %get3A_3701 = arith.index_cast %get3A_3696 : i32 to index
        %get3A_3702 = arith.constant 112 : index
        %get3A_3703 = tpu.vector_load %get3A_3700[%get3A_3701, %get3A_3702] {strides = array<i32>} : memref<16x128xf32, #tpu.memory_space<vmem>>, vector<1x16xf32>,
        %get3A_3704 = vector.shape_cast %get3A_3703 : vector<1x16xf32> to vector<16xf32>
        %get3A_3705 = arith.constant 6 : i32
        %get3A_3706 = arith.constant 0 : i32
        %get3A_3707 = arith.constant 0 : i32
        %get3A_3708 = tpu.memref_slice %run_scoped3A[%rem3A_230, %get3A_3706, %get3A_3707] : memref<2x16x128xf32, #tpu.memory_space<vmem>> -> memref<1x16x128xf32, #tpu.memory_space<vmem>>
        %get3A_3709 = tpu.memref_squeeze %get3A_3708 : memref<1x16x128xf32, #tpu.memory_space<vmem>> -> memref<16x128xf32, #tpu.memory_space<vmem>>
        %get3A_3710 = arith.index_cast %get3A_3705 : i32 to index
        %get3A_3711 = arith.constant 112 : index
        %get3A_3712 = tpu.vector_load %get3A_3709[%get3A_3710, %get3A_3711] {strides = array<i32>} : memref<16x128xf32, #tpu.memory_space<vmem>>, vector<1x16xf32>,
        %get3A_3713 = vector.shape_cast %get3A_3712 : vector<1x16xf32> to vector<16xf32>
        %get3A_3714 = arith.constant 7 : i32
        %get3A_3715 = arith.constant 0 : i32
        %get3A_3716 = arith.constant 0 : i32
        %get3A_3717 = tpu.memref_slice %run_scoped3A[%rem3A_230, %get3A_3715, %get3A_3716] : memref<2x16x128xf32, #tpu.memory_space<vmem>> -> memref<1x16x128xf32, #tpu.memory_space<vmem>>
        %get3A_3718 = tpu.memref_squeeze %get3A_3717 : memref<1x16x128xf32, #tpu.memory_space<vmem>> -> memref<16x128xf32, #tpu.memory_space<vmem>>
        %get3A_3719 = arith.index_cast %get3A_3714 : i32 to index
        %get3A_3720 = arith.constant 112 : index
        %get3A_3721 = tpu.vector_load %get3A_3718[%get3A_3719, %get3A_3720] {strides = array<i32>} : memref<16x128xf32, #tpu.memory_space<vmem>>, vector<1x16xf32>,
        %get3A_3722 = vector.shape_cast %get3A_3721 : vector<1x16xf32> to vector<16xf32>
        %get3A_3723 = arith.constant 8 : i32
        %get3A_3724 = arith.constant 0 : i32
        %get3A_3725 = arith.constant 0 : i32
        %get3A_3726 = tpu.memref_slice %run_scoped3A[%rem3A_230, %get3A_3724, %get3A_3725] : memref<2x16x128xf32, #tpu.memory_space<vmem>> -> memref<1x16x128xf32, #tpu.memory_space<vmem>>
        %get3A_3727 = tpu.memref_squeeze %get3A_3726 : memref<1x16x128xf32, #tpu.memory_space<vmem>> -> memref<16x128xf32, #tpu.memory_space<vmem>>
        %get3A_3728 = arith.index_cast %get3A_3723 : i32 to index
        %get3A_3729 = arith.constant 112 : index
        %get3A_3730 = tpu.vector_load %get3A_3727[%get3A_3728, %get3A_3729] {strides = array<i32>} : memref<16x128xf32, #tpu.memory_space<vmem>>, vector<1x16xf32>,
        %get3A_3731 = vector.shape_cast %get3A_3730 : vector<1x16xf32> to vector<16xf32>
        %get3A_3732 = arith.constant 9 : i32
        %get3A_3733 = arith.constant 0 : i32
        %get3A_3734 = arith.constant 0 : i32
        %get3A_3735 = tpu.memref_slice %run_scoped3A[%rem3A_230, %get3A_3733, %get3A_3734] : memref<2x16x128xf32, #tpu.memory_space<vmem>> -> memref<1x16x128xf32, #tpu.memory_space<vmem>>
        %get3A_3736 = tpu.memref_squeeze %get3A_3735 : memref<1x16x128xf32, #tpu.memory_space<vmem>> -> memref<16x128xf32, #tpu.memory_space<vmem>>
        %get3A_3737 = arith.index_cast %get3A_3732 : i32 to index
        %get3A_3738 = arith.constant 112 : index
        %get3A_3739 = tpu.vector_load %get3A_3736[%get3A_3737, %get3A_3738] {strides = array<i32>} : memref<16x128xf32, #tpu.memory_space<vmem>>, vector<1x16xf32>,
        %get3A_3740 = vector.shape_cast %get3A_3739 : vector<1x16xf32> to vector<16xf32>
        %get3A_3741 = arith.constant 10 : i32
        %get3A_3742 = arith.constant 0 : i32
        %get3A_3743 = arith.constant 0 : i32
        %get3A_3744 = tpu.memref_slice %run_scoped3A[%rem3A_230, %get3A_3742, %get3A_3743] : memref<2x16x128xf32, #tpu.memory_space<vmem>> -> memref<1x16x128xf32, #tpu.memory_space<vmem>>
        %get3A_3745 = tpu.memref_squeeze %get3A_3744 : memref<1x16x128xf32, #tpu.memory_space<vmem>> -> memref<16x128xf32, #tpu.memory_space<vmem>>
        %get3A_3746 = arith.index_cast %get3A_3741 : i32 to index
        %get3A_3747 = arith.constant 112 : index
        %get3A_3748 = tpu.vector_load %get3A_3745[%get3A_3746, %get3A_3747] {strides = array<i32>} : memref<16x128xf32, #tpu.memory_space<vmem>>, vector<1x16xf32>,
        %get3A_3749 = vector.shape_cast %get3A_3748 : vector<1x16xf32> to vector<16xf32>
        %get3A_3750 = arith.constant 11 : i32
        %get3A_3751 = arith.constant 0 : i32
        %get3A_3752 = arith.constant 0 : i32
        %get3A_3753 = tpu.memref_slice %run_scoped3A[%rem3A_230, %get3A_3751, %get3A_3752] : memref<2x16x128xf32, #tpu.memory_space<vmem>> -> memref<1x16x128xf32, #tpu.memory_space<vmem>>
        %get3A_3754 = tpu.memref_squeeze %get3A_3753 : memref<1x16x128xf32, #tpu.memory_space<vmem>> -> memref<16x128xf32, #tpu.memory_space<vmem>>
        %get3A_3755 = arith.index_cast %get3A_3750 : i32 to index
        %get3A_3756 = arith.constant 112 : index
        %get3A_3757 = tpu.vector_load %get3A_3754[%get3A_3755, %get3A_3756] {strides = array<i32>} : memref<16x128xf32, #tpu.memory_space<vmem>>, vector<1x16xf32>,
        %get3A_3758 = vector.shape_cast %get3A_3757 : vector<1x16xf32> to vector<16xf32>
        %get3A_3759 = arith.constant 12 : i32
        %get3A_3760 = arith.constant 0 : i32
        %get3A_3761 = arith.constant 0 : i32
        %get3A_3762 = tpu.memref_slice %run_scoped3A[%rem3A_230, %get3A_3760, %get3A_3761] : memref<2x16x128xf32, #tpu.memory_space<vmem>> -> memref<1x16x128xf32, #tpu.memory_space<vmem>>
        %get3A_3763 = tpu.memref_squeeze %get3A_3762 : memref<1x16x128xf32, #tpu.memory_space<vmem>> -> memref<16x128xf32, #tpu.memory_space<vmem>>
        %get3A_3764 = arith.index_cast %get3A_3759 : i32 to index
        %get3A_3765 = arith.constant 112 : index
        %get3A_3766 = tpu.vector_load %get3A_3763[%get3A_3764, %get3A_3765] {strides = array<i32>} : memref<16x128xf32, #tpu.memory_space<vmem>>, vector<1x16xf32>,
        %get3A_3767 = vector.shape_cast %get3A_3766 : vector<1x16xf32> to vector<16xf32>
        %get3A_3768 = arith.constant 13 : i32
        %get3A_3769 = arith.constant 0 : i32
        %get3A_3770 = arith.constant 0 : i32
        %get3A_3771 = tpu.memref_slice %run_scoped3A[%rem3A_230, %get3A_3769, %get3A_3770] : memref<2x16x128xf32, #tpu.memory_space<vmem>> -> memref<1x16x128xf32, #tpu.memory_space<vmem>>
        %get3A_3772 = tpu.memref_squeeze %get3A_3771 : memref<1x16x128xf32, #tpu.memory_space<vmem>> -> memref<16x128xf32, #tpu.memory_space<vmem>>
        %get3A_3773 = arith.index_cast %get3A_3768 : i32 to index
        %get3A_3774 = arith.constant 112 : index
        %get3A_3775 = tpu.vector_load %get3A_3772[%get3A_3773, %get3A_3774] {strides = array<i32>} : memref<16x128xf32, #tpu.memory_space<vmem>>, vector<1x16xf32>,
        %get3A_3776 = vector.shape_cast %get3A_3775 : vector<1x16xf32> to vector<16xf32>
        %get3A_3777 = arith.constant 14 : i32
        %get3A_3778 = arith.constant 0 : i32
        %get3A_3779 = arith.constant 0 : i32
        %get3A_3780 = tpu.memref_slice %run_scoped3A[%rem3A_230, %get3A_3778, %get3A_3779] : memref<2x16x128xf32, #tpu.memory_space<vmem>> -> memref<1x16x128xf32, #tpu.memory_space<vmem>>
        %get3A_3781 = tpu.memref_squeeze %get3A_3780 : memref<1x16x128xf32, #tpu.memory_space<vmem>> -> memref<16x128xf32, #tpu.memory_space<vmem>>
        %get3A_3782 = arith.index_cast %get3A_3777 : i32 to index
        %get3A_3783 = arith.constant 112 : index
        %get3A_3784 = tpu.vector_load %get3A_3781[%get3A_3782, %get3A_3783] {strides = array<i32>} : memref<16x128xf32, #tpu.memory_space<vmem>>, vector<1x16xf32>,
        %get3A_3785 = vector.shape_cast %get3A_3784 : vector<1x16xf32> to vector<16xf32>
        %get3A_3786 = arith.constant 15 : i32
        %get3A_3787 = arith.constant 0 : i32
        %get3A_3788 = arith.constant 0 : i32
        %get3A_3789 = tpu.memref_slice %run_scoped3A[%rem3A_230, %get3A_3787, %get3A_3788] : memref<2x16x128xf32, #tpu.memory_space<vmem>> -> memref<1x16x128xf32, #tpu.memory_space<vmem>>
        %get3A_3790 = tpu.memref_squeeze %get3A_3789 : memref<1x16x128xf32, #tpu.memory_space<vmem>> -> memref<16x128xf32, #tpu.memory_space<vmem>>
        %get3A_3791 = arith.index_cast %get3A_3786 : i32 to index
        %get3A_3792 = arith.constant 112 : index
        %get3A_3793 = tpu.vector_load %get3A_3790[%get3A_3791, %get3A_3792] {strides = array<i32>} : memref<16x128xf32, #tpu.memory_space<vmem>>, vector<1x16xf32>,
        %get3A_3794 = vector.shape_cast %get3A_3793 : vector<1x16xf32> to vector<16xf32>
        %max3A_3795 = arith.maximumf %get3A_3659, %get3A_3668 : vector<16xf32>
        %max3A_3796 = arith.maximumf %max3A_3795, %get3A_3677 : vector<16xf32>
        %max3A_3797 = arith.maximumf %max3A_3796, %get3A_3686 : vector<16xf32>
        %max3A_3798 = arith.maximumf %max3A_3797, %get3A_3695 : vector<16xf32>
        %max3A_3799 = arith.maximumf %max3A_3798, %get3A_3704 : vector<16xf32>
        %max3A_3800 = arith.maximumf %max3A_3799, %get3A_3713 : vector<16xf32>
        %max3A_3801 = arith.maximumf %max3A_3800, %get3A_3722 : vector<16xf32>
        %max3A_3802 = arith.maximumf %max3A_3801, %get3A_3731 : vector<16xf32>
        %max3A_3803 = arith.maximumf %max3A_3802, %get3A_3740 : vector<16xf32>
        %max3A_3804 = arith.maximumf %max3A_3803, %get3A_3749 : vector<16xf32>
        %max3A_3805 = arith.maximumf %max3A_3804, %get3A_3758 : vector<16xf32>
        %max3A_3806 = arith.maximumf %max3A_3805, %get3A_3767 : vector<16xf32>
        %max3A_3807 = arith.maximumf %max3A_3806, %get3A_3776 : vector<16xf32>
        %max3A_3808 = arith.maximumf %max3A_3807, %get3A_3785 : vector<16xf32>
        %max3A_3809 = arith.maximumf %max3A_3808, %get3A_3794 : vector<16xf32>
        %broadcast_in_dim3A_3810 = arith.constant 16 : i32
        %broadcast_in_dim3A_3811 = vector.broadcast %broadcast_in_dim3A_3810 : i32 to vector<16xi32>
        %eq3A_3812 = arith.cmpf oeq, %get3A_3794, %max3A_3809 : vector<16xf32>
        %jit3A_3813 = arith.constant 15 : i32
        %broadcast_in_dim3A_3814 = vector.broadcast %jit3A_3813 : i32 to vector<16xi32>
        %select_n3A_3815 = arith.select %eq3A_3812, %broadcast_in_dim3A_3814, %broadcast_in_dim3A_3811 : vector<16xi1>, vector<16xi32>
        %eq3A_3816 = arith.cmpf oeq, %get3A_3785, %max3A_3809 : vector<16xf32>
        %jit3A_3817 = arith.constant 14 : i32
        %broadcast_in_dim3A_3818 = vector.broadcast %jit3A_3817 : i32 to vector<16xi32>
        %select_n3A_3819 = arith.select %eq3A_3816, %broadcast_in_dim3A_3818, %select_n3A_3815 : vector<16xi1>, vector<16xi32>
        %eq3A_3820 = arith.cmpf oeq, %get3A_3776, %max3A_3809 : vector<16xf32>
        %jit3A_3821 = arith.constant 13 : i32
        %broadcast_in_dim3A_3822 = vector.broadcast %jit3A_3821 : i32 to vector<16xi32>
        %select_n3A_3823 = arith.select %eq3A_3820, %broadcast_in_dim3A_3822, %select_n3A_3819 : vector<16xi1>, vector<16xi32>
        %eq3A_3824 = arith.cmpf oeq, %get3A_3767, %max3A_3809 : vector<16xf32>
        %jit3A_3825 = arith.constant 12 : i32
        %broadcast_in_dim3A_3826 = vector.broadcast %jit3A_3825 : i32 to vector<16xi32>
        %select_n3A_3827 = arith.select %eq3A_3824, %broadcast_in_dim3A_3826, %select_n3A_3823 : vector<16xi1>, vector<16xi32>
        %eq3A_3828 = arith.cmpf oeq, %get3A_3758, %max3A_3809 : vector<16xf32>
        %jit3A_3829 = arith.constant 11 : i32
        %broadcast_in_dim3A_3830 = vector.broadcast %jit3A_3829 : i32 to vector<16xi32>
        %select_n3A_3831 = arith.select %eq3A_3828, %broadcast_in_dim3A_3830, %select_n3A_3827 : vector<16xi1>, vector<16xi32>
        %eq3A_3832 = arith.cmpf oeq, %get3A_3749, %max3A_3809 : vector<16xf32>
        %jit3A_3833 = arith.constant 10 : i32
        %broadcast_in_dim3A_3834 = vector.broadcast %jit3A_3833 : i32 to vector<16xi32>
        %select_n3A_3835 = arith.select %eq3A_3832, %broadcast_in_dim3A_3834, %select_n3A_3831 : vector<16xi1>, vector<16xi32>
        %eq3A_3836 = arith.cmpf oeq, %get3A_3740, %max3A_3809 : vector<16xf32>
        %jit3A_3837 = arith.constant 9 : i32
        %broadcast_in_dim3A_3838 = vector.broadcast %jit3A_3837 : i32 to vector<16xi32>
        %select_n3A_3839 = arith.select %eq3A_3836, %broadcast_in_dim3A_3838, %select_n3A_3835 : vector<16xi1>, vector<16xi32>
        %eq3A_3840 = arith.cmpf oeq, %get3A_3731, %max3A_3809 : vector<16xf32>
        %jit3A_3841 = arith.constant 8 : i32
        %broadcast_in_dim3A_3842 = vector.broadcast %jit3A_3841 : i32 to vector<16xi32>
        %select_n3A_3843 = arith.select %eq3A_3840, %broadcast_in_dim3A_3842, %select_n3A_3839 : vector<16xi1>, vector<16xi32>
        %eq3A_3844 = arith.cmpf oeq, %get3A_3722, %max3A_3809 : vector<16xf32>
        %jit3A_3845 = arith.constant 7 : i32
        %broadcast_in_dim3A_3846 = vector.broadcast %jit3A_3845 : i32 to vector<16xi32>
        %select_n3A_3847 = arith.select %eq3A_3844, %broadcast_in_dim3A_3846, %select_n3A_3843 : vector<16xi1>, vector<16xi32>
        %eq3A_3848 = arith.cmpf oeq, %get3A_3713, %max3A_3809 : vector<16xf32>
        %jit3A_3849 = arith.constant 6 : i32
        %broadcast_in_dim3A_3850 = vector.broadcast %jit3A_3849 : i32 to vector<16xi32>
        %select_n3A_3851 = arith.select %eq3A_3848, %broadcast_in_dim3A_3850, %select_n3A_3847 : vector<16xi1>, vector<16xi32>
        %eq3A_3852 = arith.cmpf oeq, %get3A_3704, %max3A_3809 : vector<16xf32>
        %jit3A_3853 = arith.constant 5 : i32
        %broadcast_in_dim3A_3854 = vector.broadcast %jit3A_3853 : i32 to vector<16xi32>
        %select_n3A_3855 = arith.select %eq3A_3852, %broadcast_in_dim3A_3854, %select_n3A_3851 : vector<16xi1>, vector<16xi32>
        %eq3A_3856 = arith.cmpf oeq, %get3A_3695, %max3A_3809 : vector<16xf32>
        %jit3A_3857 = arith.constant 4 : i32
        %broadcast_in_dim3A_3858 = vector.broadcast %jit3A_3857 : i32 to vector<16xi32>
        %select_n3A_3859 = arith.select %eq3A_3856, %broadcast_in_dim3A_3858, %select_n3A_3855 : vector<16xi1>, vector<16xi32>
        %eq3A_3860 = arith.cmpf oeq, %get3A_3686, %max3A_3809 : vector<16xf32>
        %jit3A_3861 = arith.constant 3 : i32
        %broadcast_in_dim3A_3862 = vector.broadcast %jit3A_3861 : i32 to vector<16xi32>
        %select_n3A_3863 = arith.select %eq3A_3860, %broadcast_in_dim3A_3862, %select_n3A_3859 : vector<16xi1>, vector<16xi32>
        %eq3A_3864 = arith.cmpf oeq, %get3A_3677, %max3A_3809 : vector<16xf32>
        %jit3A_3865 = arith.constant 2 : i32
        %broadcast_in_dim3A_3866 = vector.broadcast %jit3A_3865 : i32 to vector<16xi32>
        %select_n3A_3867 = arith.select %eq3A_3864, %broadcast_in_dim3A_3866, %select_n3A_3863 : vector<16xi1>, vector<16xi32>
        %eq3A_3868 = arith.cmpf oeq, %get3A_3668, %max3A_3809 : vector<16xf32>
        %jit3A_3869 = arith.constant 1 : i32
        %broadcast_in_dim3A_3870 = vector.broadcast %jit3A_3869 : i32 to vector<16xi32>
        %select_n3A_3871 = arith.select %eq3A_3868, %broadcast_in_dim3A_3870, %select_n3A_3867 : vector<16xi1>, vector<16xi32>
        %eq3A_3872 = arith.cmpf oeq, %get3A_3659, %max3A_3809 : vector<16xf32>
        %jit3A_3873 = arith.constant 0 : i32
        %broadcast_in_dim3A_3874 = vector.broadcast %jit3A_3873 : i32 to vector<16xi32>
        %select_n3A_3875 = arith.select %eq3A_3872, %broadcast_in_dim3A_3874, %select_n3A_3871 : vector<16xi1>, vector<16xi32>
        %broadcast_in_dim3A_3876 = arith.constant 0xFF800000 : f32
        %broadcast_in_dim3A_3877 = vector.broadcast %broadcast_in_dim3A_3876 : f32 to vector<16xf32>
        %eq3A_3878 = arith.constant 0 : i32
        %eq3A_3879 = vector.broadcast %eq3A_3878 : i32 to vector<16xi32>
        %eq3A_3880 = arith.cmpi eq, %select_n3A_3875, %eq3A_3879 : vector<16xi32>
        %select_n3A_3881 = arith.select %eq3A_3880, %broadcast_in_dim3A_3877, %get3A_3659 : vector<16xi1>, vector<16xf32>
        %max3A_3882 = arith.maximumf %broadcast_in_dim3A_3877, %select_n3A_3881 : vector<16xf32>
        %eq3A_3883 = arith.constant 1 : i32
        %eq3A_3884 = vector.broadcast %eq3A_3883 : i32 to vector<16xi32>
        %eq3A_3885 = arith.cmpi eq, %select_n3A_3875, %eq3A_3884 : vector<16xi32>
        %select_n3A_3886 = arith.select %eq3A_3885, %broadcast_in_dim3A_3877, %get3A_3668 : vector<16xi1>, vector<16xf32>
        %max3A_3887 = arith.maximumf %max3A_3882, %select_n3A_3886 : vector<16xf32>
        %eq3A_3888 = arith.constant 2 : i32
        %eq3A_3889 = vector.broadcast %eq3A_3888 : i32 to vector<16xi32>
        %eq3A_3890 = arith.cmpi eq, %select_n3A_3875, %eq3A_3889 : vector<16xi32>
        %select_n3A_3891 = arith.select %eq3A_3890, %broadcast_in_dim3A_3877, %get3A_3677 : vector<16xi1>, vector<16xf32>
        %max3A_3892 = arith.maximumf %max3A_3887, %select_n3A_3891 : vector<16xf32>
        %eq3A_3893 = arith.constant 3 : i32
        %eq3A_3894 = vector.broadcast %eq3A_3893 : i32 to vector<16xi32>
        %eq3A_3895 = arith.cmpi eq, %select_n3A_3875, %eq3A_3894 : vector<16xi32>
        %select_n3A_3896 = arith.select %eq3A_3895, %broadcast_in_dim3A_3877, %get3A_3686 : vector<16xi1>, vector<16xf32>
        %max3A_3897 = arith.maximumf %max3A_3892, %select_n3A_3896 : vector<16xf32>
        %eq3A_3898 = arith.constant 4 : i32
        %eq3A_3899 = vector.broadcast %eq3A_3898 : i32 to vector<16xi32>
        %eq3A_3900 = arith.cmpi eq, %select_n3A_3875, %eq3A_3899 : vector<16xi32>
        %select_n3A_3901 = arith.select %eq3A_3900, %broadcast_in_dim3A_3877, %get3A_3695 : vector<16xi1>, vector<16xf32>
        %max3A_3902 = arith.maximumf %max3A_3897, %select_n3A_3901 : vector<16xf32>
        %eq3A_3903 = arith.constant 5 : i32
        %eq3A_3904 = vector.broadcast %eq3A_3903 : i32 to vector<16xi32>
        %eq3A_3905 = arith.cmpi eq, %select_n3A_3875, %eq3A_3904 : vector<16xi32>
        %select_n3A_3906 = arith.select %eq3A_3905, %broadcast_in_dim3A_3877, %get3A_3704 : vector<16xi1>, vector<16xf32>
        %max3A_3907 = arith.maximumf %max3A_3902, %select_n3A_3906 : vector<16xf32>
        %eq3A_3908 = arith.constant 6 : i32
        %eq3A_3909 = vector.broadcast %eq3A_3908 : i32 to vector<16xi32>
        %eq3A_3910 = arith.cmpi eq, %select_n3A_3875, %eq3A_3909 : vector<16xi32>
        %select_n3A_3911 = arith.select %eq3A_3910, %broadcast_in_dim3A_3877, %get3A_3713 : vector<16xi1>, vector<16xf32>
        %max3A_3912 = arith.maximumf %max3A_3907, %select_n3A_3911 : vector<16xf32>
        %eq3A_3913 = arith.constant 7 : i32
        %eq3A_3914 = vector.broadcast %eq3A_3913 : i32 to vector<16xi32>
        %eq3A_3915 = arith.cmpi eq, %select_n3A_3875, %eq3A_3914 : vector<16xi32>
        %select_n3A_3916 = arith.select %eq3A_3915, %broadcast_in_dim3A_3877, %get3A_3722 : vector<16xi1>, vector<16xf32>
        %max3A_3917 = arith.maximumf %max3A_3912, %select_n3A_3916 : vector<16xf32>
        %eq3A_3918 = arith.constant 8 : i32
        %eq3A_3919 = vector.broadcast %eq3A_3918 : i32 to vector<16xi32>
        %eq3A_3920 = arith.cmpi eq, %select_n3A_3875, %eq3A_3919 : vector<16xi32>
        %select_n3A_3921 = arith.select %eq3A_3920, %broadcast_in_dim3A_3877, %get3A_3731 : vector<16xi1>, vector<16xf32>
        %max3A_3922 = arith.maximumf %max3A_3917, %select_n3A_3921 : vector<16xf32>
        %eq3A_3923 = arith.constant 9 : i32
        %eq3A_3924 = vector.broadcast %eq3A_3923 : i32 to vector<16xi32>
        %eq3A_3925 = arith.cmpi eq, %select_n3A_3875, %eq3A_3924 : vector<16xi32>
        %select_n3A_3926 = arith.select %eq3A_3925, %broadcast_in_dim3A_3877, %get3A_3740 : vector<16xi1>, vector<16xf32>
        %max3A_3927 = arith.maximumf %max3A_3922, %select_n3A_3926 : vector<16xf32>
        %eq3A_3928 = arith.constant 10 : i32
        %eq3A_3929 = vector.broadcast %eq3A_3928 : i32 to vector<16xi32>
        %eq3A_3930 = arith.cmpi eq, %select_n3A_3875, %eq3A_3929 : vector<16xi32>
        %select_n3A_3931 = arith.select %eq3A_3930, %broadcast_in_dim3A_3877, %get3A_3749 : vector<16xi1>, vector<16xf32>
        %max3A_3932 = arith.maximumf %max3A_3927, %select_n3A_3931 : vector<16xf32>
        %eq3A_3933 = arith.constant 11 : i32
        %eq3A_3934 = vector.broadcast %eq3A_3933 : i32 to vector<16xi32>
        %eq3A_3935 = arith.cmpi eq, %select_n3A_3875, %eq3A_3934 : vector<16xi32>
        %select_n3A_3936 = arith.select %eq3A_3935, %broadcast_in_dim3A_3877, %get3A_3758 : vector<16xi1>, vector<16xf32>
        %max3A_3937 = arith.maximumf %max3A_3932, %select_n3A_3936 : vector<16xf32>
        %eq3A_3938 = arith.constant 12 : i32
        %eq3A_3939 = vector.broadcast %eq3A_3938 : i32 to vector<16xi32>
        %eq3A_3940 = arith.cmpi eq, %select_n3A_3875, %eq3A_3939 : vector<16xi32>
        %select_n3A_3941 = arith.select %eq3A_3940, %broadcast_in_dim3A_3877, %get3A_3767 : vector<16xi1>, vector<16xf32>
        %max3A_3942 = arith.maximumf %max3A_3937, %select_n3A_3941 : vector<16xf32>
        %eq3A_3943 = arith.constant 13 : i32
        %eq3A_3944 = vector.broadcast %eq3A_3943 : i32 to vector<16xi32>
        %eq3A_3945 = arith.cmpi eq, %select_n3A_3875, %eq3A_3944 : vector<16xi32>
        %select_n3A_3946 = arith.select %eq3A_3945, %broadcast_in_dim3A_3877, %get3A_3776 : vector<16xi1>, vector<16xf32>
        %max3A_3947 = arith.maximumf %max3A_3942, %select_n3A_3946 : vector<16xf32>
        %eq3A_3948 = arith.constant 14 : i32
        %eq3A_3949 = vector.broadcast %eq3A_3948 : i32 to vector<16xi32>
        %eq3A_3950 = arith.cmpi eq, %select_n3A_3875, %eq3A_3949 : vector<16xi32>
        %select_n3A_3951 = arith.select %eq3A_3950, %broadcast_in_dim3A_3877, %get3A_3785 : vector<16xi1>, vector<16xf32>
        %max3A_3952 = arith.maximumf %max3A_3947, %select_n3A_3951 : vector<16xf32>
        %eq3A_3953 = arith.constant 15 : i32
        %eq3A_3954 = vector.broadcast %eq3A_3953 : i32 to vector<16xi32>
        %eq3A_3955 = arith.cmpi eq, %select_n3A_3875, %eq3A_3954 : vector<16xi32>
        %select_n3A_3956 = arith.select %eq3A_3955, %broadcast_in_dim3A_3877, %get3A_3794 : vector<16xi1>, vector<16xf32>
        %max3A_3957 = arith.maximumf %max3A_3952, %select_n3A_3956 : vector<16xf32>
        %broadcast_in_dim3A_3958 = arith.constant 16 : i32
        %broadcast_in_dim3A_3959 = vector.broadcast %broadcast_in_dim3A_3958 : i32 to vector<16xi32>
        %eq3A_3960 = arith.constant 15 : i32
        %eq3A_3961 = vector.broadcast %eq3A_3960 : i32 to vector<16xi32>
        %eq3A_3962 = arith.cmpi eq, %select_n3A_3875, %eq3A_3961 : vector<16xi32>
        %select_n3A_3963 = arith.select %eq3A_3962, %broadcast_in_dim3A_3877, %get3A_3794 : vector<16xi1>, vector<16xf32>
        %eq3A_3964 = arith.cmpf oeq, %select_n3A_3963, %max3A_3957 : vector<16xf32>
        %jit3A_3965 = arith.constant 15 : i32
        %broadcast_in_dim3A_3966 = vector.broadcast %jit3A_3965 : i32 to vector<16xi32>
        %select_n3A_3967 = arith.select %eq3A_3964, %broadcast_in_dim3A_3966, %broadcast_in_dim3A_3959 : vector<16xi1>, vector<16xi32>
        %eq3A_3968 = arith.constant 14 : i32
        %eq3A_3969 = vector.broadcast %eq3A_3968 : i32 to vector<16xi32>
        %eq3A_3970 = arith.cmpi eq, %select_n3A_3875, %eq3A_3969 : vector<16xi32>
        %select_n3A_3971 = arith.select %eq3A_3970, %broadcast_in_dim3A_3877, %get3A_3785 : vector<16xi1>, vector<16xf32>
        %eq3A_3972 = arith.cmpf oeq, %select_n3A_3971, %max3A_3957 : vector<16xf32>
        %jit3A_3973 = arith.constant 14 : i32
        %broadcast_in_dim3A_3974 = vector.broadcast %jit3A_3973 : i32 to vector<16xi32>
        %select_n3A_3975 = arith.select %eq3A_3972, %broadcast_in_dim3A_3974, %select_n3A_3967 : vector<16xi1>, vector<16xi32>
        %eq3A_3976 = arith.constant 13 : i32
        %eq3A_3977 = vector.broadcast %eq3A_3976 : i32 to vector<16xi32>
        %eq3A_3978 = arith.cmpi eq, %select_n3A_3875, %eq3A_3977 : vector<16xi32>
        %select_n3A_3979 = arith.select %eq3A_3978, %broadcast_in_dim3A_3877, %get3A_3776 : vector<16xi1>, vector<16xf32>
        %eq3A_3980 = arith.cmpf oeq, %select_n3A_3979, %max3A_3957 : vector<16xf32>
        %jit3A_3981 = arith.constant 13 : i32
        %broadcast_in_dim3A_3982 = vector.broadcast %jit3A_3981 : i32 to vector<16xi32>
        %select_n3A_3983 = arith.select %eq3A_3980, %broadcast_in_dim3A_3982, %select_n3A_3975 : vector<16xi1>, vector<16xi32>
        %eq3A_3984 = arith.constant 12 : i32
        %eq3A_3985 = vector.broadcast %eq3A_3984 : i32 to vector<16xi32>
        %eq3A_3986 = arith.cmpi eq, %select_n3A_3875, %eq3A_3985 : vector<16xi32>
        %select_n3A_3987 = arith.select %eq3A_3986, %broadcast_in_dim3A_3877, %get3A_3767 : vector<16xi1>, vector<16xf32>
        %eq3A_3988 = arith.cmpf oeq, %select_n3A_3987, %max3A_3957 : vector<16xf32>
        %jit3A_3989 = arith.constant 12 : i32
        %broadcast_in_dim3A_3990 = vector.broadcast %jit3A_3989 : i32 to vector<16xi32>
        %select_n3A_3991 = arith.select %eq3A_3988, %broadcast_in_dim3A_3990, %select_n3A_3983 : vector<16xi1>, vector<16xi32>
        %eq3A_3992 = arith.constant 11 : i32
        %eq3A_3993 = vector.broadcast %eq3A_3992 : i32 to vector<16xi32>
        %eq3A_3994 = arith.cmpi eq, %select_n3A_3875, %eq3A_3993 : vector<16xi32>
        %select_n3A_3995 = arith.select %eq3A_3994, %broadcast_in_dim3A_3877, %get3A_3758 : vector<16xi1>, vector<16xf32>
        %eq3A_3996 = arith.cmpf oeq, %select_n3A_3995, %max3A_3957 : vector<16xf32>
        %jit3A_3997 = arith.constant 11 : i32
        %broadcast_in_dim3A_3998 = vector.broadcast %jit3A_3997 : i32 to vector<16xi32>
        %select_n3A_3999 = arith.select %eq3A_3996, %broadcast_in_dim3A_3998, %select_n3A_3991 : vector<16xi1>, vector<16xi32>
        %eq3A_4000 = arith.constant 10 : i32
        %eq3A_4001 = vector.broadcast %eq3A_4000 : i32 to vector<16xi32>
        %eq3A_4002 = arith.cmpi eq, %select_n3A_3875, %eq3A_4001 : vector<16xi32>
        %select_n3A_4003 = arith.select %eq3A_4002, %broadcast_in_dim3A_3877, %get3A_3749 : vector<16xi1>, vector<16xf32>
        %eq3A_4004 = arith.cmpf oeq, %select_n3A_4003, %max3A_3957 : vector<16xf32>
        %jit3A_4005 = arith.constant 10 : i32
        %broadcast_in_dim3A_4006 = vector.broadcast %jit3A_4005 : i32 to vector<16xi32>
        %select_n3A_4007 = arith.select %eq3A_4004, %broadcast_in_dim3A_4006, %select_n3A_3999 : vector<16xi1>, vector<16xi32>
        %eq3A_4008 = arith.constant 9 : i32
        %eq3A_4009 = vector.broadcast %eq3A_4008 : i32 to vector<16xi32>
        %eq3A_4010 = arith.cmpi eq, %select_n3A_3875, %eq3A_4009 : vector<16xi32>
        %select_n3A_4011 = arith.select %eq3A_4010, %broadcast_in_dim3A_3877, %get3A_3740 : vector<16xi1>, vector<16xf32>
        %eq3A_4012 = arith.cmpf oeq, %select_n3A_4011, %max3A_3957 : vector<16xf32>
        %jit3A_4013 = arith.constant 9 : i32
        %broadcast_in_dim3A_4014 = vector.broadcast %jit3A_4013 : i32 to vector<16xi32>
        %select_n3A_4015 = arith.select %eq3A_4012, %broadcast_in_dim3A_4014, %select_n3A_4007 : vector<16xi1>, vector<16xi32>
        %eq3A_4016 = arith.constant 8 : i32
        %eq3A_4017 = vector.broadcast %eq3A_4016 : i32 to vector<16xi32>
        %eq3A_4018 = arith.cmpi eq, %select_n3A_3875, %eq3A_4017 : vector<16xi32>
        %select_n3A_4019 = arith.select %eq3A_4018, %broadcast_in_dim3A_3877, %get3A_3731 : vector<16xi1>, vector<16xf32>
        %eq3A_4020 = arith.cmpf oeq, %select_n3A_4019, %max3A_3957 : vector<16xf32>
        %jit3A_4021 = arith.constant 8 : i32
        %broadcast_in_dim3A_4022 = vector.broadcast %jit3A_4021 : i32 to vector<16xi32>
        %select_n3A_4023 = arith.select %eq3A_4020, %broadcast_in_dim3A_4022, %select_n3A_4015 : vector<16xi1>, vector<16xi32>
        %eq3A_4024 = arith.constant 7 : i32
        %eq3A_4025 = vector.broadcast %eq3A_4024 : i32 to vector<16xi32>
        %eq3A_4026 = arith.cmpi eq, %select_n3A_3875, %eq3A_4025 : vector<16xi32>
        %select_n3A_4027 = arith.select %eq3A_4026, %broadcast_in_dim3A_3877, %get3A_3722 : vector<16xi1>, vector<16xf32>
        %eq3A_4028 = arith.cmpf oeq, %select_n3A_4027, %max3A_3957 : vector<16xf32>
        %jit3A_4029 = arith.constant 7 : i32
        %broadcast_in_dim3A_4030 = vector.broadcast %jit3A_4029 : i32 to vector<16xi32>
        %select_n3A_4031 = arith.select %eq3A_4028, %broadcast_in_dim3A_4030, %select_n3A_4023 : vector<16xi1>, vector<16xi32>
        %eq3A_4032 = arith.constant 6 : i32
        %eq3A_4033 = vector.broadcast %eq3A_4032 : i32 to vector<16xi32>
        %eq3A_4034 = arith.cmpi eq, %select_n3A_3875, %eq3A_4033 : vector<16xi32>
        %select_n3A_4035 = arith.select %eq3A_4034, %broadcast_in_dim3A_3877, %get3A_3713 : vector<16xi1>, vector<16xf32>
        %eq3A_4036 = arith.cmpf oeq, %select_n3A_4035, %max3A_3957 : vector<16xf32>
        %jit3A_4037 = arith.constant 6 : i32
        %broadcast_in_dim3A_4038 = vector.broadcast %jit3A_4037 : i32 to vector<16xi32>
        %select_n3A_4039 = arith.select %eq3A_4036, %broadcast_in_dim3A_4038, %select_n3A_4031 : vector<16xi1>, vector<16xi32>
        %eq3A_4040 = arith.constant 5 : i32
        %eq3A_4041 = vector.broadcast %eq3A_4040 : i32 to vector<16xi32>
        %eq3A_4042 = arith.cmpi eq, %select_n3A_3875, %eq3A_4041 : vector<16xi32>
        %select_n3A_4043 = arith.select %eq3A_4042, %broadcast_in_dim3A_3877, %get3A_3704 : vector<16xi1>, vector<16xf32>
        %eq3A_4044 = arith.cmpf oeq, %select_n3A_4043, %max3A_3957 : vector<16xf32>
        %jit3A_4045 = arith.constant 5 : i32
        %broadcast_in_dim3A_4046 = vector.broadcast %jit3A_4045 : i32 to vector<16xi32>
        %select_n3A_4047 = arith.select %eq3A_4044, %broadcast_in_dim3A_4046, %select_n3A_4039 : vector<16xi1>, vector<16xi32>
        %eq3A_4048 = arith.constant 4 : i32
        %eq3A_4049 = vector.broadcast %eq3A_4048 : i32 to vector<16xi32>
        %eq3A_4050 = arith.cmpi eq, %select_n3A_3875, %eq3A_4049 : vector<16xi32>
        %select_n3A_4051 = arith.select %eq3A_4050, %broadcast_in_dim3A_3877, %get3A_3695 : vector<16xi1>, vector<16xf32>
        %eq3A_4052 = arith.cmpf oeq, %select_n3A_4051, %max3A_3957 : vector<16xf32>
        %jit3A_4053 = arith.constant 4 : i32
        %broadcast_in_dim3A_4054 = vector.broadcast %jit3A_4053 : i32 to vector<16xi32>
        %select_n3A_4055 = arith.select %eq3A_4052, %broadcast_in_dim3A_4054, %select_n3A_4047 : vector<16xi1>, vector<16xi32>
        %eq3A_4056 = arith.constant 3 : i32
        %eq3A_4057 = vector.broadcast %eq3A_4056 : i32 to vector<16xi32>
        %eq3A_4058 = arith.cmpi eq, %select_n3A_3875, %eq3A_4057 : vector<16xi32>
        %select_n3A_4059 = arith.select %eq3A_4058, %broadcast_in_dim3A_3877, %get3A_3686 : vector<16xi1>, vector<16xf32>
        %eq3A_4060 = arith.cmpf oeq, %select_n3A_4059, %max3A_3957 : vector<16xf32>
        %jit3A_4061 = arith.constant 3 : i32
        %broadcast_in_dim3A_4062 = vector.broadcast %jit3A_4061 : i32 to vector<16xi32>
        %select_n3A_4063 = arith.select %eq3A_4060, %broadcast_in_dim3A_4062, %select_n3A_4055 : vector<16xi1>, vector<16xi32>
        %eq3A_4064 = arith.constant 2 : i32
        %eq3A_4065 = vector.broadcast %eq3A_4064 : i32 to vector<16xi32>
        %eq3A_4066 = arith.cmpi eq, %select_n3A_3875, %eq3A_4065 : vector<16xi32>
        %select_n3A_4067 = arith.select %eq3A_4066, %broadcast_in_dim3A_3877, %get3A_3677 : vector<16xi1>, vector<16xf32>
        %eq3A_4068 = arith.cmpf oeq, %select_n3A_4067, %max3A_3957 : vector<16xf32>
        %jit3A_4069 = arith.constant 2 : i32
        %broadcast_in_dim3A_4070 = vector.broadcast %jit3A_4069 : i32 to vector<16xi32>
        %select_n3A_4071 = arith.select %eq3A_4068, %broadcast_in_dim3A_4070, %select_n3A_4063 : vector<16xi1>, vector<16xi32>
        %eq3A_4072 = arith.constant 1 : i32
        %eq3A_4073 = vector.broadcast %eq3A_4072 : i32 to vector<16xi32>
        %eq3A_4074 = arith.cmpi eq, %select_n3A_3875, %eq3A_4073 : vector<16xi32>
        %select_n3A_4075 = arith.select %eq3A_4074, %broadcast_in_dim3A_3877, %get3A_3668 : vector<16xi1>, vector<16xf32>
        %eq3A_4076 = arith.cmpf oeq, %select_n3A_4075, %max3A_3957 : vector<16xf32>
        %jit3A_4077 = arith.constant 1 : i32
        %broadcast_in_dim3A_4078 = vector.broadcast %jit3A_4077 : i32 to vector<16xi32>
        %select_n3A_4079 = arith.select %eq3A_4076, %broadcast_in_dim3A_4078, %select_n3A_4071 : vector<16xi1>, vector<16xi32>
        %eq3A_4080 = arith.constant 0 : i32
        %eq3A_4081 = vector.broadcast %eq3A_4080 : i32 to vector<16xi32>
        %eq3A_4082 = arith.cmpi eq, %select_n3A_3875, %eq3A_4081 : vector<16xi32>
        %select_n3A_4083 = arith.select %eq3A_4082, %broadcast_in_dim3A_3877, %get3A_3659 : vector<16xi1>, vector<16xf32>
        %eq3A_4084 = arith.cmpf oeq, %select_n3A_4083, %max3A_3957 : vector<16xf32>
        %jit3A_4085 = arith.constant 0 : i32
        %broadcast_in_dim3A_4086 = vector.broadcast %jit3A_4085 : i32 to vector<16xi32>
        %select_n3A_4087 = arith.select %eq3A_4084, %broadcast_in_dim3A_4086, %select_n3A_4079 : vector<16xi1>, vector<16xi32>
        %sub3A_4088 = arith.subf %max3A_3957, %max3A_3809 : vector<16xf32>
        %mul3A_4089 = arith.constant 1.250000e+00 : f32
        %mul3A_4090 = vector.broadcast %mul3A_4089 : f32 to vector<16xf32>
        %mul3A_4091 = arith.mulf %sub3A_4088, %mul3A_4090 : vector<16xf32>
        %exp3A_4092 = math.exp %mul3A_4091 : vector<16xf32>
        %add3A_4093 = arith.constant 1.000000e+00 : f32
        %add3A_4094 = vector.broadcast %add3A_4093 : f32 to vector<16xf32>
        %add3A_4095 = arith.addf %add3A_4094, %exp3A_4092 : vector<16xf32>
        %div3A_4096 = arith.constant 1.000000e+00 : f32
        %div3A_4097 = vector.broadcast %div3A_4096 : f32 to vector<16xf32>
        %div3A_4098 = arith.divf %div3A_4097, %add3A_4095 : vector<16xf32>
        %swap3A_4099 = arith.constant 0 : i32
        %swap3A_4100 = arith.constant 0 : i32
        %swap3A_4101 = arith.constant 0 : i32
        %swap3A_4102 = tpu.memref_slice %run_scoped3A_8[%rem3A_232, %swap3A_4100, %swap3A_4101] : memref<2x2x128xf32, #tpu.memory_space<vmem>> -> memref<1x2x128xf32, #tpu.memory_space<vmem>>
        %swap3A_4103 = tpu.memref_squeeze %swap3A_4102 : memref<1x2x128xf32, #tpu.memory_space<vmem>> -> memref<2x128xf32, #tpu.memory_space<vmem>>
        %swap3A_4104 = arith.index_cast %swap3A_4099 : i32 to index
        %swap3A_4105 = arith.constant 112 : index
        %swap3A_4106 = tpu.vector_load %swap3A_4103[%swap3A_4104, %swap3A_4105] {strides = array<i32>} : memref<2x128xf32, #tpu.memory_space<vmem>>, vector<1x16xf32>,
        %swap3A_4107 = vector.shape_cast %swap3A_4106 : vector<1x16xf32> to vector<16xf32>
        %swap3A_4108 = vector.shape_cast %div3A_4098 : vector<16xf32> to vector<1x16xf32>
        tpu.vector_store %swap3A_4103[%swap3A_4104, %swap3A_4105], %swap3A_4108 {strides = array<i32>} : memref<2x128xf32, #tpu.memory_space<vmem>>, vector<1x16xf32>,
        %mul3A_4109 = arith.mulf %exp3A_4092, %div3A_4098 : vector<16xf32>
        %swap3A_4110 = arith.constant 1 : i32
        %swap3A_4111 = arith.constant 0 : i32
        %swap3A_4112 = arith.constant 0 : i32
        %swap3A_4113 = tpu.memref_slice %run_scoped3A_8[%rem3A_232, %swap3A_4111, %swap3A_4112] : memref<2x2x128xf32, #tpu.memory_space<vmem>> -> memref<1x2x128xf32, #tpu.memory_space<vmem>>
        %swap3A_4114 = tpu.memref_squeeze %swap3A_4113 : memref<1x2x128xf32, #tpu.memory_space<vmem>> -> memref<2x128xf32, #tpu.memory_space<vmem>>
        %swap3A_4115 = arith.index_cast %swap3A_4110 : i32 to index
        %swap3A_4116 = arith.constant 112 : index
        %swap3A_4117 = tpu.vector_load %swap3A_4114[%swap3A_4115, %swap3A_4116] {strides = array<i32>} : memref<2x128xf32, #tpu.memory_space<vmem>>, vector<1x16xf32>,
        %swap3A_4118 = vector.shape_cast %swap3A_4117 : vector<1x16xf32> to vector<16xf32>
        %swap3A_4119 = vector.shape_cast %mul3A_4109 : vector<16xf32> to vector<1x16xf32>
        tpu.vector_store %swap3A_4114[%swap3A_4115, %swap3A_4116], %swap3A_4119 {strides = array<i32>} : memref<2x128xf32, #tpu.memory_space<vmem>>, vector<1x16xf32>,
        %swap3A_4120 = arith.constant 0 : i32
        %swap3A_4121 = arith.constant 0 : i32
        %swap3A_4122 = arith.constant 0 : i32
        %swap3A_4123 = tpu.memref_slice %run_scoped3A_10[%rem3A_234, %swap3A_4121, %swap3A_4122] : memref<2x2x128xi32, #tpu.memory_space<vmem>> -> memref<1x2x128xi32, #tpu.memory_space<vmem>>
        %swap3A_4124 = tpu.memref_squeeze %swap3A_4123 : memref<1x2x128xi32, #tpu.memory_space<vmem>> -> memref<2x128xi32, #tpu.memory_space<vmem>>
        %swap3A_4125 = arith.index_cast %swap3A_4120 : i32 to index
        %swap3A_4126 = arith.constant 112 : index
        %swap3A_4127 = tpu.vector_load %swap3A_4124[%swap3A_4125, %swap3A_4126] {strides = array<i32>} : memref<2x128xi32, #tpu.memory_space<vmem>>, vector<1x16xi32>,
        %swap3A_4128 = vector.shape_cast %swap3A_4127 : vector<1x16xi32> to vector<16xi32>
        %swap3A_4129 = vector.shape_cast %select_n3A_3875 : vector<16xi32> to vector<1x16xi32>
        tpu.vector_store %swap3A_4124[%swap3A_4125, %swap3A_4126], %swap3A_4129 {strides = array<i32>} : memref<2x128xi32, #tpu.memory_space<vmem>>, vector<1x16xi32>,
        %swap3A_4130 = arith.constant 1 : i32
        %swap3A_4131 = arith.constant 0 : i32
        %swap3A_4132 = arith.constant 0 : i32
        %swap3A_4133 = tpu.memref_slice %run_scoped3A_10[%rem3A_234, %swap3A_4131, %swap3A_4132] : memref<2x2x128xi32, #tpu.memory_space<vmem>> -> memref<1x2x128xi32, #tpu.memory_space<vmem>>
        %swap3A_4134 = tpu.memref_squeeze %swap3A_4133 : memref<1x2x128xi32, #tpu.memory_space<vmem>> -> memref<2x128xi32, #tpu.memory_space<vmem>>
        %swap3A_4135 = arith.index_cast %swap3A_4130 : i32 to index
        %swap3A_4136 = arith.constant 112 : index
        %swap3A_4137 = tpu.vector_load %swap3A_4134[%swap3A_4135, %swap3A_4136] {strides = array<i32>} : memref<2x128xi32, #tpu.memory_space<vmem>>, vector<1x16xi32>,
        %swap3A_4138 = vector.shape_cast %swap3A_4137 : vector<1x16xi32> to vector<16xi32>
        %swap3A_4139 = vector.shape_cast %select_n3A_4087 : vector<16xi32> to vector<1x16xi32>
        tpu.vector_store %swap3A_4134[%swap3A_4135, %swap3A_4136], %swap3A_4139 {strides = array<i32>} : memref<2x128xi32, #tpu.memory_space<vmem>>, vector<1x16xi32>,
        "tpu.trace_stop"() : () -> ()
        %ne3A_4140 = arith.cmpi ne, %add3A_155, %add3A_173 : i32
        %or3A_4141 = arith.constant false
        %or3A_4142 = arith.ori %or3A_4141, %ne3A_4140 : i1
        %or3A_4143 = arith.ori %or3A_4142, %eq3A_154 : i1
        %convert_element_type3A_4144 = arith.extui %or3A_4143 : i1 to i32
        %cond3A_4145 = arith.constant 0 : i32
        %cond3A_4146 = arith.cmpi ne, %convert_element_type3A_4144, %cond3A_4145 : i32
        scf.if %cond3A_4146 {
        } else {
        }
        %and3A_4147 = arith.constant false
        %and3A_4148 = arith.andi %or3A_4143, %and3A_4147 : i1
        %ne3A_4149 = arith.cmpi ne, %add3A_155, %add3A_173 : i32
        %or3A_4150 = arith.constant false
        %or3A_4151 = arith.ori %or3A_4150, %ne3A_4149 : i1
        %or3A_4152 = arith.ori %or3A_4151, %eq3A_154 : i1
        %convert_element_type3A_4153 = arith.extui %or3A_4152 : i1 to i32
        %cond3A_4154 = arith.constant 0 : i32
        %cond3A_4155 = arith.cmpi ne, %convert_element_type3A_4153, %cond3A_4154 : i32
        scf.if %cond3A_4155 {
          "tpu.trace_start"() <{level = 10 : i32, message = "ep_copy_out"}> : () -> ()
          %rem3A_4227 = arith.constant 2 : i32
          %rem3A_4228 = arith.remui %scan3A_146, %rem3A_4227 : i32
          %mul3A_4229 = arith.constant 128 : i32
          %mul3A_4230 = arith.muli %mul3A_4229, %add3A_155 : i32
          %dma_start3A_4231 = arith.constant 0 : i32
          %dma_start3A_4232 = arith.constant 0 : i32
          %dma_start3A_4233 = tpu.memref_slice %run_scoped3A_8[%rem3A_4228, %dma_start3A_4231, %dma_start3A_4232] : memref<2x2x128xf32, #tpu.memory_space<vmem>> -> memref<1x2x128xf32, #tpu.memory_space<vmem>>
          %dma_start3A_4234 = tpu.memref_squeeze %dma_start3A_4233 : memref<1x2x128xf32, #tpu.memory_space<vmem>> -> memref<2x128xf32, #tpu.memory_space<vmem>>
          %dma_start3A_4235 = arith.constant 0 : i32
          %dma_start3A_4236 = tpu.memref_slice %arg3[%dma_start3A_4235, %mul3A_4230] : memref<2x8192xf32, #tpu.memory_space<hbm>> -> memref<2x128xf32, #tpu.memory_space<hbm>>
          %dma_start3A_4237 = tpu.memref_slice %run_scoped3A_9[%rem3A_4228] : memref<2x!tpu.dma_semaphore, #tpu.memory_space<semaphore_mem>> -> memref<1x!tpu.dma_semaphore, #tpu.memory_space<semaphore_mem>>
          %dma_start3A_4238 = tpu.memref_squeeze %dma_start3A_4237 : memref<1x!tpu.dma_semaphore, #tpu.memory_space<semaphore_mem>> -> memref<!tpu.dma_semaphore, #tpu.memory_space<semaphore_mem>>
          %dma_start3A_4239 = arith.constant 0 : i32
          %dma_start3A_4240 = tpu.memref_slice %arg3[%dma_start3A_4239, %mul3A_4230] : memref<2x8192xf32, #tpu.memory_space<hbm>> -> memref<2x128xf32, #tpu.memory_space<hbm>>
          %dma_start3A_4241 = arith.constant 0 : i32
          %dma_start3A_4242 = arith.constant 0 : i32
          %dma_start3A_4243 = tpu.memref_slice %run_scoped3A_8[%rem3A_4228, %dma_start3A_4241, %dma_start3A_4242] : memref<2x2x128xf32, #tpu.memory_space<vmem>> -> memref<1x2x128xf32, #tpu.memory_space<vmem>>
          %dma_start3A_4244 = tpu.memref_squeeze %dma_start3A_4243 : memref<1x2x128xf32, #tpu.memory_space<vmem>> -> memref<2x128xf32, #tpu.memory_space<vmem>>
          tpu.enqueue_dma source(%dma_start3A_4244 : memref<2x128xf32, #tpu.memory_space<vmem>>) target(%dma_start3A_4240 : memref<2x128xf32, #tpu.memory_space<hbm>>) target_semaphore(%dma_start3A_4238 : memref<!tpu.dma_semaphore, #tpu.memory_space<semaphore_mem>>)
          "tpu.trace_stop"() : () -> ()
        } else {
        }
        %and3A_4156 = arith.constant true
        %and3A_4157 = arith.andi %or3A_4152, %and3A_4156 : i1
        %add3A_4158 = arith.constant 1 : i32
        %add3A_4159 = arith.addi %scan3A_146, %add3A_4158 : i32
        %select_n3A_4160 = arith.select %and3A_4157, %add3A_4159, %scan3A_146 : i32
        %ne3A_4161 = arith.cmpi ne, %add3A_155, %add3A_173 : i32
        %or3A_4162 = arith.constant false
        %or3A_4163 = arith.ori %or3A_4162, %ne3A_4161 : i1
        %or3A_4164 = arith.ori %or3A_4163, %eq3A_154 : i1
        %convert_element_type3A_4165 = arith.extui %or3A_4164 : i1 to i32
        %cond3A_4166 = arith.constant 0 : i32
        %cond3A_4167 = arith.cmpi ne, %convert_element_type3A_4165, %cond3A_4166 : i32
        scf.if %cond3A_4167 {
          "tpu.trace_start"() <{level = 10 : i32, message = "ep_copy_out"}> : () -> ()
          %rem3A_4227 = arith.constant 2 : i32
          %rem3A_4228 = arith.remui %scan3A_148, %rem3A_4227 : i32
          %mul3A_4229 = arith.constant 128 : i32
          %mul3A_4230 = arith.muli %mul3A_4229, %add3A_155 : i32
          %dma_start3A_4231 = arith.constant 0 : i32
          %dma_start3A_4232 = arith.constant 0 : i32
          %dma_start3A_4233 = tpu.memref_slice %run_scoped3A_10[%rem3A_4228, %dma_start3A_4231, %dma_start3A_4232] : memref<2x2x128xi32, #tpu.memory_space<vmem>> -> memref<1x2x128xi32, #tpu.memory_space<vmem>>
          %dma_start3A_4234 = tpu.memref_squeeze %dma_start3A_4233 : memref<1x2x128xi32, #tpu.memory_space<vmem>> -> memref<2x128xi32, #tpu.memory_space<vmem>>
          %dma_start3A_4235 = arith.constant 0 : i32
          %dma_start3A_4236 = tpu.memref_slice %arg4[%dma_start3A_4235, %mul3A_4230] : memref<2x8192xi32, #tpu.memory_space<hbm>> -> memref<2x128xi32, #tpu.memory_space<hbm>>
          %dma_start3A_4237 = tpu.memref_slice %run_scoped3A_11[%rem3A_4228] : memref<2x!tpu.dma_semaphore, #tpu.memory_space<semaphore_mem>> -> memref<1x!tpu.dma_semaphore, #tpu.memory_space<semaphore_mem>>
          %dma_start3A_4238 = tpu.memref_squeeze %dma_start3A_4237 : memref<1x!tpu.dma_semaphore, #tpu.memory_space<semaphore_mem>> -> memref<!tpu.dma_semaphore, #tpu.memory_space<semaphore_mem>>
          %dma_start3A_4239 = arith.constant 0 : i32
          %dma_start3A_4240 = tpu.memref_slice %arg4[%dma_start3A_4239, %mul3A_4230] : memref<2x8192xi32, #tpu.memory_space<hbm>> -> memref<2x128xi32, #tpu.memory_space<hbm>>
          %dma_start3A_4241 = arith.constant 0 : i32
          %dma_start3A_4242 = arith.constant 0 : i32
          %dma_start3A_4243 = tpu.memref_slice %run_scoped3A_10[%rem3A_4228, %dma_start3A_4241, %dma_start3A_4242] : memref<2x2x128xi32, #tpu.memory_space<vmem>> -> memref<1x2x128xi32, #tpu.memory_space<vmem>>
          %dma_start3A_4244 = tpu.memref_squeeze %dma_start3A_4243 : memref<1x2x128xi32, #tpu.memory_space<vmem>> -> memref<2x128xi32, #tpu.memory_space<vmem>>
          tpu.enqueue_dma source(%dma_start3A_4244 : memref<2x128xi32, #tpu.memory_space<vmem>>) target(%dma_start3A_4240 : memref<2x128xi32, #tpu.memory_space<hbm>>) target_semaphore(%dma_start3A_4238 : memref<!tpu.dma_semaphore, #tpu.memory_space<semaphore_mem>>)
          "tpu.trace_stop"() : () -> ()
        } else {
        }
        %and3A_4168 = arith.constant true
        %and3A_4169 = arith.andi %or3A_4164, %and3A_4168 : i1
        %add3A_4170 = arith.constant 1 : i32
        %add3A_4171 = arith.addi %scan3A_148, %add3A_4170 : i32
        %select_n3A_4172 = arith.select %and3A_4169, %add3A_4171, %scan3A_148 : i32
        %ne3A_4173 = arith.cmpi ne, %add3A_155, %add3A_164 : i32
        %or3A_4174 = arith.constant false
        %or3A_4175 = arith.ori %or3A_4174, %ne3A_4173 : i1
        %not3A_4176 = arith.constant true
        %not3A_4177 = arith.xori %eq3A_152, %not3A_4176 : i1
        %and3A_4178 = arith.andi %or3A_4175, %not3A_4177 : i1
        %convert_element_type3A_4179 = arith.extui %and3A_4178 : i1 to i32
        %cond3A_4180 = arith.constant 0 : i32
        %cond3A_4181 = arith.cmpi ne, %convert_element_type3A_4179, %cond3A_4180 : i32
        scf.if %cond3A_4181 {
        } else {
        }
        %and3A_4182 = arith.constant false
        %and3A_4183 = arith.andi %and3A_4178, %and3A_4182 : i1
        %ne3A_4184 = arith.cmpi ne, %add3A_155, %add3A_164 : i32
        %or3A_4185 = arith.constant false
        %or3A_4186 = arith.ori %or3A_4185, %ne3A_4184 : i1
        %not3A_4187 = arith.constant true
        %not3A_4188 = arith.xori %eq3A_152, %not3A_4187 : i1
        %and3A_4189 = arith.andi %or3A_4186, %not3A_4188 : i1
        %convert_element_type3A_4190 = arith.extui %and3A_4189 : i1 to i32
        %cond3A_4191 = arith.constant 0 : i32
        %cond3A_4192 = arith.cmpi ne, %convert_element_type3A_4190, %cond3A_4191 : i32
        scf.if %cond3A_4192 {
          "tpu.trace_start"() <{level = 10 : i32, message = "ep_wait_out"}> : () -> ()
          %rem3A_4227 = arith.constant 2 : i32
          %rem3A_4228 = arith.remui %scan3A_147, %rem3A_4227 : i32
          %mul3A_4229 = arith.constant 128 : i32
          %mul3A_4230 = arith.muli %mul3A_4229, %add3A_164 : i32
          %dma_wait3A_4231 = arith.constant 0 : i32
          %dma_wait3A_4232 = arith.constant 0 : i32
          %dma_wait3A_4233 = tpu.memref_slice %run_scoped3A_8[%rem3A_4228, %dma_wait3A_4231, %dma_wait3A_4232] : memref<2x2x128xf32, #tpu.memory_space<vmem>> -> memref<1x2x128xf32, #tpu.memory_space<vmem>>
          %dma_wait3A_4234 = tpu.memref_squeeze %dma_wait3A_4233 : memref<1x2x128xf32, #tpu.memory_space<vmem>> -> memref<2x128xf32, #tpu.memory_space<vmem>>
          %dma_wait3A_4235 = arith.constant 0 : i32
          %dma_wait3A_4236 = tpu.memref_slice %arg3[%dma_wait3A_4235, %mul3A_4230] : memref<2x8192xf32, #tpu.memory_space<hbm>> -> memref<2x128xf32, #tpu.memory_space<hbm>>
          %dma_wait3A_4237 = tpu.memref_slice %run_scoped3A_9[%rem3A_4228] : memref<2x!tpu.dma_semaphore, #tpu.memory_space<semaphore_mem>> -> memref<1x!tpu.dma_semaphore, #tpu.memory_space<semaphore_mem>>
          %dma_wait3A_4238 = tpu.memref_squeeze %dma_wait3A_4237 : memref<1x!tpu.dma_semaphore, #tpu.memory_space<semaphore_mem>> -> memref<!tpu.dma_semaphore, #tpu.memory_space<semaphore_mem>>
          %dma_wait3A_4239 = arith.constant 0 : i32
          %dma_wait3A_4240 = tpu.memref_slice %arg3[%dma_wait3A_4239, %mul3A_4230] : memref<2x8192xf32, #tpu.memory_space<hbm>> -> memref<2x128xf32, #tpu.memory_space<hbm>>
          %dma_wait3A_4241 = arith.constant 0 : i32
          %dma_wait3A_4242 = arith.constant 0 : i32
          %dma_wait3A_4243 = tpu.memref_slice %run_scoped3A_8[%rem3A_4228, %dma_wait3A_4241, %dma_wait3A_4242] : memref<2x2x128xf32, #tpu.memory_space<vmem>> -> memref<1x2x128xf32, #tpu.memory_space<vmem>>
          %dma_wait3A_4244 = tpu.memref_squeeze %dma_wait3A_4243 : memref<1x2x128xf32, #tpu.memory_space<vmem>> -> memref<2x128xf32, #tpu.memory_space<vmem>>
          tpu.wait_dma2 semaphore(%dma_wait3A_4238 : memref<!tpu.dma_semaphore, #tpu.memory_space<semaphore_mem>>) src(%dma_wait3A_4244 : memref<2x128xf32, #tpu.memory_space<vmem>>) dst(%dma_wait3A_4240 : memref<2x128xf32, #tpu.memory_space<hbm>>)
          "tpu.trace_stop"() : () -> ()
        } else {
        }
        %and3A_4193 = arith.constant true
        %and3A_4194 = arith.andi %and3A_4189, %and3A_4193 : i1
        %add3A_4195 = arith.constant 1 : i32
        %add3A_4196 = arith.addi %scan3A_147, %add3A_4195 : i32
        %select_n3A_4197 = arith.select %and3A_4194, %add3A_4196, %scan3A_147 : i32
        %ne3A_4198 = arith.cmpi ne, %add3A_155, %add3A_164 : i32
        %or3A_4199 = arith.constant false
        %or3A_4200 = arith.ori %or3A_4199, %ne3A_4198 : i1
        %not3A_4201 = arith.constant true
        %not3A_4202 = arith.xori %eq3A_152, %not3A_4201 : i1
        %and3A_4203 = arith.andi %or3A_4200, %not3A_4202 : i1
        %convert_element_type3A_4204 = arith.extui %and3A_4203 : i1 to i32
        %cond3A_4205 = arith.constant 0 : i32
        %cond3A_4206 = arith.cmpi ne, %convert_element_type3A_4204, %cond3A_4205 : i32
        scf.if %cond3A_4206 {
          "tpu.trace_start"() <{level = 10 : i32, message = "ep_wait_out"}> : () -> ()
          %rem3A_4227 = arith.constant 2 : i32
          %rem3A_4228 = arith.remui %scan3A_149, %rem3A_4227 : i32
          %mul3A_4229 = arith.constant 128 : i32
          %mul3A_4230 = arith.muli %mul3A_4229, %add3A_164 : i32
          %dma_wait3A_4231 = arith.constant 0 : i32
          %dma_wait3A_4232 = arith.constant 0 : i32
          %dma_wait3A_4233 = tpu.memref_slice %run_scoped3A_10[%rem3A_4228, %dma_wait3A_4231, %dma_wait3A_4232] : memref<2x2x128xi32, #tpu.memory_space<vmem>> -> memref<1x2x128xi32, #tpu.memory_space<vmem>>
          %dma_wait3A_4234 = tpu.memref_squeeze %dma_wait3A_4233 : memref<1x2x128xi32, #tpu.memory_space<vmem>> -> memref<2x128xi32, #tpu.memory_space<vmem>>
          %dma_wait3A_4235 = arith.constant 0 : i32
          %dma_wait3A_4236 = tpu.memref_slice %arg4[%dma_wait3A_4235, %mul3A_4230] : memref<2x8192xi32, #tpu.memory_space<hbm>> -> memref<2x128xi32, #tpu.memory_space<hbm>>
          %dma_wait3A_4237 = tpu.memref_slice %run_scoped3A_11[%rem3A_4228] : memref<2x!tpu.dma_semaphore, #tpu.memory_space<semaphore_mem>> -> memref<1x!tpu.dma_semaphore, #tpu.memory_space<semaphore_mem>>
          %dma_wait3A_4238 = tpu.memref_squeeze %dma_wait3A_4237 : memref<1x!tpu.dma_semaphore, #tpu.memory_space<semaphore_mem>> -> memref<!tpu.dma_semaphore, #tpu.memory_space<semaphore_mem>>
          %dma_wait3A_4239 = arith.constant 0 : i32
          %dma_wait3A_4240 = tpu.memref_slice %arg4[%dma_wait3A_4239, %mul3A_4230] : memref<2x8192xi32, #tpu.memory_space<hbm>> -> memref<2x128xi32, #tpu.memory_space<hbm>>
          %dma_wait3A_4241 = arith.constant 0 : i32
          %dma_wait3A_4242 = arith.constant 0 : i32
          %dma_wait3A_4243 = tpu.memref_slice %run_scoped3A_10[%rem3A_4228, %dma_wait3A_4241, %dma_wait3A_4242] : memref<2x2x128xi32, #tpu.memory_space<vmem>> -> memref<1x2x128xi32, #tpu.memory_space<vmem>>
          %dma_wait3A_4244 = tpu.memref_squeeze %dma_wait3A_4243 : memref<1x2x128xi32, #tpu.memory_space<vmem>> -> memref<2x128xi32, #tpu.memory_space<vmem>>
          tpu.wait_dma2 semaphore(%dma_wait3A_4238 : memref<!tpu.dma_semaphore, #tpu.memory_space<semaphore_mem>>) src(%dma_wait3A_4244 : memref<2x128xi32, #tpu.memory_space<vmem>>) dst(%dma_wait3A_4240 : memref<2x128xi32, #tpu.memory_space<hbm>>)
          "tpu.trace_stop"() : () -> ()
        } else {
        }
        %and3A_4207 = arith.constant true
        %and3A_4208 = arith.andi %and3A_4203, %and3A_4207 : i1
        %add3A_4209 = arith.constant 1 : i32
        %add3A_4210 = arith.addi %scan3A_149, %add3A_4209 : i32
        %select_n3A_4211 = arith.select %and3A_4208, %add3A_4210, %scan3A_149 : i32
        %ne3A_4212 = arith.cmpi ne, %add3A_155, %add3A_173 : i32
        %or3A_4213 = arith.constant false
        %or3A_4214 = arith.ori %or3A_4213, %ne3A_4212 : i1
        %or3A_4215 = arith.ori %or3A_4214, %eq3A_154 : i1
        %add3A_4216 = arith.constant 1 : i32
        %add3A_4217 = arith.addi %scan3A_145, %add3A_4216 : i32
        %select_n3A_4218 = arith.select %or3A_4215, %add3A_4217, %scan3A_145 : i32
        %add3A_4219 = arith.constant 1 : i32
        %add3A_4220 = arith.addi %scan3A_150, %add3A_4219 : i32
        %select_n3A_4221 = arith.constant true
        %select_n3A_4222 = arith.select %select_n3A_4221, %add3A_4220, %scan3A_150 : i32
        %eq3A_4223 = arith.constant 2 : i32
        %eq3A_4224 = arith.cmpi eq, %select_n3A_4222, %eq3A_4223 : i32
        %select_n3A_4225 = arith.constant 0 : i32
        %select_n3A_4226 = arith.select %eq3A_4224, %select_n3A_4225, %select_n3A_4222 : i32
        scf.yield %select_n3A_191, %select_n3A_4218, %select_n3A_4160, %select_n3A_4197, %select_n3A_4172, %select_n3A_4211, %select_n3A_4226 : i32, i32, i32, i32, i32, i32, i32
      }
      %scan3A_72 = arith.constant 2 : i32
      %sub3A = arith.constant 1 : i32
      %sub3A_73 = arith.subi %scan3A_71#6, %sub3A : i32
      %select_n3A_74 = arith.constant true
      %select_n3A_75 = arith.select %select_n3A_74, %sub3A_73, %scan3A_71#6 : i32
      %eq3A_76 = arith.constant -1 : i32
      %eq3A_77 = arith.cmpi eq, %select_n3A_75, %eq3A_76 : i32
      %select_n3A_78 = arith.constant 1 : i32
      %select_n3A_79 = arith.select %eq3A_77, %select_n3A_78, %select_n3A_75 : i32
      %add3A_80 = arith.addi %select_n3A_79, %mul3A_6 : i32
      %sub3A_81 = arith.constant 1 : i32
      %sub3A_82 = arith.subi %select_n3A_79, %sub3A_81 : i32
      %select_n3A_83 = arith.constant true
      %select_n3A_84 = arith.select %select_n3A_83, %sub3A_82, %select_n3A_79 : i32
      %eq3A_85 = arith.constant -1 : i32
      %eq3A_86 = arith.cmpi eq, %select_n3A_84, %eq3A_85 : i32
      %select_n3A_87 = arith.constant 1 : i32
      %select_n3A_88 = arith.select %eq3A_86, %select_n3A_87, %select_n3A_84 : i32
      %add3A_89 = arith.addi %select_n3A_88, %mul3A_6 : i32
      %add3A_90 = arith.constant 1 : i32
      %add3A_91 = arith.addi %select_n3A_79, %add3A_90 : i32
      %select_n3A_92 = arith.constant true
      %select_n3A_93 = arith.select %select_n3A_92, %add3A_91, %select_n3A_79 : i32
      %eq3A_94 = arith.constant 2 : i32
      %eq3A_95 = arith.cmpi eq, %select_n3A_93, %eq3A_94 : i32
      %select_n3A_96 = arith.constant 0 : i32
      %select_n3A_97 = arith.select %eq3A_95, %select_n3A_96, %select_n3A_93 : i32
      %add3A_98 = arith.addi %select_n3A_97, %mul3A_6 : i32
      %add3A_99 = arith.constant 1 : i32
      %add3A_100 = arith.addi %select_n3A_97, %add3A_99 : i32
      %select_n3A_101 = arith.constant true
      %select_n3A_102 = arith.select %select_n3A_101, %add3A_100, %select_n3A_97 : i32
      %eq3A_103 = arith.constant 2 : i32
      %eq3A_104 = arith.cmpi eq, %select_n3A_102, %eq3A_103 : i32
      %select_n3A_105 = arith.constant 0 : i32
      %select_n3A_106 = arith.select %eq3A_104, %select_n3A_105, %select_n3A_102 : i32
      %add3A_107 = arith.addi %select_n3A_106, %mul3A_6 : i32
      "tpu.trace_start"() <{level = 10 : i32, message = "ep_finalize"}> : () -> ()
      %rem3A_108 = arith.constant 2 : i32
      %rem3A_109 = arith.remui %scan3A_71#3, %rem3A_108 : i32
      %mul3A_110 = arith.constant 128 : i32
      %mul3A_111 = arith.muli %mul3A_110, %add3A_80 : i32
      %dma_wait3A = arith.constant 0 : i32
      %dma_wait3A_112 = arith.constant 0 : i32
      %dma_wait3A_113 = tpu.memref_slice %run_scoped3A_8[%rem3A_109, %dma_wait3A, %dma_wait3A_112] : memref<2x2x128xf32, #tpu.memory_space<vmem>> -> memref<1x2x128xf32, #tpu.memory_space<vmem>>
      %dma_wait3A_114 = tpu.memref_squeeze %dma_wait3A_113 : memref<1x2x128xf32, #tpu.memory_space<vmem>> -> memref<2x128xf32, #tpu.memory_space<vmem>>
      %dma_wait3A_115 = arith.constant 0 : i32
      %dma_wait3A_116 = tpu.memref_slice %arg3[%dma_wait3A_115, %mul3A_111] : memref<2x8192xf32, #tpu.memory_space<hbm>> -> memref<2x128xf32, #tpu.memory_space<hbm>>
      %dma_wait3A_117 = tpu.memref_slice %run_scoped3A_9[%rem3A_109] : memref<2x!tpu.dma_semaphore, #tpu.memory_space<semaphore_mem>> -> memref<1x!tpu.dma_semaphore, #tpu.memory_space<semaphore_mem>>
      %dma_wait3A_118 = tpu.memref_squeeze %dma_wait3A_117 : memref<1x!tpu.dma_semaphore, #tpu.memory_space<semaphore_mem>> -> memref<!tpu.dma_semaphore, #tpu.memory_space<semaphore_mem>>
      %dma_wait3A_119 = arith.constant 0 : i32
      %dma_wait3A_120 = tpu.memref_slice %arg3[%dma_wait3A_119, %mul3A_111] : memref<2x8192xf32, #tpu.memory_space<hbm>> -> memref<2x128xf32, #tpu.memory_space<hbm>>
      %dma_wait3A_121 = arith.constant 0 : i32
      %dma_wait3A_122 = arith.constant 0 : i32
      %dma_wait3A_123 = tpu.memref_slice %run_scoped3A_8[%rem3A_109, %dma_wait3A_121, %dma_wait3A_122] : memref<2x2x128xf32, #tpu.memory_space<vmem>> -> memref<1x2x128xf32, #tpu.memory_space<vmem>>
      %dma_wait3A_124 = tpu.memref_squeeze %dma_wait3A_123 : memref<1x2x128xf32, #tpu.memory_space<vmem>> -> memref<2x128xf32, #tpu.memory_space<vmem>>
      tpu.wait_dma2 semaphore(%dma_wait3A_118 : memref<!tpu.dma_semaphore, #tpu.memory_space<semaphore_mem>>) src(%dma_wait3A_124 : memref<2x128xf32, #tpu.memory_space<vmem>>) dst(%dma_wait3A_120 : memref<2x128xf32, #tpu.memory_space<hbm>>)
      %rem3A_125 = arith.constant 2 : i32
      %rem3A_126 = arith.remui %scan3A_71#5, %rem3A_125 : i32
      %mul3A_127 = arith.constant 128 : i32
      %mul3A_128 = arith.muli %mul3A_127, %add3A_80 : i32
      %dma_wait3A_129 = arith.constant 0 : i32
      %dma_wait3A_130 = arith.constant 0 : i32
      %dma_wait3A_131 = tpu.memref_slice %run_scoped3A_10[%rem3A_126, %dma_wait3A_129, %dma_wait3A_130] : memref<2x2x128xi32, #tpu.memory_space<vmem>> -> memref<1x2x128xi32, #tpu.memory_space<vmem>>
      %dma_wait3A_132 = tpu.memref_squeeze %dma_wait3A_131 : memref<1x2x128xi32, #tpu.memory_space<vmem>> -> memref<2x128xi32, #tpu.memory_space<vmem>>
      %dma_wait3A_133 = arith.constant 0 : i32
      %dma_wait3A_134 = tpu.memref_slice %arg4[%dma_wait3A_133, %mul3A_128] : memref<2x8192xi32, #tpu.memory_space<hbm>> -> memref<2x128xi32, #tpu.memory_space<hbm>>
      %dma_wait3A_135 = tpu.memref_slice %run_scoped3A_11[%rem3A_126] : memref<2x!tpu.dma_semaphore, #tpu.memory_space<semaphore_mem>> -> memref<1x!tpu.dma_semaphore, #tpu.memory_space<semaphore_mem>>
      %dma_wait3A_136 = tpu.memref_squeeze %dma_wait3A_135 : memref<1x!tpu.dma_semaphore, #tpu.memory_space<semaphore_mem>> -> memref<!tpu.dma_semaphore, #tpu.memory_space<semaphore_mem>>
      %dma_wait3A_137 = arith.constant 0 : i32
      %dma_wait3A_138 = tpu.memref_slice %arg4[%dma_wait3A_137, %mul3A_128] : memref<2x8192xi32, #tpu.memory_space<hbm>> -> memref<2x128xi32, #tpu.memory_space<hbm>>
      %dma_wait3A_139 = arith.constant 0 : i32
      %dma_wait3A_140 = arith.constant 0 : i32
      %dma_wait3A_141 = tpu.memref_slice %run_scoped3A_10[%rem3A_126, %dma_wait3A_139, %dma_wait3A_140] : memref<2x2x128xi32, #tpu.memory_space<vmem>> -> memref<1x2x128xi32, #tpu.memory_space<vmem>>
      %dma_wait3A_142 = tpu.memref_squeeze %dma_wait3A_141 : memref<1x2x128xi32, #tpu.memory_space<vmem>> -> memref<2x128xi32, #tpu.memory_space<vmem>>
      tpu.wait_dma2 semaphore(%dma_wait3A_136 : memref<!tpu.dma_semaphore, #tpu.memory_space<semaphore_mem>>) src(%dma_wait3A_142 : memref<2x128xi32, #tpu.memory_space<vmem>>) dst(%dma_wait3A_138 : memref<2x128xi32, #tpu.memory_space<hbm>>)
      "tpu.trace_stop"() : () -> ()
      tpu.yield
    }) : () -> ()
    return
  }
}

module attributes {stable_mosaic.version = 14 : i64} {
  func.func @_router_kernel(%arg0: i32, %arg1: i32, %arg2: memref<1024x2048xf32, #tpu.memory_space<vmem>>, %arg3: memref<1024x2048xf32, #tpu.memory_space<vmem>>, %arg4: memref<16x1024xf32, #tpu.memory_space<vmem>>, %arg5: memref<16x1024xf32, #tpu.memory_space<vmem>>, %arg6: memref<1x1x1xf32, #tpu.memory_space<vmem>>) attributes {dimension_semantics = [#tpu.dimension_semantics<parallel>, #tpu.dimension_semantics<arbitrary>], iteration_bounds = array<i64: 2, 4>, scalar_prefetch = 0 : i64, scratch_operands = 0 : i64, tpu.core_type = #tpu.core_type<tc>, window_params = [{transform_indices = @transform_0, window_bounds = array<i64: 1024, 2048>}, {pipeline_mode = #tpu.pipeline_mode<synchronous>, transform_indices = @transform_1, window_bounds = array<i64: 1024, 2048>}, {pipeline_mode = #tpu.pipeline_mode<synchronous>, transform_indices = @transform_2, window_bounds = array<i64: 16, 1024>}, {transform_indices = @transform_3, window_bounds = array<i64: 16, 1024>}, {transform_indices = @transform_4, window_bounds = array<i64: 1, 1, 1>}]} {
    %get3A = arith.constant 0 : index
    %get3A_0 = arith.constant 0 : index
    %get3A_1 = vector.load %arg2[%get3A, %get3A_0] : memref<1024x2048xf32, #tpu.memory_space<vmem>>, vector<1024x2048xf32>
    %get3A_2 = arith.constant 0 : index
    %get3A_3 = arith.constant 0 : index
    %get3A_4 = vector.load %arg3[%get3A_2, %get3A_3] : memref<1024x2048xf32, #tpu.memory_space<vmem>>, vector<1024x2048xf32>
    %dot_general3A = arith.constant dense<0.000000e+00> : vector<1024x1024xf32>
    %dot_general3A_5 = tpu.matmul %get3A_1, %get3A_4, %dot_general3A {dimension_numbers = #tpu.dot_dimension_numbers<[1], [1], [0], [0], [0, 0, 1, 0], [], []>, transpose_lhs_hint = false} : vector<1024x2048xf32>, vector<1024x2048xf32>, vector<1024x1024xf32> -> vector<1024x1024xf32>
    %max3A = arith.constant 0.000000e+00 : f32
    %max3A_6 = vector.broadcast %max3A : f32 to vector<1024x1024xf32>
    %max3A_7 = arith.maximumf %dot_general3A_5, %max3A_6 : vector<1024x1024xf32>
    %get3A_8 = arith.constant 0 : index
    %get3A_9 = arith.constant 0 : index
    %get3A_10 = vector.load %arg4[%get3A_8, %get3A_9] : memref<16x1024xf32, #tpu.memory_space<vmem>>, vector<16x1024xf32>
    %dot_general3A_11 = arith.constant dense<0.000000e+00> : vector<16x1024xf32>
    %dot_general3A_12 = tpu.matmul %get3A_10, %max3A_7, %dot_general3A_11 {dimension_numbers = #tpu.dot_dimension_numbers<[1], [1], [0], [0], [0, 0, 1, 0], [], []>, transpose_lhs_hint = false} : vector<16x1024xf32>, vector<1024x1024xf32>, vector<16x1024xf32> -> vector<16x1024xf32>
    %swap3A = arith.constant 0 : index
    %swap3A_13 = arith.constant 0 : index
    %swap3A_14 = vector.load %arg5[%swap3A, %swap3A_13] : memref<16x1024xf32, #tpu.memory_space<vmem>>, vector<16x1024xf32>
    tpu.vector_store %arg5[%swap3A, %swap3A_13], %dot_general3A_12 {strides = array<i32>} : memref<16x1024xf32, #tpu.memory_space<vmem>>, vector<16x1024xf32>,
    %reduce_max3A = arith.constant dense<0xFF800000> : vector<1024xf32>
    %reduce_max3A_15 = vector.multi_reduction <maximumf>, %dot_general3A_12, %reduce_max3A [0] : vector<16x1024xf32> to vector<1024xf32>
    %broadcast_in_dim3A = vector.shape_cast %reduce_max3A_15 : vector<1024xf32> to vector<1x1024xf32>
    %sub3A = vector.broadcast %broadcast_in_dim3A : vector<1x1024xf32> to vector<16x1024xf32>
    %sub3A_16 = arith.subf %dot_general3A_12, %sub3A : vector<16x1024xf32>
    %exp3A = math.exp %sub3A_16 : vector<16x1024xf32>
    %reduce_sum3A = arith.constant dense<0.000000e+00> : vector<1024xf32>
    %reduce_sum3A_17 = vector.multi_reduction <add>, %exp3A, %reduce_sum3A [0] : vector<16x1024xf32> to vector<1024xf32>
    %broadcast_in_dim3A_18 = vector.shape_cast %reduce_sum3A_17 : vector<1024xf32> to vector<1x1024xf32>
    %div3A = vector.broadcast %broadcast_in_dim3A_18 : vector<1x1024xf32> to vector<16x1024xf32>
    %div3A_19 = arith.divf %exp3A, %div3A : vector<16x1024xf32>
    %add3A = arith.constant 1.000000e-10 : f32
    %add3A_20 = vector.broadcast %add3A : f32 to vector<16x1024xf32>
    %add3A_21 = arith.addf %div3A_19, %add3A_20 : vector<16x1024xf32>
    %log3A = math.log %add3A_21 : vector<16x1024xf32>
    %mul3A = arith.mulf %div3A_19, %log3A : vector<16x1024xf32>
    %reduce_sum3A_22 = arith.constant dense<0.000000e+00> : vector<1024xf32>
    %reduce_sum3A_23 = vector.multi_reduction <add>, %mul3A, %reduce_sum3A_22 [0] : vector<16x1024xf32> to vector<1024xf32>
    %broadcast_in_dim3A_24 = vector.shape_cast %reduce_sum3A_23 : vector<1024xf32> to vector<1x1024xf32>
    %neg3A = arith.constant 0.000000e+00 : f32
    %neg3A_25 = vector.broadcast %neg3A : f32 to vector<1x1024xf32>
    %neg3A_26 = arith.subf %neg3A_25, %broadcast_in_dim3A_24 : vector<1x1024xf32>
    %reduce_sum3A_27 = arith.constant dense<0.000000e+00> : vector<1xf32>
    %reduce_sum3A_28 = vector.multi_reduction <add>, %neg3A_26, %reduce_sum3A_27 [1] : vector<1x1024xf32> to vector<1xf32>
    %broadcast_in_dim3A_29 = vector.shape_cast %reduce_sum3A_28 : vector<1xf32> to vector<1x1xf32>
    %reshape3A = vector.shape_cast %broadcast_in_dim3A_29 : vector<1x1xf32> to vector<1x1x1xf32>
    %eq3A = arith.constant 0 : i32
    %eq3A_30 = arith.cmpi eq, %arg1, %eq3A : i32
    %convert_element_type3A = arith.extui %eq3A_30 : i1 to i32
    %cond3A = arith.constant 0 : i32
    %cond3A_31 = arith.cmpi ne, %convert_element_type3A, %cond3A : i32
    scf.if %cond3A_31 {
      %broadcast_in_dim3A_41 = arith.constant 0.000000e+00 : f32
      %broadcast_in_dim3A_42 = vector.broadcast %broadcast_in_dim3A_41 : f32 to vector<1x1x1xf32>
      %swap3A_43 = arith.constant 0 : index
      %swap3A_44 = arith.constant 0 : index
      %swap3A_45 = arith.constant 0 : index
      %swap3A_46 = vector.load %arg6[%swap3A_43, %swap3A_44, %swap3A_45] : memref<1x1x1xf32, #tpu.memory_space<vmem>>, vector<1x1x1xf32>
      tpu.vector_store %arg6[%swap3A_43, %swap3A_44, %swap3A_45], %broadcast_in_dim3A_42 {strides = array<i32>} : memref<1x1x1xf32, #tpu.memory_space<vmem>>, vector<1x1x1xf32>,
    } else {
    }
    %get3A_32 = arith.constant 0 : index
    %get3A_33 = arith.constant 0 : index
    %get3A_34 = arith.constant 0 : index
    %get3A_35 = vector.load %arg6[%get3A_32, %get3A_33, %get3A_34] : memref<1x1x1xf32, #tpu.memory_space<vmem>>, vector<1x1x1xf32>
    %add3A_36 = arith.addf %get3A_35, %reshape3A : vector<1x1x1xf32>
    %swap3A_37 = arith.constant 0 : index
    %swap3A_38 = arith.constant 0 : index
    %swap3A_39 = arith.constant 0 : index
    %swap3A_40 = vector.load %arg6[%swap3A_37, %swap3A_38, %swap3A_39] : memref<1x1x1xf32, #tpu.memory_space<vmem>>, vector<1x1x1xf32>
    tpu.vector_store %arg6[%swap3A_37, %swap3A_38, %swap3A_39], %add3A_36 {strides = array<i32>} : memref<1x1x1xf32, #tpu.memory_space<vmem>>, vector<1x1x1xf32>,
    return
  }
  func.func @transform_0(%arg0: i32, %arg1: i32) -> (i32, i32) {
    %mul3A = arith.constant 4 : i32
    %mul3A_0 = arith.muli %arg0, %mul3A : i32
    %add3A = arith.addi %mul3A_0, %arg1 : i32
    %c0_i32 = arith.constant 0 : i32
    %c0_i32_1 = arith.constant 0 : i32
    return %add3A, %c0_i32 : i32, i32
  }
  func.func @transform_1(%arg0: i32, %arg1: i32) -> (i32, i32) {
    %c0_i32 = arith.constant 0 : i32
    %c0_i32_0 = arith.constant 0 : i32
    %c0_i32_1 = arith.constant 0 : i32
    return %c0_i32, %c0_i32_0 : i32, i32
  }
  func.func @transform_2(%arg0: i32, %arg1: i32) -> (i32, i32) {
    %c0_i32 = arith.constant 0 : i32
    %c0_i32_0 = arith.constant 0 : i32
    %c0_i32_1 = arith.constant 0 : i32
    return %c0_i32, %c0_i32_0 : i32, i32
  }
  func.func @transform_3(%arg0: i32, %arg1: i32) -> (i32, i32) {
    %mul3A = arith.constant 4 : i32
    %mul3A_0 = arith.muli %arg0, %mul3A : i32
    %add3A = arith.addi %mul3A_0, %arg1 : i32
    %c0_i32 = arith.constant 0 : i32
    %c0_i32_1 = arith.constant 0 : i32
    return %c0_i32, %add3A : i32, i32
  }
  func.func @transform_4(%arg0: i32, %arg1: i32) -> (i32, i32, i32) {
    %c0_i32 = arith.constant 0 : i32
    %c0_i32_0 = arith.constant 0 : i32
    %c0_i32_1 = arith.constant 0 : i32
    return %arg0, %c0_i32, %c0_i32_0 : i32, i32, i32
  }
}

</mosaic_0001>

<sc_bundles>
// kernel: kernel.4.cloned.1.call-start
scs
__scs_entry_jumppad:
0x0: {  	(pc) =	sbr.rel $0x88, $3  }
0x1: {  	(tag) =	ssettag $0x0;
	lr =	simm.s32 $0x1  }
0x2: {  	[smem:$0x3F9E] =	sst lr;
	_ =	strace $0xD0000000  }
0x3: {  	_ = 	snop  }
0x4: {  	_ = 	snop  }
0x5: {  	_ = 	snop  }
0x6: {  	_ = 	snop  }
0x7: {  	_ = 	snop  }
__scs_overlays_trampoline_lowered:
0x8: {  	[smem:$0x3FAD] =	sst s0  }
0x9: {  	[smem:$0x3FAE] =	sst s1  }
0xa: {  	[smem:$0x3FAF] =	sst s2  }
0xb: {  	[smem:$0x3FB0] =	sst s3  }
0xc: {  	[smem:$0x3FB1] =	sst s4  }
0xd: {  	[smem:$0x3FB2] =	sst s5  }
0xe: {  	[smem:$0x3FB3] =	sst s6  }
0xf: {  	[smem:$0x3FB4] =	sst s7  }
0x10: {  	[smem:$0x3FB5] =	sst s8  }
0x11: {  	[smem:$0x3FB6] =	sst s9;
	s0 =	simm.s32 @!p0 $0x0  }
0x12: {  	s1 =	sld [smem:$0x3F9C];
	s0 =	simm.s32 @p0 $0x1  }
0x13: {  	[smem:$0x3FB7] =	sst s0;
	s0 =	simm.s32 @!p1 $0x0  }
0x14: {  	s2 =	sld [smem:$0x3F9B];
	s0 =	simm.s32 @p1 $0x1  }
0x15: {  	[smem:$0x3FB8] =	sst s0;
	s0 =	simm.s32 @!p2 $0x0  }
0x16: {  	s3 =	sld [smem:$0x3FDB];
	s0 =	simm.s32 @p2 $0x1  }
0x17: {  	s4 =	simm.s32 $0x1BF5;
	[smem:$0x3FBA] =	sst s0  }
0x18: {  	s0 =	sld [smem:$0x3F9D];
	_ =	swait.ge [sflag:s4], $0x0  }
0x19: {  	s7 =	sld [smem:$0x3F9E]  }
0x1a: {  	s8 =	sadd.s32 $0xFFFFE003, lr  }
0x1b: {  	s9 =	sadd.s32 $0xFFFFFEF7, lr;
	s5 =	simm.s32 $0xFFFFFFFF;
	p2 =	slt.u32 s8, $0xFFFFF086  }
0x1c: {  	p1 =	slt.u32 s9, $0xF7A;
	s5 =	simm.s32 @!p2 $0x0  }
0x1d: {  	s5 =	simm.s32 @p1 $0x1;
	p0 =	seq.s32 s7, s2  }
0x1e: {  	s7 =	smul.u32 @!p0 $0xF7A, s2;
	p2 =	seq.s32 @!p0 s5, $0x0  }
0x1f: {  	s9 =	smul.u32 $0xF7A, s1;
	s8 =	simm.s32 @!p0 $0x1BF5;
	p2 =	por !p2, p0  }
0x20: {  	[sflag:s8] =	ssyncset.s32 @!p0 $0xFFFFF086;
	s6 =	sadd.s32 @!p0 s3, s7;
	s7 =	simm.s32 @!p0 $0x108  }
0x21: {  	s3 =	sadd.s32 s3, s9;
	s6 =	sadd.s32 @!p0 $0x88, s6;
	s7 =	simm.s32 @p2 $0x1082  }
0x22: {  	[simem:s7], [sflag:s8] =	dma.local @!p0 [hbm:s6], $0xF7A  }
0x23: {  	s9 =	sor.u32 $0xD0000000, s2;
	s6 =	simm.s32 $0x108;
	_ =	swait.ge @!p0 [sflag:s8], $0x0  }
0x24: {  	s3 =	sadd.s32 $0x88, s3;
	s6 =	simm.s32 @!p1 $0x1082;
	[sflag:s4] =	ssyncset.s32 $0xFFFFF086  }
0x25: {  	[simem:s6], [sflag:s4] =	dma.local [hbm:s3], $0xF7A  }
0x26: {  	[smem:$0x3F9E] =	sst s1;
	(tag) =	ssettag s2;
	_ =	strace s9  }
0x27: {  	s1 =	sld [smem:$0x3FAE]  }
0x28: {  	s2 =	sld [smem:$0x3FAF]  }
0x29: {  	s4 =	sld [smem:$0x3FB1]  }
0x2a: {  	p0 =	seq.s32 s5, $0x0;
	s5 =	sld [smem:$0x3FB2]  }
0x2b: {  	s6 =	sld [smem:$0x3FB3]  }
0x2c: {  	s7 =	sld [smem:$0x3FB4]  }
0x2d: {  	s3 =	simm.s32 $0x108;
	s8 =	sld [smem:$0x3FB5]  }
0x2e: {  	s3 =	simm.s32 @!p0 $0x1082;
	s9 =	sld [smem:$0x3FB6]  }
0x2f: {  	lr =	sadd.s32 s0, s3;
	s0 =	sld [smem:$0x3FAD]  }
0x30: {  	s3 =	sld [smem:$0x3FB0]  }
0x31: {  	[smem:$0x3FB9] =	sst s10  }
0x32: {  	s10 =	sld [smem:$0x3FB7];
	_ =	sdelay $0x3  }
0x33: {  	p0 =	seq.s32 s10, $0x1;
	s10 =	sld [smem:$0x3FB9];
	_ =	sdelay $0x3  }
0x34: {  	[smem:$0x3FB9] =	sst s10  }
0x35: {  	s10 =	sld [smem:$0x3FB8];
	_ =	sdelay $0x3  }
0x36: {  	p1 =	seq.s32 s10, $0x1;
	s10 =	sld [smem:$0x3FB9];
	_ =	sdelay $0x3  }
0x37: {  	[smem:$0x3FB9] =	sst s10  }
0x38: {  	s10 =	sld [smem:$0x3FBA]  }
0x39: {  	_ = 	snop;
	(pc) =	sbr.ind lr, $3  }
0x3a: {  	_ = 	snop  }
0x3b: {  	_ = 	snop  }
0x3c: {  	p2 =	seq.s32 s10, $0x1;
	s10 =	sld [smem:$0x3FB9]  }
0x3d: {  	_ =	shalt  }
0x3e: {  	_ =	shalt  }
0x3f: {  	_ =	shalt  }
0x40: {  	_ =	shalt  }
0x41: {  	_ =	shalt  }
0x42: {  	_ =	shalt  }
0x43: {  	_ =	shalt  }
0x44: {  	_ =	shalt  }
0x45: {  	_ =	shalt  }
0x46: {  	_ =	shalt  }
0x47: {  	_ =	shalt  }
0x48: {  	_ =	shalt  }
0x49: {  	_ =	shalt  }
0x4a: {  	_ =	shalt  }
0x4b: {  	_ =	shalt  }
0x4c: {  	_ =	shalt  }
0x4d: {  	_ =	shalt  }
0x4e: {  	_ =	shalt  }
0x4f: {  	_ =	shalt  }
0x50: {  	_ =	shalt  }
0x51: {  	_ =	shalt  }
0x52: {  	_ =	shalt  }
0x53: {  	_ =	shalt  }
0x54: {  	_ =	shalt  }
0x55: {  	_ =	shalt  }
0x56: {  	_ =	shalt  }
0x57: {  	_ =	shalt  }
0x58: {  	_ =	shalt  }
0x59: {  	_ =	shalt  }
0x5a: {  	_ =	shalt  }
0x5b: {  	_ =	shalt  }
0x5c: {  	_ =	shalt  }
0x5d: {  	_ =	shalt  }
0x5e: {  	_ =	shalt  }
0x5f: {  	_ =	shalt  }
0x60: {  	_ =	shalt  }
0x61: {  	_ =	shalt  }
0x62: {  	_ =	shalt  }
0x63: {  	_ =	shalt  }
0x64: {  	_ =	shalt  }
0x65: {  	_ =	shalt  }
0x66: {  	_ =	shalt  }
0x67: {  	_ =	shalt  }
0x68: {  	_ =	shalt  }
0x69: {  	_ =	shalt  }
0x6a: {  	_ =	shalt  }
0x6b: {  	_ =	shalt  }
0x6c: {  	_ =	shalt  }
0x6d: {  	_ =	shalt  }
0x6e: {  	_ =	shalt  }
0x6f: {  	_ =	shalt  }
0x70: {  	_ =	shalt  }
0x71: {  	_ =	shalt  }
0x72: {  	_ =	shalt  }
0x73: {  	_ =	shalt  }
0x74: {  	_ =	shalt  }
0x75: {  	_ =	shalt  }
0x76: {  	_ =	shalt  }
0x77: {  	_ =	shalt  }
0x78: {  	_ =	shalt  }
0x79: {  	_ =	shalt  }
0x7a: {  	_ =	shalt  }
0x7b: {  	_ =	shalt  }
0x7c: {  	_ =	shalt  }
0x7d: {  	_ =	shalt  }
0x7e: {  	_ =	shalt  }
0x7f: {  	_ =	shalt  }
0x80: {  	_ =	shalt  }
0x81: {  	_ =	shalt  }
0x82: {  	_ =	shalt  }
0x83: {  	_ =	shalt  }
0x84: {  	_ =	shalt  }
0x85: {  	_ =	shalt  }
0x86: {  	_ =	shalt  }
0x87: {  	_ =	shalt  }
.Lfunc_end0:
.L_simem_size_0:
called_computation_lowered:
.L_overlay_start_0:
0x88: {  	s2 =	sld [smem:$0x3FD9]  }
0x89: {  	s3 =	sld [smem:$0x3FFE];
	_ =	sdelay $0x1  }
0x8a: {  	s1 =	srdreg.scid  }
0x8b: {  	s0 =	sand.u32 $0x1, s1  }
0x8c: {  	s14 =	sshll.u32 s0, $0xA;
	s2 =	sadd.s32 s3, s2  }
0x8d: {  	s2 =	sadd.s32 s2, s14  }
0x8e: {  	[smem:$0x3FC5] =	sst s2  }
0x8f: {  	_ = 	snop  }
0x90: {  	s2 =	sld [smem:$0x3FD0];
	_ =	sdelay $0x2  }
0x91: {  	s15 =	simm.s32 $0xA;
	s4 =	simm.s32 $0x10  }
0x92: {  	[smem:s4], [sflag:s15] =	dma.local [hbm:s2], $0x1  }
0x93: {  	_ =	swait.eq [sflag:s15], $0x1  }
0x94: {  	[sflag:s15] =	ssyncset.done $0x0  }
0x95: {  	s16 =	sld [smem:$0x10];
	[sflag:s15] =	ssyncadd.s32 $0xFFFFFFFF  }
0x96: {  	s17 =	sld [smem:$0x11];
	(tm) =	ssettm $0x1  }
0x97: {  	s18 =	sld [smem:$0x3FFB];
	_ =	sdelay $0x3  }
0x98: {  	_ =	strace s18  }
0x99: {  	s4 =	sld [smem:$0x3FFC];
	_ =	sdelay $0x3  }
0x9a: {  	_ =	strace s4  }
0x9b: {  	s4 =	sld [smem:$0x3FFD];
	_ =	sdelay $0x3  }
0x9c: {  	_ =	strace s4  }
0x9d: {  	_ =	strace $0x8FFFFFFF  }
0x9e: {  	s19 =	sld [smem:$0x3FDB];
	_ =	sdelay $0x1  }
0x9f: {  	s5 =	simm.s32 $_scs_section_size  }
0xa0: {  	s6 =	simm.s32 $_size__tile_overlayer_lowered;
	s7 =	simm.s32 $_tile_overlayer_lowered  }
0xa1: {  	s22 =	simm.s32 $0x1BFF;
	s21 =	sshll.u32 s7, $0x1;
	s4 =	sadd.s32 s5, s19  }
0xa2: {  	s8 =	simm.s32 $0x0;
	s20 =	sshll.u32 s6, $0x1;
	s6 =	sadd.s32 s21, s4  }
0xa3: {  	[timem:s8], [sflag:s22] =	dma.local [hbm:s6], s20  }
0xa4: {  	_ =	swait.ge [sflag:s22], s20  }
0xa5: {  	s5 =	ssub.s32 $0x0, s20;
	[sflag:s22] =	ssyncset.done $0x0  }
0xa6: {  	[sflag:s22] =	ssyncadd.s32 s5;
	_ =	sdelay $0x1  }
0xa7: {  	s23 =	simm.s32 $0x1B8B  }
0xa8: {  	_ =	swait.ge [sflag:s23], $0x1  }
0xa9: {  	[sflag:s23] =	ssyncset.done $0x0  }
0xaa: {  	s25 =	simm.s32 $0x1B8E;
	s24 =	sld [smem:$0x3FFE];
	[sflag:s23] =	ssyncadd.s32 $0xFFFFFFFF  }
0xab: {  	s26 =	simm.s32 $execute0_lowered;
	[smem:$0x3FD2] =	sst s25  }
0xac: {  	s6 =	sshll.u32 s26, $0x1;
	_ =	strace $0x80000046;
	[dreg:$0x1] =	wrdreg $0xFFFFFFFF  }
0xad: {  	s28 =	simm.s32 $_size_execute0_lowered;
	s4 =	sadd.s32 s4, s6;
	[dreg:$0x0] =	wrdreg $0x0  }
0xae: {  	s6 =	sshll.u32 s28, $0x1;
	[dreg:$0x2] =	wrdreg s4  }
0xaf: {  	[dreg:$0x3] =	wrdreg s6  }
0xb0: {  	[dreg:$0x4] =	wrdreg $0xC0  }
0xb1: {  	_ =	task [dreg:s8], $0x5FFFF  }
0xb2: {  	[dreg:$0x1] =	wrdreg $0xFFFFFFFF  }
0xb3: {  	[dreg:$0x0] =	wrdreg $0x60  }
0xb4: {  	[dreg:$0x2] =	wrdreg s24  }
0xb5: {  	[dreg:$0x3] =	wrdreg s16  }
0xb6: {  	[dreg:$0x4] =	wrdreg s17  }
0xb7: {  	[dreg:$0x5] =	wrdreg $0x9  }
0xb8: {  	_ =	task.clear_ibuf [dreg:s8], $0x6FFFF;
	_ =	strace $0x90000046  }
0xb9: {  	s29 =	simm.s32 $0x9;
	_ =	strace $0x80000051  }
0xba: {  	_ =	swait.ge [sflag:s29], $0x1  }
0xbb: {  	[sflag:s29] =	ssyncadd.s32 $0xFFFFFFFF  }
0xbc: {  	_ =	strace $0x90000051  }
0xbd: {  	_ =	sfence  }
0xbe: {  	s30 =	sld [smem:$0x0];
	_ =	sdelay $0x2  }
0xbf: {  	s31 =	sshll.u32 s1, $0xD;
	s1 =	sshrl.u32 s1, $0x2  }
0xc0: {  	s3 =	sand.u32 $0x4000, s31;
	s1 =	sadd.s32 s1, s30  }
0xc1: {  	s0 =	sor.u32 s3, s0;
	s1 =	sshll.u32 s1, $0x11  }
0xc2: {  	s0 =	sor.u32 s1, s0  }
0xc3: {  	s0 =	sadd.s32 $0x8F2B, s0  }
0xc4: {  	[sflag:s0] =	ssyncadd.remote.s32 $0x1  }
0xc5: {  	_ =	sfence.sel $0xFFFF  }
0xc6: {  	[dreg:$0x0] =	wrdreg $0xFFFFFFFF;
	(pc) =	sbr.abs _section_cstart, $3  }
0xc7: {  	[dreg:$0x1] =	wrdreg $0xFFFFFFFF  }
0xc8: {  	_ =	task.clear_ibuf [dreg:s8], $0x2FFFF;
	_ =	strace $0x9FFFFFFF  }
0xc9: {  	(tm) =	ssettm $0x7FFFFFFF  }
tec
execute0_lowered:
.L_overlay_start_1:
0x0: {  	(tag) =	ssettag $0x1  }
0x1: {  	s5 =	rddreg [dreg:$0x0]  }
0x2: {  	s1 =	rddreg [dreg:$0x1]  }
0x3: {  	s2 =	rddreg [dreg:$0x2]  }
0x4: {  	s3 =	srdreg.scid;
	s0 =	rddreg [dreg:$0x3]  }
0x5: {  	s4 =	simm.s32 $0x0;
	s10 =	simm.s32 $0x10000;
	s11 =	simm.s32 $0x4  }
0x6: {  	s12 =	simm.s32 $0x6;
	s13 =	simm.s32 $0x0;
	[smem:$0x7FF] =	sst s4  }
.Ltmp0:
0x7: {  	s6 =	sand.u32 $0x1, s3;
	s3 =	stileid.u32;
	(pc) =	sbr.rel .LBB2_1-.Ltmp0, $4  }
0x8: {  	s5 =	sadd.s32 $0xC00, s5;
	s7 =	sshll.u32 s6, $0x4;
	s6 =	ssub.s32 $0x2, s6  }
0x9: {  	_ =	strace $0x80000047;
	s7 =	sor.u32 s3, s7;
	s8 =	sshrl.u32 s6, $0x1  }
0xa: {  	s9 =	sshll.u32 s7, $0x8;
	s8 =	ssub.s32 s6, s8;
	s6 =	sshll.u32 s7, $0x1  }
0xb: {  	v0 =	vimm.s32 $0x10;
	s7 =	sadd.s32 s5, s9;
	s8 =	smax.u32 s8, $0x1;
	s9 =	simm.s32 $0x400  }
.LBB2_6:
0xc: {  	s14 =	sand.u32 $0x1, s26  }
0xd: {  	_ =	strace $0x8000004E;
	s15 =	sadd.s32 $0x3, s14  }
0xe: {  	_ =	swait.ge [sflag:s15], $0x100  }
0xf: {  	[sflag:s15] =	ssyncset.done $0x0  }
0x10: {  	[sflag:s15] =	ssyncadd.s32 $0xFFFFFF00  }
0x11: {  	_ =	strace $0x9000004E  }
0x12: {  	s14 =	sadd.s32 $0x5, s14;
	_ =	strace $0x8000004F  }
0x13: {  	_ =	swait.ge [sflag:s14], $0x100  }
0x14: {  	[sflag:s14] =	ssyncset.done $0x0  }
0x15: {  	[sflag:s14] =	ssyncadd.s32 $0xFFFFFF00  }
0x16: {  	_ =	strace $0x9000004F  }
0x17: {  	_ =	strace $0x80000050  }
0x18: {  	s13 =	sadd.s32 $0x1, s13;
	_ =	swait.ge [sflag:s11], $0x100  }
0x19: {  	p0 =	sne.s32 s13, s8;
	[sflag:s11] =	ssyncset.done $0x0  }
.Ltmp1:
0x1a: {  	[sflag:s11] =	ssyncadd.s32 $0xFFFFFF00;
	(pc) =	sbr.rel @!p0 .LBB2_7-.Ltmp1, $4  }
0x1b: {  	_ =	swait.ge [sflag:s12], $0x100  }
0x1c: {  	[sflag:s12] =	ssyncset.done $0x0  }
0x1d: {  	[sflag:s12] =	ssyncadd.s32 $0xFFFFFF00  }
0x1e: {  	_ =	strace $0x90000050  }
.LBB2_1:
0x1f: {  	_ =	strace $0x80000048  }
0x20: {  	s14 =	simm.s32 $0x0;
	s26 =	simm.s32 $0x0;
	s15 =	simm.s32 $0x0  }
0x21: {  	[tilespmem:s4], [sflag:$0x1] =	stream.strided.gather [hbm4b:s7+s9], $0x800, s10, s9, $0x200038;
	[tilespmem:$0x1400] =	vst v63  }
0x22: {  	s16 =	simm.s32 $0x1;
	s28 =	simm.s32 $0x0;
	_ =	strace $0x90000048  }
.LBB2_2:
0x23: {  	s17 =	sand.u32 $0x1, s15;
	s18 =	sshll.u32 s15, $0xB  }
0x24: {  	s25 =	smov.u32 s26;
	s21 =	sadd.s32 $0x1, s17;
	s22 =	sshll.u32 s17, $0x8  }
0x25: {  	s23 =	sand.u32 $0x800, s18;
	s19 =	sor.u32 $0x1000, s22;
	s18 =	sor.u32 $0x1200, s22  }
.LBB2_3:
0x26: {  	s24 =	smov.u32 s14;
	s14 =	sadd.s32 $0x1, s14  }
0x27: {  	p0 =	seq.s32 s14, $0x2  }
0x28: {  	s14 =	simm.s32 @p0 $0x0  }
0x29: {  	p1 =	sne.s32 s28, $0x1;
	p0 =	sne.s32 s24, s14  }
0x2a: {  	p0 =	por !p1, !p0  }
0x2b: {  	p0 =	por !p0, !p0  }
0x2c: {  	s20 =	smov.u32 s28;
	s26 =	sadd.s32 @p0 s6, s14  }
0x2d: {  	_ =	strace @p0 $0x80000049;
	s28 =	sand.u32 @p0 $0x1, s16;
	s26 =	sshll.u32 @p0 s26, $0x7  }
0x2e: {  	s30 =	simm.s32 @p0 $0x400;
	s31 =	simm.s32 @p0 $0x10000;
	s26 =	sand.u32 @p0 $0x1FFFFF80, s26  }
0x2f: {  	s29 =	sshll.u32 @p0 s28, $0xB;
	s28 =	sadd.s32 @p0 $0x1, s28;
	s26 =	sadd.s32 @p0 s5, s26  }
0x30: {  	[tilespmem:s29], [sflag:s28] =	stream.strided.gather @p0 [hbm4b:s26+s30], $0x800, s31, s30, $0x200038;
	[tilespmem:$0x1400] =	vst v63  }
0x31: {  	_ =	strace @p0 $0x90000049  }
0x32: {  	_ =	strace $0x8000004A  }
0x33: {  	_ =	swait.ge [sflag:s21], $0x800  }
0x34: {  	[sflag:s21] =	ssyncset.done $0x0  }
0x35: {  	[sflag:s21] =	ssyncadd.s32 $0xFFFFF800  }
0x36: {  	_ =	strace $0x9000004A  }
0x37: {  	_ =	strace $0x8000004B  }
0x38: {  	v1 =	vld [tilespmem:s23+$0x0]  }
0x39: {  	v2 =	vld [tilespmem:s23+$0x80]  }
0x3a: {  	v3 =	vld [tilespmem:s23+$0x100]  }
0x3b: {  	v4 =	vld [tilespmem:s23+$0x180]  }
0x3c: {  	v5 =	vld [tilespmem:s23+$0x200]  }
0x3d: {  	v6 =	vld [tilespmem:s23+$0x280]  }
0x3e: {  	v7 =	vld [tilespmem:s23+$0x300];
	v8 =	vmax.f32 v1, v2  }
0x3f: {  	v9 =	vld [tilespmem:s23+$0x380];
	v8 =	vmax.f32 v8, v3  }
0x40: {  	v10 =	vld [tilespmem:s23+$0x400];
	v8 =	vmax.f32 v8, v4  }
0x41: {  	v11 =	vld [tilespmem:s23+$0x480];
	v8 =	vmax.f32 v8, v5  }
0x42: {  	v12 =	vld [tilespmem:s23+$0x500];
	v8 =	vmax.f32 v8, v6  }
0x43: {  	v13 =	vld [tilespmem:s23+$0x580];
	v8 =	vmax.f32 v8, v7  }
0x44: {  	v14 =	vld [tilespmem:s23+$0x600];
	v8 =	vmax.f32 v8, v9  }
0x45: {  	v15 =	vld [tilespmem:s23+$0x680];
	v8 =	vmax.f32 v8, v10  }
0x46: {  	v16 =	vld [tilespmem:s23+$0x700];
	v8 =	vmax.f32 v8, v11  }
0x47: {  	v17 =	vld [tilespmem:s23+$0x780];
	v8 =	vmax.f32 v8, v12  }
0x48: {  	v8 =	vmax.f32 v8, v13  }
0x49: {  	v8 =	vmax.f32 v8, v14  }
0x4a: {  	v8 =	vmax.f32 v8, v15  }
0x4b: {  	v8 =	vmax.f32 v8, v16  }
0x4c: {  	v8 =	vmax.f32 v8, v17  }
0x4d: {  	vm0 =	veq.f32 v17, v8  }
0x4e: {  	vm10 =	veq.f32 v16, v8;
	v18 =	vsel vm0, $0xF, v0  }
0x4f: {  	vm11 =	veq.f32 v15, v8;
	v18 =	vsel vm10, $0xE, v18  }
0x50: {  	vm12 =	veq.f32 v14, v8;
	v18 =	vsel vm11, $0xD, v18  }
0x51: {  	vm13 =	veq.f32 v13, v8;
	v18 =	vsel vm12, $0xC, v18  }
0x52: {  	vm14 =	veq.f32 v12, v8;
	v18 =	vsel vm13, $0xB, v18  }
0x53: {  	vm15 =	veq.f32 v11, v8;
	v18 =	vsel vm14, $0xA, v18  }
0x54: {  	vm4 =	veq.f32 v10, v8;
	v18 =	vsel vm15, $0x9, v18  }
0x55: {  	vm5 =	veq.f32 v9, v8;
	v18 =	vsel vm4, $0x8, v18  }
0x56: {  	vm6 =	veq.f32 v7, v8;
	v18 =	vsel vm5, $0x7, v18  }
0x57: {  	vm7 =	veq.f32 v6, v8;
	v18 =	vsel vm6, $0x6, v18  }
0x58: {  	vm8 =	veq.f32 v5, v8;
	v18 =	vsel vm7, $0x5, v18  }
0x59: {  	vm9 =	veq.f32 v4, v8;
	v18 =	vsel vm8, $0x4, v18  }
0x5a: {  	vm10 =	veq.f32 v3, v8;
	v18 =	vsel vm9, $0x3, v18  }
0x5b: {  	vm11 =	veq.f32 v2, v8;
	v18 =	vsel vm10, $0x2, v18  }
0x5c: {  	vm12 =	veq.f32 v1, v8;
	v18 =	vsel vm11, $0x1, v18  }
0x5d: {  	v18 =	vsel vm12, $0x0, v18  }
0x5e: {  	vm0 =	veq.s32 v18, $0x0;
	vm1 =	veq.s32 v18, $0x1  }
0x5f: {  	vm13 =	veq.s32 v18, $0x2;
	v1 =	vsel vm0, $0xFF800000, v1;
	v2 =	vsel vm1, $0xFF800000, v2  }
0x60: {  	vm14 =	veq.s32 v18, $0x3;
	v3 =	vsel vm13, $0xFF800000, v3;
	v19 =	vmax.f32 v1, v2  }
0x61: {  	vm15 =	veq.s32 v18, $0x4;
	v4 =	vsel vm14, $0xFF800000, v4;
	v19 =	vmax.f32 v19, v3  }
0x62: {  	vm4 =	veq.s32 v18, $0x5;
	v5 =	vsel vm15, $0xFF800000, v5;
	v19 =	vmax.f32 v19, v4  }
0x63: {  	vm5 =	veq.s32 v18, $0x6;
	v6 =	vsel vm4, $0xFF800000, v6;
	v19 =	vmax.f32 v19, v5  }
0x64: {  	vm6 =	veq.s32 v18, $0x7;
	v7 =	vsel vm5, $0xFF800000, v7;
	v19 =	vmax.f32 v19, v6  }
0x65: {  	vm7 =	veq.s32 v18, $0x8;
	v9 =	vsel vm6, $0xFF800000, v9;
	v19 =	vmax.f32 v19, v7  }
0x66: {  	vm8 =	veq.s32 v18, $0x9;
	v10 =	vsel vm7, $0xFF800000, v10;
	v19 =	vmax.f32 v19, v9  }
0x67: {  	vm9 =	veq.s32 v18, $0xA;
	v11 =	vsel vm8, $0xFF800000, v11;
	v19 =	vmax.f32 v19, v10  }
0x68: {  	vm10 =	veq.s32 v18, $0xB;
	v12 =	vsel vm9, $0xFF800000, v12;
	v19 =	vmax.f32 v19, v11  }
0x69: {  	vm11 =	veq.s32 v18, $0xC;
	v13 =	vsel vm10, $0xFF800000, v13;
	v19 =	vmax.f32 v19, v12  }
0x6a: {  	vm12 =	veq.s32 v18, $0xD;
	v14 =	vsel vm11, $0xFF800000, v14;
	v19 =	vmax.f32 v19, v13  }
0x6b: {  	v15 =	vsel vm12, $0xFF800000, v15;
	vm13 =	veq.s32 v18, $0xE;
	v19 =	vmax.f32 v19, v14  }
0x6c: {  	vm14 =	veq.s32 v18, $0xF;
	v16 =	vsel vm13, $0xFF800000, v16;
	v19 =	vmax.f32 v19, v15  }
0x6d: {  	v17 =	vsel vm14, $0xFF800000, v17;
	v19 =	vmax.f32 v19, v16  }
0x6e: {  	v19 =	vmax.f32 v19, v17  }
0x6f: {  	v8 =	vsub.f32 v19, v8;
	_ =	sdelay $0x1  }
0x70: {  	v8 =	vmul.f32 $1.250000000e+00, v8;
	_ =	sdelay $0x1  }
0x71: {  	v8 =	vmul.f32 $1.442695020e+00, v8;
	_ =	sdelay $0x1  }
0x72: {  	(erf) = vpow2.f32 v8;
	_ =	sdelay $0x8  }
0x73: {  	vm0 =	veq.f32 v17, v19;
	v8 =	vpop (erf)  }
0x74: {  	vm15 =	veq.f32 v16, v19;
	v17 =	vsel vm0, $0xF, v0;
	v30 =	vadd.f32 $1.000000000e+00, v8  }
0x75: {  	vm4 =	veq.f32 v15, v19;
	v17 =	vsel vm15, $0xE, v17  }
0x76: {  	vm5 =	veq.f32 v14, v19;
	v15 =	vsel vm4, $0xD, v17;
	(erf) = vrcp.f32 v30  }
0x77: {  	vm6 =	veq.f32 v13, v19;
	v14 =	vsel vm5, $0xC, v15  }
0x78: {  	vm7 =	veq.f32 v12, v19;
	v13 =	vsel vm6, $0xB, v14  }
0x79: {  	vm8 =	veq.f32 v11, v19;
	v12 =	vsel vm7, $0xA, v13  }
0x7a: {  	vm9 =	veq.f32 v10, v19;
	v11 =	vsel vm8, $0x9, v12  }
0x7b: {  	vm10 =	veq.f32 v9, v19;
	v10 =	vsel vm9, $0x8, v11  }
0x7c: {  	vm11 =	veq.f32 v7, v19;
	v9 =	vsel vm10, $0x7, v10  }
0x7d: {  	vm12 =	veq.f32 v6, v19;
	v7 =	vsel vm11, $0x6, v9  }
0x7e: {  	vm13 =	veq.f32 v5, v19;
	v6 =	vsel vm12, $0x5, v7  }
0x7f: {  	vm14 =	veq.f32 v4, v19;
	v5 =	vsel vm13, $0x4, v6;
	v31 =	vpop (erf)  }
0x80: {  	vm15 =	veq.f32 v3, v19;
	v5 =	vsel vm14, $0x3, v5;
	v3 =	vmul.f32 v31, v8  }
0x81: {  	vm4 =	veq.f32 v2, v19;
	v5 =	vsel vm15, $0x2, v5;
	[tilespmem:s19+$0x0] =	vst v31  }
0x82: {  	vm5 =	veq.f32 v1, v19;
	v2 =	vsel vm4, $0x1, v5;
	[tilespmem:s22+$0x1080] =	vst v3  }
0x83: {  	v1 =	vsel vm5, $0x0, v2;
	[tilespmem:s18+$0x0] =	vst v18  }
0x84: {  	[tilespmem:s22+$0x1280] =	vst v1  }
0x85: {  	v1 =	vld [tilespmem:s23+$0x10]  }
0x86: {  	v2 =	vld [tilespmem:s23+$0x90]  }
0x87: {  	v3 =	vld [tilespmem:s23+$0x110]  }
0x88: {  	v4 =	vld [tilespmem:s23+$0x190]  }
0x89: {  	v32 =	vld [tilespmem:s23+$0x210]  }
0x8a: {  	v33 =	vld [tilespmem:s23+$0x290]  }
0x8b: {  	v34 =	vld [tilespmem:s23+$0x310];
	v35 =	vmax.f32 v1, v2  }
0x8c: {  	v36 =	vld [tilespmem:s23+$0x390];
	v8 =	vmax.f32 v35, v3  }
0x8d: {  	v37 =	vld [tilespmem:s23+$0x410];
	v8 =	vmax.f32 v8, v4  }
0x8e: {  	v38 =	vld [tilespmem:s23+$0x490];
	v8 =	vmax.f32 v8, v32  }
0x8f: {  	v39 =	vld [tilespmem:s23+$0x510];
	v8 =	vmax.f32 v8, v33  }
0x90: {  	v40 =	vld [tilespmem:s23+$0x590];
	v8 =	vmax.f32 v8, v34  }
0x91: {  	v41 =	vld [tilespmem:s23+$0x610];
	v8 =	vmax.f32 v8, v36  }
0x92: {  	v42 =	vld [tilespmem:s23+$0x690];
	v8 =	vmax.f32 v8, v37  }
0x93: {  	v43 =	vld [tilespmem:s23+$0x710];
	v8 =	vmax.f32 v8, v38  }
0x94: {  	v44 =	vld [tilespmem:s23+$0x790];
	v8 =	vmax.f32 v8, v39  }
0x95: {  	v8 =	vmax.f32 v8, v40  }
0x96: {  	v8 =	vmax.f32 v8, v41  }
0x97: {  	v8 =	vmax.f32 v8, v42  }
0x98: {  	v8 =	vmax.f32 v8, v43  }
0x99: {  	v8 =	vmax.f32 v8, v44  }
0x9a: {  	vm6 =	veq.f32 v44, v8  }
0x9b: {  	vm7 =	veq.f32 v43, v8;
	v45 =	vsel vm6, $0xF, v0  }
0x9c: {  	vm8 =	veq.f32 v42, v8;
	v18 =	vsel vm7, $0xE, v45  }
0x9d: {  	vm9 =	veq.f32 v41, v8;
	v18 =	vsel vm8, $0xD, v18  }
0x9e: {  	vm10 =	veq.f32 v40, v8;
	v18 =	vsel vm9, $0xC, v18  }
0x9f: {  	vm11 =	veq.f32 v39, v8;
	v18 =	vsel vm10, $0xB, v18  }
0xa0: {  	vm12 =	veq.f32 v38, v8;
	v18 =	vsel vm11, $0xA, v18  }
0xa1: {  	vm13 =	veq.f32 v37, v8;
	v18 =	vsel vm12, $0x9, v18  }
0xa2: {  	vm14 =	veq.f32 v36, v8;
	v18 =	vsel vm13, $0x8, v18  }
0xa3: {  	vm15 =	veq.f32 v34, v8;
	v18 =	vsel vm14, $0x7, v18  }
0xa4: {  	vm4 =	veq.f32 v33, v8;
	v18 =	vsel vm15, $0x6, v18  }
0xa5: {  	vm5 =	veq.f32 v32, v8;
	v18 =	vsel vm4, $0x5, v18  }
0xa6: {  	vm6 =	veq.f32 v4, v8;
	v18 =	vsel vm5, $0x4, v18  }
0xa7: {  	vm7 =	veq.f32 v3, v8;
	v18 =	vsel vm6, $0x3, v18  }
0xa8: {  	vm8 =	veq.f32 v2, v8;
	v18 =	vsel vm7, $0x2, v18  }
0xa9: {  	vm9 =	veq.f32 v1, v8;
	v18 =	vsel vm8, $0x1, v18  }
0xaa: {  	v18 =	vsel vm9, $0x0, v18  }
0xab: {  	vm0 =	veq.s32 v18, $0x0;
	vm10 =	veq.s32 v18, $0x1  }
0xac: {  	vm11 =	veq.s32 v18, $0x2;
	v1 =	vsel vm0, $0xFF800000, v1;
	v2 =	vsel vm10, $0xFF800000, v2  }
0xad: {  	vm12 =	veq.s32 v18, $0x3;
	v3 =	vsel vm11, $0xFF800000, v3;
	v46 =	vmax.f32 v1, v2  }
0xae: {  	vm13 =	veq.s32 v18, $0x4;
	v4 =	vsel vm12, $0xFF800000, v4;
	v19 =	vmax.f32 v46, v3  }
0xaf: {  	vm14 =	veq.s32 v18, $0x5;
	v5 =	vsel vm13, $0xFF800000, v32;
	v19 =	vmax.f32 v19, v4  }
0xb0: {  	vm15 =	veq.s32 v18, $0x6;
	v6 =	vsel vm14, $0xFF800000, v33;
	v19 =	vmax.f32 v19, v5  }
0xb1: {  	vm4 =	veq.s32 v18, $0x7;
	v7 =	vsel vm15, $0xFF800000, v34;
	v19 =	vmax.f32 v19, v6  }
0xb2: {  	vm5 =	veq.s32 v18, $0x8;
	v9 =	vsel vm4, $0xFF800000, v36;
	v19 =	vmax.f32 v19, v7  }
0xb3: {  	vm6 =	veq.s32 v18, $0x9;
	v10 =	vsel vm5, $0xFF800000, v37;
	v19 =	vmax.f32 v19, v9  }
0xb4: {  	vm7 =	veq.s32 v18, $0xA;
	v11 =	vsel vm6, $0xFF800000, v38;
	v19 =	vmax.f32 v19, v10  }
0xb5: {  	vm8 =	veq.s32 v18, $0xB;
	v12 =	vsel vm7, $0xFF800000, v39;
	v19 =	vmax.f32 v19, v11  }
0xb6: {  	vm9 =	veq.s32 v18, $0xC;
	v13 =	vsel vm8, $0xFF800000, v40;
	v19 =	vmax.f32 v19, v12  }
0xb7: {  	v14 =	vsel vm9, $0xFF800000, v41;
	vm10 =	veq.s32 v18, $0xD;
	v19 =	vmax.f32 v19, v13  }
0xb8: {  	vm11 =	veq.s32 v18, $0xE;
	v15 =	vsel vm10, $0xFF800000, v42;
	v19 =	vmax.f32 v19, v14  }
0xb9: {  	vm12 =	veq.s32 v18, $0xF;
	v16 =	vsel vm11, $0xFF800000, v43;
	v19 =	vmax.f32 v19, v15  }
0xba: {  	v17 =	vsel vm12, $0xFF800000, v44;
	v19 =	vmax.f32 v19, v16  }
0xbb: {  	v19 =	vmax.f32 v19, v17  }
0xbc: {  	v8 =	vsub.f32 v19, v8;
	_ =	sdelay $0x1  }
0xbd: {  	v8 =	vmul.f32 $1.250000000e+00, v8;
	_ =	sdelay $0x1  }
0xbe: {  	v8 =	vmul.f32 $1.442695020e+00, v8;
	_ =	sdelay $0x1  }
0xbf: {  	(erf) = vpow2.f32 v8;
	_ =	sdelay $0x4  }
0xc0: {  	vm0 =	veq.f32 v17, v19  }
0xc1: {  	vm13 =	veq.f32 v16, v19;
	v17 =	vsel vm0, $0xF, v0  }
0xc2: {  	vm14 =	veq.f32 v15, v19;
	v17 =	vsel vm13, $0xE, v17  }
0xc3: {  	vm15 =	veq.f32 v14, v19;
	v15 =	vsel vm14, $0xD, v17  }
0xc4: {  	vm4 =	veq.f32 v13, v19;
	v14 =	vsel vm15, $0xC, v15;
	v8 =	vpop (erf)  }
0xc5: {  	vm5 =	veq.f32 v12, v19;
	v13 =	vsel vm4, $0xB, v14;
	v47 =	vadd.f32 $1.000000000e+00, v8  }
0xc6: {  	vm6 =	veq.f32 v11, v19;
	v12 =	vsel vm5, $0xA, v13  }
0xc7: {  	vm7 =	veq.f32 v10, v19;
	v11 =	vsel vm6, $0x9, v12;
	(erf) = vrcp.f32 v47  }
0xc8: {  	vm8 =	veq.f32 v9, v19;
	v10 =	vsel vm7, $0x8, v11  }
0xc9: {  	vm9 =	veq.f32 v7, v19;
	v9 =	vsel vm8, $0x7, v10  }
0xca: {  	vm10 =	veq.f32 v6, v19;
	v7 =	vsel vm9, $0x6, v9  }
0xcb: {  	vm11 =	veq.f32 v5, v19;
	v6 =	vsel vm10, $0x5, v7  }
0xcc: {  	vm12 =	veq.f32 v4, v19;
	v5 =	vsel vm11, $0x4, v6  }
0xcd: {  	vm13 =	veq.f32 v3, v19;
	v5 =	vsel vm12, $0x3, v5  }
0xce: {  	vm14 =	veq.f32 v2, v19;
	v5 =	vsel vm13, $0x2, v5  }
0xcf: {  	vm15 =	veq.f32 v1, v19;
	v2 =	vsel vm14, $0x1, v5  }
0xd0: {  	[tilespmem:s22+$0x1210] =	vst v18;
	v1 =	vsel vm15, $0x0, v2;
	v48 =	vpop (erf)  }
0xd1: {  	[tilespmem:s22+$0x1290] =	vst v1;
	v3 =	vmul.f32 v48, v8  }
0xd2: {  	[tilespmem:s22+$0x1010] =	vst v48  }
0xd3: {  	[tilespmem:s22+$0x1090] =	vst v3  }
0xd4: {  	v1 =	vld [tilespmem:s23+$0x20]  }
0xd5: {  	v2 =	vld [tilespmem:s23+$0xA0]  }
0xd6: {  	v3 =	vld [tilespmem:s23+$0x120]  }
0xd7: {  	v4 =	vld [tilespmem:s23+$0x1A0]  }
0xd8: {  	v49 =	vld [tilespmem:s23+$0x220]  }
0xd9: {  	v50 =	vld [tilespmem:s23+$0x2A0]  }
0xda: {  	v51 =	vld [tilespmem:s23+$0x320];
	v52 =	vmax.f32 v1, v2  }
0xdb: {  	v53 =	vld [tilespmem:s23+$0x3A0];
	v8 =	vmax.f32 v52, v3  }
0xdc: {  	v54 =	vld [tilespmem:s23+$0x420];
	v8 =	vmax.f32 v8, v4  }
0xdd: {  	v55 =	vld [tilespmem:s23+$0x4A0];
	v8 =	vmax.f32 v8, v49  }
0xde: {  	v56 =	vld [tilespmem:s23+$0x520];
	v8 =	vmax.f32 v8, v50  }
0xdf: {  	v57 =	vld [tilespmem:s23+$0x5A0];
	v8 =	vmax.f32 v8, v51  }
0xe0: {  	v58 =	vld [tilespmem:s23+$0x620];
	v8 =	vmax.f32 v8, v53  }
0xe1: {  	v59 =	vld [tilespmem:s23+$0x6A0];
	v8 =	vmax.f32 v8, v54  }
0xe2: {  	v60 =	vld [tilespmem:s23+$0x720];
	v8 =	vmax.f32 v8, v55  }
0xe3: {  	v61 =	vld [tilespmem:s23+$0x7A0];
	v8 =	vmax.f32 v8, v56  }
0xe4: {  	v8 =	vmax.f32 v8, v57  }
0xe5: {  	v8 =	vmax.f32 v8, v58  }
0xe6: {  	v8 =	vmax.f32 v8, v59  }
0xe7: {  	v8 =	vmax.f32 v8, v60  }
0xe8: {  	v8 =	vmax.f32 v8, v61  }
0xe9: {  	vm4 =	veq.f32 v61, v8  }
0xea: {  	vm5 =	veq.f32 v60, v8;
	v62 =	vsel vm4, $0xF, v0  }
0xeb: {  	vm6 =	veq.f32 v59, v8;
	v18 =	vsel vm5, $0xE, v62  }
0xec: {  	vm7 =	veq.f32 v58, v8;
	v18 =	vsel vm6, $0xD, v18  }
0xed: {  	vm8 =	veq.f32 v57, v8;
	v18 =	vsel vm7, $0xC, v18  }
0xee: {  	vm9 =	veq.f32 v56, v8;
	v18 =	vsel vm8, $0xB, v18  }
0xef: {  	vm10 =	veq.f32 v55, v8;
	v18 =	vsel vm9, $0xA, v18  }
0xf0: {  	vm11 =	veq.f32 v54, v8;
	v18 =	vsel vm10, $0x9, v18  }
0xf1: {  	vm12 =	veq.f32 v53, v8;
	v18 =	vsel vm11, $0x8, v18  }
0xf2: {  	vm13 =	veq.f32 v51, v8;
	v18 =	vsel vm12, $0x7, v18  }
0xf3: {  	vm14 =	veq.f32 v50, v8;
	v18 =	vsel vm13, $0x6, v18  }
0xf4: {  	vm15 =	veq.f32 v49, v8;
	v18 =	vsel vm14, $0x5, v18  }
0xf5: {  	vm4 =	veq.f32 v4, v8;
	v18 =	vsel vm15, $0x4, v18  }
0xf6: {  	vm5 =	veq.f32 v3, v8;
	v18 =	vsel vm4, $0x3, v18  }
0xf7: {  	vm6 =	veq.f32 v2, v8;
	v18 =	vsel vm5, $0x2, v18  }
0xf8: {  	vm7 =	veq.f32 v1, v8;
	v18 =	vsel vm6, $0x1, v18  }
0xf9: {  	v18 =	vsel vm7, $0x0, v18  }
0xfa: {  	vm0 =	veq.s32 v18, $0x0;
	vm8 =	veq.s32 v18, $0x1  }
0xfb: {  	vm9 =	veq.s32 v18, $0x2;
	v1 =	vsel vm0, $0xFF800000, v1;
	v2 =	vsel vm8, $0xFF800000, v2  }
0xfc: {  	vm10 =	veq.s32 v18, $0x3;
	v3 =	vsel vm9, $0xFF800000, v3;
	v63 =	vmax.f32 v1, v2  }
0xfd: {  	vm11 =	veq.s32 v18, $0x4;
	v4 =	vsel vm10, $0xFF800000, v4;
	v19 =	vmax.f32 v63, v3  }
0xfe: {  	vm12 =	veq.s32 v18, $0x5;
	v5 =	vsel vm11, $0xFF800000, v49;
	v19 =	vmax.f32 v19, v4  }
0xff: {  	vm13 =	veq.s32 v18, $0x6;
	v6 =	vsel vm12, $0xFF800000, v50;
	v19 =	vmax.f32 v19, v5  }
0x100: {  	vm14 =	veq.s32 v18, $0x7;
	v7 =	vsel vm13, $0xFF800000, v51;
	v19 =	vmax.f32 v19, v6  }
0x101: {  	vm15 =	veq.s32 v18, $0x8;
	v9 =	vsel vm14, $0xFF800000, v53;
	v19 =	vmax.f32 v19, v7  }
0x102: {  	vm4 =	veq.s32 v18, $0x9;
	v10 =	vsel vm15, $0xFF800000, v54;
	v19 =	vmax.f32 v19, v9  }
0x103: {  	vm5 =	veq.s32 v18, $0xA;
	v11 =	vsel vm4, $0xFF800000, v55;
	v19 =	vmax.f32 v19, v10  }
0x104: {  	vm6 =	veq.s32 v18, $0xB;
	v12 =	vsel vm5, $0xFF800000, v56;
	v19 =	vmax.f32 v19, v11  }
0x105: {  	vm7 =	veq.s32 v18, $0xC;
	v13 =	vsel vm6, $0xFF800000, v57;
	v19 =	vmax.f32 v19, v12  }
0x106: {  	v14 =	vsel vm7, $0xFF800000, v58;
	vm8 =	veq.s32 v18, $0xD;
	v19 =	vmax.f32 v19, v13  }
0x107: {  	vm9 =	veq.s32 v18, $0xE;
	v15 =	vsel vm8, $0xFF800000, v59;
	v19 =	vmax.f32 v19, v14  }
0x108: {  	vm10 =	veq.s32 v18, $0xF;
	v16 =	vsel vm9, $0xFF800000, v60;
	v19 =	vmax.f32 v19, v15  }
0x109: {  	v17 =	vsel vm10, $0xFF800000, v61;
	v19 =	vmax.f32 v19, v16  }
0x10a: {  	v19 =	vmax.f32 v19, v17  }
0x10b: {  	v8 =	vsub.f32 v19, v8;
	_ =	sdelay $0x1  }
0x10c: {  	v8 =	vmul.f32 $1.250000000e+00, v8;
	_ =	sdelay $0x1  }
0x10d: {  	v8 =	vmul.f32 $1.442695020e+00, v8;
	_ =	sdelay $0x1  }
0x10e: {  	(erf) = vpow2.f32 v8;
	_ =	sdelay $0x4  }
0x10f: {  	vm0 =	veq.f32 v17, v19  }
0x110: {  	vm11 =	veq.f32 v16, v19;
	v17 =	vsel vm0, $0xF, v0  }
0x111: {  	vm12 =	veq.f32 v15, v19;
	v17 =	vsel vm11, $0xE, v17  }
0x112: {  	vm13 =	veq.f32 v14, v19;
	v15 =	vsel vm12, $0xD, v17  }
0x113: {  	vm14 =	veq.f32 v13, v19;
	v14 =	vsel vm13, $0xC, v15;
	v8 =	vpop (erf)  }
0x114: {  	vm15 =	veq.f32 v12, v19;
	v13 =	vsel vm14, $0xB, v14;
	v20 =	vadd.f32 $1.000000000e+00, v8  }
0x115: {  	vm4 =	veq.f32 v11, v19;
	v12 =	vsel vm15, $0xA, v13  }
0x116: {  	vm5 =	veq.f32 v10, v19;
	v11 =	vsel vm4, $0x9, v12;
	(erf) = vrcp.f32 v20  }
0x117: {  	vm6 =	veq.f32 v9, v19;
	v10 =	vsel vm5, $0x8, v11  }
0x118: {  	vm7 =	veq.f32 v7, v19;
	v9 =	vsel vm6, $0x7, v10  }
0x119: {  	vm8 =	veq.f32 v6, v19;
	v7 =	vsel vm7, $0x6, v9  }
0x11a: {  	vm9 =	veq.f32 v5, v19;
	v6 =	vsel vm8, $0x5, v7  }
0x11b: {  	vm10 =	veq.f32 v4, v19;
	v5 =	vsel vm9, $0x4, v6  }
0x11c: {  	vm11 =	veq.f32 v3, v19;
	v5 =	vsel vm10, $0x3, v5  }
0x11d: {  	vm12 =	veq.f32 v2, v19;
	v5 =	vsel vm11, $0x2, v5  }
0x11e: {  	vm13 =	veq.f32 v1, v19;
	v2 =	vsel vm12, $0x1, v5  }
0x11f: {  	[tilespmem:s22+$0x1220] =	vst v18;
	v1 =	vsel vm13, $0x0, v2;
	v21 =	vpop (erf)  }
0x120: {  	[tilespmem:s22+$0x12A0] =	vst v1;
	v3 =	vmul.f32 v21, v8  }
0x121: {  	[tilespmem:s22+$0x1020] =	vst v21  }
0x122: {  	[tilespmem:s22+$0x10A0] =	vst v3  }
0x123: {  	v1 =	vld [tilespmem:s23+$0x30]  }
0x124: {  	v2 =	vld [tilespmem:s23+$0xB0]  }
0x125: {  	v3 =	vld [tilespmem:s23+$0x130]  }
0x126: {  	v4 =	vld [tilespmem:s23+$0x1B0]  }
0x127: {  	v22 =	vld [tilespmem:s23+$0x230]  }
0x128: {  	v23 =	vld [tilespmem:s23+$0x2B0]  }
0x129: {  	v24 =	vld [tilespmem:s23+$0x330];
	v25 =	vmax.f32 v1, v2  }
0x12a: {  	v26 =	vld [tilespmem:s23+$0x3B0];
	v8 =	vmax.f32 v25, v3  }
0x12b: {  	v27 =	vld [tilespmem:s23+$0x430];
	v8 =	vmax.f32 v8, v4  }
0x12c: {  	v28 =	vld [tilespmem:s23+$0x4B0];
	v8 =	vmax.f32 v8, v22  }
0x12d: {  	v29 =	vld [tilespmem:s23+$0x530];
	v8 =	vmax.f32 v8, v23  }
0x12e: {  	v30 =	vld [tilespmem:s23+$0x5B0];
	v8 =	vmax.f32 v8, v24  }
0x12f: {  	v31 =	vld [tilespmem:s23+$0x630];
	v8 =	vmax.f32 v8, v26  }
0x130: {  	v32 =	vld [tilespmem:s23+$0x6B0];
	v8 =	vmax.f32 v8, v27  }
0x131: {  	v33 =	vld [tilespmem:s23+$0x730];
	v8 =	vmax.f32 v8, v28  }
0x132: {  	v34 =	vld [tilespmem:s23+$0x7B0];
	v8 =	vmax.f32 v8, v29  }
0x133: {  	v8 =	vmax.f32 v8, v30  }
0x134: {  	v8 =	vmax.f32 v8, v31  }
0x135: {  	v8 =	vmax.f32 v8, v32  }
0x136: {  	v8 =	vmax.f32 v8, v33  }
0x137: {  	v8 =	vmax.f32 v8, v34  }
0x138: {  	vm14 =	veq.f32 v34, v8  }
0x139: {  	vm15 =	veq.f32 v33, v8;
	v35 =	vsel vm14, $0xF, v0  }
0x13a: {  	vm4 =	veq.f32 v32, v8;
	v18 =	vsel vm15, $0xE, v35  }
0x13b: {  	vm5 =	veq.f32 v31, v8;
	v18 =	vsel vm4, $0xD, v18  }
0x13c: {  	vm6 =	veq.f32 v30, v8;
	v18 =	vsel vm5, $0xC, v18  }
0x13d: {  	vm7 =	veq.f32 v29, v8;
	v18 =	vsel vm6, $0xB, v18  }
0x13e: {  	vm8 =	veq.f32 v28, v8;
	v18 =	vsel vm7, $0xA, v18  }
0x13f: {  	vm9 =	veq.f32 v27, v8;
	v18 =	vsel vm8, $0x9, v18  }
0x140: {  	vm10 =	veq.f32 v26, v8;
	v18 =	vsel vm9, $0x8, v18  }
0x141: {  	vm11 =	veq.f32 v24, v8;
	v18 =	vsel vm10, $0x7, v18  }
0x142: {  	vm12 =	veq.f32 v23, v8;
	v18 =	vsel vm11, $0x6, v18  }
0x143: {  	vm13 =	veq.f32 v22, v8;
	v18 =	vsel vm12, $0x5, v18  }
0x144: {  	vm14 =	veq.f32 v4, v8;
	v18 =	vsel vm13, $0x4, v18  }
0x145: {  	vm15 =	veq.f32 v3, v8;
	v18 =	vsel vm14, $0x3, v18  }
0x146: {  	vm4 =	veq.f32 v2, v8;
	v18 =	vsel vm15, $0x2, v18  }
0x147: {  	vm5 =	veq.f32 v1, v8;
	v18 =	vsel vm4, $0x1, v18  }
0x148: {  	v18 =	vsel vm5, $0x0, v18  }
0x149: {  	vm0 =	veq.s32 v18, $0x0;
	vm6 =	veq.s32 v18, $0x1  }
0x14a: {  	vm7 =	veq.s32 v18, $0x2;
	v1 =	vsel vm0, $0xFF800000, v1;
	v2 =	vsel vm6, $0xFF800000, v2  }
0x14b: {  	vm8 =	veq.s32 v18, $0x3;
	v3 =	vsel vm7, $0xFF800000, v3;
	v36 =	vmax.f32 v1, v2  }
0x14c: {  	vm9 =	veq.s32 v18, $0x4;
	v4 =	vsel vm8, $0xFF800000, v4;
	v19 =	vmax.f32 v36, v3  }
0x14d: {  	vm10 =	veq.s32 v18, $0x5;
	v5 =	vsel vm9, $0xFF800000, v22;
	v19 =	vmax.f32 v19, v4  }
0x14e: {  	vm11 =	veq.s32 v18, $0x6;
	v6 =	vsel vm10, $0xFF800000, v23;
	v19 =	vmax.f32 v19, v5  }
0x14f: {  	vm12 =	veq.s32 v18, $0x7;
	v7 =	vsel vm11, $0xFF800000, v24;
	v19 =	vmax.f32 v19, v6  }
0x150: {  	vm13 =	veq.s32 v18, $0x8;
	v9 =	vsel vm12, $0xFF800000, v26;
	v19 =	vmax.f32 v19, v7  }
0x151: {  	vm14 =	veq.s32 v18, $0x9;
	v10 =	vsel vm13, $0xFF800000, v27;
	v19 =	vmax.f32 v19, v9  }
0x152: {  	vm15 =	veq.s32 v18, $0xA;
	v11 =	vsel vm14, $0xFF800000, v28;
	v19 =	vmax.f32 v19, v10  }
0x153: {  	vm4 =	veq.s32 v18, $0xB;
	v12 =	vsel vm15, $0xFF800000, v29;
	v19 =	vmax.f32 v19, v11  }
0x154: {  	vm5 =	veq.s32 v18, $0xC;
	v13 =	vsel vm4, $0xFF800000, v30;
	v19 =	vmax.f32 v19, v12  }
0x155: {  	v14 =	vsel vm5, $0xFF800000, v31;
	vm6 =	veq.s32 v18, $0xD;
	v19 =	vmax.f32 v19, v13  }
0x156: {  	vm7 =	veq.s32 v18, $0xE;
	v15 =	vsel vm6, $0xFF800000, v32;
	v19 =	vmax.f32 v19, v14  }
0x157: {  	vm8 =	veq.s32 v18, $0xF;
	v16 =	vsel vm7, $0xFF800000, v33;
	v19 =	vmax.f32 v19, v15  }
0x158: {  	v17 =	vsel vm8, $0xFF800000, v34;
	v19 =	vmax.f32 v19, v16  }
0x159: {  	v19 =	vmax.f32 v19, v17  }
0x15a: {  	v8 =	vsub.f32 v19, v8;
	_ =	sdelay $0x1  }
0x15b: {  	v8 =	vmul.f32 $1.250000000e+00, v8;
	_ =	sdelay $0x1  }
0x15c: {  	v8 =	vmul.f32 $1.442695020e+00, v8;
	_ =	sdelay $0x1  }
0x15d: {  	(erf) = vpow2.f32 v8;
	_ =	sdelay $0x4  }
0x15e: {  	vm0 =	veq.f32 v17, v19  }
0x15f: {  	vm9 =	veq.f32 v16, v19;
	v17 =	vsel vm0, $0xF, v0  }
0x160: {  	vm10 =	veq.f32 v15, v19;
	v17 =	vsel vm9, $0xE, v17  }
0x161: {  	vm11 =	veq.f32 v14, v19;
	v15 =	vsel vm10, $0xD, v17  }
0x162: {  	vm12 =	veq.f32 v13, v19;
	v14 =	vsel vm11, $0xC, v15;
	v8 =	vpop (erf)  }
0x163: {  	vm13 =	veq.f32 v12, v19;
	v13 =	vsel vm12, $0xB, v14;
	v37 =	vadd.f32 $1.000000000e+00, v8  }
0x164: {  	vm14 =	veq.f32 v11, v19;
	v12 =	vsel vm13, $0xA, v13  }
0x165: {  	vm15 =	veq.f32 v10, v19;
	v11 =	vsel vm14, $0x9, v12;
	(erf) = vrcp.f32 v37  }
0x166: {  	vm4 =	veq.f32 v9, v19;
	v10 =	vsel vm15, $0x8, v11  }
0x167: {  	vm5 =	veq.f32 v7, v19;
	v9 =	vsel vm4, $0x7, v10  }
0x168: {  	vm6 =	veq.f32 v6, v19;
	v7 =	vsel vm5, $0x6, v9  }
0x169: {  	vm7 =	veq.f32 v5, v19;
	v6 =	vsel vm6, $0x5, v7  }
0x16a: {  	vm8 =	veq.f32 v4, v19;
	v5 =	vsel vm7, $0x4, v6  }
0x16b: {  	vm9 =	veq.f32 v3, v19;
	v5 =	vsel vm8, $0x3, v5  }
0x16c: {  	vm10 =	veq.f32 v2, v19;
	v5 =	vsel vm9, $0x2, v5  }
0x16d: {  	vm11 =	veq.f32 v1, v19;
	v2 =	vsel vm10, $0x1, v5  }
0x16e: {  	[tilespmem:s22+$0x1230] =	vst v18;
	v1 =	vsel vm11, $0x0, v2;
	v38 =	vpop (erf)  }
0x16f: {  	[tilespmem:s22+$0x12B0] =	vst v1;
	v3 =	vmul.f32 v38, v8  }
0x170: {  	[tilespmem:s22+$0x1030] =	vst v38  }
0x171: {  	[tilespmem:s22+$0x10B0] =	vst v3  }
0x172: {  	v1 =	vld [tilespmem:s23+$0x40]  }
0x173: {  	v2 =	vld [tilespmem:s23+$0xC0]  }
0x174: {  	v3 =	vld [tilespmem:s23+$0x140]  }
0x175: {  	v4 =	vld [tilespmem:s23+$0x1C0]  }
0x176: {  	v39 =	vld [tilespmem:s23+$0x240]  }
0x177: {  	v40 =	vld [tilespmem:s23+$0x2C0]  }
0x178: {  	v41 =	vld [tilespmem:s23+$0x340];
	v42 =	vmax.f32 v1, v2  }
0x179: {  	v43 =	vld [tilespmem:s23+$0x3C0];
	v8 =	vmax.f32 v42, v3  }
0x17a: {  	v44 =	vld [tilespmem:s23+$0x440];
	v8 =	vmax.f32 v8, v4  }
0x17b: {  	v45 =	vld [tilespmem:s23+$0x4C0];
	v8 =	vmax.f32 v8, v39  }
0x17c: {  	v46 =	vld [tilespmem:s23+$0x540];
	v8 =	vmax.f32 v8, v40  }
0x17d: {  	v47 =	vld [tilespmem:s23+$0x5C0];
	v8 =	vmax.f32 v8, v41  }
0x17e: {  	v48 =	vld [tilespmem:s23+$0x640];
	v8 =	vmax.f32 v8, v43  }
0x17f: {  	v49 =	vld [tilespmem:s23+$0x6C0];
	v8 =	vmax.f32 v8, v44  }
0x180: {  	v50 =	vld [tilespmem:s23+$0x740];
	v8 =	vmax.f32 v8, v45  }
0x181: {  	v51 =	vld [tilespmem:s23+$0x7C0];
	v8 =	vmax.f32 v8, v46  }
0x182: {  	v8 =	vmax.f32 v8, v47  }
0x183: {  	v8 =	vmax.f32 v8, v48  }
0x184: {  	v8 =	vmax.f32 v8, v49  }
0x185: {  	v8 =	vmax.f32 v8, v50  }
0x186: {  	v8 =	vmax.f32 v8, v51  }
0x187: {  	vm12 =	veq.f32 v51, v8  }
0x188: {  	vm13 =	veq.f32 v50, v8;
	v52 =	vsel vm12, $0xF, v0  }
0x189: {  	vm14 =	veq.f32 v49, v8;
	v18 =	vsel vm13, $0xE, v52  }
0x18a: {  	vm15 =	veq.f32 v48, v8;
	v18 =	vsel vm14, $0xD, v18  }
0x18b: {  	vm4 =	veq.f32 v47, v8;
	v18 =	vsel vm15, $0xC, v18  }
0x18c: {  	vm5 =	veq.f32 v46, v8;
	v18 =	vsel vm4, $0xB, v18  }
0x18d: {  	vm6 =	veq.f32 v45, v8;
	v18 =	vsel vm5, $0xA, v18  }
0x18e: {  	vm7 =	veq.f32 v44, v8;
	v18 =	vsel vm6, $0x9, v18  }
0x18f: {  	vm8 =	veq.f32 v43, v8;
	v18 =	vsel vm7, $0x8, v18  }
0x190: {  	vm9 =	veq.f32 v41, v8;
	v18 =	vsel vm8, $0x7, v18  }
0x191: {  	vm10 =	veq.f32 v40, v8;
	v18 =	vsel vm9, $0x6, v18  }
0x192: {  	vm11 =	veq.f32 v39, v8;
	v18 =	vsel vm10, $0x5, v18  }
0x193: {  	vm12 =	veq.f32 v4, v8;
	v18 =	vsel vm11, $0x4, v18  }
0x194: {  	vm13 =	veq.f32 v3, v8;
	v18 =	vsel vm12, $0x3, v18  }
0x195: {  	vm14 =	veq.f32 v2, v8;
	v18 =	vsel vm13, $0x2, v18  }
0x196: {  	vm15 =	veq.f32 v1, v8;
	v18 =	vsel vm14, $0x1, v18  }
0x197: {  	v18 =	vsel vm15, $0x0, v18  }
0x198: {  	vm0 =	veq.s32 v18, $0x0;
	vm4 =	veq.s32 v18, $0x1  }
0x199: {  	vm5 =	veq.s32 v18, $0x2;
	v1 =	vsel vm0, $0xFF800000, v1;
	v2 =	vsel vm4, $0xFF800000, v2  }
0x19a: {  	vm6 =	veq.s32 v18, $0x3;
	v3 =	vsel vm5, $0xFF800000, v3;
	v53 =	vmax.f32 v1, v2  }
0x19b: {  	vm7 =	veq.s32 v18, $0x4;
	v4 =	vsel vm6, $0xFF800000, v4;
	v19 =	vmax.f32 v53, v3  }
0x19c: {  	vm8 =	veq.s32 v18, $0x5;
	v5 =	vsel vm7, $0xFF800000, v39;
	v19 =	vmax.f32 v19, v4  }
0x19d: {  	vm9 =	veq.s32 v18, $0x6;
	v6 =	vsel vm8, $0xFF800000, v40;
	v19 =	vmax.f32 v19, v5  }
0x19e: {  	vm10 =	veq.s32 v18, $0x7;
	v7 =	vsel vm9, $0xFF800000, v41;
	v19 =	vmax.f32 v19, v6  }
0x19f: {  	vm11 =	veq.s32 v18, $0x8;
	v9 =	vsel vm10, $0xFF800000, v43;
	v19 =	vmax.f32 v19, v7  }
0x1a0: {  	vm12 =	veq.s32 v18, $0x9;
	v10 =	vsel vm11, $0xFF800000, v44;
	v19 =	vmax.f32 v19, v9  }
0x1a1: {  	vm13 =	veq.s32 v18, $0xA;
	v11 =	vsel vm12, $0xFF800000, v45;
	v19 =	vmax.f32 v19, v10  }
0x1a2: {  	vm14 =	veq.s32 v18, $0xB;
	v12 =	vsel vm13, $0xFF800000, v46;
	v19 =	vmax.f32 v19, v11  }
0x1a3: {  	vm15 =	veq.s32 v18, $0xC;
	v13 =	vsel vm14, $0xFF800000, v47;
	v19 =	vmax.f32 v19, v12  }
0x1a4: {  	v14 =	vsel vm15, $0xFF800000, v48;
	vm4 =	veq.s32 v18, $0xD;
	v19 =	vmax.f32 v19, v13  }
0x1a5: {  	vm5 =	veq.s32 v18, $0xE;
	v15 =	vsel vm4, $0xFF800000, v49;
	v19 =	vmax.f32 v19, v14  }
0x1a6: {  	vm6 =	veq.s32 v18, $0xF;
	v16 =	vsel vm5, $0xFF800000, v50;
	v19 =	vmax.f32 v19, v15  }
0x1a7: {  	v17 =	vsel vm6, $0xFF800000, v51;
	v19 =	vmax.f32 v19, v16  }
0x1a8: {  	v19 =	vmax.f32 v19, v17  }
0x1a9: {  	v8 =	vsub.f32 v19, v8;
	_ =	sdelay $0x1  }
0x1aa: {  	v8 =	vmul.f32 $1.250000000e+00, v8;
	_ =	sdelay $0x1  }
0x1ab: {  	v8 =	vmul.f32 $1.442695020e+00, v8;
	_ =	sdelay $0x1  }
0x1ac: {  	(erf) = vpow2.f32 v8;
	_ =	sdelay $0x4  }
0x1ad: {  	vm0 =	veq.f32 v17, v19  }
0x1ae: {  	vm7 =	veq.f32 v16, v19;
	v17 =	vsel vm0, $0xF, v0  }
0x1af: {  	vm8 =	veq.f32 v15, v19;
	v17 =	vsel vm7, $0xE, v17  }
0x1b0: {  	vm9 =	veq.f32 v14, v19;
	v15 =	vsel vm8, $0xD, v17  }
0x1b1: {  	vm10 =	veq.f32 v13, v19;
	v14 =	vsel vm9, $0xC, v15;
	v8 =	vpop (erf)  }
0x1b2: {  	vm11 =	veq.f32 v12, v19;
	v13 =	vsel vm10, $0xB, v14;
	v54 =	vadd.f32 $1.000000000e+00, v8  }
0x1b3: {  	vm12 =	veq.f32 v11, v19;
	v12 =	vsel vm11, $0xA, v13  }
0x1b4: {  	vm13 =	veq.f32 v10, v19;
	v11 =	vsel vm12, $0x9, v12;
	(erf) = vrcp.f32 v54  }
0x1b5: {  	vm14 =	veq.f32 v9, v19;
	v10 =	vsel vm13, $0x8, v11  }
0x1b6: {  	vm15 =	veq.f32 v7, v19;
	v9 =	vsel vm14, $0x7, v10  }
0x1b7: {  	vm4 =	veq.f32 v6, v19;
	v7 =	vsel vm15, $0x6, v9  }
0x1b8: {  	vm5 =	veq.f32 v5, v19;
	v6 =	vsel vm4, $0x5, v7  }
0x1b9: {  	vm6 =	veq.f32 v4, v19;
	v5 =	vsel vm5, $0x4, v6  }
0x1ba: {  	vm7 =	veq.f32 v3, v19;
	v5 =	vsel vm6, $0x3, v5  }
0x1bb: {  	vm8 =	veq.f32 v2, v19;
	v5 =	vsel vm7, $0x2, v5  }
0x1bc: {  	vm9 =	veq.f32 v1, v19;
	v2 =	vsel vm8, $0x1, v5  }
0x1bd: {  	[tilespmem:s22+$0x1240] =	vst v18;
	v1 =	vsel vm9, $0x0, v2;
	v55 =	vpop (erf)  }
0x1be: {  	[tilespmem:s22+$0x12C0] =	vst v1;
	v3 =	vmul.f32 v55, v8  }
0x1bf: {  	[tilespmem:s22+$0x1040] =	vst v55  }
0x1c0: {  	[tilespmem:s22+$0x10C0] =	vst v3  }
0x1c1: {  	v1 =	vld [tilespmem:s23+$0x50]  }
0x1c2: {  	v2 =	vld [tilespmem:s23+$0xD0]  }
0x1c3: {  	v3 =	vld [tilespmem:s23+$0x150]  }
0x1c4: {  	v4 =	vld [tilespmem:s23+$0x1D0]  }
0x1c5: {  	v56 =	vld [tilespmem:s23+$0x250]  }
0x1c6: {  	v57 =	vld [tilespmem:s23+$0x2D0]  }
0x1c7: {  	v58 =	vld [tilespmem:s23+$0x350];
	v59 =	vmax.f32 v1, v2  }
0x1c8: {  	v60 =	vld [tilespmem:s23+$0x3D0];
	v8 =	vmax.f32 v59, v3  }
0x1c9: {  	v61 =	vld [tilespmem:s23+$0x450];
	v8 =	vmax.f32 v8, v4  }
0x1ca: {  	v62 =	vld [tilespmem:s23+$0x4D0];
	v8 =	vmax.f32 v8, v56  }
0x1cb: {  	v63 =	vld [tilespmem:s23+$0x550];
	v8 =	vmax.f32 v8, v57  }
0x1cc: {  	v21 =	vld [tilespmem:s23+$0x5D0];
	v8 =	vmax.f32 v8, v58  }
0x1cd: {  	v22 =	vld [tilespmem:s23+$0x650];
	v8 =	vmax.f32 v8, v60  }
0x1ce: {  	v23 =	vld [tilespmem:s23+$0x6D0];
	v8 =	vmax.f32 v8, v61  }
0x1cf: {  	v24 =	vld [tilespmem:s23+$0x750];
	v8 =	vmax.f32 v8, v62  }
0x1d0: {  	v25 =	vld [tilespmem:s23+$0x7D0];
	v8 =	vmax.f32 v8, v63  }
0x1d1: {  	v8 =	vmax.f32 v8, v21  }
0x1d2: {  	v8 =	vmax.f32 v8, v22  }
0x1d3: {  	v8 =	vmax.f32 v8, v23  }
0x1d4: {  	v8 =	vmax.f32 v8, v24  }
0x1d5: {  	v8 =	vmax.f32 v8, v25  }
0x1d6: {  	vm10 =	veq.f32 v25, v8  }
0x1d7: {  	vm11 =	veq.f32 v24, v8;
	v26 =	vsel vm10, $0xF, v0  }
0x1d8: {  	vm12 =	veq.f32 v23, v8;
	v18 =	vsel vm11, $0xE, v26  }
0x1d9: {  	vm13 =	veq.f32 v22, v8;
	v18 =	vsel vm12, $0xD, v18  }
0x1da: {  	vm14 =	veq.f32 v21, v8;
	v18 =	vsel vm13, $0xC, v18  }
0x1db: {  	vm15 =	veq.f32 v63, v8;
	v18 =	vsel vm14, $0xB, v18  }
0x1dc: {  	vm4 =	veq.f32 v62, v8;
	v18 =	vsel vm15, $0xA, v18  }
0x1dd: {  	vm5 =	veq.f32 v61, v8;
	v18 =	vsel vm4, $0x9, v18  }
0x1de: {  	vm6 =	veq.f32 v60, v8;
	v18 =	vsel vm5, $0x8, v18  }
0x1df: {  	vm7 =	veq.f32 v58, v8;
	v18 =	vsel vm6, $0x7, v18  }
0x1e0: {  	vm8 =	veq.f32 v57, v8;
	v18 =	vsel vm7, $0x6, v18  }
0x1e1: {  	vm9 =	veq.f32 v56, v8;
	v18 =	vsel vm8, $0x5, v18  }
0x1e2: {  	vm10 =	veq.f32 v4, v8;
	v18 =	vsel vm9, $0x4, v18  }
0x1e3: {  	vm11 =	veq.f32 v3, v8;
	v18 =	vsel vm10, $0x3, v18  }
0x1e4: {  	vm12 =	veq.f32 v2, v8;
	v18 =	vsel vm11, $0x2, v18  }
0x1e5: {  	vm13 =	veq.f32 v1, v8;
	v18 =	vsel vm12, $0x1, v18  }
0x1e6: {  	v18 =	vsel vm13, $0x0, v18  }
0x1e7: {  	vm0 =	veq.s32 v18, $0x0;
	vm14 =	veq.s32 v18, $0x1  }
0x1e8: {  	vm15 =	veq.s32 v18, $0x2;
	v1 =	vsel vm0, $0xFF800000, v1;
	v2 =	vsel vm14, $0xFF800000, v2  }
0x1e9: {  	vm4 =	veq.s32 v18, $0x3;
	v3 =	vsel vm15, $0xFF800000, v3;
	v27 =	vmax.f32 v1, v2  }
0x1ea: {  	vm5 =	veq.s32 v18, $0x4;
	v4 =	vsel vm4, $0xFF800000, v4;
	v19 =	vmax.f32 v27, v3  }
0x1eb: {  	vm6 =	veq.s32 v18, $0x5;
	v5 =	vsel vm5, $0xFF800000, v56;
	v19 =	vmax.f32 v19, v4  }
0x1ec: {  	vm7 =	veq.s32 v18, $0x6;
	v6 =	vsel vm6, $0xFF800000, v57;
	v19 =	vmax.f32 v19, v5  }
0x1ed: {  	vm8 =	veq.s32 v18, $0x7;
	v7 =	vsel vm7, $0xFF800000, v58;
	v19 =	vmax.f32 v19, v6  }
0x1ee: {  	vm9 =	veq.s32 v18, $0x8;
	v9 =	vsel vm8, $0xFF800000, v60;
	v19 =	vmax.f32 v19, v7  }
0x1ef: {  	vm10 =	veq.s32 v18, $0x9;
	v10 =	vsel vm9, $0xFF800000, v61;
	v19 =	vmax.f32 v19, v9  }
0x1f0: {  	vm11 =	veq.s32 v18, $0xA;
	v11 =	vsel vm10, $0xFF800000, v62;
	v19 =	vmax.f32 v19, v10  }
0x1f1: {  	vm12 =	veq.s32 v18, $0xB;
	v12 =	vsel vm11, $0xFF800000, v63;
	v19 =	vmax.f32 v19, v11  }
0x1f2: {  	vm13 =	veq.s32 v18, $0xC;
	v13 =	vsel vm12, $0xFF800000, v21;
	v19 =	vmax.f32 v19, v12  }
0x1f3: {  	v14 =	vsel vm13, $0xFF800000, v22;
	vm14 =	veq.s32 v18, $0xD;
	v19 =	vmax.f32 v19, v13  }
0x1f4: {  	vm15 =	veq.s32 v18, $0xE;
	v15 =	vsel vm14, $0xFF800000, v23;
	v19 =	vmax.f32 v19, v14  }
0x1f5: {  	vm4 =	veq.s32 v18, $0xF;
	v16 =	vsel vm15, $0xFF800000, v24;
	v19 =	vmax.f32 v19, v15  }
0x1f6: {  	v17 =	vsel vm4, $0xFF800000, v25;
	v19 =	vmax.f32 v19, v16  }
0x1f7: {  	v19 =	vmax.f32 v19, v17  }
0x1f8: {  	v8 =	vsub.f32 v19, v8;
	_ =	sdelay $0x1  }
0x1f9: {  	v8 =	vmul.f32 $1.250000000e+00, v8;
	_ =	sdelay $0x1  }
0x1fa: {  	v8 =	vmul.f32 $1.442695020e+00, v8;
	_ =	sdelay $0x1  }
0x1fb: {  	(erf) = vpow2.f32 v8;
	_ =	sdelay $0x4  }
0x1fc: {  	vm0 =	veq.f32 v17, v19  }
0x1fd: {  	vm5 =	veq.f32 v16, v19;
	v17 =	vsel vm0, $0xF, v0  }
0x1fe: {  	vm6 =	veq.f32 v15, v19;
	v17 =	vsel vm5, $0xE, v17  }
0x1ff: {  	vm7 =	veq.f32 v14, v19;
	v15 =	vsel vm6, $0xD, v17  }
0x200: {  	vm8 =	veq.f32 v13, v19;
	v14 =	vsel vm7, $0xC, v15;
	v8 =	vpop (erf)  }
0x201: {  	vm9 =	veq.f32 v12, v19;
	v13 =	vsel vm8, $0xB, v14;
	v28 =	vadd.f32 $1.000000000e+00, v8  }
0x202: {  	vm10 =	veq.f32 v11, v19;
	v12 =	vsel vm9, $0xA, v13  }
0x203: {  	vm11 =	veq.f32 v10, v19;
	v11 =	vsel vm10, $0x9, v12;
	(erf) = vrcp.f32 v28  }
0x204: {  	vm12 =	veq.f32 v9, v19;
	v10 =	vsel vm11, $0x8, v11  }
0x205: {  	vm13 =	veq.f32 v7, v19;
	v9 =	vsel vm12, $0x7, v10  }
0x206: {  	vm14 =	veq.f32 v6, v19;
	v7 =	vsel vm13, $0x6, v9  }
0x207: {  	vm15 =	veq.f32 v5, v19;
	v6 =	vsel vm14, $0x5, v7  }
0x208: {  	vm4 =	veq.f32 v4, v19;
	v5 =	vsel vm15, $0x4, v6  }
0x209: {  	vm5 =	veq.f32 v3, v19;
	v5 =	vsel vm4, $0x3, v5  }
0x20a: {  	vm6 =	veq.f32 v2, v19;
	v5 =	vsel vm5, $0x2, v5  }
0x20b: {  	vm7 =	veq.f32 v1, v19;
	v2 =	vsel vm6, $0x1, v5  }
0x20c: {  	[tilespmem:s22+$0x1250] =	vst v18;
	v1 =	vsel vm7, $0x0, v2;
	v29 =	vpop (erf)  }
0x20d: {  	[tilespmem:s22+$0x12D0] =	vst v1;
	v3 =	vmul.f32 v29, v8  }
0x20e: {  	[tilespmem:s22+$0x1050] =	vst v29  }
0x20f: {  	[tilespmem:s22+$0x10D0] =	vst v3  }
0x210: {  	v1 =	vld [tilespmem:s23+$0x60]  }
0x211: {  	v2 =	vld [tilespmem:s23+$0xE0]  }
0x212: {  	v3 =	vld [tilespmem:s23+$0x160]  }
0x213: {  	v4 =	vld [tilespmem:s23+$0x1E0]  }
0x214: {  	v30 =	vld [tilespmem:s23+$0x260]  }
0x215: {  	v31 =	vld [tilespmem:s23+$0x2E0]  }
0x216: {  	v32 =	vld [tilespmem:s23+$0x360];
	v33 =	vmax.f32 v1, v2  }
0x217: {  	v34 =	vld [tilespmem:s23+$0x3E0];
	v8 =	vmax.f32 v33, v3  }
0x218: {  	v35 =	vld [tilespmem:s23+$0x460];
	v8 =	vmax.f32 v8, v4  }
0x219: {  	v36 =	vld [tilespmem:s23+$0x4E0];
	v8 =	vmax.f32 v8, v30  }
0x21a: {  	v37 =	vld [tilespmem:s23+$0x560];
	v8 =	vmax.f32 v8, v31  }
0x21b: {  	v38 =	vld [tilespmem:s23+$0x5E0];
	v8 =	vmax.f32 v8, v32  }
0x21c: {  	v39 =	vld [tilespmem:s23+$0x660];
	v8 =	vmax.f32 v8, v34  }
0x21d: {  	v40 =	vld [tilespmem:s23+$0x6E0];
	v8 =	vmax.f32 v8, v35  }
0x21e: {  	v41 =	vld [tilespmem:s23+$0x760];
	v8 =	vmax.f32 v8, v36  }
0x21f: {  	v42 =	vld [tilespmem:s23+$0x7E0];
	v8 =	vmax.f32 v8, v37  }
0x220: {  	v8 =	vmax.f32 v8, v38  }
0x221: {  	v8 =	vmax.f32 v8, v39  }
0x222: {  	v8 =	vmax.f32 v8, v40  }
0x223: {  	v8 =	vmax.f32 v8, v41  }
0x224: {  	v8 =	vmax.f32 v8, v42  }
0x225: {  	vm8 =	veq.f32 v42, v8  }
0x226: {  	vm9 =	veq.f32 v41, v8;
	v43 =	vsel vm8, $0xF, v0  }
0x227: {  	vm10 =	veq.f32 v40, v8;
	v18 =	vsel vm9, $0xE, v43  }
0x228: {  	vm11 =	veq.f32 v39, v8;
	v18 =	vsel vm10, $0xD, v18  }
0x229: {  	vm12 =	veq.f32 v38, v8;
	v18 =	vsel vm11, $0xC, v18  }
0x22a: {  	vm13 =	veq.f32 v37, v8;
	v18 =	vsel vm12, $0xB, v18  }
0x22b: {  	vm14 =	veq.f32 v36, v8;
	v18 =	vsel vm13, $0xA, v18  }
0x22c: {  	vm15 =	veq.f32 v35, v8;
	v18 =	vsel vm14, $0x9, v18  }
0x22d: {  	vm4 =	veq.f32 v34, v8;
	v18 =	vsel vm15, $0x8, v18  }
0x22e: {  	vm5 =	veq.f32 v32, v8;
	v18 =	vsel vm4, $0x7, v18  }
0x22f: {  	vm6 =	veq.f32 v31, v8;
	v18 =	vsel vm5, $0x6, v18  }
0x230: {  	vm7 =	veq.f32 v30, v8;
	v18 =	vsel vm6, $0x5, v18  }
0x231: {  	vm8 =	veq.f32 v4, v8;
	v18 =	vsel vm7, $0x4, v18  }
0x232: {  	vm9 =	veq.f32 v3, v8;
	v18 =	vsel vm8, $0x3, v18  }
0x233: {  	vm10 =	veq.f32 v2, v8;
	v18 =	vsel vm9, $0x2, v18  }
0x234: {  	vm11 =	veq.f32 v1, v8;
	v18 =	vsel vm10, $0x1, v18  }
0x235: {  	v18 =	vsel vm11, $0x0, v18  }
0x236: {  	vm0 =	veq.s32 v18, $0x0;
	vm12 =	veq.s32 v18, $0x1  }
0x237: {  	vm13 =	veq.s32 v18, $0x2;
	v1 =	vsel vm0, $0xFF800000, v1;
	v2 =	vsel vm12, $0xFF800000, v2  }
0x238: {  	vm14 =	veq.s32 v18, $0x3;
	v3 =	vsel vm13, $0xFF800000, v3;
	v44 =	vmax.f32 v1, v2  }
0x239: {  	vm15 =	veq.s32 v18, $0x4;
	v4 =	vsel vm14, $0xFF800000, v4;
	v19 =	vmax.f32 v44, v3  }
0x23a: {  	vm4 =	veq.s32 v18, $0x5;
	v5 =	vsel vm15, $0xFF800000, v30;
	v19 =	vmax.f32 v19, v4  }
0x23b: {  	vm5 =	veq.s32 v18, $0x6;
	v6 =	vsel vm4, $0xFF800000, v31;
	v19 =	vmax.f32 v19, v5  }
0x23c: {  	vm6 =	veq.s32 v18, $0x7;
	v7 =	vsel vm5, $0xFF800000, v32;
	v19 =	vmax.f32 v19, v6  }
0x23d: {  	vm7 =	veq.s32 v18, $0x8;
	v9 =	vsel vm6, $0xFF800000, v34;
	v19 =	vmax.f32 v19, v7  }
0x23e: {  	vm8 =	veq.s32 v18, $0x9;
	v10 =	vsel vm7, $0xFF800000, v35;
	v19 =	vmax.f32 v19, v9  }
0x23f: {  	vm9 =	veq.s32 v18, $0xA;
	v11 =	vsel vm8, $0xFF800000, v36;
	v19 =	vmax.f32 v19, v10  }
0x240: {  	vm10 =	veq.s32 v18, $0xB;
	v12 =	vsel vm9, $0xFF800000, v37;
	v19 =	vmax.f32 v19, v11  }
0x241: {  	vm11 =	veq.s32 v18, $0xC;
	v13 =	vsel vm10, $0xFF800000, v38;
	v19 =	vmax.f32 v19, v12  }
0x242: {  	v14 =	vsel vm11, $0xFF800000, v39;
	vm12 =	veq.s32 v18, $0xD;
	v19 =	vmax.f32 v19, v13  }
0x243: {  	vm13 =	veq.s32 v18, $0xE;
	v15 =	vsel vm12, $0xFF800000, v40;
	v19 =	vmax.f32 v19, v14  }
0x244: {  	vm14 =	veq.s32 v18, $0xF;
	v16 =	vsel vm13, $0xFF800000, v41;
	v19 =	vmax.f32 v19, v15  }
0x245: {  	v17 =	vsel vm14, $0xFF800000, v42;
	v19 =	vmax.f32 v19, v16  }
0x246: {  	v19 =	vmax.f32 v19, v17  }
0x247: {  	v8 =	vsub.f32 v19, v8;
	_ =	sdelay $0x1  }
0x248: {  	v8 =	vmul.f32 $1.250000000e+00, v8;
	_ =	sdelay $0x1  }
0x249: {  	v8 =	vmul.f32 $1.442695020e+00, v8;
	_ =	sdelay $0x1  }
0x24a: {  	(erf) = vpow2.f32 v8;
	_ =	sdelay $0x4  }
0x24b: {  	vm0 =	veq.f32 v17, v19  }
0x24c: {  	vm15 =	veq.f32 v16, v19;
	v17 =	vsel vm0, $0xF, v0  }
0x24d: {  	vm4 =	veq.f32 v15, v19;
	v17 =	vsel vm15, $0xE, v17  }
0x24e: {  	vm5 =	veq.f32 v14, v19;
	v15 =	vsel vm4, $0xD, v17  }
0x24f: {  	vm6 =	veq.f32 v13, v19;
	v14 =	vsel vm5, $0xC, v15;
	v8 =	vpop (erf)  }
0x250: {  	vm7 =	veq.f32 v12, v19;
	v13 =	vsel vm6, $0xB, v14;
	v45 =	vadd.f32 $1.000000000e+00, v8  }
0x251: {  	vm8 =	veq.f32 v11, v19;
	v12 =	vsel vm7, $0xA, v13  }
0x252: {  	vm9 =	veq.f32 v10, v19;
	v11 =	vsel vm8, $0x9, v12;
	(erf) = vrcp.f32 v45  }
0x253: {  	vm10 =	veq.f32 v9, v19;
	v10 =	vsel vm9, $0x8, v11  }
0x254: {  	vm11 =	veq.f32 v7, v19;
	v9 =	vsel vm10, $0x7, v10  }
0x255: {  	vm12 =	veq.f32 v6, v19;
	v7 =	vsel vm11, $0x6, v9  }
0x256: {  	vm13 =	veq.f32 v5, v19;
	v6 =	vsel vm12, $0x5, v7  }
0x257: {  	vm14 =	veq.f32 v4, v19;
	v5 =	vsel vm13, $0x4, v6  }
0x258: {  	vm15 =	veq.f32 v3, v19;
	v5 =	vsel vm14, $0x3, v5  }
0x259: {  	vm4 =	veq.f32 v2, v19;
	v5 =	vsel vm15, $0x2, v5  }
0x25a: {  	vm5 =	veq.f32 v1, v19;
	v2 =	vsel vm4, $0x1, v5  }
0x25b: {  	[tilespmem:s22+$0x1260] =	vst v18;
	v1 =	vsel vm5, $0x0, v2;
	v46 =	vpop (erf)  }
0x25c: {  	[tilespmem:s22+$0x12E0] =	vst v1;
	v3 =	vmul.f32 v46, v8  }
0x25d: {  	[tilespmem:s22+$0x1060] =	vst v46  }
0x25e: {  	[tilespmem:s22+$0x10E0] =	vst v3  }
0x25f: {  	v1 =	vld [tilespmem:s23+$0x70]  }
0x260: {  	v2 =	vld [tilespmem:s23+$0xF0]  }
0x261: {  	v3 =	vld [tilespmem:s23+$0x170]  }
0x262: {  	v4 =	vld [tilespmem:s23+$0x1F0]  }
0x263: {  	v47 =	vld [tilespmem:s23+$0x270]  }
0x264: {  	v48 =	vld [tilespmem:s23+$0x2F0]  }
0x265: {  	v49 =	vld [tilespmem:s23+$0x370];
	v50 =	vmax.f32 v1, v2  }
0x266: {  	v51 =	vld [tilespmem:s23+$0x3F0];
	v8 =	vmax.f32 v50, v3  }
0x267: {  	v52 =	vld [tilespmem:s23+$0x470];
	v8 =	vmax.f32 v8, v4  }
0x268: {  	v53 =	vld [tilespmem:s23+$0x4F0];
	v8 =	vmax.f32 v8, v47  }
0x269: {  	v54 =	vld [tilespmem:s23+$0x570];
	v8 =	vmax.f32 v8, v48  }
0x26a: {  	v55 =	vld [tilespmem:s23+$0x5F0];
	v8 =	vmax.f32 v8, v49  }
0x26b: {  	v56 =	vld [tilespmem:s23+$0x670];
	v8 =	vmax.f32 v8, v51  }
0x26c: {  	v57 =	vld [tilespmem:s23+$0x6F0];
	v8 =	vmax.f32 v8, v52  }
0x26d: {  	v58 =	vld [tilespmem:s23+$0x770];
	v8 =	vmax.f32 v8, v53  }
0x26e: {  	v59 =	vld [tilespmem:s23+$0x7F0];
	v8 =	vmax.f32 v8, v54  }
0x26f: {  	v8 =	vmax.f32 v8, v55  }
0x270: {  	v8 =	vmax.f32 v8, v56  }
0x271: {  	v8 =	vmax.f32 v8, v57  }
0x272: {  	v8 =	vmax.f32 v8, v58  }
0x273: {  	v8 =	vmax.f32 v8, v59  }
0x274: {  	vm6 =	veq.f32 v59, v8  }
0x275: {  	vm7 =	veq.f32 v58, v8;
	v60 =	vsel vm6, $0xF, v0  }
0x276: {  	vm8 =	veq.f32 v57, v8;
	v18 =	vsel vm7, $0xE, v60  }
0x277: {  	vm9 =	veq.f32 v56, v8;
	v18 =	vsel vm8, $0xD, v18  }
0x278: {  	vm10 =	veq.f32 v55, v8;
	v18 =	vsel vm9, $0xC, v18  }
0x279: {  	vm11 =	veq.f32 v54, v8;
	v18 =	vsel vm10, $0xB, v18  }
0x27a: {  	vm12 =	veq.f32 v53, v8;
	v18 =	vsel vm11, $0xA, v18  }
0x27b: {  	vm13 =	veq.f32 v52, v8;
	v18 =	vsel vm12, $0x9, v18  }
0x27c: {  	vm14 =	veq.f32 v51, v8;
	v18 =	vsel vm13, $0x8, v18  }
0x27d: {  	vm15 =	veq.f32 v49, v8;
	v18 =	vsel vm14, $0x7, v18  }
0x27e: {  	vm4 =	veq.f32 v48, v8;
	v18 =	vsel vm15, $0x6, v18  }
0x27f: {  	vm5 =	veq.f32 v47, v8;
	v18 =	vsel vm4, $0x5, v18  }
0x280: {  	vm6 =	veq.f32 v4, v8;
	v18 =	vsel vm5, $0x4, v18  }
0x281: {  	vm7 =	veq.f32 v3, v8;
	v18 =	vsel vm6, $0x3, v18  }
0x282: {  	vm8 =	veq.f32 v2, v8;
	v18 =	vsel vm7, $0x2, v18  }
0x283: {  	vm9 =	veq.f32 v1, v8;
	v18 =	vsel vm8, $0x1, v18  }
0x284: {  	v18 =	vsel vm9, $0x0, v18  }
0x285: {  	vm0 =	veq.s32 v18, $0x0;
	vm10 =	veq.s32 v18, $0x1  }
0x286: {  	vm11 =	veq.s32 v18, $0x2;
	v1 =	vsel vm0, $0xFF800000, v1;
	v2 =	vsel vm10, $0xFF800000, v2  }
0x287: {  	vm12 =	veq.s32 v18, $0x3;
	v3 =	vsel vm11, $0xFF800000, v3;
	v61 =	vmax.f32 v1, v2  }
0x288: {  	vm13 =	veq.s32 v18, $0x4;
	v4 =	vsel vm12, $0xFF800000, v4;
	v19 =	vmax.f32 v61, v3  }
0x289: {  	vm14 =	veq.s32 v18, $0x5;
	v5 =	vsel vm13, $0xFF800000, v47;
	v19 =	vmax.f32 v19, v4  }
0x28a: {  	vm15 =	veq.s32 v18, $0x6;
	v6 =	vsel vm14, $0xFF800000, v48;
	v19 =	vmax.f32 v19, v5  }
0x28b: {  	vm4 =	veq.s32 v18, $0x7;
	v7 =	vsel vm15, $0xFF800000, v49;
	v19 =	vmax.f32 v19, v6  }
0x28c: {  	vm5 =	veq.s32 v18, $0x8;
	v9 =	vsel vm4, $0xFF800000, v51;
	v19 =	vmax.f32 v19, v7  }
0x28d: {  	vm6 =	veq.s32 v18, $0x9;
	v10 =	vsel vm5, $0xFF800000, v52;
	v19 =	vmax.f32 v19, v9  }
0x28e: {  	vm7 =	veq.s32 v18, $0xA;
	v11 =	vsel vm6, $0xFF800000, v53;
	v19 =	vmax.f32 v19, v10  }
0x28f: {  	vm8 =	veq.s32 v18, $0xB;
	v12 =	vsel vm7, $0xFF800000, v54;
	v19 =	vmax.f32 v19, v11  }
0x290: {  	vm9 =	veq.s32 v18, $0xC;
	v13 =	vsel vm8, $0xFF800000, v55;
	v19 =	vmax.f32 v19, v12  }
0x291: {  	v14 =	vsel vm9, $0xFF800000, v56;
	vm10 =	veq.s32 v18, $0xD;
	v19 =	vmax.f32 v19, v13  }
0x292: {  	vm11 =	veq.s32 v18, $0xE;
	v15 =	vsel vm10, $0xFF800000, v57;
	v19 =	vmax.f32 v19, v14  }
0x293: {  	vm12 =	veq.s32 v18, $0xF;
	v16 =	vsel vm11, $0xFF800000, v58;
	v19 =	vmax.f32 v19, v15  }
0x294: {  	v17 =	vsel vm12, $0xFF800000, v59;
	v19 =	vmax.f32 v19, v16  }
0x295: {  	v19 =	vmax.f32 v19, v17  }
0x296: {  	v8 =	vsub.f32 v19, v8;
	_ =	sdelay $0x1  }
0x297: {  	v8 =	vmul.f32 $1.250000000e+00, v8;
	_ =	sdelay $0x1  }
0x298: {  	v8 =	vmul.f32 $1.442695020e+00, v8;
	_ =	sdelay $0x1  }
0x299: {  	(erf) = vpow2.f32 v8;
	_ =	sdelay $0x4  }
0x29a: {  	vm0 =	veq.f32 v17, v19  }
0x29b: {  	vm13 =	veq.f32 v16, v19;
	v17 =	vsel vm0, $0xF, v0  }
0x29c: {  	vm14 =	veq.f32 v15, v19;
	v17 =	vsel vm13, $0xE, v17  }
0x29d: {  	vm15 =	veq.f32 v14, v19;
	v15 =	vsel vm14, $0xD, v17  }
0x29e: {  	vm4 =	veq.f32 v13, v19;
	v14 =	vsel vm15, $0xC, v15;
	v8 =	vpop (erf)  }
0x29f: {  	vm5 =	veq.f32 v12, v19;
	v13 =	vsel vm4, $0xB, v14;
	v62 =	vadd.f32 $1.000000000e+00, v8  }
0x2a0: {  	vm6 =	veq.f32 v11, v19;
	v12 =	vsel vm5, $0xA, v13  }
0x2a1: {  	vm7 =	veq.f32 v10, v19;
	v11 =	vsel vm6, $0x9, v12;
	(erf) = vrcp.f32 v62  }
0x2a2: {  	vm8 =	veq.f32 v9, v19;
	v10 =	vsel vm7, $0x8, v11  }
0x2a3: {  	vm9 =	veq.f32 v7, v19;
	v9 =	vsel vm8, $0x7, v10  }
0x2a4: {  	vm10 =	veq.f32 v6, v19;
	v7 =	vsel vm9, $0x6, v9  }
0x2a5: {  	vm11 =	veq.f32 v5, v19;
	v6 =	vsel vm10, $0x5, v7  }
0x2a6: {  	vm12 =	veq.f32 v4, v19;
	v5 =	vsel vm11, $0x4, v6  }
0x2a7: {  	p1 =	seq.s32 s20, $0x1;
	s28 =	simm.s32 $0x1;
	vm13 =	veq.f32 v3, v19;
	v5 =	vsel vm12, $0x3, v5  }
0x2a8: {  	s28 =	simm.s32 @!p0 $0x0;
	p0 =	seq.s32 @!p1 s24, s14;
	vm14 =	veq.f32 v2, v19;
	v5 =	vsel vm13, $0x2, v5  }
0x2a9: {  	p0 =	por p1, !p0;
	vm15 =	veq.f32 v1, v19;
	v2 =	vsel vm14, $0x1, v5  }
.Ltmp2:
0x2aa: {  	[tilespmem:s22+$0x1270] =	vst v18;
	v1 =	vsel vm15, $0x0, v2;
	v63 =	vpop (erf);
	(pc) =	sbr.rel @!p0 .LBB2_3-.Ltmp2, $4  }
0x2ab: {  	[tilespmem:s22+$0x12F0] =	vst v1;
	v3 =	vmul.f32 v63, v8  }
0x2ac: {  	[tilespmem:s22+$0x1070] =	vst v63  }
0x2ad: {  	s26 =	smov.u32 s25;
	s25 =	sadd.s32 s20, s25;
	[tilespmem:s22+$0x10F0] =	vst v3  }
0x2ae: {  	s16 =	sadd.s32 s28, s16;
	s28 =	simm.s32 $0x1;
	_ =	strace $0x9000004B  }
0x2af: {  	s21 =	sadd.s32 s6, s24  }
0x2b0: {  	s21 =	sshll.u32 s21, $0x5  }
0x2b1: {  	_ =	strace $0x8000004C;
	s21 =	sand.u32 $0x1FFFFFE0, s21  }
0x2b2: {  	s22 =	sadd.s32 $0x3, s17;
	p0 =	sne.s32 s20, $0x0;
	s23 =	sadd.s32 s1, s21  }
0x2b3: {  	[hbm4b:s23+s4] =	stream.linear.scatter [tilespmem:s19], [sflag:s22], $0x100, $0x200038;
	[tilespmem:$0x1400] =	vst v63  }
.Ltmp3:
0x2b4: {  	_ = 	snop;
	(pc) =	sbr.rel @p0 .LBB2_6-.Ltmp3, $4  }
0x2b5: {  	_ =	strace $0x9000004C  }
0x2b6: {  	s30 =	sadd.s32 $0x5, s17;
	s31 =	sadd.s32 s2, s21;
	_ =	strace $0x8000004D  }
0x2b7: {  	[hbm4b:s31+s4] =	stream.linear.scatter [tilespmem:s18], [sflag:s30], $0x100, $0x200038;
	[tilespmem:$0x1400] =	vst v63  }
0x2b8: {  	_ =	strace $0x9000004D  }
.Ltmp4:
0x2b9: {  	(pc) =	sbr.rel .LBB2_2-.Ltmp4, $2  }
0x2ba: {  	_ =	sdelay $0x2  }
0x2bb: {  	s15 =	sadd.s32 $0x1, s15;
	s28 =	simm.s32 $0x1  }
.LBB2_7:
0x2bc: {  	_ =	sfence.sel $0x180000  }
0x2bd: {  	[bflag:$0x0] =	sbarrier.arrive $0xFFFF  }
0x2be: {  	p0 =	sne.s32 s3, $0x0;
	_ =	strace $0x90000047  }
0x2bf: {  	s0 =	sadd.s32 @!p0 $0x100000, s0;
	[bflag:$0x2] =	sbarrier.arrive $0xFFFF  }
0x2c0: {  	[sflag:s0] =	ssyncadd.tile.s32 @!p0 $0x1;
	_ =	shalt  }
.Lfunc_end2:
_tile_overlayer_lowered:
.L_overlay_start_2:
0x2c1: {  	(tag) =	ssettag $0x2  }
0x2c2: {  	s0 =	rddreg [dreg:$0x0];
	s2 =	stileid.u32  }
0x2c3: {  	s1 =	rddreg [dreg:$0x1];
	p0 =	sne.s32 s2, $0x0  }
0x2c4: {  	s3 =	rddreg [dreg:$0x2];
	[bflag:$0x3] =	sbarrier.arrive $0xFFFF;
	s2 =	simm.s32 @!p0 $0x1C01  }
0x2c5: {  	[timem:s3], [sflag:s2] =	dma.local @!p0 [hbm:s0], s1  }
0x2c6: {  	s0 =	simm.s32 @!p0 $0x1  }
0x2c7: {  	_ =	swait.ge @!p0 [sflag:s0], s1  }
0x2c8: {  	s1 =	ssub.s32 @!p0 $0x0, s1;
	[sflag:s0] =	ssyncset.done @!p0 $0x0  }
0x2c9: {  	[sflag:s0] =	ssyncadd.s32 @!p0 s1  }
0x2ca: {  	[bflag:$0x3] =	sbarrier.arrive $0xFFFF  }
0x2cb: {  	_ =	shalt  }

</sc_bundles>
